<compile_context>
chip_gen: v7x
topology: tpu7x:2x2x1
jax: 0.10.2.dev20260603
libtpu: 0.0.44.dev20260713+nightly
codegen_flags: <defaults>
</compile_context>

<pallas_src>
import functools

import jax
import jax.numpy as jnp
from jax import lax
from jax.experimental import pallas as pl
from jax.experimental.pallas import tpu as pltpu
from jax.experimental.pallas import tpu_sc as plsc

_NC, _NS, _L = 2, 16, 16
_NW = _NC * _NS
_D = 7
_N = 16384 * 200
_PER_W = _N // _NW
_CHUNK = 6400
_NCHUNK = _PER_W // _CHUNK
_G = _CHUNK // _L
_OUT_CHUNK = _CHUNK * _D
_UW = 2 * 200 * _D
_GPU = 400 // _L
_UPC = _CHUNK // 400


def _vreg_gather(vec, idx):
    return lax.gather(
        vec,
        idx[:, None],
        lax.GatherDimensionNumbers(
            offset_dims=(), collapsed_slice_dims=(0,), start_index_map=(0,)),
        slice_sizes=(1,),
        mode=lax.GatherScatterMode.PROMISE_IN_BOUNDS,
    )


def _sc_body(idx_hbm, tbl_hbm, oj_hbm, out_hbm, idx_buf, out_buf, tbl_v, oj_v):
    wid = lax.axis_index("s") * _NC + lax.axis_index("c")
    base = wid * _PER_W

    pltpu.sync_copy(tbl_hbm, tbl_v)
    pltpu.sync_copy(oj_hbm, oj_v)
    t0p = [tbl_v[q, :] for q in range(_D)]
    t1p = [tbl_v[_D + q, :] for q in range(_D)]
    ojp = [oj_v[q, :] for q in range(_D)]

    for c in range(_NCHUNK):
        cbase = base + c * _CHUNK
        pltpu.sync_copy(idx_hbm.at[pl.ds(cbase, _CHUNK)], idx_buf)

        def unit(u, carry):
            def grp(g, carry2):
                e = idx_buf[pl.ds((u * _GPU + g) * _L, _L)]
                ob = g * (_L * _D)
                for q in range(_D):
                    eq = _vreg_gather(e, ojp[q])
                    v = jnp.where(eq != 0, t1p[q], t0p[q])
                    out_buf[u, pl.ds(ob + q * _L, _L)] = v
                return carry2
            return lax.fori_loop(0, _GPU, grp, carry)

        lax.fori_loop(0, _UPC, unit, 0)
        pltpu.sync_copy(
            out_buf,
            out_hbm.at[pl.ds(pl.multiple_of(cbase // 400, 8), _UPC)])


_lookup = functools.partial(
    pl.kernel,
    out_type=jax.ShapeDtypeStruct((16384 // 2, _UW), jnp.float32),
    mesh=plsc.VectorSubcoreMesh(core_axis_name="c", subcore_axis_name="s"),
    scratch_types=[
        pltpu.VMEM((_CHUNK,), jnp.int32),
        pltpu.VMEM((_UPC, _UW), jnp.float32),
        pltpu.VMEM((2 * _D, _L), jnp.float32),
        pltpu.VMEM((_D, _L), jnp.int32),
    ],
)(_sc_body)


def kernel(indices, table):
    idx_flat = indices.reshape(-1).astype(jnp.int32)
    kpat = (jnp.arange(_D * _L, dtype=jnp.int32) % _D).reshape(_D, _L)
    tbl_b = jnp.concatenate([table[0][kpat], table[1][kpat]], axis=0)
    oj = (jnp.arange(_D * _L, dtype=jnp.int32) // _D).reshape(_D, _L)
    out2 = _lookup(idx_flat, tbl_b, oj)
    return out2.reshape(indices.shape[0], indices.shape[1], _D)

# --- scband reference (transcript-rebuilt; emitter-appended) ---
"""Pipeline reference for scband-test-module3-61933428414268 (READ-ONLY COPY).

The authoritative reference and input builder live on the scoring server;
editing this copy changes nothing except your own understanding.
"""

import jax, jax.numpy as jnp
import numpy as np

def setup_inputs(seed: int = 0) -> dict:
    key = jax.random.key(seed)
    k1, k2 = jax.random.split(key)
    indices = jax.random.randint(k1, (16384, 200), 0, 2, dtype=jnp.int64)
    table = jax.random.normal(k2, (2, 7), dtype=jnp.float32)
    return {"indices": indices, "table": table}

def reference(indices, table):
    # nn.Embedding lookup: gather rows of the table by index
    return jnp.take(table, indices, axis=0)

if __name__ == "__main__":
    import jax
    _d = setup_inputs()
    print(jax.jit(kernel)(*tuple(_d.values())))

</pallas_src>

<mosaic_0001>
#map = affine_map<(d0, d1) -> (0)>
#map1 = affine_map<(d0, d1) -> (0, 0)>
module attributes {stable_mosaic.version = 14 : i64} {
  func.func @_sc_body(%arg0: i32, %arg1: i32, %arg2: memref<3276800xi32, #tpu.memory_space<hbm>>, %arg3: memref<14x16xf32, #tpu.memory_space<hbm>>, %arg4: memref<7x16xi32, #tpu.memory_space<hbm>>, %arg5: memref<8192x2800xf32, #tpu.memory_space<hbm>>, %arg6: memref<6400xi32, #tpu.memory_space<vmem>>, %arg7: memref<16x2800xf32, #tpu.memory_space<vmem>>, %arg8: memref<14x16xf32, #tpu.memory_space<vmem>>, %arg9: memref<7x16xi32, #tpu.memory_space<vmem>>) attributes {dimension_semantics = [#tpu.dimension_semantics<core_parallel>, #tpu.dimension_semantics<subcore_parallel>], iteration_bounds = array<i64: 2, 16>, scalar_prefetch = 0 : i64, scratch_operands = 4 : i64, tpu.core_type = #tpu.core_type<sc_vector_subcore>, window_params = [{transform_indices = #map}, {transform_indices = #map1}, {transform_indices = #map1}, {transform_indices = #map1}]} {
    %mul3A = arith.constant 2 : i32
    %mul3A_0 = arith.muli %arg1, %mul3A : i32
    %add3A = arith.addi %mul3A_0, %arg0 : i32
    %mul3A_1 = arith.constant 102400 : i32
    %mul3A_2 = arith.muli %add3A, %mul3A_1 : i32
    "tpu.region"() ({
      %run_scoped3A = tpu.sem_alloc : memref<!tpu.dma_semaphore, #tpu.memory_space<semaphore_mem>>
      tpu.enqueue_dma source(%arg3 : memref<14x16xf32, #tpu.memory_space<hbm>>) target(%arg8 : memref<14x16xf32, #tpu.memory_space<vmem>>) target_semaphore(%run_scoped3A : memref<!tpu.dma_semaphore, #tpu.memory_space<semaphore_mem>>)
      tpu.wait_dma2 semaphore(%run_scoped3A : memref<!tpu.dma_semaphore, #tpu.memory_space<semaphore_mem>>) src(%arg3 : memref<14x16xf32, #tpu.memory_space<hbm>>) dst(%arg8 : memref<14x16xf32, #tpu.memory_space<vmem>>)
      tpu.yield
    }) : () -> ()
    "tpu.region"() ({
      %run_scoped3A = tpu.sem_alloc : memref<!tpu.dma_semaphore, #tpu.memory_space<semaphore_mem>>
      tpu.enqueue_dma source(%arg4 : memref<7x16xi32, #tpu.memory_space<hbm>>) target(%arg9 : memref<7x16xi32, #tpu.memory_space<vmem>>) target_semaphore(%run_scoped3A : memref<!tpu.dma_semaphore, #tpu.memory_space<semaphore_mem>>)
      tpu.wait_dma2 semaphore(%run_scoped3A : memref<!tpu.dma_semaphore, #tpu.memory_space<semaphore_mem>>) src(%arg4 : memref<7x16xi32, #tpu.memory_space<hbm>>) dst(%arg9 : memref<7x16xi32, #tpu.memory_space<vmem>>)
      tpu.yield
    }) : () -> ()
    %get3A = arith.constant 0 : i32
    %get3A_3 = arith.index_cast %get3A : i32 to index
    %get3A_4 = arith.constant 0 : index
    %get3A_5 = tpu.vector_load %arg8[%get3A_3, %get3A_4] {strides = array<i32>} : memref<14x16xf32, #tpu.memory_space<vmem>>, vector<1x16xf32>,
    %get3A_6 = vector.shape_cast %get3A_5 : vector<1x16xf32> to vector<16xf32>
    %get3A_7 = arith.constant 1 : i32
    %get3A_8 = arith.index_cast %get3A_7 : i32 to index
    %get3A_9 = arith.constant 0 : index
    %get3A_10 = tpu.vector_load %arg8[%get3A_8, %get3A_9] {strides = array<i32>} : memref<14x16xf32, #tpu.memory_space<vmem>>, vector<1x16xf32>,
    %get3A_11 = vector.shape_cast %get3A_10 : vector<1x16xf32> to vector<16xf32>
    %get3A_12 = arith.constant 2 : i32
    %get3A_13 = arith.index_cast %get3A_12 : i32 to index
    %get3A_14 = arith.constant 0 : index
    %get3A_15 = tpu.vector_load %arg8[%get3A_13, %get3A_14] {strides = array<i32>} : memref<14x16xf32, #tpu.memory_space<vmem>>, vector<1x16xf32>,
    %get3A_16 = vector.shape_cast %get3A_15 : vector<1x16xf32> to vector<16xf32>
    %get3A_17 = arith.constant 3 : i32
    %get3A_18 = arith.index_cast %get3A_17 : i32 to index
    %get3A_19 = arith.constant 0 : index
    %get3A_20 = tpu.vector_load %arg8[%get3A_18, %get3A_19] {strides = array<i32>} : memref<14x16xf32, #tpu.memory_space<vmem>>, vector<1x16xf32>,
    %get3A_21 = vector.shape_cast %get3A_20 : vector<1x16xf32> to vector<16xf32>
    %get3A_22 = arith.constant 4 : i32
    %get3A_23 = arith.index_cast %get3A_22 : i32 to index
    %get3A_24 = arith.constant 0 : index
    %get3A_25 = tpu.vector_load %arg8[%get3A_23, %get3A_24] {strides = array<i32>} : memref<14x16xf32, #tpu.memory_space<vmem>>, vector<1x16xf32>,
    %get3A_26 = vector.shape_cast %get3A_25 : vector<1x16xf32> to vector<16xf32>
    %get3A_27 = arith.constant 5 : i32
    %get3A_28 = arith.index_cast %get3A_27 : i32 to index
    %get3A_29 = arith.constant 0 : index
    %get3A_30 = tpu.vector_load %arg8[%get3A_28, %get3A_29] {strides = array<i32>} : memref<14x16xf32, #tpu.memory_space<vmem>>, vector<1x16xf32>,
    %get3A_31 = vector.shape_cast %get3A_30 : vector<1x16xf32> to vector<16xf32>
    %get3A_32 = arith.constant 6 : i32
    %get3A_33 = arith.index_cast %get3A_32 : i32 to index
    %get3A_34 = arith.constant 0 : index
    %get3A_35 = tpu.vector_load %arg8[%get3A_33, %get3A_34] {strides = array<i32>} : memref<14x16xf32, #tpu.memory_space<vmem>>, vector<1x16xf32>,
    %get3A_36 = vector.shape_cast %get3A_35 : vector<1x16xf32> to vector<16xf32>
    %get3A_37 = arith.constant 7 : i32
    %get3A_38 = arith.index_cast %get3A_37 : i32 to index
    %get3A_39 = arith.constant 0 : index
    %get3A_40 = tpu.vector_load %arg8[%get3A_38, %get3A_39] {strides = array<i32>} : memref<14x16xf32, #tpu.memory_space<vmem>>, vector<1x16xf32>,
    %get3A_41 = vector.shape_cast %get3A_40 : vector<1x16xf32> to vector<16xf32>
    %get3A_42 = arith.constant 8 : i32
    %get3A_43 = arith.index_cast %get3A_42 : i32 to index
    %get3A_44 = arith.constant 0 : index
    %get3A_45 = tpu.vector_load %arg8[%get3A_43, %get3A_44] {strides = array<i32>} : memref<14x16xf32, #tpu.memory_space<vmem>>, vector<1x16xf32>,
    %get3A_46 = vector.shape_cast %get3A_45 : vector<1x16xf32> to vector<16xf32>
    %get3A_47 = arith.constant 9 : i32
    %get3A_48 = arith.index_cast %get3A_47 : i32 to index
    %get3A_49 = arith.constant 0 : index
    %get3A_50 = tpu.vector_load %arg8[%get3A_48, %get3A_49] {strides = array<i32>} : memref<14x16xf32, #tpu.memory_space<vmem>>, vector<1x16xf32>,
    %get3A_51 = vector.shape_cast %get3A_50 : vector<1x16xf32> to vector<16xf32>
    %get3A_52 = arith.constant 10 : i32
    %get3A_53 = arith.index_cast %get3A_52 : i32 to index
    %get3A_54 = arith.constant 0 : index
    %get3A_55 = tpu.vector_load %arg8[%get3A_53, %get3A_54] {strides = array<i32>} : memref<14x16xf32, #tpu.memory_space<vmem>>, vector<1x16xf32>,
    %get3A_56 = vector.shape_cast %get3A_55 : vector<1x16xf32> to vector<16xf32>
    %get3A_57 = arith.constant 11 : i32
    %get3A_58 = arith.index_cast %get3A_57 : i32 to index
    %get3A_59 = arith.constant 0 : index
    %get3A_60 = tpu.vector_load %arg8[%get3A_58, %get3A_59] {strides = array<i32>} : memref<14x16xf32, #tpu.memory_space<vmem>>, vector<1x16xf32>,
    %get3A_61 = vector.shape_cast %get3A_60 : vector<1x16xf32> to vector<16xf32>
    %get3A_62 = arith.constant 12 : i32
    %get3A_63 = arith.index_cast %get3A_62 : i32 to index
    %get3A_64 = arith.constant 0 : index
    %get3A_65 = tpu.vector_load %arg8[%get3A_63, %get3A_64] {strides = array<i32>} : memref<14x16xf32, #tpu.memory_space<vmem>>, vector<1x16xf32>,
    %get3A_66 = vector.shape_cast %get3A_65 : vector<1x16xf32> to vector<16xf32>
    %get3A_67 = arith.constant 13 : i32
    %get3A_68 = arith.index_cast %get3A_67 : i32 to index
    %get3A_69 = arith.constant 0 : index
    %get3A_70 = tpu.vector_load %arg8[%get3A_68, %get3A_69] {strides = array<i32>} : memref<14x16xf32, #tpu.memory_space<vmem>>, vector<1x16xf32>,
    %get3A_71 = vector.shape_cast %get3A_70 : vector<1x16xf32> to vector<16xf32>
    %get3A_72 = arith.constant 0 : i32
    %get3A_73 = arith.index_cast %get3A_72 : i32 to index
    %get3A_74 = arith.constant 0 : index
    %get3A_75 = tpu.vector_load %arg9[%get3A_73, %get3A_74] {strides = array<i32>} : memref<7x16xi32, #tpu.memory_space<vmem>>, vector<1x16xi32>,
    %get3A_76 = vector.shape_cast %get3A_75 : vector<1x16xi32> to vector<16xi32>
    %get3A_77 = arith.constant 1 : i32
    %get3A_78 = arith.index_cast %get3A_77 : i32 to index
    %get3A_79 = arith.constant 0 : index
    %get3A_80 = tpu.vector_load %arg9[%get3A_78, %get3A_79] {strides = array<i32>} : memref<7x16xi32, #tpu.memory_space<vmem>>, vector<1x16xi32>,
    %get3A_81 = vector.shape_cast %get3A_80 : vector<1x16xi32> to vector<16xi32>
    %get3A_82 = arith.constant 2 : i32
    %get3A_83 = arith.index_cast %get3A_82 : i32 to index
    %get3A_84 = arith.constant 0 : index
    %get3A_85 = tpu.vector_load %arg9[%get3A_83, %get3A_84] {strides = array<i32>} : memref<7x16xi32, #tpu.memory_space<vmem>>, vector<1x16xi32>,
    %get3A_86 = vector.shape_cast %get3A_85 : vector<1x16xi32> to vector<16xi32>
    %get3A_87 = arith.constant 3 : i32
    %get3A_88 = arith.index_cast %get3A_87 : i32 to index
    %get3A_89 = arith.constant 0 : index
    %get3A_90 = tpu.vector_load %arg9[%get3A_88, %get3A_89] {strides = array<i32>} : memref<7x16xi32, #tpu.memory_space<vmem>>, vector<1x16xi32>,
    %get3A_91 = vector.shape_cast %get3A_90 : vector<1x16xi32> to vector<16xi32>
    %get3A_92 = arith.constant 4 : i32
    %get3A_93 = arith.index_cast %get3A_92 : i32 to index
    %get3A_94 = arith.constant 0 : index
    %get3A_95 = tpu.vector_load %arg9[%get3A_93, %get3A_94] {strides = array<i32>} : memref<7x16xi32, #tpu.memory_space<vmem>>, vector<1x16xi32>,
    %get3A_96 = vector.shape_cast %get3A_95 : vector<1x16xi32> to vector<16xi32>
    %get3A_97 = arith.constant 5 : i32
    %get3A_98 = arith.index_cast %get3A_97 : i32 to index
    %get3A_99 = arith.constant 0 : index
    %get3A_100 = tpu.vector_load %arg9[%get3A_98, %get3A_99] {strides = array<i32>} : memref<7x16xi32, #tpu.memory_space<vmem>>, vector<1x16xi32>,
    %get3A_101 = vector.shape_cast %get3A_100 : vector<1x16xi32> to vector<16xi32>
    %get3A_102 = arith.constant 6 : i32
    %get3A_103 = arith.index_cast %get3A_102 : i32 to index
    %get3A_104 = arith.constant 0 : index
    %get3A_105 = tpu.vector_load %arg9[%get3A_103, %get3A_104] {strides = array<i32>} : memref<7x16xi32, #tpu.memory_space<vmem>>, vector<1x16xi32>,
    %get3A_106 = vector.shape_cast %get3A_105 : vector<1x16xi32> to vector<16xi32>
    %add3A_107 = arith.constant 0 : i32
    %add3A_108 = arith.addi %mul3A_2, %add3A_107 : i32
    "tpu.region"() ({
      %run_scoped3A = tpu.sem_alloc : memref<!tpu.dma_semaphore, #tpu.memory_space<semaphore_mem>>
      %dma_start3A = tpu.memref_slice %arg2[%add3A_108] : memref<3276800xi32, #tpu.memory_space<hbm>> -> memref<6400xi32, #tpu.memory_space<hbm>>
      %dma_start3A_625 = tpu.memref_slice %arg2[%add3A_108] : memref<3276800xi32, #tpu.memory_space<hbm>> -> memref<6400xi32, #tpu.memory_space<hbm>>
      tpu.enqueue_dma source(%dma_start3A_625 : memref<6400xi32, #tpu.memory_space<hbm>>) target(%arg6 : memref<6400xi32, #tpu.memory_space<vmem>>) target_semaphore(%run_scoped3A : memref<!tpu.dma_semaphore, #tpu.memory_space<semaphore_mem>>)
      %dma_wait3A = tpu.memref_slice %arg2[%add3A_108] : memref<3276800xi32, #tpu.memory_space<hbm>> -> memref<6400xi32, #tpu.memory_space<hbm>>
      %dma_wait3A_626 = tpu.memref_slice %arg2[%add3A_108] : memref<3276800xi32, #tpu.memory_space<hbm>> -> memref<6400xi32, #tpu.memory_space<hbm>>
      tpu.wait_dma2 semaphore(%run_scoped3A : memref<!tpu.dma_semaphore, #tpu.memory_space<semaphore_mem>>) src(%dma_wait3A_626 : memref<6400xi32, #tpu.memory_space<hbm>>) dst(%arg6 : memref<6400xi32, #tpu.memory_space<vmem>>)
      tpu.yield
    }) : () -> ()
    %scan3A = arith.constant 0 : i32
    %scan3A_109 = arith.constant 0 : i32
    %scan3A_110 = arith.constant 16 : i32
    %scan3A_111 = arith.addi %scan3A_109, %scan3A_110 : i32
    %scan3A_112 = arith.constant 1 : i32
    scf.for %scan3A_625 = %scan3A_109 to %scan3A_111 step %scan3A_112  : i32 {
      %scan3A_626 = arith.constant 0 : i32
      %scan3A_627 = arith.constant 25 : i32
      %scan3A_628 = arith.addi %scan3A_626, %scan3A_627 : i32
      %scan3A_629 = arith.constant 1 : i32
      scf.for %scan3A_631 = %scan3A_626 to %scan3A_628 step %scan3A_629  : i32 {
        %mul3A_632 = arith.constant 25 : i32
        %mul3A_633 = arith.muli %scan3A_625, %mul3A_632 : i32
        %add3A_634 = arith.addi %mul3A_633, %scan3A_631 : i32
        %mul3A_635 = arith.constant 16 : i32
        %mul3A_636 = arith.muli %add3A_634, %mul3A_635 : i32
        %get3A_637 = arith.index_cast %mul3A_636 : i32 to index
        %get3A_638 = tpu.vector_load %arg6[%get3A_637] {strides = array<i32>} : memref<6400xi32, #tpu.memory_space<vmem>>, vector<16xi32>,
        %get3A_639 = vector.shape_cast %get3A_638 : vector<16xi32> to vector<16xi32>
        %mul3A_640 = arith.constant 112 : i32
        %mul3A_641 = arith.muli %scan3A_631, %mul3A_640 : i32
        %broadcast_in_dim3A = vector.shape_cast %get3A_76 : vector<16xi32> to vector<16x1xi32>
        %gather3A = vector.shape_cast %broadcast_in_dim3A : vector<16x1xi32> to vector<16xi32>
        %gather3A_642 = tpu.dynamic_gather %get3A_639[%gather3A] in [0] : vector<16xi32>, vector<16xi32> -> vector<16xi32>
        %ne3A_643 = arith.constant 0 : i32
        %ne3A_644 = vector.broadcast %ne3A_643 : i32 to vector<16xi32>
        %ne3A_645 = arith.cmpi ne, %gather3A_642, %ne3A_644 : vector<16xi32>
        %select_n3A_646 = arith.select %ne3A_645, %get3A_41, %get3A_6 : vector<16xi1>, vector<16xf32>
        %add3A_647 = arith.constant 0 : i32
        %add3A_648 = arith.addi %mul3A_641, %add3A_647 : i32
        %swap3A = arith.index_cast %scan3A_625 : i32 to index
        %swap3A_649 = arith.index_cast %add3A_648 : i32 to index
        %swap3A_650 = tpu.vector_load %arg7[%swap3A, %swap3A_649] {strides = array<i32>} : memref<16x2800xf32, #tpu.memory_space<vmem>>, vector<1x16xf32>,
        %swap3A_651 = vector.shape_cast %swap3A_650 : vector<1x16xf32> to vector<16xf32>
        %swap3A_652 = vector.shape_cast %select_n3A_646 : vector<16xf32> to vector<1x16xf32>
        tpu.vector_store %arg7[%swap3A, %swap3A_649], %swap3A_652 {strides = array<i32>} : memref<16x2800xf32, #tpu.memory_space<vmem>>, vector<1x16xf32>,
        %broadcast_in_dim3A_653 = vector.shape_cast %get3A_81 : vector<16xi32> to vector<16x1xi32>
        %gather3A_654 = vector.shape_cast %broadcast_in_dim3A_653 : vector<16x1xi32> to vector<16xi32>
        %gather3A_655 = tpu.dynamic_gather %get3A_639[%gather3A_654] in [0] : vector<16xi32>, vector<16xi32> -> vector<16xi32>
        %ne3A_656 = arith.constant 0 : i32
        %ne3A_657 = vector.broadcast %ne3A_656 : i32 to vector<16xi32>
        %ne3A_658 = arith.cmpi ne, %gather3A_655, %ne3A_657 : vector<16xi32>
        %select_n3A_659 = arith.select %ne3A_658, %get3A_46, %get3A_11 : vector<16xi1>, vector<16xf32>
        %add3A_660 = arith.constant 16 : i32
        %add3A_661 = arith.addi %mul3A_641, %add3A_660 : i32
        %swap3A_662 = arith.index_cast %scan3A_625 : i32 to index
        %swap3A_663 = arith.index_cast %add3A_661 : i32 to index
        %swap3A_664 = tpu.vector_load %arg7[%swap3A_662, %swap3A_663] {strides = array<i32>} : memref<16x2800xf32, #tpu.memory_space<vmem>>, vector<1x16xf32>,
        %swap3A_665 = vector.shape_cast %swap3A_664 : vector<1x16xf32> to vector<16xf32>
        %swap3A_666 = vector.shape_cast %select_n3A_659 : vector<16xf32> to vector<1x16xf32>
        tpu.vector_store %arg7[%swap3A_662, %swap3A_663], %swap3A_666 {strides = array<i32>} : memref<16x2800xf32, #tpu.memory_space<vmem>>, vector<1x16xf32>,
        %broadcast_in_dim3A_667 = vector.shape_cast %get3A_86 : vector<16xi32> to vector<16x1xi32>
        %gather3A_668 = vector.shape_cast %broadcast_in_dim3A_667 : vector<16x1xi32> to vector<16xi32>
        %gather3A_669 = tpu.dynamic_gather %get3A_639[%gather3A_668] in [0] : vector<16xi32>, vector<16xi32> -> vector<16xi32>
        %ne3A_670 = arith.constant 0 : i32
        %ne3A_671 = vector.broadcast %ne3A_670 : i32 to vector<16xi32>
        %ne3A_672 = arith.cmpi ne, %gather3A_669, %ne3A_671 : vector<16xi32>
        %select_n3A_673 = arith.select %ne3A_672, %get3A_51, %get3A_16 : vector<16xi1>, vector<16xf32>
        %add3A_674 = arith.constant 32 : i32
        %add3A_675 = arith.addi %mul3A_641, %add3A_674 : i32
        %swap3A_676 = arith.index_cast %scan3A_625 : i32 to index
        %swap3A_677 = arith.index_cast %add3A_675 : i32 to index
        %swap3A_678 = tpu.vector_load %arg7[%swap3A_676, %swap3A_677] {strides = array<i32>} : memref<16x2800xf32, #tpu.memory_space<vmem>>, vector<1x16xf32>,
        %swap3A_679 = vector.shape_cast %swap3A_678 : vector<1x16xf32> to vector<16xf32>
        %swap3A_680 = vector.shape_cast %select_n3A_673 : vector<16xf32> to vector<1x16xf32>
        tpu.vector_store %arg7[%swap3A_676, %swap3A_677], %swap3A_680 {strides = array<i32>} : memref<16x2800xf32, #tpu.memory_space<vmem>>, vector<1x16xf32>,
        %broadcast_in_dim3A_681 = vector.shape_cast %get3A_91 : vector<16xi32> to vector<16x1xi32>
        %gather3A_682 = vector.shape_cast %broadcast_in_dim3A_681 : vector<16x1xi32> to vector<16xi32>
        %gather3A_683 = tpu.dynamic_gather %get3A_639[%gather3A_682] in [0] : vector<16xi32>, vector<16xi32> -> vector<16xi32>
        %ne3A_684 = arith.constant 0 : i32
        %ne3A_685 = vector.broadcast %ne3A_684 : i32 to vector<16xi32>
        %ne3A_686 = arith.cmpi ne, %gather3A_683, %ne3A_685 : vector<16xi32>
        %select_n3A_687 = arith.select %ne3A_686, %get3A_56, %get3A_21 : vector<16xi1>, vector<16xf32>
        %add3A_688 = arith.constant 48 : i32
        %add3A_689 = arith.addi %mul3A_641, %add3A_688 : i32
        %swap3A_690 = arith.index_cast %scan3A_625 : i32 to index
        %swap3A_691 = arith.index_cast %add3A_689 : i32 to index
        %swap3A_692 = tpu.vector_load %arg7[%swap3A_690, %swap3A_691] {strides = array<i32>} : memref<16x2800xf32, #tpu.memory_space<vmem>>, vector<1x16xf32>,
        %swap3A_693 = vector.shape_cast %swap3A_692 : vector<1x16xf32> to vector<16xf32>
        %swap3A_694 = vector.shape_cast %select_n3A_687 : vector<16xf32> to vector<1x16xf32>
        tpu.vector_store %arg7[%swap3A_690, %swap3A_691], %swap3A_694 {strides = array<i32>} : memref<16x2800xf32, #tpu.memory_space<vmem>>, vector<1x16xf32>,
        %broadcast_in_dim3A_695 = vector.shape_cast %get3A_96 : vector<16xi32> to vector<16x1xi32>
        %gather3A_696 = vector.shape_cast %broadcast_in_dim3A_695 : vector<16x1xi32> to vector<16xi32>
        %gather3A_697 = tpu.dynamic_gather %get3A_639[%gather3A_696] in [0] : vector<16xi32>, vector<16xi32> -> vector<16xi32>
        %ne3A_698 = arith.constant 0 : i32
        %ne3A_699 = vector.broadcast %ne3A_698 : i32 to vector<16xi32>
        %ne3A_700 = arith.cmpi ne, %gather3A_697, %ne3A_699 : vector<16xi32>
        %select_n3A_701 = arith.select %ne3A_700, %get3A_61, %get3A_26 : vector<16xi1>, vector<16xf32>
        %add3A_702 = arith.constant 64 : i32
        %add3A_703 = arith.addi %mul3A_641, %add3A_702 : i32
        %swap3A_704 = arith.index_cast %scan3A_625 : i32 to index
        %swap3A_705 = arith.index_cast %add3A_703 : i32 to index
        %swap3A_706 = tpu.vector_load %arg7[%swap3A_704, %swap3A_705] {strides = array<i32>} : memref<16x2800xf32, #tpu.memory_space<vmem>>, vector<1x16xf32>,
        %swap3A_707 = vector.shape_cast %swap3A_706 : vector<1x16xf32> to vector<16xf32>
        %swap3A_708 = vector.shape_cast %select_n3A_701 : vector<16xf32> to vector<1x16xf32>
        tpu.vector_store %arg7[%swap3A_704, %swap3A_705], %swap3A_708 {strides = array<i32>} : memref<16x2800xf32, #tpu.memory_space<vmem>>, vector<1x16xf32>,
        %broadcast_in_dim3A_709 = vector.shape_cast %get3A_101 : vector<16xi32> to vector<16x1xi32>
        %gather3A_710 = vector.shape_cast %broadcast_in_dim3A_709 : vector<16x1xi32> to vector<16xi32>
        %gather3A_711 = tpu.dynamic_gather %get3A_639[%gather3A_710] in [0] : vector<16xi32>, vector<16xi32> -> vector<16xi32>
        %ne3A_712 = arith.constant 0 : i32
        %ne3A_713 = vector.broadcast %ne3A_712 : i32 to vector<16xi32>
        %ne3A_714 = arith.cmpi ne, %gather3A_711, %ne3A_713 : vector<16xi32>
        %select_n3A_715 = arith.select %ne3A_714, %get3A_66, %get3A_31 : vector<16xi1>, vector<16xf32>
        %add3A_716 = arith.constant 80 : i32
        %add3A_717 = arith.addi %mul3A_641, %add3A_716 : i32
        %swap3A_718 = arith.index_cast %scan3A_625 : i32 to index
        %swap3A_719 = arith.index_cast %add3A_717 : i32 to index
        %swap3A_720 = tpu.vector_load %arg7[%swap3A_718, %swap3A_719] {strides = array<i32>} : memref<16x2800xf32, #tpu.memory_space<vmem>>, vector<1x16xf32>,
        %swap3A_721 = vector.shape_cast %swap3A_720 : vector<1x16xf32> to vector<16xf32>
        %swap3A_722 = vector.shape_cast %select_n3A_715 : vector<16xf32> to vector<1x16xf32>
        tpu.vector_store %arg7[%swap3A_718, %swap3A_719], %swap3A_722 {strides = array<i32>} : memref<16x2800xf32, #tpu.memory_space<vmem>>, vector<1x16xf32>,
        %broadcast_in_dim3A_723 = vector.shape_cast %get3A_106 : vector<16xi32> to vector<16x1xi32>
        %gather3A_724 = vector.shape_cast %broadcast_in_dim3A_723 : vector<16x1xi32> to vector<16xi32>
        %gather3A_725 = tpu.dynamic_gather %get3A_639[%gather3A_724] in [0] : vector<16xi32>, vector<16xi32> -> vector<16xi32>
        %ne3A_726 = arith.constant 0 : i32
        %ne3A_727 = vector.broadcast %ne3A_726 : i32 to vector<16xi32>
        %ne3A_728 = arith.cmpi ne, %gather3A_725, %ne3A_727 : vector<16xi32>
        %select_n3A_729 = arith.select %ne3A_728, %get3A_71, %get3A_36 : vector<16xi1>, vector<16xf32>
        %add3A_730 = arith.constant 96 : i32
        %add3A_731 = arith.addi %mul3A_641, %add3A_730 : i32
        %swap3A_732 = arith.index_cast %scan3A_625 : i32 to index
        %swap3A_733 = arith.index_cast %add3A_731 : i32 to index
        %swap3A_734 = tpu.vector_load %arg7[%swap3A_732, %swap3A_733] {strides = array<i32>} : memref<16x2800xf32, #tpu.memory_space<vmem>>, vector<1x16xf32>,
        %swap3A_735 = vector.shape_cast %swap3A_734 : vector<1x16xf32> to vector<16xf32>
        %swap3A_736 = vector.shape_cast %select_n3A_729 : vector<16xf32> to vector<1x16xf32>
        tpu.vector_store %arg7[%swap3A_732, %swap3A_733], %swap3A_736 {strides = array<i32>} : memref<16x2800xf32, #tpu.memory_space<vmem>>, vector<1x16xf32>,
      }
      %scan3A_630 = arith.constant 25 : i32
    }
    %scan3A_113 = arith.constant 16 : i32
    %jit3A = arith.constant 400 : i32
    %div3A = arith.divsi %add3A_108, %jit3A : i32
    %sign3A = arith.constant 0 : i32
    %sign3A_114 = arith.cmpi sgt, %add3A_108, %sign3A : i32
    %sign3A_115 = arith.extui %sign3A_114 : i1 to i32
    %sign3A_116 = arith.constant 0 : i32
    %sign3A_117 = arith.cmpi slt, %add3A_108, %sign3A_116 : i32
    %sign3A_118 = arith.extui %sign3A_117 : i1 to i32
    %sign3A_119 = arith.subi %sign3A_115, %sign3A_118 : i32
    %sign3A_120 = arith.constant 0 : i32
    %sign3A_121 = arith.cmpi sgt, %jit3A, %sign3A_120 : i32
    %sign3A_122 = arith.extui %sign3A_121 : i1 to i32
    %sign3A_123 = arith.constant 0 : i32
    %sign3A_124 = arith.cmpi slt, %jit3A, %sign3A_123 : i32
    %sign3A_125 = arith.extui %sign3A_124 : i1 to i32
    %sign3A_126 = arith.subi %sign3A_122, %sign3A_125 : i32
    %ne3A = arith.cmpi ne, %sign3A_119, %sign3A_126 : i32
    %rem3A = arith.remsi %add3A_108, %jit3A : i32
    %ne3A_127 = arith.constant 0 : i32
    %ne3A_128 = arith.cmpi ne, %rem3A, %ne3A_127 : i32
    %and3A = arith.andi %ne3A, %ne3A_128 : i1
    %sub3A = arith.constant 1 : i32
    %sub3A_129 = arith.subi %div3A, %sub3A : i32
    %select_n3A = arith.select %and3A, %sub3A_129, %div3A : i32
    %multiple_of3A = tpu.assume_multiple %select_n3A, 8 : i32
    "tpu.region"() ({
      %run_scoped3A = tpu.sem_alloc : memref<!tpu.dma_semaphore, #tpu.memory_space<semaphore_mem>>
      %dma_start3A = arith.constant 0 : i32
      %dma_start3A_625 = tpu.memref_slice %arg5[%multiple_of3A, %dma_start3A] : memref<8192x2800xf32, #tpu.memory_space<hbm>> -> memref<16x2800xf32, #tpu.memory_space<hbm>>
      %dma_start3A_626 = arith.constant 0 : i32
      %dma_start3A_627 = tpu.memref_slice %arg5[%multiple_of3A, %dma_start3A_626] : memref<8192x2800xf32, #tpu.memory_space<hbm>> -> memref<16x2800xf32, #tpu.memory_space<hbm>>
      tpu.enqueue_dma source(%arg7 : memref<16x2800xf32, #tpu.memory_space<vmem>>) target(%dma_start3A_627 : memref<16x2800xf32, #tpu.memory_space<hbm>>) target_semaphore(%run_scoped3A : memref<!tpu.dma_semaphore, #tpu.memory_space<semaphore_mem>>)
      %dma_wait3A = arith.constant 0 : i32
      %dma_wait3A_628 = tpu.memref_slice %arg5[%multiple_of3A, %dma_wait3A] : memref<8192x2800xf32, #tpu.memory_space<hbm>> -> memref<16x2800xf32, #tpu.memory_space<hbm>>
      %dma_wait3A_629 = arith.constant 0 : i32
      %dma_wait3A_630 = tpu.memref_slice %arg5[%multiple_of3A, %dma_wait3A_629] : memref<8192x2800xf32, #tpu.memory_space<hbm>> -> memref<16x2800xf32, #tpu.memory_space<hbm>>
      tpu.wait_dma2 semaphore(%run_scoped3A : memref<!tpu.dma_semaphore, #tpu.memory_space<semaphore_mem>>) src(%arg7 : memref<16x2800xf32, #tpu.memory_space<vmem>>) dst(%dma_wait3A_630 : memref<16x2800xf32, #tpu.memory_space<hbm>>)
      tpu.yield
    }) : () -> ()
    %add3A_130 = arith.constant 6400 : i32
    %add3A_131 = arith.addi %mul3A_2, %add3A_130 : i32
    "tpu.region"() ({
      %run_scoped3A = tpu.sem_alloc : memref<!tpu.dma_semaphore, #tpu.memory_space<semaphore_mem>>
      %dma_start3A = tpu.memref_slice %arg2[%add3A_131] : memref<3276800xi32, #tpu.memory_space<hbm>> -> memref<6400xi32, #tpu.memory_space<hbm>>
      %dma_start3A_625 = tpu.memref_slice %arg2[%add3A_131] : memref<3276800xi32, #tpu.memory_space<hbm>> -> memref<6400xi32, #tpu.memory_space<hbm>>
      tpu.enqueue_dma source(%dma_start3A_625 : memref<6400xi32, #tpu.memory_space<hbm>>) target(%arg6 : memref<6400xi32, #tpu.memory_space<vmem>>) target_semaphore(%run_scoped3A : memref<!tpu.dma_semaphore, #tpu.memory_space<semaphore_mem>>)
      %dma_wait3A = tpu.memref_slice %arg2[%add3A_131] : memref<3276800xi32, #tpu.memory_space<hbm>> -> memref<6400xi32, #tpu.memory_space<hbm>>
      %dma_wait3A_626 = tpu.memref_slice %arg2[%add3A_131] : memref<3276800xi32, #tpu.memory_space<hbm>> -> memref<6400xi32, #tpu.memory_space<hbm>>
      tpu.wait_dma2 semaphore(%run_scoped3A : memref<!tpu.dma_semaphore, #tpu.memory_space<semaphore_mem>>) src(%dma_wait3A_626 : memref<6400xi32, #tpu.memory_space<hbm>>) dst(%arg6 : memref<6400xi32, #tpu.memory_space<vmem>>)
      tpu.yield
    }) : () -> ()
    %scan3A_132 = arith.constant 0 : i32
    %scan3A_133 = arith.constant 0 : i32
    %scan3A_134 = arith.constant 16 : i32
    %scan3A_135 = arith.addi %scan3A_133, %scan3A_134 : i32
    %scan3A_136 = arith.constant 1 : i32
    scf.for %scan3A_625 = %scan3A_133 to %scan3A_135 step %scan3A_136  : i32 {
      %scan3A_626 = arith.constant 0 : i32
      %scan3A_627 = arith.constant 25 : i32
      %scan3A_628 = arith.addi %scan3A_626, %scan3A_627 : i32
      %scan3A_629 = arith.constant 1 : i32
      scf.for %scan3A_631 = %scan3A_626 to %scan3A_628 step %scan3A_629  : i32 {
        %mul3A_632 = arith.constant 25 : i32
        %mul3A_633 = arith.muli %scan3A_625, %mul3A_632 : i32
        %add3A_634 = arith.addi %mul3A_633, %scan3A_631 : i32
        %mul3A_635 = arith.constant 16 : i32
        %mul3A_636 = arith.muli %add3A_634, %mul3A_635 : i32
        %get3A_637 = arith.index_cast %mul3A_636 : i32 to index
        %get3A_638 = tpu.vector_load %arg6[%get3A_637] {strides = array<i32>} : memref<6400xi32, #tpu.memory_space<vmem>>, vector<16xi32>,
        %get3A_639 = vector.shape_cast %get3A_638 : vector<16xi32> to vector<16xi32>
        %mul3A_640 = arith.constant 112 : i32
        %mul3A_641 = arith.muli %scan3A_631, %mul3A_640 : i32
        %broadcast_in_dim3A = vector.shape_cast %get3A_76 : vector<16xi32> to vector<16x1xi32>
        %gather3A = vector.shape_cast %broadcast_in_dim3A : vector<16x1xi32> to vector<16xi32>
        %gather3A_642 = tpu.dynamic_gather %get3A_639[%gather3A] in [0] : vector<16xi32>, vector<16xi32> -> vector<16xi32>
        %ne3A_643 = arith.constant 0 : i32
        %ne3A_644 = vector.broadcast %ne3A_643 : i32 to vector<16xi32>
        %ne3A_645 = arith.cmpi ne, %gather3A_642, %ne3A_644 : vector<16xi32>
        %select_n3A_646 = arith.select %ne3A_645, %get3A_41, %get3A_6 : vector<16xi1>, vector<16xf32>
        %add3A_647 = arith.constant 0 : i32
        %add3A_648 = arith.addi %mul3A_641, %add3A_647 : i32
        %swap3A = arith.index_cast %scan3A_625 : i32 to index
        %swap3A_649 = arith.index_cast %add3A_648 : i32 to index
        %swap3A_650 = tpu.vector_load %arg7[%swap3A, %swap3A_649] {strides = array<i32>} : memref<16x2800xf32, #tpu.memory_space<vmem>>, vector<1x16xf32>,
        %swap3A_651 = vector.shape_cast %swap3A_650 : vector<1x16xf32> to vector<16xf32>
        %swap3A_652 = vector.shape_cast %select_n3A_646 : vector<16xf32> to vector<1x16xf32>
        tpu.vector_store %arg7[%swap3A, %swap3A_649], %swap3A_652 {strides = array<i32>} : memref<16x2800xf32, #tpu.memory_space<vmem>>, vector<1x16xf32>,
        %broadcast_in_dim3A_653 = vector.shape_cast %get3A_81 : vector<16xi32> to vector<16x1xi32>
        %gather3A_654 = vector.shape_cast %broadcast_in_dim3A_653 : vector<16x1xi32> to vector<16xi32>
        %gather3A_655 = tpu.dynamic_gather %get3A_639[%gather3A_654] in [0] : vector<16xi32>, vector<16xi32> -> vector<16xi32>
        %ne3A_656 = arith.constant 0 : i32
        %ne3A_657 = vector.broadcast %ne3A_656 : i32 to vector<16xi32>
        %ne3A_658 = arith.cmpi ne, %gather3A_655, %ne3A_657 : vector<16xi32>
        %select_n3A_659 = arith.select %ne3A_658, %get3A_46, %get3A_11 : vector<16xi1>, vector<16xf32>
        %add3A_660 = arith.constant 16 : i32
        %add3A_661 = arith.addi %mul3A_641, %add3A_660 : i32
        %swap3A_662 = arith.index_cast %scan3A_625 : i32 to index
        %swap3A_663 = arith.index_cast %add3A_661 : i32 to index
        %swap3A_664 = tpu.vector_load %arg7[%swap3A_662, %swap3A_663] {strides = array<i32>} : memref<16x2800xf32, #tpu.memory_space<vmem>>, vector<1x16xf32>,
        %swap3A_665 = vector.shape_cast %swap3A_664 : vector<1x16xf32> to vector<16xf32>
        %swap3A_666 = vector.shape_cast %select_n3A_659 : vector<16xf32> to vector<1x16xf32>
        tpu.vector_store %arg7[%swap3A_662, %swap3A_663], %swap3A_666 {strides = array<i32>} : memref<16x2800xf32, #tpu.memory_space<vmem>>, vector<1x16xf32>,
        %broadcast_in_dim3A_667 = vector.shape_cast %get3A_86 : vector<16xi32> to vector<16x1xi32>
        %gather3A_668 = vector.shape_cast %broadcast_in_dim3A_667 : vector<16x1xi32> to vector<16xi32>
        %gather3A_669 = tpu.dynamic_gather %get3A_639[%gather3A_668] in [0] : vector<16xi32>, vector<16xi32> -> vector<16xi32>
        %ne3A_670 = arith.constant 0 : i32
        %ne3A_671 = vector.broadcast %ne3A_670 : i32 to vector<16xi32>
        %ne3A_672 = arith.cmpi ne, %gather3A_669, %ne3A_671 : vector<16xi32>
        %select_n3A_673 = arith.select %ne3A_672, %get3A_51, %get3A_16 : vector<16xi1>, vector<16xf32>
        %add3A_674 = arith.constant 32 : i32
        %add3A_675 = arith.addi %mul3A_641, %add3A_674 : i32
        %swap3A_676 = arith.index_cast %scan3A_625 : i32 to index
        %swap3A_677 = arith.index_cast %add3A_675 : i32 to index
        %swap3A_678 = tpu.vector_load %arg7[%swap3A_676, %swap3A_677] {strides = array<i32>} : memref<16x2800xf32, #tpu.memory_space<vmem>>, vector<1x16xf32>,
        %swap3A_679 = vector.shape_cast %swap3A_678 : vector<1x16xf32> to vector<16xf32>
        %swap3A_680 = vector.shape_cast %select_n3A_673 : vector<16xf32> to vector<1x16xf32>
        tpu.vector_store %arg7[%swap3A_676, %swap3A_677], %swap3A_680 {strides = array<i32>} : memref<16x2800xf32, #tpu.memory_space<vmem>>, vector<1x16xf32>,
        %broadcast_in_dim3A_681 = vector.shape_cast %get3A_91 : vector<16xi32> to vector<16x1xi32>
        %gather3A_682 = vector.shape_cast %broadcast_in_dim3A_681 : vector<16x1xi32> to vector<16xi32>
        %gather3A_683 = tpu.dynamic_gather %get3A_639[%gather3A_682] in [0] : vector<16xi32>, vector<16xi32> -> vector<16xi32>
        %ne3A_684 = arith.constant 0 : i32
        %ne3A_685 = vector.broadcast %ne3A_684 : i32 to vector<16xi32>
        %ne3A_686 = arith.cmpi ne, %gather3A_683, %ne3A_685 : vector<16xi32>
        %select_n3A_687 = arith.select %ne3A_686, %get3A_56, %get3A_21 : vector<16xi1>, vector<16xf32>
        %add3A_688 = arith.constant 48 : i32
        %add3A_689 = arith.addi %mul3A_641, %add3A_688 : i32
        %swap3A_690 = arith.index_cast %scan3A_625 : i32 to index
        %swap3A_691 = arith.index_cast %add3A_689 : i32 to index
        %swap3A_692 = tpu.vector_load %arg7[%swap3A_690, %swap3A_691] {strides = array<i32>} : memref<16x2800xf32, #tpu.memory_space<vmem>>, vector<1x16xf32>,
        %swap3A_693 = vector.shape_cast %swap3A_692 : vector<1x16xf32> to vector<16xf32>
        %swap3A_694 = vector.shape_cast %select_n3A_687 : vector<16xf32> to vector<1x16xf32>
        tpu.vector_store %arg7[%swap3A_690, %swap3A_691], %swap3A_694 {strides = array<i32>} : memref<16x2800xf32, #tpu.memory_space<vmem>>, vector<1x16xf32>,
        %broadcast_in_dim3A_695 = vector.shape_cast %get3A_96 : vector<16xi32> to vector<16x1xi32>
        %gather3A_696 = vector.shape_cast %broadcast_in_dim3A_695 : vector<16x1xi32> to vector<16xi32>
        %gather3A_697 = tpu.dynamic_gather %get3A_639[%gather3A_696] in [0] : vector<16xi32>, vector<16xi32> -> vector<16xi32>
        %ne3A_698 = arith.constant 0 : i32
        %ne3A_699 = vector.broadcast %ne3A_698 : i32 to vector<16xi32>
        %ne3A_700 = arith.cmpi ne, %gather3A_697, %ne3A_699 : vector<16xi32>
        %select_n3A_701 = arith.select %ne3A_700, %get3A_61, %get3A_26 : vector<16xi1>, vector<16xf32>
        %add3A_702 = arith.constant 64 : i32
        %add3A_703 = arith.addi %mul3A_641, %add3A_702 : i32
        %swap3A_704 = arith.index_cast %scan3A_625 : i32 to index
        %swap3A_705 = arith.index_cast %add3A_703 : i32 to index
        %swap3A_706 = tpu.vector_load %arg7[%swap3A_704, %swap3A_705] {strides = array<i32>} : memref<16x2800xf32, #tpu.memory_space<vmem>>, vector<1x16xf32>,
        %swap3A_707 = vector.shape_cast %swap3A_706 : vector<1x16xf32> to vector<16xf32>
        %swap3A_708 = vector.shape_cast %select_n3A_701 : vector<16xf32> to vector<1x16xf32>
        tpu.vector_store %arg7[%swap3A_704, %swap3A_705], %swap3A_708 {strides = array<i32>} : memref<16x2800xf32, #tpu.memory_space<vmem>>, vector<1x16xf32>,
        %broadcast_in_dim3A_709 = vector.shape_cast %get3A_101 : vector<16xi32> to vector<16x1xi32>
        %gather3A_710 = vector.shape_cast %broadcast_in_dim3A_709 : vector<16x1xi32> to vector<16xi32>
        %gather3A_711 = tpu.dynamic_gather %get3A_639[%gather3A_710] in [0] : vector<16xi32>, vector<16xi32> -> vector<16xi32>
        %ne3A_712 = arith.constant 0 : i32
        %ne3A_713 = vector.broadcast %ne3A_712 : i32 to vector<16xi32>
        %ne3A_714 = arith.cmpi ne, %gather3A_711, %ne3A_713 : vector<16xi32>
        %select_n3A_715 = arith.select %ne3A_714, %get3A_66, %get3A_31 : vector<16xi1>, vector<16xf32>
        %add3A_716 = arith.constant 80 : i32
        %add3A_717 = arith.addi %mul3A_641, %add3A_716 : i32
        %swap3A_718 = arith.index_cast %scan3A_625 : i32 to index
        %swap3A_719 = arith.index_cast %add3A_717 : i32 to index
        %swap3A_720 = tpu.vector_load %arg7[%swap3A_718, %swap3A_719] {strides = array<i32>} : memref<16x2800xf32, #tpu.memory_space<vmem>>, vector<1x16xf32>,
        %swap3A_721 = vector.shape_cast %swap3A_720 : vector<1x16xf32> to vector<16xf32>
        %swap3A_722 = vector.shape_cast %select_n3A_715 : vector<16xf32> to vector<1x16xf32>
        tpu.vector_store %arg7[%swap3A_718, %swap3A_719], %swap3A_722 {strides = array<i32>} : memref<16x2800xf32, #tpu.memory_space<vmem>>, vector<1x16xf32>,
        %broadcast_in_dim3A_723 = vector.shape_cast %get3A_106 : vector<16xi32> to vector<16x1xi32>
        %gather3A_724 = vector.shape_cast %broadcast_in_dim3A_723 : vector<16x1xi32> to vector<16xi32>
        %gather3A_725 = tpu.dynamic_gather %get3A_639[%gather3A_724] in [0] : vector<16xi32>, vector<16xi32> -> vector<16xi32>
        %ne3A_726 = arith.constant 0 : i32
        %ne3A_727 = vector.broadcast %ne3A_726 : i32 to vector<16xi32>
        %ne3A_728 = arith.cmpi ne, %gather3A_725, %ne3A_727 : vector<16xi32>
        %select_n3A_729 = arith.select %ne3A_728, %get3A_71, %get3A_36 : vector<16xi1>, vector<16xf32>
        %add3A_730 = arith.constant 96 : i32
        %add3A_731 = arith.addi %mul3A_641, %add3A_730 : i32
        %swap3A_732 = arith.index_cast %scan3A_625 : i32 to index
        %swap3A_733 = arith.index_cast %add3A_731 : i32 to index
        %swap3A_734 = tpu.vector_load %arg7[%swap3A_732, %swap3A_733] {strides = array<i32>} : memref<16x2800xf32, #tpu.memory_space<vmem>>, vector<1x16xf32>,
        %swap3A_735 = vector.shape_cast %swap3A_734 : vector<1x16xf32> to vector<16xf32>
        %swap3A_736 = vector.shape_cast %select_n3A_729 : vector<16xf32> to vector<1x16xf32>
        tpu.vector_store %arg7[%swap3A_732, %swap3A_733], %swap3A_736 {strides = array<i32>} : memref<16x2800xf32, #tpu.memory_space<vmem>>, vector<1x16xf32>,
      }
      %scan3A_630 = arith.constant 25 : i32
    }
    %scan3A_137 = arith.constant 16 : i32
    %jit3A_138 = arith.constant 400 : i32
    %div3A_139 = arith.divsi %add3A_131, %jit3A_138 : i32
    %sign3A_140 = arith.constant 0 : i32
    %sign3A_141 = arith.cmpi sgt, %add3A_131, %sign3A_140 : i32
    %sign3A_142 = arith.extui %sign3A_141 : i1 to i32
    %sign3A_143 = arith.constant 0 : i32
    %sign3A_144 = arith.cmpi slt, %add3A_131, %sign3A_143 : i32
    %sign3A_145 = arith.extui %sign3A_144 : i1 to i32
    %sign3A_146 = arith.subi %sign3A_142, %sign3A_145 : i32
    %sign3A_147 = arith.constant 0 : i32
    %sign3A_148 = arith.cmpi sgt, %jit3A_138, %sign3A_147 : i32
    %sign3A_149 = arith.extui %sign3A_148 : i1 to i32
    %sign3A_150 = arith.constant 0 : i32
    %sign3A_151 = arith.cmpi slt, %jit3A_138, %sign3A_150 : i32
    %sign3A_152 = arith.extui %sign3A_151 : i1 to i32
    %sign3A_153 = arith.subi %sign3A_149, %sign3A_152 : i32
    %ne3A_154 = arith.cmpi ne, %sign3A_146, %sign3A_153 : i32
    %rem3A_155 = arith.remsi %add3A_131, %jit3A_138 : i32
    %ne3A_156 = arith.constant 0 : i32
    %ne3A_157 = arith.cmpi ne, %rem3A_155, %ne3A_156 : i32
    %and3A_158 = arith.andi %ne3A_154, %ne3A_157 : i1
    %sub3A_159 = arith.constant 1 : i32
    %sub3A_160 = arith.subi %div3A_139, %sub3A_159 : i32
    %select_n3A_161 = arith.select %and3A_158, %sub3A_160, %div3A_139 : i32
    %multiple_of3A_162 = tpu.assume_multiple %select_n3A_161, 8 : i32
    "tpu.region"() ({
      %run_scoped3A = tpu.sem_alloc : memref<!tpu.dma_semaphore, #tpu.memory_space<semaphore_mem>>
      %dma_start3A = arith.constant 0 : i32
      %dma_start3A_625 = tpu.memref_slice %arg5[%multiple_of3A_162, %dma_start3A] : memref<8192x2800xf32, #tpu.memory_space<hbm>> -> memref<16x2800xf32, #tpu.memory_space<hbm>>
      %dma_start3A_626 = arith.constant 0 : i32
      %dma_start3A_627 = tpu.memref_slice %arg5[%multiple_of3A_162, %dma_start3A_626] : memref<8192x2800xf32, #tpu.memory_space<hbm>> -> memref<16x2800xf32, #tpu.memory_space<hbm>>
      tpu.enqueue_dma source(%arg7 : memref<16x2800xf32, #tpu.memory_space<vmem>>) target(%dma_start3A_627 : memref<16x2800xf32, #tpu.memory_space<hbm>>) target_semaphore(%run_scoped3A : memref<!tpu.dma_semaphore, #tpu.memory_space<semaphore_mem>>)
      %dma_wait3A = arith.constant 0 : i32
      %dma_wait3A_628 = tpu.memref_slice %arg5[%multiple_of3A_162, %dma_wait3A] : memref<8192x2800xf32, #tpu.memory_space<hbm>> -> memref<16x2800xf32, #tpu.memory_space<hbm>>
      %dma_wait3A_629 = arith.constant 0 : i32
      %dma_wait3A_630 = tpu.memref_slice %arg5[%multiple_of3A_162, %dma_wait3A_629] : memref<8192x2800xf32, #tpu.memory_space<hbm>> -> memref<16x2800xf32, #tpu.memory_space<hbm>>
      tpu.wait_dma2 semaphore(%run_scoped3A : memref<!tpu.dma_semaphore, #tpu.memory_space<semaphore_mem>>) src(%arg7 : memref<16x2800xf32, #tpu.memory_space<vmem>>) dst(%dma_wait3A_630 : memref<16x2800xf32, #tpu.memory_space<hbm>>)
      tpu.yield
    }) : () -> ()
    %add3A_163 = arith.constant 12800 : i32
    %add3A_164 = arith.addi %mul3A_2, %add3A_163 : i32
    "tpu.region"() ({
      %run_scoped3A = tpu.sem_alloc : memref<!tpu.dma_semaphore, #tpu.memory_space<semaphore_mem>>
      %dma_start3A = tpu.memref_slice %arg2[%add3A_164] : memref<3276800xi32, #tpu.memory_space<hbm>> -> memref<6400xi32, #tpu.memory_space<hbm>>
      %dma_start3A_625 = tpu.memref_slice %arg2[%add3A_164] : memref<3276800xi32, #tpu.memory_space<hbm>> -> memref<6400xi32, #tpu.memory_space<hbm>>
      tpu.enqueue_dma source(%dma_start3A_625 : memref<6400xi32, #tpu.memory_space<hbm>>) target(%arg6 : memref<6400xi32, #tpu.memory_space<vmem>>) target_semaphore(%run_scoped3A : memref<!tpu.dma_semaphore, #tpu.memory_space<semaphore_mem>>)
      %dma_wait3A = tpu.memref_slice %arg2[%add3A_164] : memref<3276800xi32, #tpu.memory_space<hbm>> -> memref<6400xi32, #tpu.memory_space<hbm>>
      %dma_wait3A_626 = tpu.memref_slice %arg2[%add3A_164] : memref<3276800xi32, #tpu.memory_space<hbm>> -> memref<6400xi32, #tpu.memory_space<hbm>>
      tpu.wait_dma2 semaphore(%run_scoped3A : memref<!tpu.dma_semaphore, #tpu.memory_space<semaphore_mem>>) src(%dma_wait3A_626 : memref<6400xi32, #tpu.memory_space<hbm>>) dst(%arg6 : memref<6400xi32, #tpu.memory_space<vmem>>)
      tpu.yield
    }) : () -> ()
    %scan3A_165 = arith.constant 0 : i32
    %scan3A_166 = arith.constant 0 : i32
    %scan3A_167 = arith.constant 16 : i32
    %scan3A_168 = arith.addi %scan3A_166, %scan3A_167 : i32
    %scan3A_169 = arith.constant 1 : i32
    scf.for %scan3A_625 = %scan3A_166 to %scan3A_168 step %scan3A_169  : i32 {
      %scan3A_626 = arith.constant 0 : i32
      %scan3A_627 = arith.constant 25 : i32
      %scan3A_628 = arith.addi %scan3A_626, %scan3A_627 : i32
      %scan3A_629 = arith.constant 1 : i32
      scf.for %scan3A_631 = %scan3A_626 to %scan3A_628 step %scan3A_629  : i32 {
        %mul3A_632 = arith.constant 25 : i32
        %mul3A_633 = arith.muli %scan3A_625, %mul3A_632 : i32
        %add3A_634 = arith.addi %mul3A_633, %scan3A_631 : i32
        %mul3A_635 = arith.constant 16 : i32
        %mul3A_636 = arith.muli %add3A_634, %mul3A_635 : i32
        %get3A_637 = arith.index_cast %mul3A_636 : i32 to index
        %get3A_638 = tpu.vector_load %arg6[%get3A_637] {strides = array<i32>} : memref<6400xi32, #tpu.memory_space<vmem>>, vector<16xi32>,
        %get3A_639 = vector.shape_cast %get3A_638 : vector<16xi32> to vector<16xi32>
        %mul3A_640 = arith.constant 112 : i32
        %mul3A_641 = arith.muli %scan3A_631, %mul3A_640 : i32
        %broadcast_in_dim3A = vector.shape_cast %get3A_76 : vector<16xi32> to vector<16x1xi32>
        %gather3A = vector.shape_cast %broadcast_in_dim3A : vector<16x1xi32> to vector<16xi32>
        %gather3A_642 = tpu.dynamic_gather %get3A_639[%gather3A] in [0] : vector<16xi32>, vector<16xi32> -> vector<16xi32>
        %ne3A_643 = arith.constant 0 : i32
        %ne3A_644 = vector.broadcast %ne3A_643 : i32 to vector<16xi32>
        %ne3A_645 = arith.cmpi ne, %gather3A_642, %ne3A_644 : vector<16xi32>
        %select_n3A_646 = arith.select %ne3A_645, %get3A_41, %get3A_6 : vector<16xi1>, vector<16xf32>
        %add3A_647 = arith.constant 0 : i32
        %add3A_648 = arith.addi %mul3A_641, %add3A_647 : i32
        %swap3A = arith.index_cast %scan3A_625 : i32 to index
        %swap3A_649 = arith.index_cast %add3A_648 : i32 to index
        %swap3A_650 = tpu.vector_load %arg7[%swap3A, %swap3A_649] {strides = array<i32>} : memref<16x2800xf32, #tpu.memory_space<vmem>>, vector<1x16xf32>,
        %swap3A_651 = vector.shape_cast %swap3A_650 : vector<1x16xf32> to vector<16xf32>
        %swap3A_652 = vector.shape_cast %select_n3A_646 : vector<16xf32> to vector<1x16xf32>
        tpu.vector_store %arg7[%swap3A, %swap3A_649], %swap3A_652 {strides = array<i32>} : memref<16x2800xf32, #tpu.memory_space<vmem>>, vector<1x16xf32>,
        %broadcast_in_dim3A_653 = vector.shape_cast %get3A_81 : vector<16xi32> to vector<16x1xi32>
        %gather3A_654 = vector.shape_cast %broadcast_in_dim3A_653 : vector<16x1xi32> to vector<16xi32>
        %gather3A_655 = tpu.dynamic_gather %get3A_639[%gather3A_654] in [0] : vector<16xi32>, vector<16xi32> -> vector<16xi32>
        %ne3A_656 = arith.constant 0 : i32
        %ne3A_657 = vector.broadcast %ne3A_656 : i32 to vector<16xi32>
        %ne3A_658 = arith.cmpi ne, %gather3A_655, %ne3A_657 : vector<16xi32>
        %select_n3A_659 = arith.select %ne3A_658, %get3A_46, %get3A_11 : vector<16xi1>, vector<16xf32>
        %add3A_660 = arith.constant 16 : i32
        %add3A_661 = arith.addi %mul3A_641, %add3A_660 : i32
        %swap3A_662 = arith.index_cast %scan3A_625 : i32 to index
        %swap3A_663 = arith.index_cast %add3A_661 : i32 to index
        %swap3A_664 = tpu.vector_load %arg7[%swap3A_662, %swap3A_663] {strides = array<i32>} : memref<16x2800xf32, #tpu.memory_space<vmem>>, vector<1x16xf32>,
        %swap3A_665 = vector.shape_cast %swap3A_664 : vector<1x16xf32> to vector<16xf32>
        %swap3A_666 = vector.shape_cast %select_n3A_659 : vector<16xf32> to vector<1x16xf32>
        tpu.vector_store %arg7[%swap3A_662, %swap3A_663], %swap3A_666 {strides = array<i32>} : memref<16x2800xf32, #tpu.memory_space<vmem>>, vector<1x16xf32>,
        %broadcast_in_dim3A_667 = vector.shape_cast %get3A_86 : vector<16xi32> to vector<16x1xi32>
        %gather3A_668 = vector.shape_cast %broadcast_in_dim3A_667 : vector<16x1xi32> to vector<16xi32>
        %gather3A_669 = tpu.dynamic_gather %get3A_639[%gather3A_668] in [0] : vector<16xi32>, vector<16xi32> -> vector<16xi32>
        %ne3A_670 = arith.constant 0 : i32
        %ne3A_671 = vector.broadcast %ne3A_670 : i32 to vector<16xi32>
        %ne3A_672 = arith.cmpi ne, %gather3A_669, %ne3A_671 : vector<16xi32>
        %select_n3A_673 = arith.select %ne3A_672, %get3A_51, %get3A_16 : vector<16xi1>, vector<16xf32>
        %add3A_674 = arith.constant 32 : i32
        %add3A_675 = arith.addi %mul3A_641, %add3A_674 : i32
        %swap3A_676 = arith.index_cast %scan3A_625 : i32 to index
        %swap3A_677 = arith.index_cast %add3A_675 : i32 to index
        %swap3A_678 = tpu.vector_load %arg7[%swap3A_676, %swap3A_677] {strides = array<i32>} : memref<16x2800xf32, #tpu.memory_space<vmem>>, vector<1x16xf32>,
        %swap3A_679 = vector.shape_cast %swap3A_678 : vector<1x16xf32> to vector<16xf32>
        %swap3A_680 = vector.shape_cast %select_n3A_673 : vector<16xf32> to vector<1x16xf32>
        tpu.vector_store %arg7[%swap3A_676, %swap3A_677], %swap3A_680 {strides = array<i32>} : memref<16x2800xf32, #tpu.memory_space<vmem>>, vector<1x16xf32>,
        %broadcast_in_dim3A_681 = vector.shape_cast %get3A_91 : vector<16xi32> to vector<16x1xi32>
        %gather3A_682 = vector.shape_cast %broadcast_in_dim3A_681 : vector<16x1xi32> to vector<16xi32>
        %gather3A_683 = tpu.dynamic_gather %get3A_639[%gather3A_682] in [0] : vector<16xi32>, vector<16xi32> -> vector<16xi32>
        %ne3A_684 = arith.constant 0 : i32
        %ne3A_685 = vector.broadcast %ne3A_684 : i32 to vector<16xi32>
        %ne3A_686 = arith.cmpi ne, %gather3A_683, %ne3A_685 : vector<16xi32>
        %select_n3A_687 = arith.select %ne3A_686, %get3A_56, %get3A_21 : vector<16xi1>, vector<16xf32>
        %add3A_688 = arith.constant 48 : i32
        %add3A_689 = arith.addi %mul3A_641, %add3A_688 : i32
        %swap3A_690 = arith.index_cast %scan3A_625 : i32 to index
        %swap3A_691 = arith.index_cast %add3A_689 : i32 to index
        %swap3A_692 = tpu.vector_load %arg7[%swap3A_690, %swap3A_691] {strides = array<i32>} : memref<16x2800xf32, #tpu.memory_space<vmem>>, vector<1x16xf32>,
        %swap3A_693 = vector.shape_cast %swap3A_692 : vector<1x16xf32> to vector<16xf32>
        %swap3A_694 = vector.shape_cast %select_n3A_687 : vector<16xf32> to vector<1x16xf32>
        tpu.vector_store %arg7[%swap3A_690, %swap3A_691], %swap3A_694 {strides = array<i32>} : memref<16x2800xf32, #tpu.memory_space<vmem>>, vector<1x16xf32>,
        %broadcast_in_dim3A_695 = vector.shape_cast %get3A_96 : vector<16xi32> to vector<16x1xi32>
        %gather3A_696 = vector.shape_cast %broadcast_in_dim3A_695 : vector<16x1xi32> to vector<16xi32>
        %gather3A_697 = tpu.dynamic_gather %get3A_639[%gather3A_696] in [0] : vector<16xi32>, vector<16xi32> -> vector<16xi32>
        %ne3A_698 = arith.constant 0 : i32
        %ne3A_699 = vector.broadcast %ne3A_698 : i32 to vector<16xi32>
        %ne3A_700 = arith.cmpi ne, %gather3A_697, %ne3A_699 : vector<16xi32>
        %select_n3A_701 = arith.select %ne3A_700, %get3A_61, %get3A_26 : vector<16xi1>, vector<16xf32>
        %add3A_702 = arith.constant 64 : i32
        %add3A_703 = arith.addi %mul3A_641, %add3A_702 : i32
        %swap3A_704 = arith.index_cast %scan3A_625 : i32 to index
        %swap3A_705 = arith.index_cast %add3A_703 : i32 to index
        %swap3A_706 = tpu.vector_load %arg7[%swap3A_704, %swap3A_705] {strides = array<i32>} : memref<16x2800xf32, #tpu.memory_space<vmem>>, vector<1x16xf32>,
        %swap3A_707 = vector.shape_cast %swap3A_706 : vector<1x16xf32> to vector<16xf32>
        %swap3A_708 = vector.shape_cast %select_n3A_701 : vector<16xf32> to vector<1x16xf32>
        tpu.vector_store %arg7[%swap3A_704, %swap3A_705], %swap3A_708 {strides = array<i32>} : memref<16x2800xf32, #tpu.memory_space<vmem>>, vector<1x16xf32>,
        %broadcast_in_dim3A_709 = vector.shape_cast %get3A_101 : vector<16xi32> to vector<16x1xi32>
        %gather3A_710 = vector.shape_cast %broadcast_in_dim3A_709 : vector<16x1xi32> to vector<16xi32>
        %gather3A_711 = tpu.dynamic_gather %get3A_639[%gather3A_710] in [0] : vector<16xi32>, vector<16xi32> -> vector<16xi32>
        %ne3A_712 = arith.constant 0 : i32
        %ne3A_713 = vector.broadcast %ne3A_712 : i32 to vector<16xi32>
        %ne3A_714 = arith.cmpi ne, %gather3A_711, %ne3A_713 : vector<16xi32>
        %select_n3A_715 = arith.select %ne3A_714, %get3A_66, %get3A_31 : vector<16xi1>, vector<16xf32>
        %add3A_716 = arith.constant 80 : i32
        %add3A_717 = arith.addi %mul3A_641, %add3A_716 : i32
        %swap3A_718 = arith.index_cast %scan3A_625 : i32 to index
        %swap3A_719 = arith.index_cast %add3A_717 : i32 to index
        %swap3A_720 = tpu.vector_load %arg7[%swap3A_718, %swap3A_719] {strides = array<i32>} : memref<16x2800xf32, #tpu.memory_space<vmem>>, vector<1x16xf32>,
        %swap3A_721 = vector.shape_cast %swap3A_720 : vector<1x16xf32> to vector<16xf32>
        %swap3A_722 = vector.shape_cast %select_n3A_715 : vector<16xf32> to vector<1x16xf32>
        tpu.vector_store %arg7[%swap3A_718, %swap3A_719], %swap3A_722 {strides = array<i32>} : memref<16x2800xf32, #tpu.memory_space<vmem>>, vector<1x16xf32>,
        %broadcast_in_dim3A_723 = vector.shape_cast %get3A_106 : vector<16xi32> to vector<16x1xi32>
        %gather3A_724 = vector.shape_cast %broadcast_in_dim3A_723 : vector<16x1xi32> to vector<16xi32>
        %gather3A_725 = tpu.dynamic_gather %get3A_639[%gather3A_724] in [0] : vector<16xi32>, vector<16xi32> -> vector<16xi32>
        %ne3A_726 = arith.constant 0 : i32
        %ne3A_727 = vector.broadcast %ne3A_726 : i32 to vector<16xi32>
        %ne3A_728 = arith.cmpi ne, %gather3A_725, %ne3A_727 : vector<16xi32>
        %select_n3A_729 = arith.select %ne3A_728, %get3A_71, %get3A_36 : vector<16xi1>, vector<16xf32>
        %add3A_730 = arith.constant 96 : i32
        %add3A_731 = arith.addi %mul3A_641, %add3A_730 : i32
        %swap3A_732 = arith.index_cast %scan3A_625 : i32 to index
        %swap3A_733 = arith.index_cast %add3A_731 : i32 to index
        %swap3A_734 = tpu.vector_load %arg7[%swap3A_732, %swap3A_733] {strides = array<i32>} : memref<16x2800xf32, #tpu.memory_space<vmem>>, vector<1x16xf32>,
        %swap3A_735 = vector.shape_cast %swap3A_734 : vector<1x16xf32> to vector<16xf32>
        %swap3A_736 = vector.shape_cast %select_n3A_729 : vector<16xf32> to vector<1x16xf32>
        tpu.vector_store %arg7[%swap3A_732, %swap3A_733], %swap3A_736 {strides = array<i32>} : memref<16x2800xf32, #tpu.memory_space<vmem>>, vector<1x16xf32>,
      }
      %scan3A_630 = arith.constant 25 : i32
    }
    %scan3A_170 = arith.constant 16 : i32
    %jit3A_171 = arith.constant 400 : i32
    %div3A_172 = arith.divsi %add3A_164, %jit3A_171 : i32
    %sign3A_173 = arith.constant 0 : i32
    %sign3A_174 = arith.cmpi sgt, %add3A_164, %sign3A_173 : i32
    %sign3A_175 = arith.extui %sign3A_174 : i1 to i32
    %sign3A_176 = arith.constant 0 : i32
    %sign3A_177 = arith.cmpi slt, %add3A_164, %sign3A_176 : i32
    %sign3A_178 = arith.extui %sign3A_177 : i1 to i32
    %sign3A_179 = arith.subi %sign3A_175, %sign3A_178 : i32
    %sign3A_180 = arith.constant 0 : i32
    %sign3A_181 = arith.cmpi sgt, %jit3A_171, %sign3A_180 : i32
    %sign3A_182 = arith.extui %sign3A_181 : i1 to i32
    %sign3A_183 = arith.constant 0 : i32
    %sign3A_184 = arith.cmpi slt, %jit3A_171, %sign3A_183 : i32
    %sign3A_185 = arith.extui %sign3A_184 : i1 to i32
    %sign3A_186 = arith.subi %sign3A_182, %sign3A_185 : i32
    %ne3A_187 = arith.cmpi ne, %sign3A_179, %sign3A_186 : i32
    %rem3A_188 = arith.remsi %add3A_164, %jit3A_171 : i32
    %ne3A_189 = arith.constant 0 : i32
    %ne3A_190 = arith.cmpi ne, %rem3A_188, %ne3A_189 : i32
    %and3A_191 = arith.andi %ne3A_187, %ne3A_190 : i1
    %sub3A_192 = arith.constant 1 : i32
    %sub3A_193 = arith.subi %div3A_172, %sub3A_192 : i32
    %select_n3A_194 = arith.select %and3A_191, %sub3A_193, %div3A_172 : i32
    %multiple_of3A_195 = tpu.assume_multiple %select_n3A_194, 8 : i32
    "tpu.region"() ({
      %run_scoped3A = tpu.sem_alloc : memref<!tpu.dma_semaphore, #tpu.memory_space<semaphore_mem>>
      %dma_start3A = arith.constant 0 : i32
      %dma_start3A_625 = tpu.memref_slice %arg5[%multiple_of3A_195, %dma_start3A] : memref<8192x2800xf32, #tpu.memory_space<hbm>> -> memref<16x2800xf32, #tpu.memory_space<hbm>>
      %dma_start3A_626 = arith.constant 0 : i32
      %dma_start3A_627 = tpu.memref_slice %arg5[%multiple_of3A_195, %dma_start3A_626] : memref<8192x2800xf32, #tpu.memory_space<hbm>> -> memref<16x2800xf32, #tpu.memory_space<hbm>>
      tpu.enqueue_dma source(%arg7 : memref<16x2800xf32, #tpu.memory_space<vmem>>) target(%dma_start3A_627 : memref<16x2800xf32, #tpu.memory_space<hbm>>) target_semaphore(%run_scoped3A : memref<!tpu.dma_semaphore, #tpu.memory_space<semaphore_mem>>)
      %dma_wait3A = arith.constant 0 : i32
      %dma_wait3A_628 = tpu.memref_slice %arg5[%multiple_of3A_195, %dma_wait3A] : memref<8192x2800xf32, #tpu.memory_space<hbm>> -> memref<16x2800xf32, #tpu.memory_space<hbm>>
      %dma_wait3A_629 = arith.constant 0 : i32
      %dma_wait3A_630 = tpu.memref_slice %arg5[%multiple_of3A_195, %dma_wait3A_629] : memref<8192x2800xf32, #tpu.memory_space<hbm>> -> memref<16x2800xf32, #tpu.memory_space<hbm>>
      tpu.wait_dma2 semaphore(%run_scoped3A : memref<!tpu.dma_semaphore, #tpu.memory_space<semaphore_mem>>) src(%arg7 : memref<16x2800xf32, #tpu.memory_space<vmem>>) dst(%dma_wait3A_630 : memref<16x2800xf32, #tpu.memory_space<hbm>>)
      tpu.yield
    }) : () -> ()
    %add3A_196 = arith.constant 19200 : i32
    %add3A_197 = arith.addi %mul3A_2, %add3A_196 : i32
    "tpu.region"() ({
      %run_scoped3A = tpu.sem_alloc : memref<!tpu.dma_semaphore, #tpu.memory_space<semaphore_mem>>
      %dma_start3A = tpu.memref_slice %arg2[%add3A_197] : memref<3276800xi32, #tpu.memory_space<hbm>> -> memref<6400xi32, #tpu.memory_space<hbm>>
      %dma_start3A_625 = tpu.memref_slice %arg2[%add3A_197] : memref<3276800xi32, #tpu.memory_space<hbm>> -> memref<6400xi32, #tpu.memory_space<hbm>>
      tpu.enqueue_dma source(%dma_start3A_625 : memref<6400xi32, #tpu.memory_space<hbm>>) target(%arg6 : memref<6400xi32, #tpu.memory_space<vmem>>) target_semaphore(%run_scoped3A : memref<!tpu.dma_semaphore, #tpu.memory_space<semaphore_mem>>)
      %dma_wait3A = tpu.memref_slice %arg2[%add3A_197] : memref<3276800xi32, #tpu.memory_space<hbm>> -> memref<6400xi32, #tpu.memory_space<hbm>>
      %dma_wait3A_626 = tpu.memref_slice %arg2[%add3A_197] : memref<3276800xi32, #tpu.memory_space<hbm>> -> memref<6400xi32, #tpu.memory_space<hbm>>
      tpu.wait_dma2 semaphore(%run_scoped3A : memref<!tpu.dma_semaphore, #tpu.memory_space<semaphore_mem>>) src(%dma_wait3A_626 : memref<6400xi32, #tpu.memory_space<hbm>>) dst(%arg6 : memref<6400xi32, #tpu.memory_space<vmem>>)
      tpu.yield
    }) : () -> ()
    %scan3A_198 = arith.constant 0 : i32
    %scan3A_199 = arith.constant 0 : i32
    %scan3A_200 = arith.constant 16 : i32
    %scan3A_201 = arith.addi %scan3A_199, %scan3A_200 : i32
    %scan3A_202 = arith.constant 1 : i32
    scf.for %scan3A_625 = %scan3A_199 to %scan3A_201 step %scan3A_202  : i32 {
      %scan3A_626 = arith.constant 0 : i32
      %scan3A_627 = arith.constant 25 : i32
      %scan3A_628 = arith.addi %scan3A_626, %scan3A_627 : i32
      %scan3A_629 = arith.constant 1 : i32
      scf.for %scan3A_631 = %scan3A_626 to %scan3A_628 step %scan3A_629  : i32 {
        %mul3A_632 = arith.constant 25 : i32
        %mul3A_633 = arith.muli %scan3A_625, %mul3A_632 : i32
        %add3A_634 = arith.addi %mul3A_633, %scan3A_631 : i32
        %mul3A_635 = arith.constant 16 : i32
        %mul3A_636 = arith.muli %add3A_634, %mul3A_635 : i32
        %get3A_637 = arith.index_cast %mul3A_636 : i32 to index
        %get3A_638 = tpu.vector_load %arg6[%get3A_637] {strides = array<i32>} : memref<6400xi32, #tpu.memory_space<vmem>>, vector<16xi32>,
        %get3A_639 = vector.shape_cast %get3A_638 : vector<16xi32> to vector<16xi32>
        %mul3A_640 = arith.constant 112 : i32
        %mul3A_641 = arith.muli %scan3A_631, %mul3A_640 : i32
        %broadcast_in_dim3A = vector.shape_cast %get3A_76 : vector<16xi32> to vector<16x1xi32>
        %gather3A = vector.shape_cast %broadcast_in_dim3A : vector<16x1xi32> to vector<16xi32>
        %gather3A_642 = tpu.dynamic_gather %get3A_639[%gather3A] in [0] : vector<16xi32>, vector<16xi32> -> vector<16xi32>
        %ne3A_643 = arith.constant 0 : i32
        %ne3A_644 = vector.broadcast %ne3A_643 : i32 to vector<16xi32>
        %ne3A_645 = arith.cmpi ne, %gather3A_642, %ne3A_644 : vector<16xi32>
        %select_n3A_646 = arith.select %ne3A_645, %get3A_41, %get3A_6 : vector<16xi1>, vector<16xf32>
        %add3A_647 = arith.constant 0 : i32
        %add3A_648 = arith.addi %mul3A_641, %add3A_647 : i32
        %swap3A = arith.index_cast %scan3A_625 : i32 to index
        %swap3A_649 = arith.index_cast %add3A_648 : i32 to index
        %swap3A_650 = tpu.vector_load %arg7[%swap3A, %swap3A_649] {strides = array<i32>} : memref<16x2800xf32, #tpu.memory_space<vmem>>, vector<1x16xf32>,
        %swap3A_651 = vector.shape_cast %swap3A_650 : vector<1x16xf32> to vector<16xf32>
        %swap3A_652 = vector.shape_cast %select_n3A_646 : vector<16xf32> to vector<1x16xf32>
        tpu.vector_store %arg7[%swap3A, %swap3A_649], %swap3A_652 {strides = array<i32>} : memref<16x2800xf32, #tpu.memory_space<vmem>>, vector<1x16xf32>,
        %broadcast_in_dim3A_653 = vector.shape_cast %get3A_81 : vector<16xi32> to vector<16x1xi32>
        %gather3A_654 = vector.shape_cast %broadcast_in_dim3A_653 : vector<16x1xi32> to vector<16xi32>
        %gather3A_655 = tpu.dynamic_gather %get3A_639[%gather3A_654] in [0] : vector<16xi32>, vector<16xi32> -> vector<16xi32>
        %ne3A_656 = arith.constant 0 : i32
        %ne3A_657 = vector.broadcast %ne3A_656 : i32 to vector<16xi32>
        %ne3A_658 = arith.cmpi ne, %gather3A_655, %ne3A_657 : vector<16xi32>
        %select_n3A_659 = arith.select %ne3A_658, %get3A_46, %get3A_11 : vector<16xi1>, vector<16xf32>
        %add3A_660 = arith.constant 16 : i32
        %add3A_661 = arith.addi %mul3A_641, %add3A_660 : i32
        %swap3A_662 = arith.index_cast %scan3A_625 : i32 to index
        %swap3A_663 = arith.index_cast %add3A_661 : i32 to index
        %swap3A_664 = tpu.vector_load %arg7[%swap3A_662, %swap3A_663] {strides = array<i32>} : memref<16x2800xf32, #tpu.memory_space<vmem>>, vector<1x16xf32>,
        %swap3A_665 = vector.shape_cast %swap3A_664 : vector<1x16xf32> to vector<16xf32>
        %swap3A_666 = vector.shape_cast %select_n3A_659 : vector<16xf32> to vector<1x16xf32>
        tpu.vector_store %arg7[%swap3A_662, %swap3A_663], %swap3A_666 {strides = array<i32>} : memref<16x2800xf32, #tpu.memory_space<vmem>>, vector<1x16xf32>,
        %broadcast_in_dim3A_667 = vector.shape_cast %get3A_86 : vector<16xi32> to vector<16x1xi32>
        %gather3A_668 = vector.shape_cast %broadcast_in_dim3A_667 : vector<16x1xi32> to vector<16xi32>
        %gather3A_669 = tpu.dynamic_gather %get3A_639[%gather3A_668] in [0] : vector<16xi32>, vector<16xi32> -> vector<16xi32>
        %ne3A_670 = arith.constant 0 : i32
        %ne3A_671 = vector.broadcast %ne3A_670 : i32 to vector<16xi32>
        %ne3A_672 = arith.cmpi ne, %gather3A_669, %ne3A_671 : vector<16xi32>
        %select_n3A_673 = arith.select %ne3A_672, %get3A_51, %get3A_16 : vector<16xi1>, vector<16xf32>
        %add3A_674 = arith.constant 32 : i32
        %add3A_675 = arith.addi %mul3A_641, %add3A_674 : i32
        %swap3A_676 = arith.index_cast %scan3A_625 : i32 to index
        %swap3A_677 = arith.index_cast %add3A_675 : i32 to index
        %swap3A_678 = tpu.vector_load %arg7[%swap3A_676, %swap3A_677] {strides = array<i32>} : memref<16x2800xf32, #tpu.memory_space<vmem>>, vector<1x16xf32>,
        %swap3A_679 = vector.shape_cast %swap3A_678 : vector<1x16xf32> to vector<16xf32>
        %swap3A_680 = vector.shape_cast %select_n3A_673 : vector<16xf32> to vector<1x16xf32>
        tpu.vector_store %arg7[%swap3A_676, %swap3A_677], %swap3A_680 {strides = array<i32>} : memref<16x2800xf32, #tpu.memory_space<vmem>>, vector<1x16xf32>,
        %broadcast_in_dim3A_681 = vector.shape_cast %get3A_91 : vector<16xi32> to vector<16x1xi32>
        %gather3A_682 = vector.shape_cast %broadcast_in_dim3A_681 : vector<16x1xi32> to vector<16xi32>
        %gather3A_683 = tpu.dynamic_gather %get3A_639[%gather3A_682] in [0] : vector<16xi32>, vector<16xi32> -> vector<16xi32>
        %ne3A_684 = arith.constant 0 : i32
        %ne3A_685 = vector.broadcast %ne3A_684 : i32 to vector<16xi32>
        %ne3A_686 = arith.cmpi ne, %gather3A_683, %ne3A_685 : vector<16xi32>
        %select_n3A_687 = arith.select %ne3A_686, %get3A_56, %get3A_21 : vector<16xi1>, vector<16xf32>
        %add3A_688 = arith.constant 48 : i32
        %add3A_689 = arith.addi %mul3A_641, %add3A_688 : i32
        %swap3A_690 = arith.index_cast %scan3A_625 : i32 to index
        %swap3A_691 = arith.index_cast %add3A_689 : i32 to index
        %swap3A_692 = tpu.vector_load %arg7[%swap3A_690, %swap3A_691] {strides = array<i32>} : memref<16x2800xf32, #tpu.memory_space<vmem>>, vector<1x16xf32>,
        %swap3A_693 = vector.shape_cast %swap3A_692 : vector<1x16xf32> to vector<16xf32>
        %swap3A_694 = vector.shape_cast %select_n3A_687 : vector<16xf32> to vector<1x16xf32>
        tpu.vector_store %arg7[%swap3A_690, %swap3A_691], %swap3A_694 {strides = array<i32>} : memref<16x2800xf32, #tpu.memory_space<vmem>>, vector<1x16xf32>,
        %broadcast_in_dim3A_695 = vector.shape_cast %get3A_96 : vector<16xi32> to vector<16x1xi32>
        %gather3A_696 = vector.shape_cast %broadcast_in_dim3A_695 : vector<16x1xi32> to vector<16xi32>
        %gather3A_697 = tpu.dynamic_gather %get3A_639[%gather3A_696] in [0] : vector<16xi32>, vector<16xi32> -> vector<16xi32>
        %ne3A_698 = arith.constant 0 : i32
        %ne3A_699 = vector.broadcast %ne3A_698 : i32 to vector<16xi32>
        %ne3A_700 = arith.cmpi ne, %gather3A_697, %ne3A_699 : vector<16xi32>
        %select_n3A_701 = arith.select %ne3A_700, %get3A_61, %get3A_26 : vector<16xi1>, vector<16xf32>
        %add3A_702 = arith.constant 64 : i32
        %add3A_703 = arith.addi %mul3A_641, %add3A_702 : i32
        %swap3A_704 = arith.index_cast %scan3A_625 : i32 to index
        %swap3A_705 = arith.index_cast %add3A_703 : i32 to index
        %swap3A_706 = tpu.vector_load %arg7[%swap3A_704, %swap3A_705] {strides = array<i32>} : memref<16x2800xf32, #tpu.memory_space<vmem>>, vector<1x16xf32>,
        %swap3A_707 = vector.shape_cast %swap3A_706 : vector<1x16xf32> to vector<16xf32>
        %swap3A_708 = vector.shape_cast %select_n3A_701 : vector<16xf32> to vector<1x16xf32>
        tpu.vector_store %arg7[%swap3A_704, %swap3A_705], %swap3A_708 {strides = array<i32>} : memref<16x2800xf32, #tpu.memory_space<vmem>>, vector<1x16xf32>,
        %broadcast_in_dim3A_709 = vector.shape_cast %get3A_101 : vector<16xi32> to vector<16x1xi32>
        %gather3A_710 = vector.shape_cast %broadcast_in_dim3A_709 : vector<16x1xi32> to vector<16xi32>
        %gather3A_711 = tpu.dynamic_gather %get3A_639[%gather3A_710] in [0] : vector<16xi32>, vector<16xi32> -> vector<16xi32>
        %ne3A_712 = arith.constant 0 : i32
        %ne3A_713 = vector.broadcast %ne3A_712 : i32 to vector<16xi32>
        %ne3A_714 = arith.cmpi ne, %gather3A_711, %ne3A_713 : vector<16xi32>
        %select_n3A_715 = arith.select %ne3A_714, %get3A_66, %get3A_31 : vector<16xi1>, vector<16xf32>
        %add3A_716 = arith.constant 80 : i32
        %add3A_717 = arith.addi %mul3A_641, %add3A_716 : i32
        %swap3A_718 = arith.index_cast %scan3A_625 : i32 to index
        %swap3A_719 = arith.index_cast %add3A_717 : i32 to index
        %swap3A_720 = tpu.vector_load %arg7[%swap3A_718, %swap3A_719] {strides = array<i32>} : memref<16x2800xf32, #tpu.memory_space<vmem>>, vector<1x16xf32>,
        %swap3A_721 = vector.shape_cast %swap3A_720 : vector<1x16xf32> to vector<16xf32>
        %swap3A_722 = vector.shape_cast %select_n3A_715 : vector<16xf32> to vector<1x16xf32>
        tpu.vector_store %arg7[%swap3A_718, %swap3A_719], %swap3A_722 {strides = array<i32>} : memref<16x2800xf32, #tpu.memory_space<vmem>>, vector<1x16xf32>,
        %broadcast_in_dim3A_723 = vector.shape_cast %get3A_106 : vector<16xi32> to vector<16x1xi32>
        %gather3A_724 = vector.shape_cast %broadcast_in_dim3A_723 : vector<16x1xi32> to vector<16xi32>
        %gather3A_725 = tpu.dynamic_gather %get3A_639[%gather3A_724] in [0] : vector<16xi32>, vector<16xi32> -> vector<16xi32>
        %ne3A_726 = arith.constant 0 : i32
        %ne3A_727 = vector.broadcast %ne3A_726 : i32 to vector<16xi32>
        %ne3A_728 = arith.cmpi ne, %gather3A_725, %ne3A_727 : vector<16xi32>
        %select_n3A_729 = arith.select %ne3A_728, %get3A_71, %get3A_36 : vector<16xi1>, vector<16xf32>
        %add3A_730 = arith.constant 96 : i32
        %add3A_731 = arith.addi %mul3A_641, %add3A_730 : i32
        %swap3A_732 = arith.index_cast %scan3A_625 : i32 to index
        %swap3A_733 = arith.index_cast %add3A_731 : i32 to index
        %swap3A_734 = tpu.vector_load %arg7[%swap3A_732, %swap3A_733] {strides = array<i32>} : memref<16x2800xf32, #tpu.memory_space<vmem>>, vector<1x16xf32>,
        %swap3A_735 = vector.shape_cast %swap3A_734 : vector<1x16xf32> to vector<16xf32>
        %swap3A_736 = vector.shape_cast %select_n3A_729 : vector<16xf32> to vector<1x16xf32>
        tpu.vector_store %arg7[%swap3A_732, %swap3A_733], %swap3A_736 {strides = array<i32>} : memref<16x2800xf32, #tpu.memory_space<vmem>>, vector<1x16xf32>,
      }
      %scan3A_630 = arith.constant 25 : i32
    }
    %scan3A_203 = arith.constant 16 : i32
    %jit3A_204 = arith.constant 400 : i32
    %div3A_205 = arith.divsi %add3A_197, %jit3A_204 : i32
    %sign3A_206 = arith.constant 0 : i32
    %sign3A_207 = arith.cmpi sgt, %add3A_197, %sign3A_206 : i32
    %sign3A_208 = arith.extui %sign3A_207 : i1 to i32
    %sign3A_209 = arith.constant 0 : i32
    %sign3A_210 = arith.cmpi slt, %add3A_197, %sign3A_209 : i32
    %sign3A_211 = arith.extui %sign3A_210 : i1 to i32
    %sign3A_212 = arith.subi %sign3A_208, %sign3A_211 : i32
    %sign3A_213 = arith.constant 0 : i32
    %sign3A_214 = arith.cmpi sgt, %jit3A_204, %sign3A_213 : i32
    %sign3A_215 = arith.extui %sign3A_214 : i1 to i32
    %sign3A_216 = arith.constant 0 : i32
    %sign3A_217 = arith.cmpi slt, %jit3A_204, %sign3A_216 : i32
    %sign3A_218 = arith.extui %sign3A_217 : i1 to i32
    %sign3A_219 = arith.subi %sign3A_215, %sign3A_218 : i32
    %ne3A_220 = arith.cmpi ne, %sign3A_212, %sign3A_219 : i32
    %rem3A_221 = arith.remsi %add3A_197, %jit3A_204 : i32
    %ne3A_222 = arith.constant 0 : i32
    %ne3A_223 = arith.cmpi ne, %rem3A_221, %ne3A_222 : i32
    %and3A_224 = arith.andi %ne3A_220, %ne3A_223 : i1
    %sub3A_225 = arith.constant 1 : i32
    %sub3A_226 = arith.subi %div3A_205, %sub3A_225 : i32
    %select_n3A_227 = arith.select %and3A_224, %sub3A_226, %div3A_205 : i32
    %multiple_of3A_228 = tpu.assume_multiple %select_n3A_227, 8 : i32
    "tpu.region"() ({
      %run_scoped3A = tpu.sem_alloc : memref<!tpu.dma_semaphore, #tpu.memory_space<semaphore_mem>>
      %dma_start3A = arith.constant 0 : i32
      %dma_start3A_625 = tpu.memref_slice %arg5[%multiple_of3A_228, %dma_start3A] : memref<8192x2800xf32, #tpu.memory_space<hbm>> -> memref<16x2800xf32, #tpu.memory_space<hbm>>
      %dma_start3A_626 = arith.constant 0 : i32
      %dma_start3A_627 = tpu.memref_slice %arg5[%multiple_of3A_228, %dma_start3A_626] : memref<8192x2800xf32, #tpu.memory_space<hbm>> -> memref<16x2800xf32, #tpu.memory_space<hbm>>
      tpu.enqueue_dma source(%arg7 : memref<16x2800xf32, #tpu.memory_space<vmem>>) target(%dma_start3A_627 : memref<16x2800xf32, #tpu.memory_space<hbm>>) target_semaphore(%run_scoped3A : memref<!tpu.dma_semaphore, #tpu.memory_space<semaphore_mem>>)
      %dma_wait3A = arith.constant 0 : i32
      %dma_wait3A_628 = tpu.memref_slice %arg5[%multiple_of3A_228, %dma_wait3A] : memref<8192x2800xf32, #tpu.memory_space<hbm>> -> memref<16x2800xf32, #tpu.memory_space<hbm>>
      %dma_wait3A_629 = arith.constant 0 : i32
      %dma_wait3A_630 = tpu.memref_slice %arg5[%multiple_of3A_228, %dma_wait3A_629] : memref<8192x2800xf32, #tpu.memory_space<hbm>> -> memref<16x2800xf32, #tpu.memory_space<hbm>>
      tpu.wait_dma2 semaphore(%run_scoped3A : memref<!tpu.dma_semaphore, #tpu.memory_space<semaphore_mem>>) src(%arg7 : memref<16x2800xf32, #tpu.memory_space<vmem>>) dst(%dma_wait3A_630 : memref<16x2800xf32, #tpu.memory_space<hbm>>)
      tpu.yield
    }) : () -> ()
    %add3A_229 = arith.constant 25600 : i32
    %add3A_230 = arith.addi %mul3A_2, %add3A_229 : i32
    "tpu.region"() ({
      %run_scoped3A = tpu.sem_alloc : memref<!tpu.dma_semaphore, #tpu.memory_space<semaphore_mem>>
      %dma_start3A = tpu.memref_slice %arg2[%add3A_230] : memref<3276800xi32, #tpu.memory_space<hbm>> -> memref<6400xi32, #tpu.memory_space<hbm>>
      %dma_start3A_625 = tpu.memref_slice %arg2[%add3A_230] : memref<3276800xi32, #tpu.memory_space<hbm>> -> memref<6400xi32, #tpu.memory_space<hbm>>
      tpu.enqueue_dma source(%dma_start3A_625 : memref<6400xi32, #tpu.memory_space<hbm>>) target(%arg6 : memref<6400xi32, #tpu.memory_space<vmem>>) target_semaphore(%run_scoped3A : memref<!tpu.dma_semaphore, #tpu.memory_space<semaphore_mem>>)
      %dma_wait3A = tpu.memref_slice %arg2[%add3A_230] : memref<3276800xi32, #tpu.memory_space<hbm>> -> memref<6400xi32, #tpu.memory_space<hbm>>
      %dma_wait3A_626 = tpu.memref_slice %arg2[%add3A_230] : memref<3276800xi32, #tpu.memory_space<hbm>> -> memref<6400xi32, #tpu.memory_space<hbm>>
      tpu.wait_dma2 semaphore(%run_scoped3A : memref<!tpu.dma_semaphore, #tpu.memory_space<semaphore_mem>>) src(%dma_wait3A_626 : memref<6400xi32, #tpu.memory_space<hbm>>) dst(%arg6 : memref<6400xi32, #tpu.memory_space<vmem>>)
      tpu.yield
    }) : () -> ()
    %scan3A_231 = arith.constant 0 : i32
    %scan3A_232 = arith.constant 0 : i32
    %scan3A_233 = arith.constant 16 : i32
    %scan3A_234 = arith.addi %scan3A_232, %scan3A_233 : i32
    %scan3A_235 = arith.constant 1 : i32
    scf.for %scan3A_625 = %scan3A_232 to %scan3A_234 step %scan3A_235  : i32 {
      %scan3A_626 = arith.constant 0 : i32
      %scan3A_627 = arith.constant 25 : i32
      %scan3A_628 = arith.addi %scan3A_626, %scan3A_627 : i32
      %scan3A_629 = arith.constant 1 : i32
      scf.for %scan3A_631 = %scan3A_626 to %scan3A_628 step %scan3A_629  : i32 {
        %mul3A_632 = arith.constant 25 : i32
        %mul3A_633 = arith.muli %scan3A_625, %mul3A_632 : i32
        %add3A_634 = arith.addi %mul3A_633, %scan3A_631 : i32
        %mul3A_635 = arith.constant 16 : i32
        %mul3A_636 = arith.muli %add3A_634, %mul3A_635 : i32
        %get3A_637 = arith.index_cast %mul3A_636 : i32 to index
        %get3A_638 = tpu.vector_load %arg6[%get3A_637] {strides = array<i32>} : memref<6400xi32, #tpu.memory_space<vmem>>, vector<16xi32>,
        %get3A_639 = vector.shape_cast %get3A_638 : vector<16xi32> to vector<16xi32>
        %mul3A_640 = arith.constant 112 : i32
        %mul3A_641 = arith.muli %scan3A_631, %mul3A_640 : i32
        %broadcast_in_dim3A = vector.shape_cast %get3A_76 : vector<16xi32> to vector<16x1xi32>
        %gather3A = vector.shape_cast %broadcast_in_dim3A : vector<16x1xi32> to vector<16xi32>
        %gather3A_642 = tpu.dynamic_gather %get3A_639[%gather3A] in [0] : vector<16xi32>, vector<16xi32> -> vector<16xi32>
        %ne3A_643 = arith.constant 0 : i32
        %ne3A_644 = vector.broadcast %ne3A_643 : i32 to vector<16xi32>
        %ne3A_645 = arith.cmpi ne, %gather3A_642, %ne3A_644 : vector<16xi32>
        %select_n3A_646 = arith.select %ne3A_645, %get3A_41, %get3A_6 : vector<16xi1>, vector<16xf32>
        %add3A_647 = arith.constant 0 : i32
        %add3A_648 = arith.addi %mul3A_641, %add3A_647 : i32
        %swap3A = arith.index_cast %scan3A_625 : i32 to index
        %swap3A_649 = arith.index_cast %add3A_648 : i32 to index
        %swap3A_650 = tpu.vector_load %arg7[%swap3A, %swap3A_649] {strides = array<i32>} : memref<16x2800xf32, #tpu.memory_space<vmem>>, vector<1x16xf32>,
        %swap3A_651 = vector.shape_cast %swap3A_650 : vector<1x16xf32> to vector<16xf32>
        %swap3A_652 = vector.shape_cast %select_n3A_646 : vector<16xf32> to vector<1x16xf32>
        tpu.vector_store %arg7[%swap3A, %swap3A_649], %swap3A_652 {strides = array<i32>} : memref<16x2800xf32, #tpu.memory_space<vmem>>, vector<1x16xf32>,
        %broadcast_in_dim3A_653 = vector.shape_cast %get3A_81 : vector<16xi32> to vector<16x1xi32>
        %gather3A_654 = vector.shape_cast %broadcast_in_dim3A_653 : vector<16x1xi32> to vector<16xi32>
        %gather3A_655 = tpu.dynamic_gather %get3A_639[%gather3A_654] in [0] : vector<16xi32>, vector<16xi32> -> vector<16xi32>
        %ne3A_656 = arith.constant 0 : i32
        %ne3A_657 = vector.broadcast %ne3A_656 : i32 to vector<16xi32>
        %ne3A_658 = arith.cmpi ne, %gather3A_655, %ne3A_657 : vector<16xi32>
        %select_n3A_659 = arith.select %ne3A_658, %get3A_46, %get3A_11 : vector<16xi1>, vector<16xf32>
        %add3A_660 = arith.constant 16 : i32
        %add3A_661 = arith.addi %mul3A_641, %add3A_660 : i32
        %swap3A_662 = arith.index_cast %scan3A_625 : i32 to index
        %swap3A_663 = arith.index_cast %add3A_661 : i32 to index
        %swap3A_664 = tpu.vector_load %arg7[%swap3A_662, %swap3A_663] {strides = array<i32>} : memref<16x2800xf32, #tpu.memory_space<vmem>>, vector<1x16xf32>,
        %swap3A_665 = vector.shape_cast %swap3A_664 : vector<1x16xf32> to vector<16xf32>
        %swap3A_666 = vector.shape_cast %select_n3A_659 : vector<16xf32> to vector<1x16xf32>
        tpu.vector_store %arg7[%swap3A_662, %swap3A_663], %swap3A_666 {strides = array<i32>} : memref<16x2800xf32, #tpu.memory_space<vmem>>, vector<1x16xf32>,
        %broadcast_in_dim3A_667 = vector.shape_cast %get3A_86 : vector<16xi32> to vector<16x1xi32>
        %gather3A_668 = vector.shape_cast %broadcast_in_dim3A_667 : vector<16x1xi32> to vector<16xi32>
        %gather3A_669 = tpu.dynamic_gather %get3A_639[%gather3A_668] in [0] : vector<16xi32>, vector<16xi32> -> vector<16xi32>
        %ne3A_670 = arith.constant 0 : i32
        %ne3A_671 = vector.broadcast %ne3A_670 : i32 to vector<16xi32>
        %ne3A_672 = arith.cmpi ne, %gather3A_669, %ne3A_671 : vector<16xi32>
        %select_n3A_673 = arith.select %ne3A_672, %get3A_51, %get3A_16 : vector<16xi1>, vector<16xf32>
        %add3A_674 = arith.constant 32 : i32
        %add3A_675 = arith.addi %mul3A_641, %add3A_674 : i32
        %swap3A_676 = arith.index_cast %scan3A_625 : i32 to index
        %swap3A_677 = arith.index_cast %add3A_675 : i32 to index
        %swap3A_678 = tpu.vector_load %arg7[%swap3A_676, %swap3A_677] {strides = array<i32>} : memref<16x2800xf32, #tpu.memory_space<vmem>>, vector<1x16xf32>,
        %swap3A_679 = vector.shape_cast %swap3A_678 : vector<1x16xf32> to vector<16xf32>
        %swap3A_680 = vector.shape_cast %select_n3A_673 : vector<16xf32> to vector<1x16xf32>
        tpu.vector_store %arg7[%swap3A_676, %swap3A_677], %swap3A_680 {strides = array<i32>} : memref<16x2800xf32, #tpu.memory_space<vmem>>, vector<1x16xf32>,
        %broadcast_in_dim3A_681 = vector.shape_cast %get3A_91 : vector<16xi32> to vector<16x1xi32>
        %gather3A_682 = vector.shape_cast %broadcast_in_dim3A_681 : vector<16x1xi32> to vector<16xi32>
        %gather3A_683 = tpu.dynamic_gather %get3A_639[%gather3A_682] in [0] : vector<16xi32>, vector<16xi32> -> vector<16xi32>
        %ne3A_684 = arith.constant 0 : i32
        %ne3A_685 = vector.broadcast %ne3A_684 : i32 to vector<16xi32>
        %ne3A_686 = arith.cmpi ne, %gather3A_683, %ne3A_685 : vector<16xi32>
        %select_n3A_687 = arith.select %ne3A_686, %get3A_56, %get3A_21 : vector<16xi1>, vector<16xf32>
        %add3A_688 = arith.constant 48 : i32
        %add3A_689 = arith.addi %mul3A_641, %add3A_688 : i32
        %swap3A_690 = arith.index_cast %scan3A_625 : i32 to index
        %swap3A_691 = arith.index_cast %add3A_689 : i32 to index
        %swap3A_692 = tpu.vector_load %arg7[%swap3A_690, %swap3A_691] {strides = array<i32>} : memref<16x2800xf32, #tpu.memory_space<vmem>>, vector<1x16xf32>,
        %swap3A_693 = vector.shape_cast %swap3A_692 : vector<1x16xf32> to vector<16xf32>
        %swap3A_694 = vector.shape_cast %select_n3A_687 : vector<16xf32> to vector<1x16xf32>
        tpu.vector_store %arg7[%swap3A_690, %swap3A_691], %swap3A_694 {strides = array<i32>} : memref<16x2800xf32, #tpu.memory_space<vmem>>, vector<1x16xf32>,
        %broadcast_in_dim3A_695 = vector.shape_cast %get3A_96 : vector<16xi32> to vector<16x1xi32>
        %gather3A_696 = vector.shape_cast %broadcast_in_dim3A_695 : vector<16x1xi32> to vector<16xi32>
        %gather3A_697 = tpu.dynamic_gather %get3A_639[%gather3A_696] in [0] : vector<16xi32>, vector<16xi32> -> vector<16xi32>
        %ne3A_698 = arith.constant 0 : i32
        %ne3A_699 = vector.broadcast %ne3A_698 : i32 to vector<16xi32>
        %ne3A_700 = arith.cmpi ne, %gather3A_697, %ne3A_699 : vector<16xi32>
        %select_n3A_701 = arith.select %ne3A_700, %get3A_61, %get3A_26 : vector<16xi1>, vector<16xf32>
        %add3A_702 = arith.constant 64 : i32
        %add3A_703 = arith.addi %mul3A_641, %add3A_702 : i32
        %swap3A_704 = arith.index_cast %scan3A_625 : i32 to index
        %swap3A_705 = arith.index_cast %add3A_703 : i32 to index
        %swap3A_706 = tpu.vector_load %arg7[%swap3A_704, %swap3A_705] {strides = array<i32>} : memref<16x2800xf32, #tpu.memory_space<vmem>>, vector<1x16xf32>,
        %swap3A_707 = vector.shape_cast %swap3A_706 : vector<1x16xf32> to vector<16xf32>
        %swap3A_708 = vector.shape_cast %select_n3A_701 : vector<16xf32> to vector<1x16xf32>
        tpu.vector_store %arg7[%swap3A_704, %swap3A_705], %swap3A_708 {strides = array<i32>} : memref<16x2800xf32, #tpu.memory_space<vmem>>, vector<1x16xf32>,
        %broadcast_in_dim3A_709 = vector.shape_cast %get3A_101 : vector<16xi32> to vector<16x1xi32>
        %gather3A_710 = vector.shape_cast %broadcast_in_dim3A_709 : vector<16x1xi32> to vector<16xi32>
        %gather3A_711 = tpu.dynamic_gather %get3A_639[%gather3A_710] in [0] : vector<16xi32>, vector<16xi32> -> vector<16xi32>
        %ne3A_712 = arith.constant 0 : i32
        %ne3A_713 = vector.broadcast %ne3A_712 : i32 to vector<16xi32>
        %ne3A_714 = arith.cmpi ne, %gather3A_711, %ne3A_713 : vector<16xi32>
        %select_n3A_715 = arith.select %ne3A_714, %get3A_66, %get3A_31 : vector<16xi1>, vector<16xf32>
        %add3A_716 = arith.constant 80 : i32
        %add3A_717 = arith.addi %mul3A_641, %add3A_716 : i32
        %swap3A_718 = arith.index_cast %scan3A_625 : i32 to index
        %swap3A_719 = arith.index_cast %add3A_717 : i32 to index
        %swap3A_720 = tpu.vector_load %arg7[%swap3A_718, %swap3A_719] {strides = array<i32>} : memref<16x2800xf32, #tpu.memory_space<vmem>>, vector<1x16xf32>,
        %swap3A_721 = vector.shape_cast %swap3A_720 : vector<1x16xf32> to vector<16xf32>
        %swap3A_722 = vector.shape_cast %select_n3A_715 : vector<16xf32> to vector<1x16xf32>
        tpu.vector_store %arg7[%swap3A_718, %swap3A_719], %swap3A_722 {strides = array<i32>} : memref<16x2800xf32, #tpu.memory_space<vmem>>, vector<1x16xf32>,
        %broadcast_in_dim3A_723 = vector.shape_cast %get3A_106 : vector<16xi32> to vector<16x1xi32>
        %gather3A_724 = vector.shape_cast %broadcast_in_dim3A_723 : vector<16x1xi32> to vector<16xi32>
        %gather3A_725 = tpu.dynamic_gather %get3A_639[%gather3A_724] in [0] : vector<16xi32>, vector<16xi32> -> vector<16xi32>
        %ne3A_726 = arith.constant 0 : i32
        %ne3A_727 = vector.broadcast %ne3A_726 : i32 to vector<16xi32>
        %ne3A_728 = arith.cmpi ne, %gather3A_725, %ne3A_727 : vector<16xi32>
        %select_n3A_729 = arith.select %ne3A_728, %get3A_71, %get3A_36 : vector<16xi1>, vector<16xf32>
        %add3A_730 = arith.constant 96 : i32
        %add3A_731 = arith.addi %mul3A_641, %add3A_730 : i32
        %swap3A_732 = arith.index_cast %scan3A_625 : i32 to index
        %swap3A_733 = arith.index_cast %add3A_731 : i32 to index
        %swap3A_734 = tpu.vector_load %arg7[%swap3A_732, %swap3A_733] {strides = array<i32>} : memref<16x2800xf32, #tpu.memory_space<vmem>>, vector<1x16xf32>,
        %swap3A_735 = vector.shape_cast %swap3A_734 : vector<1x16xf32> to vector<16xf32>
        %swap3A_736 = vector.shape_cast %select_n3A_729 : vector<16xf32> to vector<1x16xf32>
        tpu.vector_store %arg7[%swap3A_732, %swap3A_733], %swap3A_736 {strides = array<i32>} : memref<16x2800xf32, #tpu.memory_space<vmem>>, vector<1x16xf32>,
      }
      %scan3A_630 = arith.constant 25 : i32
    }
    %scan3A_236 = arith.constant 16 : i32
    %jit3A_237 = arith.constant 400 : i32
    %div3A_238 = arith.divsi %add3A_230, %jit3A_237 : i32
    %sign3A_239 = arith.constant 0 : i32
    %sign3A_240 = arith.cmpi sgt, %add3A_230, %sign3A_239 : i32
    %sign3A_241 = arith.extui %sign3A_240 : i1 to i32
    %sign3A_242 = arith.constant 0 : i32
    %sign3A_243 = arith.cmpi slt, %add3A_230, %sign3A_242 : i32
    %sign3A_244 = arith.extui %sign3A_243 : i1 to i32
    %sign3A_245 = arith.subi %sign3A_241, %sign3A_244 : i32
    %sign3A_246 = arith.constant 0 : i32
    %sign3A_247 = arith.cmpi sgt, %jit3A_237, %sign3A_246 : i32
    %sign3A_248 = arith.extui %sign3A_247 : i1 to i32
    %sign3A_249 = arith.constant 0 : i32
    %sign3A_250 = arith.cmpi slt, %jit3A_237, %sign3A_249 : i32
    %sign3A_251 = arith.extui %sign3A_250 : i1 to i32
    %sign3A_252 = arith.subi %sign3A_248, %sign3A_251 : i32
    %ne3A_253 = arith.cmpi ne, %sign3A_245, %sign3A_252 : i32
    %rem3A_254 = arith.remsi %add3A_230, %jit3A_237 : i32
    %ne3A_255 = arith.constant 0 : i32
    %ne3A_256 = arith.cmpi ne, %rem3A_254, %ne3A_255 : i32
    %and3A_257 = arith.andi %ne3A_253, %ne3A_256 : i1
    %sub3A_258 = arith.constant 1 : i32
    %sub3A_259 = arith.subi %div3A_238, %sub3A_258 : i32
    %select_n3A_260 = arith.select %and3A_257, %sub3A_259, %div3A_238 : i32
    %multiple_of3A_261 = tpu.assume_multiple %select_n3A_260, 8 : i32
    "tpu.region"() ({
      %run_scoped3A = tpu.sem_alloc : memref<!tpu.dma_semaphore, #tpu.memory_space<semaphore_mem>>
      %dma_start3A = arith.constant 0 : i32
      %dma_start3A_625 = tpu.memref_slice %arg5[%multiple_of3A_261, %dma_start3A] : memref<8192x2800xf32, #tpu.memory_space<hbm>> -> memref<16x2800xf32, #tpu.memory_space<hbm>>
      %dma_start3A_626 = arith.constant 0 : i32
      %dma_start3A_627 = tpu.memref_slice %arg5[%multiple_of3A_261, %dma_start3A_626] : memref<8192x2800xf32, #tpu.memory_space<hbm>> -> memref<16x2800xf32, #tpu.memory_space<hbm>>
      tpu.enqueue_dma source(%arg7 : memref<16x2800xf32, #tpu.memory_space<vmem>>) target(%dma_start3A_627 : memref<16x2800xf32, #tpu.memory_space<hbm>>) target_semaphore(%run_scoped3A : memref<!tpu.dma_semaphore, #tpu.memory_space<semaphore_mem>>)
      %dma_wait3A = arith.constant 0 : i32
      %dma_wait3A_628 = tpu.memref_slice %arg5[%multiple_of3A_261, %dma_wait3A] : memref<8192x2800xf32, #tpu.memory_space<hbm>> -> memref<16x2800xf32, #tpu.memory_space<hbm>>
      %dma_wait3A_629 = arith.constant 0 : i32
      %dma_wait3A_630 = tpu.memref_slice %arg5[%multiple_of3A_261, %dma_wait3A_629] : memref<8192x2800xf32, #tpu.memory_space<hbm>> -> memref<16x2800xf32, #tpu.memory_space<hbm>>
      tpu.wait_dma2 semaphore(%run_scoped3A : memref<!tpu.dma_semaphore, #tpu.memory_space<semaphore_mem>>) src(%arg7 : memref<16x2800xf32, #tpu.memory_space<vmem>>) dst(%dma_wait3A_630 : memref<16x2800xf32, #tpu.memory_space<hbm>>)
      tpu.yield
    }) : () -> ()
    %add3A_262 = arith.constant 32000 : i32
    %add3A_263 = arith.addi %mul3A_2, %add3A_262 : i32
    "tpu.region"() ({
      %run_scoped3A = tpu.sem_alloc : memref<!tpu.dma_semaphore, #tpu.memory_space<semaphore_mem>>
      %dma_start3A = tpu.memref_slice %arg2[%add3A_263] : memref<3276800xi32, #tpu.memory_space<hbm>> -> memref<6400xi32, #tpu.memory_space<hbm>>
      %dma_start3A_625 = tpu.memref_slice %arg2[%add3A_263] : memref<3276800xi32, #tpu.memory_space<hbm>> -> memref<6400xi32, #tpu.memory_space<hbm>>
      tpu.enqueue_dma source(%dma_start3A_625 : memref<6400xi32, #tpu.memory_space<hbm>>) target(%arg6 : memref<6400xi32, #tpu.memory_space<vmem>>) target_semaphore(%run_scoped3A : memref<!tpu.dma_semaphore, #tpu.memory_space<semaphore_mem>>)
      %dma_wait3A = tpu.memref_slice %arg2[%add3A_263] : memref<3276800xi32, #tpu.memory_space<hbm>> -> memref<6400xi32, #tpu.memory_space<hbm>>
      %dma_wait3A_626 = tpu.memref_slice %arg2[%add3A_263] : memref<3276800xi32, #tpu.memory_space<hbm>> -> memref<6400xi32, #tpu.memory_space<hbm>>
      tpu.wait_dma2 semaphore(%run_scoped3A : memref<!tpu.dma_semaphore, #tpu.memory_space<semaphore_mem>>) src(%dma_wait3A_626 : memref<6400xi32, #tpu.memory_space<hbm>>) dst(%arg6 : memref<6400xi32, #tpu.memory_space<vmem>>)
      tpu.yield
    }) : () -> ()
    %scan3A_264 = arith.constant 0 : i32
    %scan3A_265 = arith.constant 0 : i32
    %scan3A_266 = arith.constant 16 : i32
    %scan3A_267 = arith.addi %scan3A_265, %scan3A_266 : i32
    %scan3A_268 = arith.constant 1 : i32
    scf.for %scan3A_625 = %scan3A_265 to %scan3A_267 step %scan3A_268  : i32 {
      %scan3A_626 = arith.constant 0 : i32
      %scan3A_627 = arith.constant 25 : i32
      %scan3A_628 = arith.addi %scan3A_626, %scan3A_627 : i32
      %scan3A_629 = arith.constant 1 : i32
      scf.for %scan3A_631 = %scan3A_626 to %scan3A_628 step %scan3A_629  : i32 {
        %mul3A_632 = arith.constant 25 : i32
        %mul3A_633 = arith.muli %scan3A_625, %mul3A_632 : i32
        %add3A_634 = arith.addi %mul3A_633, %scan3A_631 : i32
        %mul3A_635 = arith.constant 16 : i32
        %mul3A_636 = arith.muli %add3A_634, %mul3A_635 : i32
        %get3A_637 = arith.index_cast %mul3A_636 : i32 to index
        %get3A_638 = tpu.vector_load %arg6[%get3A_637] {strides = array<i32>} : memref<6400xi32, #tpu.memory_space<vmem>>, vector<16xi32>,
        %get3A_639 = vector.shape_cast %get3A_638 : vector<16xi32> to vector<16xi32>
        %mul3A_640 = arith.constant 112 : i32
        %mul3A_641 = arith.muli %scan3A_631, %mul3A_640 : i32
        %broadcast_in_dim3A = vector.shape_cast %get3A_76 : vector<16xi32> to vector<16x1xi32>
        %gather3A = vector.shape_cast %broadcast_in_dim3A : vector<16x1xi32> to vector<16xi32>
        %gather3A_642 = tpu.dynamic_gather %get3A_639[%gather3A] in [0] : vector<16xi32>, vector<16xi32> -> vector<16xi32>
        %ne3A_643 = arith.constant 0 : i32
        %ne3A_644 = vector.broadcast %ne3A_643 : i32 to vector<16xi32>
        %ne3A_645 = arith.cmpi ne, %gather3A_642, %ne3A_644 : vector<16xi32>
        %select_n3A_646 = arith.select %ne3A_645, %get3A_41, %get3A_6 : vector<16xi1>, vector<16xf32>
        %add3A_647 = arith.constant 0 : i32
        %add3A_648 = arith.addi %mul3A_641, %add3A_647 : i32
        %swap3A = arith.index_cast %scan3A_625 : i32 to index
        %swap3A_649 = arith.index_cast %add3A_648 : i32 to index
        %swap3A_650 = tpu.vector_load %arg7[%swap3A, %swap3A_649] {strides = array<i32>} : memref<16x2800xf32, #tpu.memory_space<vmem>>, vector<1x16xf32>,
        %swap3A_651 = vector.shape_cast %swap3A_650 : vector<1x16xf32> to vector<16xf32>
        %swap3A_652 = vector.shape_cast %select_n3A_646 : vector<16xf32> to vector<1x16xf32>
        tpu.vector_store %arg7[%swap3A, %swap3A_649], %swap3A_652 {strides = array<i32>} : memref<16x2800xf32, #tpu.memory_space<vmem>>, vector<1x16xf32>,
        %broadcast_in_dim3A_653 = vector.shape_cast %get3A_81 : vector<16xi32> to vector<16x1xi32>
        %gather3A_654 = vector.shape_cast %broadcast_in_dim3A_653 : vector<16x1xi32> to vector<16xi32>
        %gather3A_655 = tpu.dynamic_gather %get3A_639[%gather3A_654] in [0] : vector<16xi32>, vector<16xi32> -> vector<16xi32>
        %ne3A_656 = arith.constant 0 : i32
        %ne3A_657 = vector.broadcast %ne3A_656 : i32 to vector<16xi32>
        %ne3A_658 = arith.cmpi ne, %gather3A_655, %ne3A_657 : vector<16xi32>
        %select_n3A_659 = arith.select %ne3A_658, %get3A_46, %get3A_11 : vector<16xi1>, vector<16xf32>
        %add3A_660 = arith.constant 16 : i32
        %add3A_661 = arith.addi %mul3A_641, %add3A_660 : i32
        %swap3A_662 = arith.index_cast %scan3A_625 : i32 to index
        %swap3A_663 = arith.index_cast %add3A_661 : i32 to index
        %swap3A_664 = tpu.vector_load %arg7[%swap3A_662, %swap3A_663] {strides = array<i32>} : memref<16x2800xf32, #tpu.memory_space<vmem>>, vector<1x16xf32>,
        %swap3A_665 = vector.shape_cast %swap3A_664 : vector<1x16xf32> to vector<16xf32>
        %swap3A_666 = vector.shape_cast %select_n3A_659 : vector<16xf32> to vector<1x16xf32>
        tpu.vector_store %arg7[%swap3A_662, %swap3A_663], %swap3A_666 {strides = array<i32>} : memref<16x2800xf32, #tpu.memory_space<vmem>>, vector<1x16xf32>,
        %broadcast_in_dim3A_667 = vector.shape_cast %get3A_86 : vector<16xi32> to vector<16x1xi32>
        %gather3A_668 = vector.shape_cast %broadcast_in_dim3A_667 : vector<16x1xi32> to vector<16xi32>
        %gather3A_669 = tpu.dynamic_gather %get3A_639[%gather3A_668] in [0] : vector<16xi32>, vector<16xi32> -> vector<16xi32>
        %ne3A_670 = arith.constant 0 : i32
        %ne3A_671 = vector.broadcast %ne3A_670 : i32 to vector<16xi32>
        %ne3A_672 = arith.cmpi ne, %gather3A_669, %ne3A_671 : vector<16xi32>
        %select_n3A_673 = arith.select %ne3A_672, %get3A_51, %get3A_16 : vector<16xi1>, vector<16xf32>
        %add3A_674 = arith.constant 32 : i32
        %add3A_675 = arith.addi %mul3A_641, %add3A_674 : i32
        %swap3A_676 = arith.index_cast %scan3A_625 : i32 to index
        %swap3A_677 = arith.index_cast %add3A_675 : i32 to index
        %swap3A_678 = tpu.vector_load %arg7[%swap3A_676, %swap3A_677] {strides = array<i32>} : memref<16x2800xf32, #tpu.memory_space<vmem>>, vector<1x16xf32>,
        %swap3A_679 = vector.shape_cast %swap3A_678 : vector<1x16xf32> to vector<16xf32>
        %swap3A_680 = vector.shape_cast %select_n3A_673 : vector<16xf32> to vector<1x16xf32>
        tpu.vector_store %arg7[%swap3A_676, %swap3A_677], %swap3A_680 {strides = array<i32>} : memref<16x2800xf32, #tpu.memory_space<vmem>>, vector<1x16xf32>,
        %broadcast_in_dim3A_681 = vector.shape_cast %get3A_91 : vector<16xi32> to vector<16x1xi32>
        %gather3A_682 = vector.shape_cast %broadcast_in_dim3A_681 : vector<16x1xi32> to vector<16xi32>
        %gather3A_683 = tpu.dynamic_gather %get3A_639[%gather3A_682] in [0] : vector<16xi32>, vector<16xi32> -> vector<16xi32>
        %ne3A_684 = arith.constant 0 : i32
        %ne3A_685 = vector.broadcast %ne3A_684 : i32 to vector<16xi32>
        %ne3A_686 = arith.cmpi ne, %gather3A_683, %ne3A_685 : vector<16xi32>
        %select_n3A_687 = arith.select %ne3A_686, %get3A_56, %get3A_21 : vector<16xi1>, vector<16xf32>
        %add3A_688 = arith.constant 48 : i32
        %add3A_689 = arith.addi %mul3A_641, %add3A_688 : i32
        %swap3A_690 = arith.index_cast %scan3A_625 : i32 to index
        %swap3A_691 = arith.index_cast %add3A_689 : i32 to index
        %swap3A_692 = tpu.vector_load %arg7[%swap3A_690, %swap3A_691] {strides = array<i32>} : memref<16x2800xf32, #tpu.memory_space<vmem>>, vector<1x16xf32>,
        %swap3A_693 = vector.shape_cast %swap3A_692 : vector<1x16xf32> to vector<16xf32>
        %swap3A_694 = vector.shape_cast %select_n3A_687 : vector<16xf32> to vector<1x16xf32>
        tpu.vector_store %arg7[%swap3A_690, %swap3A_691], %swap3A_694 {strides = array<i32>} : memref<16x2800xf32, #tpu.memory_space<vmem>>, vector<1x16xf32>,
        %broadcast_in_dim3A_695 = vector.shape_cast %get3A_96 : vector<16xi32> to vector<16x1xi32>
        %gather3A_696 = vector.shape_cast %broadcast_in_dim3A_695 : vector<16x1xi32> to vector<16xi32>
        %gather3A_697 = tpu.dynamic_gather %get3A_639[%gather3A_696] in [0] : vector<16xi32>, vector<16xi32> -> vector<16xi32>
        %ne3A_698 = arith.constant 0 : i32
        %ne3A_699 = vector.broadcast %ne3A_698 : i32 to vector<16xi32>
        %ne3A_700 = arith.cmpi ne, %gather3A_697, %ne3A_699 : vector<16xi32>
        %select_n3A_701 = arith.select %ne3A_700, %get3A_61, %get3A_26 : vector<16xi1>, vector<16xf32>
        %add3A_702 = arith.constant 64 : i32
        %add3A_703 = arith.addi %mul3A_641, %add3A_702 : i32
        %swap3A_704 = arith.index_cast %scan3A_625 : i32 to index
        %swap3A_705 = arith.index_cast %add3A_703 : i32 to index
        %swap3A_706 = tpu.vector_load %arg7[%swap3A_704, %swap3A_705] {strides = array<i32>} : memref<16x2800xf32, #tpu.memory_space<vmem>>, vector<1x16xf32>,
        %swap3A_707 = vector.shape_cast %swap3A_706 : vector<1x16xf32> to vector<16xf32>
        %swap3A_708 = vector.shape_cast %select_n3A_701 : vector<16xf32> to vector<1x16xf32>
        tpu.vector_store %arg7[%swap3A_704, %swap3A_705], %swap3A_708 {strides = array<i32>} : memref<16x2800xf32, #tpu.memory_space<vmem>>, vector<1x16xf32>,
        %broadcast_in_dim3A_709 = vector.shape_cast %get3A_101 : vector<16xi32> to vector<16x1xi32>
        %gather3A_710 = vector.shape_cast %broadcast_in_dim3A_709 : vector<16x1xi32> to vector<16xi32>
        %gather3A_711 = tpu.dynamic_gather %get3A_639[%gather3A_710] in [0] : vector<16xi32>, vector<16xi32> -> vector<16xi32>
        %ne3A_712 = arith.constant 0 : i32
        %ne3A_713 = vector.broadcast %ne3A_712 : i32 to vector<16xi32>
        %ne3A_714 = arith.cmpi ne, %gather3A_711, %ne3A_713 : vector<16xi32>
        %select_n3A_715 = arith.select %ne3A_714, %get3A_66, %get3A_31 : vector<16xi1>, vector<16xf32>
        %add3A_716 = arith.constant 80 : i32
        %add3A_717 = arith.addi %mul3A_641, %add3A_716 : i32
        %swap3A_718 = arith.index_cast %scan3A_625 : i32 to index
        %swap3A_719 = arith.index_cast %add3A_717 : i32 to index
        %swap3A_720 = tpu.vector_load %arg7[%swap3A_718, %swap3A_719] {strides = array<i32>} : memref<16x2800xf32, #tpu.memory_space<vmem>>, vector<1x16xf32>,
        %swap3A_721 = vector.shape_cast %swap3A_720 : vector<1x16xf32> to vector<16xf32>
        %swap3A_722 = vector.shape_cast %select_n3A_715 : vector<16xf32> to vector<1x16xf32>
        tpu.vector_store %arg7[%swap3A_718, %swap3A_719], %swap3A_722 {strides = array<i32>} : memref<16x2800xf32, #tpu.memory_space<vmem>>, vector<1x16xf32>,
        %broadcast_in_dim3A_723 = vector.shape_cast %get3A_106 : vector<16xi32> to vector<16x1xi32>
        %gather3A_724 = vector.shape_cast %broadcast_in_dim3A_723 : vector<16x1xi32> to vector<16xi32>
        %gather3A_725 = tpu.dynamic_gather %get3A_639[%gather3A_724] in [0] : vector<16xi32>, vector<16xi32> -> vector<16xi32>
        %ne3A_726 = arith.constant 0 : i32
        %ne3A_727 = vector.broadcast %ne3A_726 : i32 to vector<16xi32>
        %ne3A_728 = arith.cmpi ne, %gather3A_725, %ne3A_727 : vector<16xi32>
        %select_n3A_729 = arith.select %ne3A_728, %get3A_71, %get3A_36 : vector<16xi1>, vector<16xf32>
        %add3A_730 = arith.constant 96 : i32
        %add3A_731 = arith.addi %mul3A_641, %add3A_730 : i32
        %swap3A_732 = arith.index_cast %scan3A_625 : i32 to index
        %swap3A_733 = arith.index_cast %add3A_731 : i32 to index
        %swap3A_734 = tpu.vector_load %arg7[%swap3A_732, %swap3A_733] {strides = array<i32>} : memref<16x2800xf32, #tpu.memory_space<vmem>>, vector<1x16xf32>,
        %swap3A_735 = vector.shape_cast %swap3A_734 : vector<1x16xf32> to vector<16xf32>
        %swap3A_736 = vector.shape_cast %select_n3A_729 : vector<16xf32> to vector<1x16xf32>
        tpu.vector_store %arg7[%swap3A_732, %swap3A_733], %swap3A_736 {strides = array<i32>} : memref<16x2800xf32, #tpu.memory_space<vmem>>, vector<1x16xf32>,
      }
      %scan3A_630 = arith.constant 25 : i32
    }
    %scan3A_269 = arith.constant 16 : i32
    %jit3A_270 = arith.constant 400 : i32
    %div3A_271 = arith.divsi %add3A_263, %jit3A_270 : i32
    %sign3A_272 = arith.constant 0 : i32
    %sign3A_273 = arith.cmpi sgt, %add3A_263, %sign3A_272 : i32
    %sign3A_274 = arith.extui %sign3A_273 : i1 to i32
    %sign3A_275 = arith.constant 0 : i32
    %sign3A_276 = arith.cmpi slt, %add3A_263, %sign3A_275 : i32
    %sign3A_277 = arith.extui %sign3A_276 : i1 to i32
    %sign3A_278 = arith.subi %sign3A_274, %sign3A_277 : i32
    %sign3A_279 = arith.constant 0 : i32
    %sign3A_280 = arith.cmpi sgt, %jit3A_270, %sign3A_279 : i32
    %sign3A_281 = arith.extui %sign3A_280 : i1 to i32
    %sign3A_282 = arith.constant 0 : i32
    %sign3A_283 = arith.cmpi slt, %jit3A_270, %sign3A_282 : i32
    %sign3A_284 = arith.extui %sign3A_283 : i1 to i32
    %sign3A_285 = arith.subi %sign3A_281, %sign3A_284 : i32
    %ne3A_286 = arith.cmpi ne, %sign3A_278, %sign3A_285 : i32
    %rem3A_287 = arith.remsi %add3A_263, %jit3A_270 : i32
    %ne3A_288 = arith.constant 0 : i32
    %ne3A_289 = arith.cmpi ne, %rem3A_287, %ne3A_288 : i32
    %and3A_290 = arith.andi %ne3A_286, %ne3A_289 : i1
    %sub3A_291 = arith.constant 1 : i32
    %sub3A_292 = arith.subi %div3A_271, %sub3A_291 : i32
    %select_n3A_293 = arith.select %and3A_290, %sub3A_292, %div3A_271 : i32
    %multiple_of3A_294 = tpu.assume_multiple %select_n3A_293, 8 : i32
    "tpu.region"() ({
      %run_scoped3A = tpu.sem_alloc : memref<!tpu.dma_semaphore, #tpu.memory_space<semaphore_mem>>
      %dma_start3A = arith.constant 0 : i32
      %dma_start3A_625 = tpu.memref_slice %arg5[%multiple_of3A_294, %dma_start3A] : memref<8192x2800xf32, #tpu.memory_space<hbm>> -> memref<16x2800xf32, #tpu.memory_space<hbm>>
      %dma_start3A_626 = arith.constant 0 : i32
      %dma_start3A_627 = tpu.memref_slice %arg5[%multiple_of3A_294, %dma_start3A_626] : memref<8192x2800xf32, #tpu.memory_space<hbm>> -> memref<16x2800xf32, #tpu.memory_space<hbm>>
      tpu.enqueue_dma source(%arg7 : memref<16x2800xf32, #tpu.memory_space<vmem>>) target(%dma_start3A_627 : memref<16x2800xf32, #tpu.memory_space<hbm>>) target_semaphore(%run_scoped3A : memref<!tpu.dma_semaphore, #tpu.memory_space<semaphore_mem>>)
      %dma_wait3A = arith.constant 0 : i32
      %dma_wait3A_628 = tpu.memref_slice %arg5[%multiple_of3A_294, %dma_wait3A] : memref<8192x2800xf32, #tpu.memory_space<hbm>> -> memref<16x2800xf32, #tpu.memory_space<hbm>>
      %dma_wait3A_629 = arith.constant 0 : i32
      %dma_wait3A_630 = tpu.memref_slice %arg5[%multiple_of3A_294, %dma_wait3A_629] : memref<8192x2800xf32, #tpu.memory_space<hbm>> -> memref<16x2800xf32, #tpu.memory_space<hbm>>
      tpu.wait_dma2 semaphore(%run_scoped3A : memref<!tpu.dma_semaphore, #tpu.memory_space<semaphore_mem>>) src(%arg7 : memref<16x2800xf32, #tpu.memory_space<vmem>>) dst(%dma_wait3A_630 : memref<16x2800xf32, #tpu.memory_space<hbm>>)
      tpu.yield
    }) : () -> ()
    %add3A_295 = arith.constant 38400 : i32
    %add3A_296 = arith.addi %mul3A_2, %add3A_295 : i32
    "tpu.region"() ({
      %run_scoped3A = tpu.sem_alloc : memref<!tpu.dma_semaphore, #tpu.memory_space<semaphore_mem>>
      %dma_start3A = tpu.memref_slice %arg2[%add3A_296] : memref<3276800xi32, #tpu.memory_space<hbm>> -> memref<6400xi32, #tpu.memory_space<hbm>>
      %dma_start3A_625 = tpu.memref_slice %arg2[%add3A_296] : memref<3276800xi32, #tpu.memory_space<hbm>> -> memref<6400xi32, #tpu.memory_space<hbm>>
      tpu.enqueue_dma source(%dma_start3A_625 : memref<6400xi32, #tpu.memory_space<hbm>>) target(%arg6 : memref<6400xi32, #tpu.memory_space<vmem>>) target_semaphore(%run_scoped3A : memref<!tpu.dma_semaphore, #tpu.memory_space<semaphore_mem>>)
      %dma_wait3A = tpu.memref_slice %arg2[%add3A_296] : memref<3276800xi32, #tpu.memory_space<hbm>> -> memref<6400xi32, #tpu.memory_space<hbm>>
      %dma_wait3A_626 = tpu.memref_slice %arg2[%add3A_296] : memref<3276800xi32, #tpu.memory_space<hbm>> -> memref<6400xi32, #tpu.memory_space<hbm>>
      tpu.wait_dma2 semaphore(%run_scoped3A : memref<!tpu.dma_semaphore, #tpu.memory_space<semaphore_mem>>) src(%dma_wait3A_626 : memref<6400xi32, #tpu.memory_space<hbm>>) dst(%arg6 : memref<6400xi32, #tpu.memory_space<vmem>>)
      tpu.yield
    }) : () -> ()
    %scan3A_297 = arith.constant 0 : i32
    %scan3A_298 = arith.constant 0 : i32
    %scan3A_299 = arith.constant 16 : i32
    %scan3A_300 = arith.addi %scan3A_298, %scan3A_299 : i32
    %scan3A_301 = arith.constant 1 : i32
    scf.for %scan3A_625 = %scan3A_298 to %scan3A_300 step %scan3A_301  : i32 {
      %scan3A_626 = arith.constant 0 : i32
      %scan3A_627 = arith.constant 25 : i32
      %scan3A_628 = arith.addi %scan3A_626, %scan3A_627 : i32
      %scan3A_629 = arith.constant 1 : i32
      scf.for %scan3A_631 = %scan3A_626 to %scan3A_628 step %scan3A_629  : i32 {
        %mul3A_632 = arith.constant 25 : i32
        %mul3A_633 = arith.muli %scan3A_625, %mul3A_632 : i32
        %add3A_634 = arith.addi %mul3A_633, %scan3A_631 : i32
        %mul3A_635 = arith.constant 16 : i32
        %mul3A_636 = arith.muli %add3A_634, %mul3A_635 : i32
        %get3A_637 = arith.index_cast %mul3A_636 : i32 to index
        %get3A_638 = tpu.vector_load %arg6[%get3A_637] {strides = array<i32>} : memref<6400xi32, #tpu.memory_space<vmem>>, vector<16xi32>,
        %get3A_639 = vector.shape_cast %get3A_638 : vector<16xi32> to vector<16xi32>
        %mul3A_640 = arith.constant 112 : i32
        %mul3A_641 = arith.muli %scan3A_631, %mul3A_640 : i32
        %broadcast_in_dim3A = vector.shape_cast %get3A_76 : vector<16xi32> to vector<16x1xi32>
        %gather3A = vector.shape_cast %broadcast_in_dim3A : vector<16x1xi32> to vector<16xi32>
        %gather3A_642 = tpu.dynamic_gather %get3A_639[%gather3A] in [0] : vector<16xi32>, vector<16xi32> -> vector<16xi32>
        %ne3A_643 = arith.constant 0 : i32
        %ne3A_644 = vector.broadcast %ne3A_643 : i32 to vector<16xi32>
        %ne3A_645 = arith.cmpi ne, %gather3A_642, %ne3A_644 : vector<16xi32>
        %select_n3A_646 = arith.select %ne3A_645, %get3A_41, %get3A_6 : vector<16xi1>, vector<16xf32>
        %add3A_647 = arith.constant 0 : i32
        %add3A_648 = arith.addi %mul3A_641, %add3A_647 : i32
        %swap3A = arith.index_cast %scan3A_625 : i32 to index
        %swap3A_649 = arith.index_cast %add3A_648 : i32 to index
        %swap3A_650 = tpu.vector_load %arg7[%swap3A, %swap3A_649] {strides = array<i32>} : memref<16x2800xf32, #tpu.memory_space<vmem>>, vector<1x16xf32>,
        %swap3A_651 = vector.shape_cast %swap3A_650 : vector<1x16xf32> to vector<16xf32>
        %swap3A_652 = vector.shape_cast %select_n3A_646 : vector<16xf32> to vector<1x16xf32>
        tpu.vector_store %arg7[%swap3A, %swap3A_649], %swap3A_652 {strides = array<i32>} : memref<16x2800xf32, #tpu.memory_space<vmem>>, vector<1x16xf32>,
        %broadcast_in_dim3A_653 = vector.shape_cast %get3A_81 : vector<16xi32> to vector<16x1xi32>
        %gather3A_654 = vector.shape_cast %broadcast_in_dim3A_653 : vector<16x1xi32> to vector<16xi32>
        %gather3A_655 = tpu.dynamic_gather %get3A_639[%gather3A_654] in [0] : vector<16xi32>, vector<16xi32> -> vector<16xi32>
        %ne3A_656 = arith.constant 0 : i32
        %ne3A_657 = vector.broadcast %ne3A_656 : i32 to vector<16xi32>
        %ne3A_658 = arith.cmpi ne, %gather3A_655, %ne3A_657 : vector<16xi32>
        %select_n3A_659 = arith.select %ne3A_658, %get3A_46, %get3A_11 : vector<16xi1>, vector<16xf32>
        %add3A_660 = arith.constant 16 : i32
        %add3A_661 = arith.addi %mul3A_641, %add3A_660 : i32
        %swap3A_662 = arith.index_cast %scan3A_625 : i32 to index
        %swap3A_663 = arith.index_cast %add3A_661 : i32 to index
        %swap3A_664 = tpu.vector_load %arg7[%swap3A_662, %swap3A_663] {strides = array<i32>} : memref<16x2800xf32, #tpu.memory_space<vmem>>, vector<1x16xf32>,
        %swap3A_665 = vector.shape_cast %swap3A_664 : vector<1x16xf32> to vector<16xf32>
        %swap3A_666 = vector.shape_cast %select_n3A_659 : vector<16xf32> to vector<1x16xf32>
        tpu.vector_store %arg7[%swap3A_662, %swap3A_663], %swap3A_666 {strides = array<i32>} : memref<16x2800xf32, #tpu.memory_space<vmem>>, vector<1x16xf32>,
        %broadcast_in_dim3A_667 = vector.shape_cast %get3A_86 : vector<16xi32> to vector<16x1xi32>
        %gather3A_668 = vector.shape_cast %broadcast_in_dim3A_667 : vector<16x1xi32> to vector<16xi32>
        %gather3A_669 = tpu.dynamic_gather %get3A_639[%gather3A_668] in [0] : vector<16xi32>, vector<16xi32> -> vector<16xi32>
        %ne3A_670 = arith.constant 0 : i32
        %ne3A_671 = vector.broadcast %ne3A_670 : i32 to vector<16xi32>
        %ne3A_672 = arith.cmpi ne, %gather3A_669, %ne3A_671 : vector<16xi32>
        %select_n3A_673 = arith.select %ne3A_672, %get3A_51, %get3A_16 : vector<16xi1>, vector<16xf32>
        %add3A_674 = arith.constant 32 : i32
        %add3A_675 = arith.addi %mul3A_641, %add3A_674 : i32
        %swap3A_676 = arith.index_cast %scan3A_625 : i32 to index
        %swap3A_677 = arith.index_cast %add3A_675 : i32 to index
        %swap3A_678 = tpu.vector_load %arg7[%swap3A_676, %swap3A_677] {strides = array<i32>} : memref<16x2800xf32, #tpu.memory_space<vmem>>, vector<1x16xf32>,
        %swap3A_679 = vector.shape_cast %swap3A_678 : vector<1x16xf32> to vector<16xf32>
        %swap3A_680 = vector.shape_cast %select_n3A_673 : vector<16xf32> to vector<1x16xf32>
        tpu.vector_store %arg7[%swap3A_676, %swap3A_677], %swap3A_680 {strides = array<i32>} : memref<16x2800xf32, #tpu.memory_space<vmem>>, vector<1x16xf32>,
        %broadcast_in_dim3A_681 = vector.shape_cast %get3A_91 : vector<16xi32> to vector<16x1xi32>
        %gather3A_682 = vector.shape_cast %broadcast_in_dim3A_681 : vector<16x1xi32> to vector<16xi32>
        %gather3A_683 = tpu.dynamic_gather %get3A_639[%gather3A_682] in [0] : vector<16xi32>, vector<16xi32> -> vector<16xi32>
        %ne3A_684 = arith.constant 0 : i32
        %ne3A_685 = vector.broadcast %ne3A_684 : i32 to vector<16xi32>
        %ne3A_686 = arith.cmpi ne, %gather3A_683, %ne3A_685 : vector<16xi32>
        %select_n3A_687 = arith.select %ne3A_686, %get3A_56, %get3A_21 : vector<16xi1>, vector<16xf32>
        %add3A_688 = arith.constant 48 : i32
        %add3A_689 = arith.addi %mul3A_641, %add3A_688 : i32
        %swap3A_690 = arith.index_cast %scan3A_625 : i32 to index
        %swap3A_691 = arith.index_cast %add3A_689 : i32 to index
        %swap3A_692 = tpu.vector_load %arg7[%swap3A_690, %swap3A_691] {strides = array<i32>} : memref<16x2800xf32, #tpu.memory_space<vmem>>, vector<1x16xf32>,
        %swap3A_693 = vector.shape_cast %swap3A_692 : vector<1x16xf32> to vector<16xf32>
        %swap3A_694 = vector.shape_cast %select_n3A_687 : vector<16xf32> to vector<1x16xf32>
        tpu.vector_store %arg7[%swap3A_690, %swap3A_691], %swap3A_694 {strides = array<i32>} : memref<16x2800xf32, #tpu.memory_space<vmem>>, vector<1x16xf32>,
        %broadcast_in_dim3A_695 = vector.shape_cast %get3A_96 : vector<16xi32> to vector<16x1xi32>
        %gather3A_696 = vector.shape_cast %broadcast_in_dim3A_695 : vector<16x1xi32> to vector<16xi32>
        %gather3A_697 = tpu.dynamic_gather %get3A_639[%gather3A_696] in [0] : vector<16xi32>, vector<16xi32> -> vector<16xi32>
        %ne3A_698 = arith.constant 0 : i32
        %ne3A_699 = vector.broadcast %ne3A_698 : i32 to vector<16xi32>
        %ne3A_700 = arith.cmpi ne, %gather3A_697, %ne3A_699 : vector<16xi32>
        %select_n3A_701 = arith.select %ne3A_700, %get3A_61, %get3A_26 : vector<16xi1>, vector<16xf32>
        %add3A_702 = arith.constant 64 : i32
        %add3A_703 = arith.addi %mul3A_641, %add3A_702 : i32
        %swap3A_704 = arith.index_cast %scan3A_625 : i32 to index
        %swap3A_705 = arith.index_cast %add3A_703 : i32 to index
        %swap3A_706 = tpu.vector_load %arg7[%swap3A_704, %swap3A_705] {strides = array<i32>} : memref<16x2800xf32, #tpu.memory_space<vmem>>, vector<1x16xf32>,
        %swap3A_707 = vector.shape_cast %swap3A_706 : vector<1x16xf32> to vector<16xf32>
        %swap3A_708 = vector.shape_cast %select_n3A_701 : vector<16xf32> to vector<1x16xf32>
        tpu.vector_store %arg7[%swap3A_704, %swap3A_705], %swap3A_708 {strides = array<i32>} : memref<16x2800xf32, #tpu.memory_space<vmem>>, vector<1x16xf32>,
        %broadcast_in_dim3A_709 = vector.shape_cast %get3A_101 : vector<16xi32> to vector<16x1xi32>
        %gather3A_710 = vector.shape_cast %broadcast_in_dim3A_709 : vector<16x1xi32> to vector<16xi32>
        %gather3A_711 = tpu.dynamic_gather %get3A_639[%gather3A_710] in [0] : vector<16xi32>, vector<16xi32> -> vector<16xi32>
        %ne3A_712 = arith.constant 0 : i32
        %ne3A_713 = vector.broadcast %ne3A_712 : i32 to vector<16xi32>
        %ne3A_714 = arith.cmpi ne, %gather3A_711, %ne3A_713 : vector<16xi32>
        %select_n3A_715 = arith.select %ne3A_714, %get3A_66, %get3A_31 : vector<16xi1>, vector<16xf32>
        %add3A_716 = arith.constant 80 : i32
        %add3A_717 = arith.addi %mul3A_641, %add3A_716 : i32
        %swap3A_718 = arith.index_cast %scan3A_625 : i32 to index
        %swap3A_719 = arith.index_cast %add3A_717 : i32 to index
        %swap3A_720 = tpu.vector_load %arg7[%swap3A_718, %swap3A_719] {strides = array<i32>} : memref<16x2800xf32, #tpu.memory_space<vmem>>, vector<1x16xf32>,
        %swap3A_721 = vector.shape_cast %swap3A_720 : vector<1x16xf32> to vector<16xf32>
        %swap3A_722 = vector.shape_cast %select_n3A_715 : vector<16xf32> to vector<1x16xf32>
        tpu.vector_store %arg7[%swap3A_718, %swap3A_719], %swap3A_722 {strides = array<i32>} : memref<16x2800xf32, #tpu.memory_space<vmem>>, vector<1x16xf32>,
        %broadcast_in_dim3A_723 = vector.shape_cast %get3A_106 : vector<16xi32> to vector<16x1xi32>
        %gather3A_724 = vector.shape_cast %broadcast_in_dim3A_723 : vector<16x1xi32> to vector<16xi32>
        %gather3A_725 = tpu.dynamic_gather %get3A_639[%gather3A_724] in [0] : vector<16xi32>, vector<16xi32> -> vector<16xi32>
        %ne3A_726 = arith.constant 0 : i32
        %ne3A_727 = vector.broadcast %ne3A_726 : i32 to vector<16xi32>
        %ne3A_728 = arith.cmpi ne, %gather3A_725, %ne3A_727 : vector<16xi32>
        %select_n3A_729 = arith.select %ne3A_728, %get3A_71, %get3A_36 : vector<16xi1>, vector<16xf32>
        %add3A_730 = arith.constant 96 : i32
        %add3A_731 = arith.addi %mul3A_641, %add3A_730 : i32
        %swap3A_732 = arith.index_cast %scan3A_625 : i32 to index
        %swap3A_733 = arith.index_cast %add3A_731 : i32 to index
        %swap3A_734 = tpu.vector_load %arg7[%swap3A_732, %swap3A_733] {strides = array<i32>} : memref<16x2800xf32, #tpu.memory_space<vmem>>, vector<1x16xf32>,
        %swap3A_735 = vector.shape_cast %swap3A_734 : vector<1x16xf32> to vector<16xf32>
        %swap3A_736 = vector.shape_cast %select_n3A_729 : vector<16xf32> to vector<1x16xf32>
        tpu.vector_store %arg7[%swap3A_732, %swap3A_733], %swap3A_736 {strides = array<i32>} : memref<16x2800xf32, #tpu.memory_space<vmem>>, vector<1x16xf32>,
      }
      %scan3A_630 = arith.constant 25 : i32
    }
    %scan3A_302 = arith.constant 16 : i32
    %jit3A_303 = arith.constant 400 : i32
    %div3A_304 = arith.divsi %add3A_296, %jit3A_303 : i32
    %sign3A_305 = arith.constant 0 : i32
    %sign3A_306 = arith.cmpi sgt, %add3A_296, %sign3A_305 : i32
    %sign3A_307 = arith.extui %sign3A_306 : i1 to i32
    %sign3A_308 = arith.constant 0 : i32
    %sign3A_309 = arith.cmpi slt, %add3A_296, %sign3A_308 : i32
    %sign3A_310 = arith.extui %sign3A_309 : i1 to i32
    %sign3A_311 = arith.subi %sign3A_307, %sign3A_310 : i32
    %sign3A_312 = arith.constant 0 : i32
    %sign3A_313 = arith.cmpi sgt, %jit3A_303, %sign3A_312 : i32
    %sign3A_314 = arith.extui %sign3A_313 : i1 to i32
    %sign3A_315 = arith.constant 0 : i32
    %sign3A_316 = arith.cmpi slt, %jit3A_303, %sign3A_315 : i32
    %sign3A_317 = arith.extui %sign3A_316 : i1 to i32
    %sign3A_318 = arith.subi %sign3A_314, %sign3A_317 : i32
    %ne3A_319 = arith.cmpi ne, %sign3A_311, %sign3A_318 : i32
    %rem3A_320 = arith.remsi %add3A_296, %jit3A_303 : i32
    %ne3A_321 = arith.constant 0 : i32
    %ne3A_322 = arith.cmpi ne, %rem3A_320, %ne3A_321 : i32
    %and3A_323 = arith.andi %ne3A_319, %ne3A_322 : i1
    %sub3A_324 = arith.constant 1 : i32
    %sub3A_325 = arith.subi %div3A_304, %sub3A_324 : i32
    %select_n3A_326 = arith.select %and3A_323, %sub3A_325, %div3A_304 : i32
    %multiple_of3A_327 = tpu.assume_multiple %select_n3A_326, 8 : i32
    "tpu.region"() ({
      %run_scoped3A = tpu.sem_alloc : memref<!tpu.dma_semaphore, #tpu.memory_space<semaphore_mem>>
      %dma_start3A = arith.constant 0 : i32
      %dma_start3A_625 = tpu.memref_slice %arg5[%multiple_of3A_327, %dma_start3A] : memref<8192x2800xf32, #tpu.memory_space<hbm>> -> memref<16x2800xf32, #tpu.memory_space<hbm>>
      %dma_start3A_626 = arith.constant 0 : i32
      %dma_start3A_627 = tpu.memref_slice %arg5[%multiple_of3A_327, %dma_start3A_626] : memref<8192x2800xf32, #tpu.memory_space<hbm>> -> memref<16x2800xf32, #tpu.memory_space<hbm>>
      tpu.enqueue_dma source(%arg7 : memref<16x2800xf32, #tpu.memory_space<vmem>>) target(%dma_start3A_627 : memref<16x2800xf32, #tpu.memory_space<hbm>>) target_semaphore(%run_scoped3A : memref<!tpu.dma_semaphore, #tpu.memory_space<semaphore_mem>>)
      %dma_wait3A = arith.constant 0 : i32
      %dma_wait3A_628 = tpu.memref_slice %arg5[%multiple_of3A_327, %dma_wait3A] : memref<8192x2800xf32, #tpu.memory_space<hbm>> -> memref<16x2800xf32, #tpu.memory_space<hbm>>
      %dma_wait3A_629 = arith.constant 0 : i32
      %dma_wait3A_630 = tpu.memref_slice %arg5[%multiple_of3A_327, %dma_wait3A_629] : memref<8192x2800xf32, #tpu.memory_space<hbm>> -> memref<16x2800xf32, #tpu.memory_space<hbm>>
      tpu.wait_dma2 semaphore(%run_scoped3A : memref<!tpu.dma_semaphore, #tpu.memory_space<semaphore_mem>>) src(%arg7 : memref<16x2800xf32, #tpu.memory_space<vmem>>) dst(%dma_wait3A_630 : memref<16x2800xf32, #tpu.memory_space<hbm>>)
      tpu.yield
    }) : () -> ()
    %add3A_328 = arith.constant 44800 : i32
    %add3A_329 = arith.addi %mul3A_2, %add3A_328 : i32
    "tpu.region"() ({
      %run_scoped3A = tpu.sem_alloc : memref<!tpu.dma_semaphore, #tpu.memory_space<semaphore_mem>>
      %dma_start3A = tpu.memref_slice %arg2[%add3A_329] : memref<3276800xi32, #tpu.memory_space<hbm>> -> memref<6400xi32, #tpu.memory_space<hbm>>
      %dma_start3A_625 = tpu.memref_slice %arg2[%add3A_329] : memref<3276800xi32, #tpu.memory_space<hbm>> -> memref<6400xi32, #tpu.memory_space<hbm>>
      tpu.enqueue_dma source(%dma_start3A_625 : memref<6400xi32, #tpu.memory_space<hbm>>) target(%arg6 : memref<6400xi32, #tpu.memory_space<vmem>>) target_semaphore(%run_scoped3A : memref<!tpu.dma_semaphore, #tpu.memory_space<semaphore_mem>>)
      %dma_wait3A = tpu.memref_slice %arg2[%add3A_329] : memref<3276800xi32, #tpu.memory_space<hbm>> -> memref<6400xi32, #tpu.memory_space<hbm>>
      %dma_wait3A_626 = tpu.memref_slice %arg2[%add3A_329] : memref<3276800xi32, #tpu.memory_space<hbm>> -> memref<6400xi32, #tpu.memory_space<hbm>>
      tpu.wait_dma2 semaphore(%run_scoped3A : memref<!tpu.dma_semaphore, #tpu.memory_space<semaphore_mem>>) src(%dma_wait3A_626 : memref<6400xi32, #tpu.memory_space<hbm>>) dst(%arg6 : memref<6400xi32, #tpu.memory_space<vmem>>)
      tpu.yield
    }) : () -> ()
    %scan3A_330 = arith.constant 0 : i32
    %scan3A_331 = arith.constant 0 : i32
    %scan3A_332 = arith.constant 16 : i32
    %scan3A_333 = arith.addi %scan3A_331, %scan3A_332 : i32
    %scan3A_334 = arith.constant 1 : i32
    scf.for %scan3A_625 = %scan3A_331 to %scan3A_333 step %scan3A_334  : i32 {
      %scan3A_626 = arith.constant 0 : i32
      %scan3A_627 = arith.constant 25 : i32
      %scan3A_628 = arith.addi %scan3A_626, %scan3A_627 : i32
      %scan3A_629 = arith.constant 1 : i32
      scf.for %scan3A_631 = %scan3A_626 to %scan3A_628 step %scan3A_629  : i32 {
        %mul3A_632 = arith.constant 25 : i32
        %mul3A_633 = arith.muli %scan3A_625, %mul3A_632 : i32
        %add3A_634 = arith.addi %mul3A_633, %scan3A_631 : i32
        %mul3A_635 = arith.constant 16 : i32
        %mul3A_636 = arith.muli %add3A_634, %mul3A_635 : i32
        %get3A_637 = arith.index_cast %mul3A_636 : i32 to index
        %get3A_638 = tpu.vector_load %arg6[%get3A_637] {strides = array<i32>} : memref<6400xi32, #tpu.memory_space<vmem>>, vector<16xi32>,
        %get3A_639 = vector.shape_cast %get3A_638 : vector<16xi32> to vector<16xi32>
        %mul3A_640 = arith.constant 112 : i32
        %mul3A_641 = arith.muli %scan3A_631, %mul3A_640 : i32
        %broadcast_in_dim3A = vector.shape_cast %get3A_76 : vector<16xi32> to vector<16x1xi32>
        %gather3A = vector.shape_cast %broadcast_in_dim3A : vector<16x1xi32> to vector<16xi32>
        %gather3A_642 = tpu.dynamic_gather %get3A_639[%gather3A] in [0] : vector<16xi32>, vector<16xi32> -> vector<16xi32>
        %ne3A_643 = arith.constant 0 : i32
        %ne3A_644 = vector.broadcast %ne3A_643 : i32 to vector<16xi32>
        %ne3A_645 = arith.cmpi ne, %gather3A_642, %ne3A_644 : vector<16xi32>
        %select_n3A_646 = arith.select %ne3A_645, %get3A_41, %get3A_6 : vector<16xi1>, vector<16xf32>
        %add3A_647 = arith.constant 0 : i32
        %add3A_648 = arith.addi %mul3A_641, %add3A_647 : i32
        %swap3A = arith.index_cast %scan3A_625 : i32 to index
        %swap3A_649 = arith.index_cast %add3A_648 : i32 to index
        %swap3A_650 = tpu.vector_load %arg7[%swap3A, %swap3A_649] {strides = array<i32>} : memref<16x2800xf32, #tpu.memory_space<vmem>>, vector<1x16xf32>,
        %swap3A_651 = vector.shape_cast %swap3A_650 : vector<1x16xf32> to vector<16xf32>
        %swap3A_652 = vector.shape_cast %select_n3A_646 : vector<16xf32> to vector<1x16xf32>
        tpu.vector_store %arg7[%swap3A, %swap3A_649], %swap3A_652 {strides = array<i32>} : memref<16x2800xf32, #tpu.memory_space<vmem>>, vector<1x16xf32>,
        %broadcast_in_dim3A_653 = vector.shape_cast %get3A_81 : vector<16xi32> to vector<16x1xi32>
        %gather3A_654 = vector.shape_cast %broadcast_in_dim3A_653 : vector<16x1xi32> to vector<16xi32>
        %gather3A_655 = tpu.dynamic_gather %get3A_639[%gather3A_654] in [0] : vector<16xi32>, vector<16xi32> -> vector<16xi32>
        %ne3A_656 = arith.constant 0 : i32
        %ne3A_657 = vector.broadcast %ne3A_656 : i32 to vector<16xi32>
        %ne3A_658 = arith.cmpi ne, %gather3A_655, %ne3A_657 : vector<16xi32>
        %select_n3A_659 = arith.select %ne3A_658, %get3A_46, %get3A_11 : vector<16xi1>, vector<16xf32>
        %add3A_660 = arith.constant 16 : i32
        %add3A_661 = arith.addi %mul3A_641, %add3A_660 : i32
        %swap3A_662 = arith.index_cast %scan3A_625 : i32 to index
        %swap3A_663 = arith.index_cast %add3A_661 : i32 to index
        %swap3A_664 = tpu.vector_load %arg7[%swap3A_662, %swap3A_663] {strides = array<i32>} : memref<16x2800xf32, #tpu.memory_space<vmem>>, vector<1x16xf32>,
        %swap3A_665 = vector.shape_cast %swap3A_664 : vector<1x16xf32> to vector<16xf32>
        %swap3A_666 = vector.shape_cast %select_n3A_659 : vector<16xf32> to vector<1x16xf32>
        tpu.vector_store %arg7[%swap3A_662, %swap3A_663], %swap3A_666 {strides = array<i32>} : memref<16x2800xf32, #tpu.memory_space<vmem>>, vector<1x16xf32>,
        %broadcast_in_dim3A_667 = vector.shape_cast %get3A_86 : vector<16xi32> to vector<16x1xi32>
        %gather3A_668 = vector.shape_cast %broadcast_in_dim3A_667 : vector<16x1xi32> to vector<16xi32>
        %gather3A_669 = tpu.dynamic_gather %get3A_639[%gather3A_668] in [0] : vector<16xi32>, vector<16xi32> -> vector<16xi32>
        %ne3A_670 = arith.constant 0 : i32
        %ne3A_671 = vector.broadcast %ne3A_670 : i32 to vector<16xi32>
        %ne3A_672 = arith.cmpi ne, %gather3A_669, %ne3A_671 : vector<16xi32>
        %select_n3A_673 = arith.select %ne3A_672, %get3A_51, %get3A_16 : vector<16xi1>, vector<16xf32>
        %add3A_674 = arith.constant 32 : i32
        %add3A_675 = arith.addi %mul3A_641, %add3A_674 : i32
        %swap3A_676 = arith.index_cast %scan3A_625 : i32 to index
        %swap3A_677 = arith.index_cast %add3A_675 : i32 to index
        %swap3A_678 = tpu.vector_load %arg7[%swap3A_676, %swap3A_677] {strides = array<i32>} : memref<16x2800xf32, #tpu.memory_space<vmem>>, vector<1x16xf32>,
        %swap3A_679 = vector.shape_cast %swap3A_678 : vector<1x16xf32> to vector<16xf32>
        %swap3A_680 = vector.shape_cast %select_n3A_673 : vector<16xf32> to vector<1x16xf32>
        tpu.vector_store %arg7[%swap3A_676, %swap3A_677], %swap3A_680 {strides = array<i32>} : memref<16x2800xf32, #tpu.memory_space<vmem>>, vector<1x16xf32>,
        %broadcast_in_dim3A_681 = vector.shape_cast %get3A_91 : vector<16xi32> to vector<16x1xi32>
        %gather3A_682 = vector.shape_cast %broadcast_in_dim3A_681 : vector<16x1xi32> to vector<16xi32>
        %gather3A_683 = tpu.dynamic_gather %get3A_639[%gather3A_682] in [0] : vector<16xi32>, vector<16xi32> -> vector<16xi32>
        %ne3A_684 = arith.constant 0 : i32
        %ne3A_685 = vector.broadcast %ne3A_684 : i32 to vector<16xi32>
        %ne3A_686 = arith.cmpi ne, %gather3A_683, %ne3A_685 : vector<16xi32>
        %select_n3A_687 = arith.select %ne3A_686, %get3A_56, %get3A_21 : vector<16xi1>, vector<16xf32>
        %add3A_688 = arith.constant 48 : i32
        %add3A_689 = arith.addi %mul3A_641, %add3A_688 : i32
        %swap3A_690 = arith.index_cast %scan3A_625 : i32 to index
        %swap3A_691 = arith.index_cast %add3A_689 : i32 to index
        %swap3A_692 = tpu.vector_load %arg7[%swap3A_690, %swap3A_691] {strides = array<i32>} : memref<16x2800xf32, #tpu.memory_space<vmem>>, vector<1x16xf32>,
        %swap3A_693 = vector.shape_cast %swap3A_692 : vector<1x16xf32> to vector<16xf32>
        %swap3A_694 = vector.shape_cast %select_n3A_687 : vector<16xf32> to vector<1x16xf32>
        tpu.vector_store %arg7[%swap3A_690, %swap3A_691], %swap3A_694 {strides = array<i32>} : memref<16x2800xf32, #tpu.memory_space<vmem>>, vector<1x16xf32>,
        %broadcast_in_dim3A_695 = vector.shape_cast %get3A_96 : vector<16xi32> to vector<16x1xi32>
        %gather3A_696 = vector.shape_cast %broadcast_in_dim3A_695 : vector<16x1xi32> to vector<16xi32>
        %gather3A_697 = tpu.dynamic_gather %get3A_639[%gather3A_696] in [0] : vector<16xi32>, vector<16xi32> -> vector<16xi32>
        %ne3A_698 = arith.constant 0 : i32
        %ne3A_699 = vector.broadcast %ne3A_698 : i32 to vector<16xi32>
        %ne3A_700 = arith.cmpi ne, %gather3A_697, %ne3A_699 : vector<16xi32>
        %select_n3A_701 = arith.select %ne3A_700, %get3A_61, %get3A_26 : vector<16xi1>, vector<16xf32>
        %add3A_702 = arith.constant 64 : i32
        %add3A_703 = arith.addi %mul3A_641, %add3A_702 : i32
        %swap3A_704 = arith.index_cast %scan3A_625 : i32 to index
        %swap3A_705 = arith.index_cast %add3A_703 : i32 to index
        %swap3A_706 = tpu.vector_load %arg7[%swap3A_704, %swap3A_705] {strides = array<i32>} : memref<16x2800xf32, #tpu.memory_space<vmem>>, vector<1x16xf32>,
        %swap3A_707 = vector.shape_cast %swap3A_706 : vector<1x16xf32> to vector<16xf32>
        %swap3A_708 = vector.shape_cast %select_n3A_701 : vector<16xf32> to vector<1x16xf32>
        tpu.vector_store %arg7[%swap3A_704, %swap3A_705], %swap3A_708 {strides = array<i32>} : memref<16x2800xf32, #tpu.memory_space<vmem>>, vector<1x16xf32>,
        %broadcast_in_dim3A_709 = vector.shape_cast %get3A_101 : vector<16xi32> to vector<16x1xi32>
        %gather3A_710 = vector.shape_cast %broadcast_in_dim3A_709 : vector<16x1xi32> to vector<16xi32>
        %gather3A_711 = tpu.dynamic_gather %get3A_639[%gather3A_710] in [0] : vector<16xi32>, vector<16xi32> -> vector<16xi32>
        %ne3A_712 = arith.constant 0 : i32
        %ne3A_713 = vector.broadcast %ne3A_712 : i32 to vector<16xi32>
        %ne3A_714 = arith.cmpi ne, %gather3A_711, %ne3A_713 : vector<16xi32>
        %select_n3A_715 = arith.select %ne3A_714, %get3A_66, %get3A_31 : vector<16xi1>, vector<16xf32>
        %add3A_716 = arith.constant 80 : i32
        %add3A_717 = arith.addi %mul3A_641, %add3A_716 : i32
        %swap3A_718 = arith.index_cast %scan3A_625 : i32 to index
        %swap3A_719 = arith.index_cast %add3A_717 : i32 to index
        %swap3A_720 = tpu.vector_load %arg7[%swap3A_718, %swap3A_719] {strides = array<i32>} : memref<16x2800xf32, #tpu.memory_space<vmem>>, vector<1x16xf32>,
        %swap3A_721 = vector.shape_cast %swap3A_720 : vector<1x16xf32> to vector<16xf32>
        %swap3A_722 = vector.shape_cast %select_n3A_715 : vector<16xf32> to vector<1x16xf32>
        tpu.vector_store %arg7[%swap3A_718, %swap3A_719], %swap3A_722 {strides = array<i32>} : memref<16x2800xf32, #tpu.memory_space<vmem>>, vector<1x16xf32>,
        %broadcast_in_dim3A_723 = vector.shape_cast %get3A_106 : vector<16xi32> to vector<16x1xi32>
        %gather3A_724 = vector.shape_cast %broadcast_in_dim3A_723 : vector<16x1xi32> to vector<16xi32>
        %gather3A_725 = tpu.dynamic_gather %get3A_639[%gather3A_724] in [0] : vector<16xi32>, vector<16xi32> -> vector<16xi32>
        %ne3A_726 = arith.constant 0 : i32
        %ne3A_727 = vector.broadcast %ne3A_726 : i32 to vector<16xi32>
        %ne3A_728 = arith.cmpi ne, %gather3A_725, %ne3A_727 : vector<16xi32>
        %select_n3A_729 = arith.select %ne3A_728, %get3A_71, %get3A_36 : vector<16xi1>, vector<16xf32>
        %add3A_730 = arith.constant 96 : i32
        %add3A_731 = arith.addi %mul3A_641, %add3A_730 : i32
        %swap3A_732 = arith.index_cast %scan3A_625 : i32 to index
        %swap3A_733 = arith.index_cast %add3A_731 : i32 to index
        %swap3A_734 = tpu.vector_load %arg7[%swap3A_732, %swap3A_733] {strides = array<i32>} : memref<16x2800xf32, #tpu.memory_space<vmem>>, vector<1x16xf32>,
        %swap3A_735 = vector.shape_cast %swap3A_734 : vector<1x16xf32> to vector<16xf32>
        %swap3A_736 = vector.shape_cast %select_n3A_729 : vector<16xf32> to vector<1x16xf32>
        tpu.vector_store %arg7[%swap3A_732, %swap3A_733], %swap3A_736 {strides = array<i32>} : memref<16x2800xf32, #tpu.memory_space<vmem>>, vector<1x16xf32>,
      }
      %scan3A_630 = arith.constant 25 : i32
    }
    %scan3A_335 = arith.constant 16 : i32
    %jit3A_336 = arith.constant 400 : i32
    %div3A_337 = arith.divsi %add3A_329, %jit3A_336 : i32
    %sign3A_338 = arith.constant 0 : i32
    %sign3A_339 = arith.cmpi sgt, %add3A_329, %sign3A_338 : i32
    %sign3A_340 = arith.extui %sign3A_339 : i1 to i32
    %sign3A_341 = arith.constant 0 : i32
    %sign3A_342 = arith.cmpi slt, %add3A_329, %sign3A_341 : i32
    %sign3A_343 = arith.extui %sign3A_342 : i1 to i32
    %sign3A_344 = arith.subi %sign3A_340, %sign3A_343 : i32
    %sign3A_345 = arith.constant 0 : i32
    %sign3A_346 = arith.cmpi sgt, %jit3A_336, %sign3A_345 : i32
    %sign3A_347 = arith.extui %sign3A_346 : i1 to i32
    %sign3A_348 = arith.constant 0 : i32
    %sign3A_349 = arith.cmpi slt, %jit3A_336, %sign3A_348 : i32
    %sign3A_350 = arith.extui %sign3A_349 : i1 to i32
    %sign3A_351 = arith.subi %sign3A_347, %sign3A_350 : i32
    %ne3A_352 = arith.cmpi ne, %sign3A_344, %sign3A_351 : i32
    %rem3A_353 = arith.remsi %add3A_329, %jit3A_336 : i32
    %ne3A_354 = arith.constant 0 : i32
    %ne3A_355 = arith.cmpi ne, %rem3A_353, %ne3A_354 : i32
    %and3A_356 = arith.andi %ne3A_352, %ne3A_355 : i1
    %sub3A_357 = arith.constant 1 : i32
    %sub3A_358 = arith.subi %div3A_337, %sub3A_357 : i32
    %select_n3A_359 = arith.select %and3A_356, %sub3A_358, %div3A_337 : i32
    %multiple_of3A_360 = tpu.assume_multiple %select_n3A_359, 8 : i32
    "tpu.region"() ({
      %run_scoped3A = tpu.sem_alloc : memref<!tpu.dma_semaphore, #tpu.memory_space<semaphore_mem>>
      %dma_start3A = arith.constant 0 : i32
      %dma_start3A_625 = tpu.memref_slice %arg5[%multiple_of3A_360, %dma_start3A] : memref<8192x2800xf32, #tpu.memory_space<hbm>> -> memref<16x2800xf32, #tpu.memory_space<hbm>>
      %dma_start3A_626 = arith.constant 0 : i32
      %dma_start3A_627 = tpu.memref_slice %arg5[%multiple_of3A_360, %dma_start3A_626] : memref<8192x2800xf32, #tpu.memory_space<hbm>> -> memref<16x2800xf32, #tpu.memory_space<hbm>>
      tpu.enqueue_dma source(%arg7 : memref<16x2800xf32, #tpu.memory_space<vmem>>) target(%dma_start3A_627 : memref<16x2800xf32, #tpu.memory_space<hbm>>) target_semaphore(%run_scoped3A : memref<!tpu.dma_semaphore, #tpu.memory_space<semaphore_mem>>)
      %dma_wait3A = arith.constant 0 : i32
      %dma_wait3A_628 = tpu.memref_slice %arg5[%multiple_of3A_360, %dma_wait3A] : memref<8192x2800xf32, #tpu.memory_space<hbm>> -> memref<16x2800xf32, #tpu.memory_space<hbm>>
      %dma_wait3A_629 = arith.constant 0 : i32
      %dma_wait3A_630 = tpu.memref_slice %arg5[%multiple_of3A_360, %dma_wait3A_629] : memref<8192x2800xf32, #tpu.memory_space<hbm>> -> memref<16x2800xf32, #tpu.memory_space<hbm>>
      tpu.wait_dma2 semaphore(%run_scoped3A : memref<!tpu.dma_semaphore, #tpu.memory_space<semaphore_mem>>) src(%arg7 : memref<16x2800xf32, #tpu.memory_space<vmem>>) dst(%dma_wait3A_630 : memref<16x2800xf32, #tpu.memory_space<hbm>>)
      tpu.yield
    }) : () -> ()
    %add3A_361 = arith.constant 51200 : i32
    %add3A_362 = arith.addi %mul3A_2, %add3A_361 : i32
    "tpu.region"() ({
      %run_scoped3A = tpu.sem_alloc : memref<!tpu.dma_semaphore, #tpu.memory_space<semaphore_mem>>
      %dma_start3A = tpu.memref_slice %arg2[%add3A_362] : memref<3276800xi32, #tpu.memory_space<hbm>> -> memref<6400xi32, #tpu.memory_space<hbm>>
      %dma_start3A_625 = tpu.memref_slice %arg2[%add3A_362] : memref<3276800xi32, #tpu.memory_space<hbm>> -> memref<6400xi32, #tpu.memory_space<hbm>>
      tpu.enqueue_dma source(%dma_start3A_625 : memref<6400xi32, #tpu.memory_space<hbm>>) target(%arg6 : memref<6400xi32, #tpu.memory_space<vmem>>) target_semaphore(%run_scoped3A : memref<!tpu.dma_semaphore, #tpu.memory_space<semaphore_mem>>)
      %dma_wait3A = tpu.memref_slice %arg2[%add3A_362] : memref<3276800xi32, #tpu.memory_space<hbm>> -> memref<6400xi32, #tpu.memory_space<hbm>>
      %dma_wait3A_626 = tpu.memref_slice %arg2[%add3A_362] : memref<3276800xi32, #tpu.memory_space<hbm>> -> memref<6400xi32, #tpu.memory_space<hbm>>
      tpu.wait_dma2 semaphore(%run_scoped3A : memref<!tpu.dma_semaphore, #tpu.memory_space<semaphore_mem>>) src(%dma_wait3A_626 : memref<6400xi32, #tpu.memory_space<hbm>>) dst(%arg6 : memref<6400xi32, #tpu.memory_space<vmem>>)
      tpu.yield
    }) : () -> ()
    %scan3A_363 = arith.constant 0 : i32
    %scan3A_364 = arith.constant 0 : i32
    %scan3A_365 = arith.constant 16 : i32
    %scan3A_366 = arith.addi %scan3A_364, %scan3A_365 : i32
    %scan3A_367 = arith.constant 1 : i32
    scf.for %scan3A_625 = %scan3A_364 to %scan3A_366 step %scan3A_367  : i32 {
      %scan3A_626 = arith.constant 0 : i32
      %scan3A_627 = arith.constant 25 : i32
      %scan3A_628 = arith.addi %scan3A_626, %scan3A_627 : i32
      %scan3A_629 = arith.constant 1 : i32
      scf.for %scan3A_631 = %scan3A_626 to %scan3A_628 step %scan3A_629  : i32 {
        %mul3A_632 = arith.constant 25 : i32
        %mul3A_633 = arith.muli %scan3A_625, %mul3A_632 : i32
        %add3A_634 = arith.addi %mul3A_633, %scan3A_631 : i32
        %mul3A_635 = arith.constant 16 : i32
        %mul3A_636 = arith.muli %add3A_634, %mul3A_635 : i32
        %get3A_637 = arith.index_cast %mul3A_636 : i32 to index
        %get3A_638 = tpu.vector_load %arg6[%get3A_637] {strides = array<i32>} : memref<6400xi32, #tpu.memory_space<vmem>>, vector<16xi32>,
        %get3A_639 = vector.shape_cast %get3A_638 : vector<16xi32> to vector<16xi32>
        %mul3A_640 = arith.constant 112 : i32
        %mul3A_641 = arith.muli %scan3A_631, %mul3A_640 : i32
        %broadcast_in_dim3A = vector.shape_cast %get3A_76 : vector<16xi32> to vector<16x1xi32>
        %gather3A = vector.shape_cast %broadcast_in_dim3A : vector<16x1xi32> to vector<16xi32>
        %gather3A_642 = tpu.dynamic_gather %get3A_639[%gather3A] in [0] : vector<16xi32>, vector<16xi32> -> vector<16xi32>
        %ne3A_643 = arith.constant 0 : i32
        %ne3A_644 = vector.broadcast %ne3A_643 : i32 to vector<16xi32>
        %ne3A_645 = arith.cmpi ne, %gather3A_642, %ne3A_644 : vector<16xi32>
        %select_n3A_646 = arith.select %ne3A_645, %get3A_41, %get3A_6 : vector<16xi1>, vector<16xf32>
        %add3A_647 = arith.constant 0 : i32
        %add3A_648 = arith.addi %mul3A_641, %add3A_647 : i32
        %swap3A = arith.index_cast %scan3A_625 : i32 to index
        %swap3A_649 = arith.index_cast %add3A_648 : i32 to index
        %swap3A_650 = tpu.vector_load %arg7[%swap3A, %swap3A_649] {strides = array<i32>} : memref<16x2800xf32, #tpu.memory_space<vmem>>, vector<1x16xf32>,
        %swap3A_651 = vector.shape_cast %swap3A_650 : vector<1x16xf32> to vector<16xf32>
        %swap3A_652 = vector.shape_cast %select_n3A_646 : vector<16xf32> to vector<1x16xf32>
        tpu.vector_store %arg7[%swap3A, %swap3A_649], %swap3A_652 {strides = array<i32>} : memref<16x2800xf32, #tpu.memory_space<vmem>>, vector<1x16xf32>,
        %broadcast_in_dim3A_653 = vector.shape_cast %get3A_81 : vector<16xi32> to vector<16x1xi32>
        %gather3A_654 = vector.shape_cast %broadcast_in_dim3A_653 : vector<16x1xi32> to vector<16xi32>
        %gather3A_655 = tpu.dynamic_gather %get3A_639[%gather3A_654] in [0] : vector<16xi32>, vector<16xi32> -> vector<16xi32>
        %ne3A_656 = arith.constant 0 : i32
        %ne3A_657 = vector.broadcast %ne3A_656 : i32 to vector<16xi32>
        %ne3A_658 = arith.cmpi ne, %gather3A_655, %ne3A_657 : vector<16xi32>
        %select_n3A_659 = arith.select %ne3A_658, %get3A_46, %get3A_11 : vector<16xi1>, vector<16xf32>
        %add3A_660 = arith.constant 16 : i32
        %add3A_661 = arith.addi %mul3A_641, %add3A_660 : i32
        %swap3A_662 = arith.index_cast %scan3A_625 : i32 to index
        %swap3A_663 = arith.index_cast %add3A_661 : i32 to index
        %swap3A_664 = tpu.vector_load %arg7[%swap3A_662, %swap3A_663] {strides = array<i32>} : memref<16x2800xf32, #tpu.memory_space<vmem>>, vector<1x16xf32>,
        %swap3A_665 = vector.shape_cast %swap3A_664 : vector<1x16xf32> to vector<16xf32>
        %swap3A_666 = vector.shape_cast %select_n3A_659 : vector<16xf32> to vector<1x16xf32>
        tpu.vector_store %arg7[%swap3A_662, %swap3A_663], %swap3A_666 {strides = array<i32>} : memref<16x2800xf32, #tpu.memory_space<vmem>>, vector<1x16xf32>,
        %broadcast_in_dim3A_667 = vector.shape_cast %get3A_86 : vector<16xi32> to vector<16x1xi32>
        %gather3A_668 = vector.shape_cast %broadcast_in_dim3A_667 : vector<16x1xi32> to vector<16xi32>
        %gather3A_669 = tpu.dynamic_gather %get3A_639[%gather3A_668] in [0] : vector<16xi32>, vector<16xi32> -> vector<16xi32>
        %ne3A_670 = arith.constant 0 : i32
        %ne3A_671 = vector.broadcast %ne3A_670 : i32 to vector<16xi32>
        %ne3A_672 = arith.cmpi ne, %gather3A_669, %ne3A_671 : vector<16xi32>
        %select_n3A_673 = arith.select %ne3A_672, %get3A_51, %get3A_16 : vector<16xi1>, vector<16xf32>
        %add3A_674 = arith.constant 32 : i32
        %add3A_675 = arith.addi %mul3A_641, %add3A_674 : i32
        %swap3A_676 = arith.index_cast %scan3A_625 : i32 to index
        %swap3A_677 = arith.index_cast %add3A_675 : i32 to index
        %swap3A_678 = tpu.vector_load %arg7[%swap3A_676, %swap3A_677] {strides = array<i32>} : memref<16x2800xf32, #tpu.memory_space<vmem>>, vector<1x16xf32>,
        %swap3A_679 = vector.shape_cast %swap3A_678 : vector<1x16xf32> to vector<16xf32>
        %swap3A_680 = vector.shape_cast %select_n3A_673 : vector<16xf32> to vector<1x16xf32>
        tpu.vector_store %arg7[%swap3A_676, %swap3A_677], %swap3A_680 {strides = array<i32>} : memref<16x2800xf32, #tpu.memory_space<vmem>>, vector<1x16xf32>,
        %broadcast_in_dim3A_681 = vector.shape_cast %get3A_91 : vector<16xi32> to vector<16x1xi32>
        %gather3A_682 = vector.shape_cast %broadcast_in_dim3A_681 : vector<16x1xi32> to vector<16xi32>
        %gather3A_683 = tpu.dynamic_gather %get3A_639[%gather3A_682] in [0] : vector<16xi32>, vector<16xi32> -> vector<16xi32>
        %ne3A_684 = arith.constant 0 : i32
        %ne3A_685 = vector.broadcast %ne3A_684 : i32 to vector<16xi32>
        %ne3A_686 = arith.cmpi ne, %gather3A_683, %ne3A_685 : vector<16xi32>
        %select_n3A_687 = arith.select %ne3A_686, %get3A_56, %get3A_21 : vector<16xi1>, vector<16xf32>
        %add3A_688 = arith.constant 48 : i32
        %add3A_689 = arith.addi %mul3A_641, %add3A_688 : i32
        %swap3A_690 = arith.index_cast %scan3A_625 : i32 to index
        %swap3A_691 = arith.index_cast %add3A_689 : i32 to index
        %swap3A_692 = tpu.vector_load %arg7[%swap3A_690, %swap3A_691] {strides = array<i32>} : memref<16x2800xf32, #tpu.memory_space<vmem>>, vector<1x16xf32>,
        %swap3A_693 = vector.shape_cast %swap3A_692 : vector<1x16xf32> to vector<16xf32>
        %swap3A_694 = vector.shape_cast %select_n3A_687 : vector<16xf32> to vector<1x16xf32>
        tpu.vector_store %arg7[%swap3A_690, %swap3A_691], %swap3A_694 {strides = array<i32>} : memref<16x2800xf32, #tpu.memory_space<vmem>>, vector<1x16xf32>,
        %broadcast_in_dim3A_695 = vector.shape_cast %get3A_96 : vector<16xi32> to vector<16x1xi32>
        %gather3A_696 = vector.shape_cast %broadcast_in_dim3A_695 : vector<16x1xi32> to vector<16xi32>
        %gather3A_697 = tpu.dynamic_gather %get3A_639[%gather3A_696] in [0] : vector<16xi32>, vector<16xi32> -> vector<16xi32>
        %ne3A_698 = arith.constant 0 : i32
        %ne3A_699 = vector.broadcast %ne3A_698 : i32 to vector<16xi32>
        %ne3A_700 = arith.cmpi ne, %gather3A_697, %ne3A_699 : vector<16xi32>
        %select_n3A_701 = arith.select %ne3A_700, %get3A_61, %get3A_26 : vector<16xi1>, vector<16xf32>
        %add3A_702 = arith.constant 64 : i32
        %add3A_703 = arith.addi %mul3A_641, %add3A_702 : i32
        %swap3A_704 = arith.index_cast %scan3A_625 : i32 to index
        %swap3A_705 = arith.index_cast %add3A_703 : i32 to index
        %swap3A_706 = tpu.vector_load %arg7[%swap3A_704, %swap3A_705] {strides = array<i32>} : memref<16x2800xf32, #tpu.memory_space<vmem>>, vector<1x16xf32>,
        %swap3A_707 = vector.shape_cast %swap3A_706 : vector<1x16xf32> to vector<16xf32>
        %swap3A_708 = vector.shape_cast %select_n3A_701 : vector<16xf32> to vector<1x16xf32>
        tpu.vector_store %arg7[%swap3A_704, %swap3A_705], %swap3A_708 {strides = array<i32>} : memref<16x2800xf32, #tpu.memory_space<vmem>>, vector<1x16xf32>,
        %broadcast_in_dim3A_709 = vector.shape_cast %get3A_101 : vector<16xi32> to vector<16x1xi32>
        %gather3A_710 = vector.shape_cast %broadcast_in_dim3A_709 : vector<16x1xi32> to vector<16xi32>
        %gather3A_711 = tpu.dynamic_gather %get3A_639[%gather3A_710] in [0] : vector<16xi32>, vector<16xi32> -> vector<16xi32>
        %ne3A_712 = arith.constant 0 : i32
        %ne3A_713 = vector.broadcast %ne3A_712 : i32 to vector<16xi32>
        %ne3A_714 = arith.cmpi ne, %gather3A_711, %ne3A_713 : vector<16xi32>
        %select_n3A_715 = arith.select %ne3A_714, %get3A_66, %get3A_31 : vector<16xi1>, vector<16xf32>
        %add3A_716 = arith.constant 80 : i32
        %add3A_717 = arith.addi %mul3A_641, %add3A_716 : i32
        %swap3A_718 = arith.index_cast %scan3A_625 : i32 to index
        %swap3A_719 = arith.index_cast %add3A_717 : i32 to index
        %swap3A_720 = tpu.vector_load %arg7[%swap3A_718, %swap3A_719] {strides = array<i32>} : memref<16x2800xf32, #tpu.memory_space<vmem>>, vector<1x16xf32>,
        %swap3A_721 = vector.shape_cast %swap3A_720 : vector<1x16xf32> to vector<16xf32>
        %swap3A_722 = vector.shape_cast %select_n3A_715 : vector<16xf32> to vector<1x16xf32>
        tpu.vector_store %arg7[%swap3A_718, %swap3A_719], %swap3A_722 {strides = array<i32>} : memref<16x2800xf32, #tpu.memory_space<vmem>>, vector<1x16xf32>,
        %broadcast_in_dim3A_723 = vector.shape_cast %get3A_106 : vector<16xi32> to vector<16x1xi32>
        %gather3A_724 = vector.shape_cast %broadcast_in_dim3A_723 : vector<16x1xi32> to vector<16xi32>
        %gather3A_725 = tpu.dynamic_gather %get3A_639[%gather3A_724] in [0] : vector<16xi32>, vector<16xi32> -> vector<16xi32>
        %ne3A_726 = arith.constant 0 : i32
        %ne3A_727 = vector.broadcast %ne3A_726 : i32 to vector<16xi32>
        %ne3A_728 = arith.cmpi ne, %gather3A_725, %ne3A_727 : vector<16xi32>
        %select_n3A_729 = arith.select %ne3A_728, %get3A_71, %get3A_36 : vector<16xi1>, vector<16xf32>
        %add3A_730 = arith.constant 96 : i32
        %add3A_731 = arith.addi %mul3A_641, %add3A_730 : i32
        %swap3A_732 = arith.index_cast %scan3A_625 : i32 to index
        %swap3A_733 = arith.index_cast %add3A_731 : i32 to index
        %swap3A_734 = tpu.vector_load %arg7[%swap3A_732, %swap3A_733] {strides = array<i32>} : memref<16x2800xf32, #tpu.memory_space<vmem>>, vector<1x16xf32>,
        %swap3A_735 = vector.shape_cast %swap3A_734 : vector<1x16xf32> to vector<16xf32>
        %swap3A_736 = vector.shape_cast %select_n3A_729 : vector<16xf32> to vector<1x16xf32>
        tpu.vector_store %arg7[%swap3A_732, %swap3A_733], %swap3A_736 {strides = array<i32>} : memref<16x2800xf32, #tpu.memory_space<vmem>>, vector<1x16xf32>,
      }
      %scan3A_630 = arith.constant 25 : i32
    }
    %scan3A_368 = arith.constant 16 : i32
    %jit3A_369 = arith.constant 400 : i32
    %div3A_370 = arith.divsi %add3A_362, %jit3A_369 : i32
    %sign3A_371 = arith.constant 0 : i32
    %sign3A_372 = arith.cmpi sgt, %add3A_362, %sign3A_371 : i32
    %sign3A_373 = arith.extui %sign3A_372 : i1 to i32
    %sign3A_374 = arith.constant 0 : i32
    %sign3A_375 = arith.cmpi slt, %add3A_362, %sign3A_374 : i32
    %sign3A_376 = arith.extui %sign3A_375 : i1 to i32
    %sign3A_377 = arith.subi %sign3A_373, %sign3A_376 : i32
    %sign3A_378 = arith.constant 0 : i32
    %sign3A_379 = arith.cmpi sgt, %jit3A_369, %sign3A_378 : i32
    %sign3A_380 = arith.extui %sign3A_379 : i1 to i32
    %sign3A_381 = arith.constant 0 : i32
    %sign3A_382 = arith.cmpi slt, %jit3A_369, %sign3A_381 : i32
    %sign3A_383 = arith.extui %sign3A_382 : i1 to i32
    %sign3A_384 = arith.subi %sign3A_380, %sign3A_383 : i32
    %ne3A_385 = arith.cmpi ne, %sign3A_377, %sign3A_384 : i32
    %rem3A_386 = arith.remsi %add3A_362, %jit3A_369 : i32
    %ne3A_387 = arith.constant 0 : i32
    %ne3A_388 = arith.cmpi ne, %rem3A_386, %ne3A_387 : i32
    %and3A_389 = arith.andi %ne3A_385, %ne3A_388 : i1
    %sub3A_390 = arith.constant 1 : i32
    %sub3A_391 = arith.subi %div3A_370, %sub3A_390 : i32
    %select_n3A_392 = arith.select %and3A_389, %sub3A_391, %div3A_370 : i32
    %multiple_of3A_393 = tpu.assume_multiple %select_n3A_392, 8 : i32
    "tpu.region"() ({
      %run_scoped3A = tpu.sem_alloc : memref<!tpu.dma_semaphore, #tpu.memory_space<semaphore_mem>>
      %dma_start3A = arith.constant 0 : i32
      %dma_start3A_625 = tpu.memref_slice %arg5[%multiple_of3A_393, %dma_start3A] : memref<8192x2800xf32, #tpu.memory_space<hbm>> -> memref<16x2800xf32, #tpu.memory_space<hbm>>
      %dma_start3A_626 = arith.constant 0 : i32
      %dma_start3A_627 = tpu.memref_slice %arg5[%multiple_of3A_393, %dma_start3A_626] : memref<8192x2800xf32, #tpu.memory_space<hbm>> -> memref<16x2800xf32, #tpu.memory_space<hbm>>
      tpu.enqueue_dma source(%arg7 : memref<16x2800xf32, #tpu.memory_space<vmem>>) target(%dma_start3A_627 : memref<16x2800xf32, #tpu.memory_space<hbm>>) target_semaphore(%run_scoped3A : memref<!tpu.dma_semaphore, #tpu.memory_space<semaphore_mem>>)
      %dma_wait3A = arith.constant 0 : i32
      %dma_wait3A_628 = tpu.memref_slice %arg5[%multiple_of3A_393, %dma_wait3A] : memref<8192x2800xf32, #tpu.memory_space<hbm>> -> memref<16x2800xf32, #tpu.memory_space<hbm>>
      %dma_wait3A_629 = arith.constant 0 : i32
      %dma_wait3A_630 = tpu.memref_slice %arg5[%multiple_of3A_393, %dma_wait3A_629] : memref<8192x2800xf32, #tpu.memory_space<hbm>> -> memref<16x2800xf32, #tpu.memory_space<hbm>>
      tpu.wait_dma2 semaphore(%run_scoped3A : memref<!tpu.dma_semaphore, #tpu.memory_space<semaphore_mem>>) src(%arg7 : memref<16x2800xf32, #tpu.memory_space<vmem>>) dst(%dma_wait3A_630 : memref<16x2800xf32, #tpu.memory_space<hbm>>)
      tpu.yield
    }) : () -> ()
    %add3A_394 = arith.constant 57600 : i32
    %add3A_395 = arith.addi %mul3A_2, %add3A_394 : i32
    "tpu.region"() ({
      %run_scoped3A = tpu.sem_alloc : memref<!tpu.dma_semaphore, #tpu.memory_space<semaphore_mem>>
      %dma_start3A = tpu.memref_slice %arg2[%add3A_395] : memref<3276800xi32, #tpu.memory_space<hbm>> -> memref<6400xi32, #tpu.memory_space<hbm>>
      %dma_start3A_625 = tpu.memref_slice %arg2[%add3A_395] : memref<3276800xi32, #tpu.memory_space<hbm>> -> memref<6400xi32, #tpu.memory_space<hbm>>
      tpu.enqueue_dma source(%dma_start3A_625 : memref<6400xi32, #tpu.memory_space<hbm>>) target(%arg6 : memref<6400xi32, #tpu.memory_space<vmem>>) target_semaphore(%run_scoped3A : memref<!tpu.dma_semaphore, #tpu.memory_space<semaphore_mem>>)
      %dma_wait3A = tpu.memref_slice %arg2[%add3A_395] : memref<3276800xi32, #tpu.memory_space<hbm>> -> memref<6400xi32, #tpu.memory_space<hbm>>
      %dma_wait3A_626 = tpu.memref_slice %arg2[%add3A_395] : memref<3276800xi32, #tpu.memory_space<hbm>> -> memref<6400xi32, #tpu.memory_space<hbm>>
      tpu.wait_dma2 semaphore(%run_scoped3A : memref<!tpu.dma_semaphore, #tpu.memory_space<semaphore_mem>>) src(%dma_wait3A_626 : memref<6400xi32, #tpu.memory_space<hbm>>) dst(%arg6 : memref<6400xi32, #tpu.memory_space<vmem>>)
      tpu.yield
    }) : () -> ()
    %scan3A_396 = arith.constant 0 : i32
    %scan3A_397 = arith.constant 0 : i32
    %scan3A_398 = arith.constant 16 : i32
    %scan3A_399 = arith.addi %scan3A_397, %scan3A_398 : i32
    %scan3A_400 = arith.constant 1 : i32
    scf.for %scan3A_625 = %scan3A_397 to %scan3A_399 step %scan3A_400  : i32 {
      %scan3A_626 = arith.constant 0 : i32
      %scan3A_627 = arith.constant 25 : i32
      %scan3A_628 = arith.addi %scan3A_626, %scan3A_627 : i32
      %scan3A_629 = arith.constant 1 : i32
      scf.for %scan3A_631 = %scan3A_626 to %scan3A_628 step %scan3A_629  : i32 {
        %mul3A_632 = arith.constant 25 : i32
        %mul3A_633 = arith.muli %scan3A_625, %mul3A_632 : i32
        %add3A_634 = arith.addi %mul3A_633, %scan3A_631 : i32
        %mul3A_635 = arith.constant 16 : i32
        %mul3A_636 = arith.muli %add3A_634, %mul3A_635 : i32
        %get3A_637 = arith.index_cast %mul3A_636 : i32 to index
        %get3A_638 = tpu.vector_load %arg6[%get3A_637] {strides = array<i32>} : memref<6400xi32, #tpu.memory_space<vmem>>, vector<16xi32>,
        %get3A_639 = vector.shape_cast %get3A_638 : vector<16xi32> to vector<16xi32>
        %mul3A_640 = arith.constant 112 : i32
        %mul3A_641 = arith.muli %scan3A_631, %mul3A_640 : i32
        %broadcast_in_dim3A = vector.shape_cast %get3A_76 : vector<16xi32> to vector<16x1xi32>
        %gather3A = vector.shape_cast %broadcast_in_dim3A : vector<16x1xi32> to vector<16xi32>
        %gather3A_642 = tpu.dynamic_gather %get3A_639[%gather3A] in [0] : vector<16xi32>, vector<16xi32> -> vector<16xi32>
        %ne3A_643 = arith.constant 0 : i32
        %ne3A_644 = vector.broadcast %ne3A_643 : i32 to vector<16xi32>
        %ne3A_645 = arith.cmpi ne, %gather3A_642, %ne3A_644 : vector<16xi32>
        %select_n3A_646 = arith.select %ne3A_645, %get3A_41, %get3A_6 : vector<16xi1>, vector<16xf32>
        %add3A_647 = arith.constant 0 : i32
        %add3A_648 = arith.addi %mul3A_641, %add3A_647 : i32
        %swap3A = arith.index_cast %scan3A_625 : i32 to index
        %swap3A_649 = arith.index_cast %add3A_648 : i32 to index
        %swap3A_650 = tpu.vector_load %arg7[%swap3A, %swap3A_649] {strides = array<i32>} : memref<16x2800xf32, #tpu.memory_space<vmem>>, vector<1x16xf32>,
        %swap3A_651 = vector.shape_cast %swap3A_650 : vector<1x16xf32> to vector<16xf32>
        %swap3A_652 = vector.shape_cast %select_n3A_646 : vector<16xf32> to vector<1x16xf32>
        tpu.vector_store %arg7[%swap3A, %swap3A_649], %swap3A_652 {strides = array<i32>} : memref<16x2800xf32, #tpu.memory_space<vmem>>, vector<1x16xf32>,
        %broadcast_in_dim3A_653 = vector.shape_cast %get3A_81 : vector<16xi32> to vector<16x1xi32>
        %gather3A_654 = vector.shape_cast %broadcast_in_dim3A_653 : vector<16x1xi32> to vector<16xi32>
        %gather3A_655 = tpu.dynamic_gather %get3A_639[%gather3A_654] in [0] : vector<16xi32>, vector<16xi32> -> vector<16xi32>
        %ne3A_656 = arith.constant 0 : i32
        %ne3A_657 = vector.broadcast %ne3A_656 : i32 to vector<16xi32>
        %ne3A_658 = arith.cmpi ne, %gather3A_655, %ne3A_657 : vector<16xi32>
        %select_n3A_659 = arith.select %ne3A_658, %get3A_46, %get3A_11 : vector<16xi1>, vector<16xf32>
        %add3A_660 = arith.constant 16 : i32
        %add3A_661 = arith.addi %mul3A_641, %add3A_660 : i32
        %swap3A_662 = arith.index_cast %scan3A_625 : i32 to index
        %swap3A_663 = arith.index_cast %add3A_661 : i32 to index
        %swap3A_664 = tpu.vector_load %arg7[%swap3A_662, %swap3A_663] {strides = array<i32>} : memref<16x2800xf32, #tpu.memory_space<vmem>>, vector<1x16xf32>,
        %swap3A_665 = vector.shape_cast %swap3A_664 : vector<1x16xf32> to vector<16xf32>
        %swap3A_666 = vector.shape_cast %select_n3A_659 : vector<16xf32> to vector<1x16xf32>
        tpu.vector_store %arg7[%swap3A_662, %swap3A_663], %swap3A_666 {strides = array<i32>} : memref<16x2800xf32, #tpu.memory_space<vmem>>, vector<1x16xf32>,
        %broadcast_in_dim3A_667 = vector.shape_cast %get3A_86 : vector<16xi32> to vector<16x1xi32>
        %gather3A_668 = vector.shape_cast %broadcast_in_dim3A_667 : vector<16x1xi32> to vector<16xi32>
        %gather3A_669 = tpu.dynamic_gather %get3A_639[%gather3A_668] in [0] : vector<16xi32>, vector<16xi32> -> vector<16xi32>
        %ne3A_670 = arith.constant 0 : i32
        %ne3A_671 = vector.broadcast %ne3A_670 : i32 to vector<16xi32>
        %ne3A_672 = arith.cmpi ne, %gather3A_669, %ne3A_671 : vector<16xi32>
        %select_n3A_673 = arith.select %ne3A_672, %get3A_51, %get3A_16 : vector<16xi1>, vector<16xf32>
        %add3A_674 = arith.constant 32 : i32
        %add3A_675 = arith.addi %mul3A_641, %add3A_674 : i32
        %swap3A_676 = arith.index_cast %scan3A_625 : i32 to index
        %swap3A_677 = arith.index_cast %add3A_675 : i32 to index
        %swap3A_678 = tpu.vector_load %arg7[%swap3A_676, %swap3A_677] {strides = array<i32>} : memref<16x2800xf32, #tpu.memory_space<vmem>>, vector<1x16xf32>,
        %swap3A_679 = vector.shape_cast %swap3A_678 : vector<1x16xf32> to vector<16xf32>
        %swap3A_680 = vector.shape_cast %select_n3A_673 : vector<16xf32> to vector<1x16xf32>
        tpu.vector_store %arg7[%swap3A_676, %swap3A_677], %swap3A_680 {strides = array<i32>} : memref<16x2800xf32, #tpu.memory_space<vmem>>, vector<1x16xf32>,
        %broadcast_in_dim3A_681 = vector.shape_cast %get3A_91 : vector<16xi32> to vector<16x1xi32>
        %gather3A_682 = vector.shape_cast %broadcast_in_dim3A_681 : vector<16x1xi32> to vector<16xi32>
        %gather3A_683 = tpu.dynamic_gather %get3A_639[%gather3A_682] in [0] : vector<16xi32>, vector<16xi32> -> vector<16xi32>
        %ne3A_684 = arith.constant 0 : i32
        %ne3A_685 = vector.broadcast %ne3A_684 : i32 to vector<16xi32>
        %ne3A_686 = arith.cmpi ne, %gather3A_683, %ne3A_685 : vector<16xi32>
        %select_n3A_687 = arith.select %ne3A_686, %get3A_56, %get3A_21 : vector<16xi1>, vector<16xf32>
        %add3A_688 = arith.constant 48 : i32
        %add3A_689 = arith.addi %mul3A_641, %add3A_688 : i32
        %swap3A_690 = arith.index_cast %scan3A_625 : i32 to index
        %swap3A_691 = arith.index_cast %add3A_689 : i32 to index
        %swap3A_692 = tpu.vector_load %arg7[%swap3A_690, %swap3A_691] {strides = array<i32>} : memref<16x2800xf32, #tpu.memory_space<vmem>>, vector<1x16xf32>,
        %swap3A_693 = vector.shape_cast %swap3A_692 : vector<1x16xf32> to vector<16xf32>
        %swap3A_694 = vector.shape_cast %select_n3A_687 : vector<16xf32> to vector<1x16xf32>
        tpu.vector_store %arg7[%swap3A_690, %swap3A_691], %swap3A_694 {strides = array<i32>} : memref<16x2800xf32, #tpu.memory_space<vmem>>, vector<1x16xf32>,
        %broadcast_in_dim3A_695 = vector.shape_cast %get3A_96 : vector<16xi32> to vector<16x1xi32>
        %gather3A_696 = vector.shape_cast %broadcast_in_dim3A_695 : vector<16x1xi32> to vector<16xi32>
        %gather3A_697 = tpu.dynamic_gather %get3A_639[%gather3A_696] in [0] : vector<16xi32>, vector<16xi32> -> vector<16xi32>
        %ne3A_698 = arith.constant 0 : i32
        %ne3A_699 = vector.broadcast %ne3A_698 : i32 to vector<16xi32>
        %ne3A_700 = arith.cmpi ne, %gather3A_697, %ne3A_699 : vector<16xi32>
        %select_n3A_701 = arith.select %ne3A_700, %get3A_61, %get3A_26 : vector<16xi1>, vector<16xf32>
        %add3A_702 = arith.constant 64 : i32
        %add3A_703 = arith.addi %mul3A_641, %add3A_702 : i32
        %swap3A_704 = arith.index_cast %scan3A_625 : i32 to index
        %swap3A_705 = arith.index_cast %add3A_703 : i32 to index
        %swap3A_706 = tpu.vector_load %arg7[%swap3A_704, %swap3A_705] {strides = array<i32>} : memref<16x2800xf32, #tpu.memory_space<vmem>>, vector<1x16xf32>,
        %swap3A_707 = vector.shape_cast %swap3A_706 : vector<1x16xf32> to vector<16xf32>
        %swap3A_708 = vector.shape_cast %select_n3A_701 : vector<16xf32> to vector<1x16xf32>
        tpu.vector_store %arg7[%swap3A_704, %swap3A_705], %swap3A_708 {strides = array<i32>} : memref<16x2800xf32, #tpu.memory_space<vmem>>, vector<1x16xf32>,
        %broadcast_in_dim3A_709 = vector.shape_cast %get3A_101 : vector<16xi32> to vector<16x1xi32>
        %gather3A_710 = vector.shape_cast %broadcast_in_dim3A_709 : vector<16x1xi32> to vector<16xi32>
        %gather3A_711 = tpu.dynamic_gather %get3A_639[%gather3A_710] in [0] : vector<16xi32>, vector<16xi32> -> vector<16xi32>
        %ne3A_712 = arith.constant 0 : i32
        %ne3A_713 = vector.broadcast %ne3A_712 : i32 to vector<16xi32>
        %ne3A_714 = arith.cmpi ne, %gather3A_711, %ne3A_713 : vector<16xi32>
        %select_n3A_715 = arith.select %ne3A_714, %get3A_66, %get3A_31 : vector<16xi1>, vector<16xf32>
        %add3A_716 = arith.constant 80 : i32
        %add3A_717 = arith.addi %mul3A_641, %add3A_716 : i32
        %swap3A_718 = arith.index_cast %scan3A_625 : i32 to index
        %swap3A_719 = arith.index_cast %add3A_717 : i32 to index
        %swap3A_720 = tpu.vector_load %arg7[%swap3A_718, %swap3A_719] {strides = array<i32>} : memref<16x2800xf32, #tpu.memory_space<vmem>>, vector<1x16xf32>,
        %swap3A_721 = vector.shape_cast %swap3A_720 : vector<1x16xf32> to vector<16xf32>
        %swap3A_722 = vector.shape_cast %select_n3A_715 : vector<16xf32> to vector<1x16xf32>
        tpu.vector_store %arg7[%swap3A_718, %swap3A_719], %swap3A_722 {strides = array<i32>} : memref<16x2800xf32, #tpu.memory_space<vmem>>, vector<1x16xf32>,
        %broadcast_in_dim3A_723 = vector.shape_cast %get3A_106 : vector<16xi32> to vector<16x1xi32>
        %gather3A_724 = vector.shape_cast %broadcast_in_dim3A_723 : vector<16x1xi32> to vector<16xi32>
        %gather3A_725 = tpu.dynamic_gather %get3A_639[%gather3A_724] in [0] : vector<16xi32>, vector<16xi32> -> vector<16xi32>
        %ne3A_726 = arith.constant 0 : i32
        %ne3A_727 = vector.broadcast %ne3A_726 : i32 to vector<16xi32>
        %ne3A_728 = arith.cmpi ne, %gather3A_725, %ne3A_727 : vector<16xi32>
        %select_n3A_729 = arith.select %ne3A_728, %get3A_71, %get3A_36 : vector<16xi1>, vector<16xf32>
        %add3A_730 = arith.constant 96 : i32
        %add3A_731 = arith.addi %mul3A_641, %add3A_730 : i32
        %swap3A_732 = arith.index_cast %scan3A_625 : i32 to index
        %swap3A_733 = arith.index_cast %add3A_731 : i32 to index
        %swap3A_734 = tpu.vector_load %arg7[%swap3A_732, %swap3A_733] {strides = array<i32>} : memref<16x2800xf32, #tpu.memory_space<vmem>>, vector<1x16xf32>,
        %swap3A_735 = vector.shape_cast %swap3A_734 : vector<1x16xf32> to vector<16xf32>
        %swap3A_736 = vector.shape_cast %select_n3A_729 : vector<16xf32> to vector<1x16xf32>
        tpu.vector_store %arg7[%swap3A_732, %swap3A_733], %swap3A_736 {strides = array<i32>} : memref<16x2800xf32, #tpu.memory_space<vmem>>, vector<1x16xf32>,
      }
      %scan3A_630 = arith.constant 25 : i32
    }
    %scan3A_401 = arith.constant 16 : i32
    %jit3A_402 = arith.constant 400 : i32
    %div3A_403 = arith.divsi %add3A_395, %jit3A_402 : i32
    %sign3A_404 = arith.constant 0 : i32
    %sign3A_405 = arith.cmpi sgt, %add3A_395, %sign3A_404 : i32
    %sign3A_406 = arith.extui %sign3A_405 : i1 to i32
    %sign3A_407 = arith.constant 0 : i32
    %sign3A_408 = arith.cmpi slt, %add3A_395, %sign3A_407 : i32
    %sign3A_409 = arith.extui %sign3A_408 : i1 to i32
    %sign3A_410 = arith.subi %sign3A_406, %sign3A_409 : i32
    %sign3A_411 = arith.constant 0 : i32
    %sign3A_412 = arith.cmpi sgt, %jit3A_402, %sign3A_411 : i32
    %sign3A_413 = arith.extui %sign3A_412 : i1 to i32
    %sign3A_414 = arith.constant 0 : i32
    %sign3A_415 = arith.cmpi slt, %jit3A_402, %sign3A_414 : i32
    %sign3A_416 = arith.extui %sign3A_415 : i1 to i32
    %sign3A_417 = arith.subi %sign3A_413, %sign3A_416 : i32
    %ne3A_418 = arith.cmpi ne, %sign3A_410, %sign3A_417 : i32
    %rem3A_419 = arith.remsi %add3A_395, %jit3A_402 : i32
    %ne3A_420 = arith.constant 0 : i32
    %ne3A_421 = arith.cmpi ne, %rem3A_419, %ne3A_420 : i32
    %and3A_422 = arith.andi %ne3A_418, %ne3A_421 : i1
    %sub3A_423 = arith.constant 1 : i32
    %sub3A_424 = arith.subi %div3A_403, %sub3A_423 : i32
    %select_n3A_425 = arith.select %and3A_422, %sub3A_424, %div3A_403 : i32
    %multiple_of3A_426 = tpu.assume_multiple %select_n3A_425, 8 : i32
    "tpu.region"() ({
      %run_scoped3A = tpu.sem_alloc : memref<!tpu.dma_semaphore, #tpu.memory_space<semaphore_mem>>
      %dma_start3A = arith.constant 0 : i32
      %dma_start3A_625 = tpu.memref_slice %arg5[%multiple_of3A_426, %dma_start3A] : memref<8192x2800xf32, #tpu.memory_space<hbm>> -> memref<16x2800xf32, #tpu.memory_space<hbm>>
      %dma_start3A_626 = arith.constant 0 : i32
      %dma_start3A_627 = tpu.memref_slice %arg5[%multiple_of3A_426, %dma_start3A_626] : memref<8192x2800xf32, #tpu.memory_space<hbm>> -> memref<16x2800xf32, #tpu.memory_space<hbm>>
      tpu.enqueue_dma source(%arg7 : memref<16x2800xf32, #tpu.memory_space<vmem>>) target(%dma_start3A_627 : memref<16x2800xf32, #tpu.memory_space<hbm>>) target_semaphore(%run_scoped3A : memref<!tpu.dma_semaphore, #tpu.memory_space<semaphore_mem>>)
      %dma_wait3A = arith.constant 0 : i32
      %dma_wait3A_628 = tpu.memref_slice %arg5[%multiple_of3A_426, %dma_wait3A] : memref<8192x2800xf32, #tpu.memory_space<hbm>> -> memref<16x2800xf32, #tpu.memory_space<hbm>>
      %dma_wait3A_629 = arith.constant 0 : i32
      %dma_wait3A_630 = tpu.memref_slice %arg5[%multiple_of3A_426, %dma_wait3A_629] : memref<8192x2800xf32, #tpu.memory_space<hbm>> -> memref<16x2800xf32, #tpu.memory_space<hbm>>
      tpu.wait_dma2 semaphore(%run_scoped3A : memref<!tpu.dma_semaphore, #tpu.memory_space<semaphore_mem>>) src(%arg7 : memref<16x2800xf32, #tpu.memory_space<vmem>>) dst(%dma_wait3A_630 : memref<16x2800xf32, #tpu.memory_space<hbm>>)
      tpu.yield
    }) : () -> ()
    %add3A_427 = arith.constant 64000 : i32
    %add3A_428 = arith.addi %mul3A_2, %add3A_427 : i32
    "tpu.region"() ({
      %run_scoped3A = tpu.sem_alloc : memref<!tpu.dma_semaphore, #tpu.memory_space<semaphore_mem>>
      %dma_start3A = tpu.memref_slice %arg2[%add3A_428] : memref<3276800xi32, #tpu.memory_space<hbm>> -> memref<6400xi32, #tpu.memory_space<hbm>>
      %dma_start3A_625 = tpu.memref_slice %arg2[%add3A_428] : memref<3276800xi32, #tpu.memory_space<hbm>> -> memref<6400xi32, #tpu.memory_space<hbm>>
      tpu.enqueue_dma source(%dma_start3A_625 : memref<6400xi32, #tpu.memory_space<hbm>>) target(%arg6 : memref<6400xi32, #tpu.memory_space<vmem>>) target_semaphore(%run_scoped3A : memref<!tpu.dma_semaphore, #tpu.memory_space<semaphore_mem>>)
      %dma_wait3A = tpu.memref_slice %arg2[%add3A_428] : memref<3276800xi32, #tpu.memory_space<hbm>> -> memref<6400xi32, #tpu.memory_space<hbm>>
      %dma_wait3A_626 = tpu.memref_slice %arg2[%add3A_428] : memref<3276800xi32, #tpu.memory_space<hbm>> -> memref<6400xi32, #tpu.memory_space<hbm>>
      tpu.wait_dma2 semaphore(%run_scoped3A : memref<!tpu.dma_semaphore, #tpu.memory_space<semaphore_mem>>) src(%dma_wait3A_626 : memref<6400xi32, #tpu.memory_space<hbm>>) dst(%arg6 : memref<6400xi32, #tpu.memory_space<vmem>>)
      tpu.yield
    }) : () -> ()
    %scan3A_429 = arith.constant 0 : i32
    %scan3A_430 = arith.constant 0 : i32
    %scan3A_431 = arith.constant 16 : i32
    %scan3A_432 = arith.addi %scan3A_430, %scan3A_431 : i32
    %scan3A_433 = arith.constant 1 : i32
    scf.for %scan3A_625 = %scan3A_430 to %scan3A_432 step %scan3A_433  : i32 {
      %scan3A_626 = arith.constant 0 : i32
      %scan3A_627 = arith.constant 25 : i32
      %scan3A_628 = arith.addi %scan3A_626, %scan3A_627 : i32
      %scan3A_629 = arith.constant 1 : i32
      scf.for %scan3A_631 = %scan3A_626 to %scan3A_628 step %scan3A_629  : i32 {
        %mul3A_632 = arith.constant 25 : i32
        %mul3A_633 = arith.muli %scan3A_625, %mul3A_632 : i32
        %add3A_634 = arith.addi %mul3A_633, %scan3A_631 : i32
        %mul3A_635 = arith.constant 16 : i32
        %mul3A_636 = arith.muli %add3A_634, %mul3A_635 : i32
        %get3A_637 = arith.index_cast %mul3A_636 : i32 to index
        %get3A_638 = tpu.vector_load %arg6[%get3A_637] {strides = array<i32>} : memref<6400xi32, #tpu.memory_space<vmem>>, vector<16xi32>,
        %get3A_639 = vector.shape_cast %get3A_638 : vector<16xi32> to vector<16xi32>
        %mul3A_640 = arith.constant 112 : i32
        %mul3A_641 = arith.muli %scan3A_631, %mul3A_640 : i32
        %broadcast_in_dim3A = vector.shape_cast %get3A_76 : vector<16xi32> to vector<16x1xi32>
        %gather3A = vector.shape_cast %broadcast_in_dim3A : vector<16x1xi32> to vector<16xi32>
        %gather3A_642 = tpu.dynamic_gather %get3A_639[%gather3A] in [0] : vector<16xi32>, vector<16xi32> -> vector<16xi32>
        %ne3A_643 = arith.constant 0 : i32
        %ne3A_644 = vector.broadcast %ne3A_643 : i32 to vector<16xi32>
        %ne3A_645 = arith.cmpi ne, %gather3A_642, %ne3A_644 : vector<16xi32>
        %select_n3A_646 = arith.select %ne3A_645, %get3A_41, %get3A_6 : vector<16xi1>, vector<16xf32>
        %add3A_647 = arith.constant 0 : i32
        %add3A_648 = arith.addi %mul3A_641, %add3A_647 : i32
        %swap3A = arith.index_cast %scan3A_625 : i32 to index
        %swap3A_649 = arith.index_cast %add3A_648 : i32 to index
        %swap3A_650 = tpu.vector_load %arg7[%swap3A, %swap3A_649] {strides = array<i32>} : memref<16x2800xf32, #tpu.memory_space<vmem>>, vector<1x16xf32>,
        %swap3A_651 = vector.shape_cast %swap3A_650 : vector<1x16xf32> to vector<16xf32>
        %swap3A_652 = vector.shape_cast %select_n3A_646 : vector<16xf32> to vector<1x16xf32>
        tpu.vector_store %arg7[%swap3A, %swap3A_649], %swap3A_652 {strides = array<i32>} : memref<16x2800xf32, #tpu.memory_space<vmem>>, vector<1x16xf32>,
        %broadcast_in_dim3A_653 = vector.shape_cast %get3A_81 : vector<16xi32> to vector<16x1xi32>
        %gather3A_654 = vector.shape_cast %broadcast_in_dim3A_653 : vector<16x1xi32> to vector<16xi32>
        %gather3A_655 = tpu.dynamic_gather %get3A_639[%gather3A_654] in [0] : vector<16xi32>, vector<16xi32> -> vector<16xi32>
        %ne3A_656 = arith.constant 0 : i32
        %ne3A_657 = vector.broadcast %ne3A_656 : i32 to vector<16xi32>
        %ne3A_658 = arith.cmpi ne, %gather3A_655, %ne3A_657 : vector<16xi32>
        %select_n3A_659 = arith.select %ne3A_658, %get3A_46, %get3A_11 : vector<16xi1>, vector<16xf32>
        %add3A_660 = arith.constant 16 : i32
        %add3A_661 = arith.addi %mul3A_641, %add3A_660 : i32
        %swap3A_662 = arith.index_cast %scan3A_625 : i32 to index
        %swap3A_663 = arith.index_cast %add3A_661 : i32 to index
        %swap3A_664 = tpu.vector_load %arg7[%swap3A_662, %swap3A_663] {strides = array<i32>} : memref<16x2800xf32, #tpu.memory_space<vmem>>, vector<1x16xf32>,
        %swap3A_665 = vector.shape_cast %swap3A_664 : vector<1x16xf32> to vector<16xf32>
        %swap3A_666 = vector.shape_cast %select_n3A_659 : vector<16xf32> to vector<1x16xf32>
        tpu.vector_store %arg7[%swap3A_662, %swap3A_663], %swap3A_666 {strides = array<i32>} : memref<16x2800xf32, #tpu.memory_space<vmem>>, vector<1x16xf32>,
        %broadcast_in_dim3A_667 = vector.shape_cast %get3A_86 : vector<16xi32> to vector<16x1xi32>
        %gather3A_668 = vector.shape_cast %broadcast_in_dim3A_667 : vector<16x1xi32> to vector<16xi32>
        %gather3A_669 = tpu.dynamic_gather %get3A_639[%gather3A_668] in [0] : vector<16xi32>, vector<16xi32> -> vector<16xi32>
        %ne3A_670 = arith.constant 0 : i32
        %ne3A_671 = vector.broadcast %ne3A_670 : i32 to vector<16xi32>
        %ne3A_672 = arith.cmpi ne, %gather3A_669, %ne3A_671 : vector<16xi32>
        %select_n3A_673 = arith.select %ne3A_672, %get3A_51, %get3A_16 : vector<16xi1>, vector<16xf32>
        %add3A_674 = arith.constant 32 : i32
        %add3A_675 = arith.addi %mul3A_641, %add3A_674 : i32
        %swap3A_676 = arith.index_cast %scan3A_625 : i32 to index
        %swap3A_677 = arith.index_cast %add3A_675 : i32 to index
        %swap3A_678 = tpu.vector_load %arg7[%swap3A_676, %swap3A_677] {strides = array<i32>} : memref<16x2800xf32, #tpu.memory_space<vmem>>, vector<1x16xf32>,
        %swap3A_679 = vector.shape_cast %swap3A_678 : vector<1x16xf32> to vector<16xf32>
        %swap3A_680 = vector.shape_cast %select_n3A_673 : vector<16xf32> to vector<1x16xf32>
        tpu.vector_store %arg7[%swap3A_676, %swap3A_677], %swap3A_680 {strides = array<i32>} : memref<16x2800xf32, #tpu.memory_space<vmem>>, vector<1x16xf32>,
        %broadcast_in_dim3A_681 = vector.shape_cast %get3A_91 : vector<16xi32> to vector<16x1xi32>
        %gather3A_682 = vector.shape_cast %broadcast_in_dim3A_681 : vector<16x1xi32> to vector<16xi32>
        %gather3A_683 = tpu.dynamic_gather %get3A_639[%gather3A_682] in [0] : vector<16xi32>, vector<16xi32> -> vector<16xi32>
        %ne3A_684 = arith.constant 0 : i32
        %ne3A_685 = vector.broadcast %ne3A_684 : i32 to vector<16xi32>
        %ne3A_686 = arith.cmpi ne, %gather3A_683, %ne3A_685 : vector<16xi32>
        %select_n3A_687 = arith.select %ne3A_686, %get3A_56, %get3A_21 : vector<16xi1>, vector<16xf32>
        %add3A_688 = arith.constant 48 : i32
        %add3A_689 = arith.addi %mul3A_641, %add3A_688 : i32
        %swap3A_690 = arith.index_cast %scan3A_625 : i32 to index
        %swap3A_691 = arith.index_cast %add3A_689 : i32 to index
        %swap3A_692 = tpu.vector_load %arg7[%swap3A_690, %swap3A_691] {strides = array<i32>} : memref<16x2800xf32, #tpu.memory_space<vmem>>, vector<1x16xf32>,
        %swap3A_693 = vector.shape_cast %swap3A_692 : vector<1x16xf32> to vector<16xf32>
        %swap3A_694 = vector.shape_cast %select_n3A_687 : vector<16xf32> to vector<1x16xf32>
        tpu.vector_store %arg7[%swap3A_690, %swap3A_691], %swap3A_694 {strides = array<i32>} : memref<16x2800xf32, #tpu.memory_space<vmem>>, vector<1x16xf32>,
        %broadcast_in_dim3A_695 = vector.shape_cast %get3A_96 : vector<16xi32> to vector<16x1xi32>
        %gather3A_696 = vector.shape_cast %broadcast_in_dim3A_695 : vector<16x1xi32> to vector<16xi32>
        %gather3A_697 = tpu.dynamic_gather %get3A_639[%gather3A_696] in [0] : vector<16xi32>, vector<16xi32> -> vector<16xi32>
        %ne3A_698 = arith.constant 0 : i32
        %ne3A_699 = vector.broadcast %ne3A_698 : i32 to vector<16xi32>
        %ne3A_700 = arith.cmpi ne, %gather3A_697, %ne3A_699 : vector<16xi32>
        %select_n3A_701 = arith.select %ne3A_700, %get3A_61, %get3A_26 : vector<16xi1>, vector<16xf32>
        %add3A_702 = arith.constant 64 : i32
        %add3A_703 = arith.addi %mul3A_641, %add3A_702 : i32
        %swap3A_704 = arith.index_cast %scan3A_625 : i32 to index
        %swap3A_705 = arith.index_cast %add3A_703 : i32 to index
        %swap3A_706 = tpu.vector_load %arg7[%swap3A_704, %swap3A_705] {strides = array<i32>} : memref<16x2800xf32, #tpu.memory_space<vmem>>, vector<1x16xf32>,
        %swap3A_707 = vector.shape_cast %swap3A_706 : vector<1x16xf32> to vector<16xf32>
        %swap3A_708 = vector.shape_cast %select_n3A_701 : vector<16xf32> to vector<1x16xf32>
        tpu.vector_store %arg7[%swap3A_704, %swap3A_705], %swap3A_708 {strides = array<i32>} : memref<16x2800xf32, #tpu.memory_space<vmem>>, vector<1x16xf32>,
        %broadcast_in_dim3A_709 = vector.shape_cast %get3A_101 : vector<16xi32> to vector<16x1xi32>
        %gather3A_710 = vector.shape_cast %broadcast_in_dim3A_709 : vector<16x1xi32> to vector<16xi32>
        %gather3A_711 = tpu.dynamic_gather %get3A_639[%gather3A_710] in [0] : vector<16xi32>, vector<16xi32> -> vector<16xi32>
        %ne3A_712 = arith.constant 0 : i32
        %ne3A_713 = vector.broadcast %ne3A_712 : i32 to vector<16xi32>
        %ne3A_714 = arith.cmpi ne, %gather3A_711, %ne3A_713 : vector<16xi32>
        %select_n3A_715 = arith.select %ne3A_714, %get3A_66, %get3A_31 : vector<16xi1>, vector<16xf32>
        %add3A_716 = arith.constant 80 : i32
        %add3A_717 = arith.addi %mul3A_641, %add3A_716 : i32
        %swap3A_718 = arith.index_cast %scan3A_625 : i32 to index
        %swap3A_719 = arith.index_cast %add3A_717 : i32 to index
        %swap3A_720 = tpu.vector_load %arg7[%swap3A_718, %swap3A_719] {strides = array<i32>} : memref<16x2800xf32, #tpu.memory_space<vmem>>, vector<1x16xf32>,
        %swap3A_721 = vector.shape_cast %swap3A_720 : vector<1x16xf32> to vector<16xf32>
        %swap3A_722 = vector.shape_cast %select_n3A_715 : vector<16xf32> to vector<1x16xf32>
        tpu.vector_store %arg7[%swap3A_718, %swap3A_719], %swap3A_722 {strides = array<i32>} : memref<16x2800xf32, #tpu.memory_space<vmem>>, vector<1x16xf32>,
        %broadcast_in_dim3A_723 = vector.shape_cast %get3A_106 : vector<16xi32> to vector<16x1xi32>
        %gather3A_724 = vector.shape_cast %broadcast_in_dim3A_723 : vector<16x1xi32> to vector<16xi32>
        %gather3A_725 = tpu.dynamic_gather %get3A_639[%gather3A_724] in [0] : vector<16xi32>, vector<16xi32> -> vector<16xi32>
        %ne3A_726 = arith.constant 0 : i32
        %ne3A_727 = vector.broadcast %ne3A_726 : i32 to vector<16xi32>
        %ne3A_728 = arith.cmpi ne, %gather3A_725, %ne3A_727 : vector<16xi32>
        %select_n3A_729 = arith.select %ne3A_728, %get3A_71, %get3A_36 : vector<16xi1>, vector<16xf32>
        %add3A_730 = arith.constant 96 : i32
        %add3A_731 = arith.addi %mul3A_641, %add3A_730 : i32
        %swap3A_732 = arith.index_cast %scan3A_625 : i32 to index
        %swap3A_733 = arith.index_cast %add3A_731 : i32 to index
        %swap3A_734 = tpu.vector_load %arg7[%swap3A_732, %swap3A_733] {strides = array<i32>} : memref<16x2800xf32, #tpu.memory_space<vmem>>, vector<1x16xf32>,
        %swap3A_735 = vector.shape_cast %swap3A_734 : vector<1x16xf32> to vector<16xf32>
        %swap3A_736 = vector.shape_cast %select_n3A_729 : vector<16xf32> to vector<1x16xf32>
        tpu.vector_store %arg7[%swap3A_732, %swap3A_733], %swap3A_736 {strides = array<i32>} : memref<16x2800xf32, #tpu.memory_space<vmem>>, vector<1x16xf32>,
      }
      %scan3A_630 = arith.constant 25 : i32
    }
    %scan3A_434 = arith.constant 16 : i32
    %jit3A_435 = arith.constant 400 : i32
    %div3A_436 = arith.divsi %add3A_428, %jit3A_435 : i32
    %sign3A_437 = arith.constant 0 : i32
    %sign3A_438 = arith.cmpi sgt, %add3A_428, %sign3A_437 : i32
    %sign3A_439 = arith.extui %sign3A_438 : i1 to i32
    %sign3A_440 = arith.constant 0 : i32
    %sign3A_441 = arith.cmpi slt, %add3A_428, %sign3A_440 : i32
    %sign3A_442 = arith.extui %sign3A_441 : i1 to i32
    %sign3A_443 = arith.subi %sign3A_439, %sign3A_442 : i32
    %sign3A_444 = arith.constant 0 : i32
    %sign3A_445 = arith.cmpi sgt, %jit3A_435, %sign3A_444 : i32
    %sign3A_446 = arith.extui %sign3A_445 : i1 to i32
    %sign3A_447 = arith.constant 0 : i32
    %sign3A_448 = arith.cmpi slt, %jit3A_435, %sign3A_447 : i32
    %sign3A_449 = arith.extui %sign3A_448 : i1 to i32
    %sign3A_450 = arith.subi %sign3A_446, %sign3A_449 : i32
    %ne3A_451 = arith.cmpi ne, %sign3A_443, %sign3A_450 : i32
    %rem3A_452 = arith.remsi %add3A_428, %jit3A_435 : i32
    %ne3A_453 = arith.constant 0 : i32
    %ne3A_454 = arith.cmpi ne, %rem3A_452, %ne3A_453 : i32
    %and3A_455 = arith.andi %ne3A_451, %ne3A_454 : i1
    %sub3A_456 = arith.constant 1 : i32
    %sub3A_457 = arith.subi %div3A_436, %sub3A_456 : i32
    %select_n3A_458 = arith.select %and3A_455, %sub3A_457, %div3A_436 : i32
    %multiple_of3A_459 = tpu.assume_multiple %select_n3A_458, 8 : i32
    "tpu.region"() ({
      %run_scoped3A = tpu.sem_alloc : memref<!tpu.dma_semaphore, #tpu.memory_space<semaphore_mem>>
      %dma_start3A = arith.constant 0 : i32
      %dma_start3A_625 = tpu.memref_slice %arg5[%multiple_of3A_459, %dma_start3A] : memref<8192x2800xf32, #tpu.memory_space<hbm>> -> memref<16x2800xf32, #tpu.memory_space<hbm>>
      %dma_start3A_626 = arith.constant 0 : i32
      %dma_start3A_627 = tpu.memref_slice %arg5[%multiple_of3A_459, %dma_start3A_626] : memref<8192x2800xf32, #tpu.memory_space<hbm>> -> memref<16x2800xf32, #tpu.memory_space<hbm>>
      tpu.enqueue_dma source(%arg7 : memref<16x2800xf32, #tpu.memory_space<vmem>>) target(%dma_start3A_627 : memref<16x2800xf32, #tpu.memory_space<hbm>>) target_semaphore(%run_scoped3A : memref<!tpu.dma_semaphore, #tpu.memory_space<semaphore_mem>>)
      %dma_wait3A = arith.constant 0 : i32
      %dma_wait3A_628 = tpu.memref_slice %arg5[%multiple_of3A_459, %dma_wait3A] : memref<8192x2800xf32, #tpu.memory_space<hbm>> -> memref<16x2800xf32, #tpu.memory_space<hbm>>
      %dma_wait3A_629 = arith.constant 0 : i32
      %dma_wait3A_630 = tpu.memref_slice %arg5[%multiple_of3A_459, %dma_wait3A_629] : memref<8192x2800xf32, #tpu.memory_space<hbm>> -> memref<16x2800xf32, #tpu.memory_space<hbm>>
      tpu.wait_dma2 semaphore(%run_scoped3A : memref<!tpu.dma_semaphore, #tpu.memory_space<semaphore_mem>>) src(%arg7 : memref<16x2800xf32, #tpu.memory_space<vmem>>) dst(%dma_wait3A_630 : memref<16x2800xf32, #tpu.memory_space<hbm>>)
      tpu.yield
    }) : () -> ()
    %add3A_460 = arith.constant 70400 : i32
    %add3A_461 = arith.addi %mul3A_2, %add3A_460 : i32
    "tpu.region"() ({
      %run_scoped3A = tpu.sem_alloc : memref<!tpu.dma_semaphore, #tpu.memory_space<semaphore_mem>>
      %dma_start3A = tpu.memref_slice %arg2[%add3A_461] : memref<3276800xi32, #tpu.memory_space<hbm>> -> memref<6400xi32, #tpu.memory_space<hbm>>
      %dma_start3A_625 = tpu.memref_slice %arg2[%add3A_461] : memref<3276800xi32, #tpu.memory_space<hbm>> -> memref<6400xi32, #tpu.memory_space<hbm>>
      tpu.enqueue_dma source(%dma_start3A_625 : memref<6400xi32, #tpu.memory_space<hbm>>) target(%arg6 : memref<6400xi32, #tpu.memory_space<vmem>>) target_semaphore(%run_scoped3A : memref<!tpu.dma_semaphore, #tpu.memory_space<semaphore_mem>>)
      %dma_wait3A = tpu.memref_slice %arg2[%add3A_461] : memref<3276800xi32, #tpu.memory_space<hbm>> -> memref<6400xi32, #tpu.memory_space<hbm>>
      %dma_wait3A_626 = tpu.memref_slice %arg2[%add3A_461] : memref<3276800xi32, #tpu.memory_space<hbm>> -> memref<6400xi32, #tpu.memory_space<hbm>>
      tpu.wait_dma2 semaphore(%run_scoped3A : memref<!tpu.dma_semaphore, #tpu.memory_space<semaphore_mem>>) src(%dma_wait3A_626 : memref<6400xi32, #tpu.memory_space<hbm>>) dst(%arg6 : memref<6400xi32, #tpu.memory_space<vmem>>)
      tpu.yield
    }) : () -> ()
    %scan3A_462 = arith.constant 0 : i32
    %scan3A_463 = arith.constant 0 : i32
    %scan3A_464 = arith.constant 16 : i32
    %scan3A_465 = arith.addi %scan3A_463, %scan3A_464 : i32
    %scan3A_466 = arith.constant 1 : i32
    scf.for %scan3A_625 = %scan3A_463 to %scan3A_465 step %scan3A_466  : i32 {
      %scan3A_626 = arith.constant 0 : i32
      %scan3A_627 = arith.constant 25 : i32
      %scan3A_628 = arith.addi %scan3A_626, %scan3A_627 : i32
      %scan3A_629 = arith.constant 1 : i32
      scf.for %scan3A_631 = %scan3A_626 to %scan3A_628 step %scan3A_629  : i32 {
        %mul3A_632 = arith.constant 25 : i32
        %mul3A_633 = arith.muli %scan3A_625, %mul3A_632 : i32
        %add3A_634 = arith.addi %mul3A_633, %scan3A_631 : i32
        %mul3A_635 = arith.constant 16 : i32
        %mul3A_636 = arith.muli %add3A_634, %mul3A_635 : i32
        %get3A_637 = arith.index_cast %mul3A_636 : i32 to index
        %get3A_638 = tpu.vector_load %arg6[%get3A_637] {strides = array<i32>} : memref<6400xi32, #tpu.memory_space<vmem>>, vector<16xi32>,
        %get3A_639 = vector.shape_cast %get3A_638 : vector<16xi32> to vector<16xi32>
        %mul3A_640 = arith.constant 112 : i32
        %mul3A_641 = arith.muli %scan3A_631, %mul3A_640 : i32
        %broadcast_in_dim3A = vector.shape_cast %get3A_76 : vector<16xi32> to vector<16x1xi32>
        %gather3A = vector.shape_cast %broadcast_in_dim3A : vector<16x1xi32> to vector<16xi32>
        %gather3A_642 = tpu.dynamic_gather %get3A_639[%gather3A] in [0] : vector<16xi32>, vector<16xi32> -> vector<16xi32>
        %ne3A_643 = arith.constant 0 : i32
        %ne3A_644 = vector.broadcast %ne3A_643 : i32 to vector<16xi32>
        %ne3A_645 = arith.cmpi ne, %gather3A_642, %ne3A_644 : vector<16xi32>
        %select_n3A_646 = arith.select %ne3A_645, %get3A_41, %get3A_6 : vector<16xi1>, vector<16xf32>
        %add3A_647 = arith.constant 0 : i32
        %add3A_648 = arith.addi %mul3A_641, %add3A_647 : i32
        %swap3A = arith.index_cast %scan3A_625 : i32 to index
        %swap3A_649 = arith.index_cast %add3A_648 : i32 to index
        %swap3A_650 = tpu.vector_load %arg7[%swap3A, %swap3A_649] {strides = array<i32>} : memref<16x2800xf32, #tpu.memory_space<vmem>>, vector<1x16xf32>,
        %swap3A_651 = vector.shape_cast %swap3A_650 : vector<1x16xf32> to vector<16xf32>
        %swap3A_652 = vector.shape_cast %select_n3A_646 : vector<16xf32> to vector<1x16xf32>
        tpu.vector_store %arg7[%swap3A, %swap3A_649], %swap3A_652 {strides = array<i32>} : memref<16x2800xf32, #tpu.memory_space<vmem>>, vector<1x16xf32>,
        %broadcast_in_dim3A_653 = vector.shape_cast %get3A_81 : vector<16xi32> to vector<16x1xi32>
        %gather3A_654 = vector.shape_cast %broadcast_in_dim3A_653 : vector<16x1xi32> to vector<16xi32>
        %gather3A_655 = tpu.dynamic_gather %get3A_639[%gather3A_654] in [0] : vector<16xi32>, vector<16xi32> -> vector<16xi32>
        %ne3A_656 = arith.constant 0 : i32
        %ne3A_657 = vector.broadcast %ne3A_656 : i32 to vector<16xi32>
        %ne3A_658 = arith.cmpi ne, %gather3A_655, %ne3A_657 : vector<16xi32>
        %select_n3A_659 = arith.select %ne3A_658, %get3A_46, %get3A_11 : vector<16xi1>, vector<16xf32>
        %add3A_660 = arith.constant 16 : i32
        %add3A_661 = arith.addi %mul3A_641, %add3A_660 : i32
        %swap3A_662 = arith.index_cast %scan3A_625 : i32 to index
        %swap3A_663 = arith.index_cast %add3A_661 : i32 to index
        %swap3A_664 = tpu.vector_load %arg7[%swap3A_662, %swap3A_663] {strides = array<i32>} : memref<16x2800xf32, #tpu.memory_space<vmem>>, vector<1x16xf32>,
        %swap3A_665 = vector.shape_cast %swap3A_664 : vector<1x16xf32> to vector<16xf32>
        %swap3A_666 = vector.shape_cast %select_n3A_659 : vector<16xf32> to vector<1x16xf32>
        tpu.vector_store %arg7[%swap3A_662, %swap3A_663], %swap3A_666 {strides = array<i32>} : memref<16x2800xf32, #tpu.memory_space<vmem>>, vector<1x16xf32>,
        %broadcast_in_dim3A_667 = vector.shape_cast %get3A_86 : vector<16xi32> to vector<16x1xi32>
        %gather3A_668 = vector.shape_cast %broadcast_in_dim3A_667 : vector<16x1xi32> to vector<16xi32>
        %gather3A_669 = tpu.dynamic_gather %get3A_639[%gather3A_668] in [0] : vector<16xi32>, vector<16xi32> -> vector<16xi32>
        %ne3A_670 = arith.constant 0 : i32
        %ne3A_671 = vector.broadcast %ne3A_670 : i32 to vector<16xi32>
        %ne3A_672 = arith.cmpi ne, %gather3A_669, %ne3A_671 : vector<16xi32>
        %select_n3A_673 = arith.select %ne3A_672, %get3A_51, %get3A_16 : vector<16xi1>, vector<16xf32>
        %add3A_674 = arith.constant 32 : i32
        %add3A_675 = arith.addi %mul3A_641, %add3A_674 : i32
        %swap3A_676 = arith.index_cast %scan3A_625 : i32 to index
        %swap3A_677 = arith.index_cast %add3A_675 : i32 to index
        %swap3A_678 = tpu.vector_load %arg7[%swap3A_676, %swap3A_677] {strides = array<i32>} : memref<16x2800xf32, #tpu.memory_space<vmem>>, vector<1x16xf32>,
        %swap3A_679 = vector.shape_cast %swap3A_678 : vector<1x16xf32> to vector<16xf32>
        %swap3A_680 = vector.shape_cast %select_n3A_673 : vector<16xf32> to vector<1x16xf32>
        tpu.vector_store %arg7[%swap3A_676, %swap3A_677], %swap3A_680 {strides = array<i32>} : memref<16x2800xf32, #tpu.memory_space<vmem>>, vector<1x16xf32>,
        %broadcast_in_dim3A_681 = vector.shape_cast %get3A_91 : vector<16xi32> to vector<16x1xi32>
        %gather3A_682 = vector.shape_cast %broadcast_in_dim3A_681 : vector<16x1xi32> to vector<16xi32>
        %gather3A_683 = tpu.dynamic_gather %get3A_639[%gather3A_682] in [0] : vector<16xi32>, vector<16xi32> -> vector<16xi32>
        %ne3A_684 = arith.constant 0 : i32
        %ne3A_685 = vector.broadcast %ne3A_684 : i32 to vector<16xi32>
        %ne3A_686 = arith.cmpi ne, %gather3A_683, %ne3A_685 : vector<16xi32>
        %select_n3A_687 = arith.select %ne3A_686, %get3A_56, %get3A_21 : vector<16xi1>, vector<16xf32>
        %add3A_688 = arith.constant 48 : i32
        %add3A_689 = arith.addi %mul3A_641, %add3A_688 : i32
        %swap3A_690 = arith.index_cast %scan3A_625 : i32 to index
        %swap3A_691 = arith.index_cast %add3A_689 : i32 to index
        %swap3A_692 = tpu.vector_load %arg7[%swap3A_690, %swap3A_691] {strides = array<i32>} : memref<16x2800xf32, #tpu.memory_space<vmem>>, vector<1x16xf32>,
        %swap3A_693 = vector.shape_cast %swap3A_692 : vector<1x16xf32> to vector<16xf32>
        %swap3A_694 = vector.shape_cast %select_n3A_687 : vector<16xf32> to vector<1x16xf32>
        tpu.vector_store %arg7[%swap3A_690, %swap3A_691], %swap3A_694 {strides = array<i32>} : memref<16x2800xf32, #tpu.memory_space<vmem>>, vector<1x16xf32>,
        %broadcast_in_dim3A_695 = vector.shape_cast %get3A_96 : vector<16xi32> to vector<16x1xi32>
        %gather3A_696 = vector.shape_cast %broadcast_in_dim3A_695 : vector<16x1xi32> to vector<16xi32>
        %gather3A_697 = tpu.dynamic_gather %get3A_639[%gather3A_696] in [0] : vector<16xi32>, vector<16xi32> -> vector<16xi32>
        %ne3A_698 = arith.constant 0 : i32
        %ne3A_699 = vector.broadcast %ne3A_698 : i32 to vector<16xi32>
        %ne3A_700 = arith.cmpi ne, %gather3A_697, %ne3A_699 : vector<16xi32>
        %select_n3A_701 = arith.select %ne3A_700, %get3A_61, %get3A_26 : vector<16xi1>, vector<16xf32>
        %add3A_702 = arith.constant 64 : i32
        %add3A_703 = arith.addi %mul3A_641, %add3A_702 : i32
        %swap3A_704 = arith.index_cast %scan3A_625 : i32 to index
        %swap3A_705 = arith.index_cast %add3A_703 : i32 to index
        %swap3A_706 = tpu.vector_load %arg7[%swap3A_704, %swap3A_705] {strides = array<i32>} : memref<16x2800xf32, #tpu.memory_space<vmem>>, vector<1x16xf32>,
        %swap3A_707 = vector.shape_cast %swap3A_706 : vector<1x16xf32> to vector<16xf32>
        %swap3A_708 = vector.shape_cast %select_n3A_701 : vector<16xf32> to vector<1x16xf32>
        tpu.vector_store %arg7[%swap3A_704, %swap3A_705], %swap3A_708 {strides = array<i32>} : memref<16x2800xf32, #tpu.memory_space<vmem>>, vector<1x16xf32>,
        %broadcast_in_dim3A_709 = vector.shape_cast %get3A_101 : vector<16xi32> to vector<16x1xi32>
        %gather3A_710 = vector.shape_cast %broadcast_in_dim3A_709 : vector<16x1xi32> to vector<16xi32>
        %gather3A_711 = tpu.dynamic_gather %get3A_639[%gather3A_710] in [0] : vector<16xi32>, vector<16xi32> -> vector<16xi32>
        %ne3A_712 = arith.constant 0 : i32
        %ne3A_713 = vector.broadcast %ne3A_712 : i32 to vector<16xi32>
        %ne3A_714 = arith.cmpi ne, %gather3A_711, %ne3A_713 : vector<16xi32>
        %select_n3A_715 = arith.select %ne3A_714, %get3A_66, %get3A_31 : vector<16xi1>, vector<16xf32>
        %add3A_716 = arith.constant 80 : i32
        %add3A_717 = arith.addi %mul3A_641, %add3A_716 : i32
        %swap3A_718 = arith.index_cast %scan3A_625 : i32 to index
        %swap3A_719 = arith.index_cast %add3A_717 : i32 to index
        %swap3A_720 = tpu.vector_load %arg7[%swap3A_718, %swap3A_719] {strides = array<i32>} : memref<16x2800xf32, #tpu.memory_space<vmem>>, vector<1x16xf32>,
        %swap3A_721 = vector.shape_cast %swap3A_720 : vector<1x16xf32> to vector<16xf32>
        %swap3A_722 = vector.shape_cast %select_n3A_715 : vector<16xf32> to vector<1x16xf32>
        tpu.vector_store %arg7[%swap3A_718, %swap3A_719], %swap3A_722 {strides = array<i32>} : memref<16x2800xf32, #tpu.memory_space<vmem>>, vector<1x16xf32>,
        %broadcast_in_dim3A_723 = vector.shape_cast %get3A_106 : vector<16xi32> to vector<16x1xi32>
        %gather3A_724 = vector.shape_cast %broadcast_in_dim3A_723 : vector<16x1xi32> to vector<16xi32>
        %gather3A_725 = tpu.dynamic_gather %get3A_639[%gather3A_724] in [0] : vector<16xi32>, vector<16xi32> -> vector<16xi32>
        %ne3A_726 = arith.constant 0 : i32
        %ne3A_727 = vector.broadcast %ne3A_726 : i32 to vector<16xi32>
        %ne3A_728 = arith.cmpi ne, %gather3A_725, %ne3A_727 : vector<16xi32>
        %select_n3A_729 = arith.select %ne3A_728, %get3A_71, %get3A_36 : vector<16xi1>, vector<16xf32>
        %add3A_730 = arith.constant 96 : i32
        %add3A_731 = arith.addi %mul3A_641, %add3A_730 : i32
        %swap3A_732 = arith.index_cast %scan3A_625 : i32 to index
        %swap3A_733 = arith.index_cast %add3A_731 : i32 to index
        %swap3A_734 = tpu.vector_load %arg7[%swap3A_732, %swap3A_733] {strides = array<i32>} : memref<16x2800xf32, #tpu.memory_space<vmem>>, vector<1x16xf32>,
        %swap3A_735 = vector.shape_cast %swap3A_734 : vector<1x16xf32> to vector<16xf32>
        %swap3A_736 = vector.shape_cast %select_n3A_729 : vector<16xf32> to vector<1x16xf32>
        tpu.vector_store %arg7[%swap3A_732, %swap3A_733], %swap3A_736 {strides = array<i32>} : memref<16x2800xf32, #tpu.memory_space<vmem>>, vector<1x16xf32>,
      }
      %scan3A_630 = arith.constant 25 : i32
    }
    %scan3A_467 = arith.constant 16 : i32
    %jit3A_468 = arith.constant 400 : i32
    %div3A_469 = arith.divsi %add3A_461, %jit3A_468 : i32
    %sign3A_470 = arith.constant 0 : i32
    %sign3A_471 = arith.cmpi sgt, %add3A_461, %sign3A_470 : i32
    %sign3A_472 = arith.extui %sign3A_471 : i1 to i32
    %sign3A_473 = arith.constant 0 : i32
    %sign3A_474 = arith.cmpi slt, %add3A_461, %sign3A_473 : i32
    %sign3A_475 = arith.extui %sign3A_474 : i1 to i32
    %sign3A_476 = arith.subi %sign3A_472, %sign3A_475 : i32
    %sign3A_477 = arith.constant 0 : i32
    %sign3A_478 = arith.cmpi sgt, %jit3A_468, %sign3A_477 : i32
    %sign3A_479 = arith.extui %sign3A_478 : i1 to i32
    %sign3A_480 = arith.constant 0 : i32
    %sign3A_481 = arith.cmpi slt, %jit3A_468, %sign3A_480 : i32
    %sign3A_482 = arith.extui %sign3A_481 : i1 to i32
    %sign3A_483 = arith.subi %sign3A_479, %sign3A_482 : i32
    %ne3A_484 = arith.cmpi ne, %sign3A_476, %sign3A_483 : i32
    %rem3A_485 = arith.remsi %add3A_461, %jit3A_468 : i32
    %ne3A_486 = arith.constant 0 : i32
    %ne3A_487 = arith.cmpi ne, %rem3A_485, %ne3A_486 : i32
    %and3A_488 = arith.andi %ne3A_484, %ne3A_487 : i1
    %sub3A_489 = arith.constant 1 : i32
    %sub3A_490 = arith.subi %div3A_469, %sub3A_489 : i32
    %select_n3A_491 = arith.select %and3A_488, %sub3A_490, %div3A_469 : i32
    %multiple_of3A_492 = tpu.assume_multiple %select_n3A_491, 8 : i32
    "tpu.region"() ({
      %run_scoped3A = tpu.sem_alloc : memref<!tpu.dma_semaphore, #tpu.memory_space<semaphore_mem>>
      %dma_start3A = arith.constant 0 : i32
      %dma_start3A_625 = tpu.memref_slice %arg5[%multiple_of3A_492, %dma_start3A] : memref<8192x2800xf32, #tpu.memory_space<hbm>> -> memref<16x2800xf32, #tpu.memory_space<hbm>>
      %dma_start3A_626 = arith.constant 0 : i32
      %dma_start3A_627 = tpu.memref_slice %arg5[%multiple_of3A_492, %dma_start3A_626] : memref<8192x2800xf32, #tpu.memory_space<hbm>> -> memref<16x2800xf32, #tpu.memory_space<hbm>>
      tpu.enqueue_dma source(%arg7 : memref<16x2800xf32, #tpu.memory_space<vmem>>) target(%dma_start3A_627 : memref<16x2800xf32, #tpu.memory_space<hbm>>) target_semaphore(%run_scoped3A : memref<!tpu.dma_semaphore, #tpu.memory_space<semaphore_mem>>)
      %dma_wait3A = arith.constant 0 : i32
      %dma_wait3A_628 = tpu.memref_slice %arg5[%multiple_of3A_492, %dma_wait3A] : memref<8192x2800xf32, #tpu.memory_space<hbm>> -> memref<16x2800xf32, #tpu.memory_space<hbm>>
      %dma_wait3A_629 = arith.constant 0 : i32
      %dma_wait3A_630 = tpu.memref_slice %arg5[%multiple_of3A_492, %dma_wait3A_629] : memref<8192x2800xf32, #tpu.memory_space<hbm>> -> memref<16x2800xf32, #tpu.memory_space<hbm>>
      tpu.wait_dma2 semaphore(%run_scoped3A : memref<!tpu.dma_semaphore, #tpu.memory_space<semaphore_mem>>) src(%arg7 : memref<16x2800xf32, #tpu.memory_space<vmem>>) dst(%dma_wait3A_630 : memref<16x2800xf32, #tpu.memory_space<hbm>>)
      tpu.yield
    }) : () -> ()
    %add3A_493 = arith.constant 76800 : i32
    %add3A_494 = arith.addi %mul3A_2, %add3A_493 : i32
    "tpu.region"() ({
      %run_scoped3A = tpu.sem_alloc : memref<!tpu.dma_semaphore, #tpu.memory_space<semaphore_mem>>
      %dma_start3A = tpu.memref_slice %arg2[%add3A_494] : memref<3276800xi32, #tpu.memory_space<hbm>> -> memref<6400xi32, #tpu.memory_space<hbm>>
      %dma_start3A_625 = tpu.memref_slice %arg2[%add3A_494] : memref<3276800xi32, #tpu.memory_space<hbm>> -> memref<6400xi32, #tpu.memory_space<hbm>>
      tpu.enqueue_dma source(%dma_start3A_625 : memref<6400xi32, #tpu.memory_space<hbm>>) target(%arg6 : memref<6400xi32, #tpu.memory_space<vmem>>) target_semaphore(%run_scoped3A : memref<!tpu.dma_semaphore, #tpu.memory_space<semaphore_mem>>)
      %dma_wait3A = tpu.memref_slice %arg2[%add3A_494] : memref<3276800xi32, #tpu.memory_space<hbm>> -> memref<6400xi32, #tpu.memory_space<hbm>>
      %dma_wait3A_626 = tpu.memref_slice %arg2[%add3A_494] : memref<3276800xi32, #tpu.memory_space<hbm>> -> memref<6400xi32, #tpu.memory_space<hbm>>
      tpu.wait_dma2 semaphore(%run_scoped3A : memref<!tpu.dma_semaphore, #tpu.memory_space<semaphore_mem>>) src(%dma_wait3A_626 : memref<6400xi32, #tpu.memory_space<hbm>>) dst(%arg6 : memref<6400xi32, #tpu.memory_space<vmem>>)
      tpu.yield
    }) : () -> ()
    %scan3A_495 = arith.constant 0 : i32
    %scan3A_496 = arith.constant 0 : i32
    %scan3A_497 = arith.constant 16 : i32
    %scan3A_498 = arith.addi %scan3A_496, %scan3A_497 : i32
    %scan3A_499 = arith.constant 1 : i32
    scf.for %scan3A_625 = %scan3A_496 to %scan3A_498 step %scan3A_499  : i32 {
      %scan3A_626 = arith.constant 0 : i32
      %scan3A_627 = arith.constant 25 : i32
      %scan3A_628 = arith.addi %scan3A_626, %scan3A_627 : i32
      %scan3A_629 = arith.constant 1 : i32
      scf.for %scan3A_631 = %scan3A_626 to %scan3A_628 step %scan3A_629  : i32 {
        %mul3A_632 = arith.constant 25 : i32
        %mul3A_633 = arith.muli %scan3A_625, %mul3A_632 : i32
        %add3A_634 = arith.addi %mul3A_633, %scan3A_631 : i32
        %mul3A_635 = arith.constant 16 : i32
        %mul3A_636 = arith.muli %add3A_634, %mul3A_635 : i32
        %get3A_637 = arith.index_cast %mul3A_636 : i32 to index
        %get3A_638 = tpu.vector_load %arg6[%get3A_637] {strides = array<i32>} : memref<6400xi32, #tpu.memory_space<vmem>>, vector<16xi32>,
        %get3A_639 = vector.shape_cast %get3A_638 : vector<16xi32> to vector<16xi32>
        %mul3A_640 = arith.constant 112 : i32
        %mul3A_641 = arith.muli %scan3A_631, %mul3A_640 : i32
        %broadcast_in_dim3A = vector.shape_cast %get3A_76 : vector<16xi32> to vector<16x1xi32>
        %gather3A = vector.shape_cast %broadcast_in_dim3A : vector<16x1xi32> to vector<16xi32>
        %gather3A_642 = tpu.dynamic_gather %get3A_639[%gather3A] in [0] : vector<16xi32>, vector<16xi32> -> vector<16xi32>
        %ne3A_643 = arith.constant 0 : i32
        %ne3A_644 = vector.broadcast %ne3A_643 : i32 to vector<16xi32>
        %ne3A_645 = arith.cmpi ne, %gather3A_642, %ne3A_644 : vector<16xi32>
        %select_n3A_646 = arith.select %ne3A_645, %get3A_41, %get3A_6 : vector<16xi1>, vector<16xf32>
        %add3A_647 = arith.constant 0 : i32
        %add3A_648 = arith.addi %mul3A_641, %add3A_647 : i32
        %swap3A = arith.index_cast %scan3A_625 : i32 to index
        %swap3A_649 = arith.index_cast %add3A_648 : i32 to index
        %swap3A_650 = tpu.vector_load %arg7[%swap3A, %swap3A_649] {strides = array<i32>} : memref<16x2800xf32, #tpu.memory_space<vmem>>, vector<1x16xf32>,
        %swap3A_651 = vector.shape_cast %swap3A_650 : vector<1x16xf32> to vector<16xf32>
        %swap3A_652 = vector.shape_cast %select_n3A_646 : vector<16xf32> to vector<1x16xf32>
        tpu.vector_store %arg7[%swap3A, %swap3A_649], %swap3A_652 {strides = array<i32>} : memref<16x2800xf32, #tpu.memory_space<vmem>>, vector<1x16xf32>,
        %broadcast_in_dim3A_653 = vector.shape_cast %get3A_81 : vector<16xi32> to vector<16x1xi32>
        %gather3A_654 = vector.shape_cast %broadcast_in_dim3A_653 : vector<16x1xi32> to vector<16xi32>
        %gather3A_655 = tpu.dynamic_gather %get3A_639[%gather3A_654] in [0] : vector<16xi32>, vector<16xi32> -> vector<16xi32>
        %ne3A_656 = arith.constant 0 : i32
        %ne3A_657 = vector.broadcast %ne3A_656 : i32 to vector<16xi32>
        %ne3A_658 = arith.cmpi ne, %gather3A_655, %ne3A_657 : vector<16xi32>
        %select_n3A_659 = arith.select %ne3A_658, %get3A_46, %get3A_11 : vector<16xi1>, vector<16xf32>
        %add3A_660 = arith.constant 16 : i32
        %add3A_661 = arith.addi %mul3A_641, %add3A_660 : i32
        %swap3A_662 = arith.index_cast %scan3A_625 : i32 to index
        %swap3A_663 = arith.index_cast %add3A_661 : i32 to index
        %swap3A_664 = tpu.vector_load %arg7[%swap3A_662, %swap3A_663] {strides = array<i32>} : memref<16x2800xf32, #tpu.memory_space<vmem>>, vector<1x16xf32>,
        %swap3A_665 = vector.shape_cast %swap3A_664 : vector<1x16xf32> to vector<16xf32>
        %swap3A_666 = vector.shape_cast %select_n3A_659 : vector<16xf32> to vector<1x16xf32>
        tpu.vector_store %arg7[%swap3A_662, %swap3A_663], %swap3A_666 {strides = array<i32>} : memref<16x2800xf32, #tpu.memory_space<vmem>>, vector<1x16xf32>,
        %broadcast_in_dim3A_667 = vector.shape_cast %get3A_86 : vector<16xi32> to vector<16x1xi32>
        %gather3A_668 = vector.shape_cast %broadcast_in_dim3A_667 : vector<16x1xi32> to vector<16xi32>
        %gather3A_669 = tpu.dynamic_gather %get3A_639[%gather3A_668] in [0] : vector<16xi32>, vector<16xi32> -> vector<16xi32>
        %ne3A_670 = arith.constant 0 : i32
        %ne3A_671 = vector.broadcast %ne3A_670 : i32 to vector<16xi32>
        %ne3A_672 = arith.cmpi ne, %gather3A_669, %ne3A_671 : vector<16xi32>
        %select_n3A_673 = arith.select %ne3A_672, %get3A_51, %get3A_16 : vector<16xi1>, vector<16xf32>
        %add3A_674 = arith.constant 32 : i32
        %add3A_675 = arith.addi %mul3A_641, %add3A_674 : i32
        %swap3A_676 = arith.index_cast %scan3A_625 : i32 to index
        %swap3A_677 = arith.index_cast %add3A_675 : i32 to index
        %swap3A_678 = tpu.vector_load %arg7[%swap3A_676, %swap3A_677] {strides = array<i32>} : memref<16x2800xf32, #tpu.memory_space<vmem>>, vector<1x16xf32>,
        %swap3A_679 = vector.shape_cast %swap3A_678 : vector<1x16xf32> to vector<16xf32>
        %swap3A_680 = vector.shape_cast %select_n3A_673 : vector<16xf32> to vector<1x16xf32>
        tpu.vector_store %arg7[%swap3A_676, %swap3A_677], %swap3A_680 {strides = array<i32>} : memref<16x2800xf32, #tpu.memory_space<vmem>>, vector<1x16xf32>,
        %broadcast_in_dim3A_681 = vector.shape_cast %get3A_91 : vector<16xi32> to vector<16x1xi32>
        %gather3A_682 = vector.shape_cast %broadcast_in_dim3A_681 : vector<16x1xi32> to vector<16xi32>
        %gather3A_683 = tpu.dynamic_gather %get3A_639[%gather3A_682] in [0] : vector<16xi32>, vector<16xi32> -> vector<16xi32>
        %ne3A_684 = arith.constant 0 : i32
        %ne3A_685 = vector.broadcast %ne3A_684 : i32 to vector<16xi32>
        %ne3A_686 = arith.cmpi ne, %gather3A_683, %ne3A_685 : vector<16xi32>
        %select_n3A_687 = arith.select %ne3A_686, %get3A_56, %get3A_21 : vector<16xi1>, vector<16xf32>
        %add3A_688 = arith.constant 48 : i32
        %add3A_689 = arith.addi %mul3A_641, %add3A_688 : i32
        %swap3A_690 = arith.index_cast %scan3A_625 : i32 to index
        %swap3A_691 = arith.index_cast %add3A_689 : i32 to index
        %swap3A_692 = tpu.vector_load %arg7[%swap3A_690, %swap3A_691] {strides = array<i32>} : memref<16x2800xf32, #tpu.memory_space<vmem>>, vector<1x16xf32>,
        %swap3A_693 = vector.shape_cast %swap3A_692 : vector<1x16xf32> to vector<16xf32>
        %swap3A_694 = vector.shape_cast %select_n3A_687 : vector<16xf32> to vector<1x16xf32>
        tpu.vector_store %arg7[%swap3A_690, %swap3A_691], %swap3A_694 {strides = array<i32>} : memref<16x2800xf32, #tpu.memory_space<vmem>>, vector<1x16xf32>,
        %broadcast_in_dim3A_695 = vector.shape_cast %get3A_96 : vector<16xi32> to vector<16x1xi32>
        %gather3A_696 = vector.shape_cast %broadcast_in_dim3A_695 : vector<16x1xi32> to vector<16xi32>
        %gather3A_697 = tpu.dynamic_gather %get3A_639[%gather3A_696] in [0] : vector<16xi32>, vector<16xi32> -> vector<16xi32>
        %ne3A_698 = arith.constant 0 : i32
        %ne3A_699 = vector.broadcast %ne3A_698 : i32 to vector<16xi32>
        %ne3A_700 = arith.cmpi ne, %gather3A_697, %ne3A_699 : vector<16xi32>
        %select_n3A_701 = arith.select %ne3A_700, %get3A_61, %get3A_26 : vector<16xi1>, vector<16xf32>
        %add3A_702 = arith.constant 64 : i32
        %add3A_703 = arith.addi %mul3A_641, %add3A_702 : i32
        %swap3A_704 = arith.index_cast %scan3A_625 : i32 to index
        %swap3A_705 = arith.index_cast %add3A_703 : i32 to index
        %swap3A_706 = tpu.vector_load %arg7[%swap3A_704, %swap3A_705] {strides = array<i32>} : memref<16x2800xf32, #tpu.memory_space<vmem>>, vector<1x16xf32>,
        %swap3A_707 = vector.shape_cast %swap3A_706 : vector<1x16xf32> to vector<16xf32>
        %swap3A_708 = vector.shape_cast %select_n3A_701 : vector<16xf32> to vector<1x16xf32>
        tpu.vector_store %arg7[%swap3A_704, %swap3A_705], %swap3A_708 {strides = array<i32>} : memref<16x2800xf32, #tpu.memory_space<vmem>>, vector<1x16xf32>,
        %broadcast_in_dim3A_709 = vector.shape_cast %get3A_101 : vector<16xi32> to vector<16x1xi32>
        %gather3A_710 = vector.shape_cast %broadcast_in_dim3A_709 : vector<16x1xi32> to vector<16xi32>
        %gather3A_711 = tpu.dynamic_gather %get3A_639[%gather3A_710] in [0] : vector<16xi32>, vector<16xi32> -> vector<16xi32>
        %ne3A_712 = arith.constant 0 : i32
        %ne3A_713 = vector.broadcast %ne3A_712 : i32 to vector<16xi32>
        %ne3A_714 = arith.cmpi ne, %gather3A_711, %ne3A_713 : vector<16xi32>
        %select_n3A_715 = arith.select %ne3A_714, %get3A_66, %get3A_31 : vector<16xi1>, vector<16xf32>
        %add3A_716 = arith.constant 80 : i32
        %add3A_717 = arith.addi %mul3A_641, %add3A_716 : i32
        %swap3A_718 = arith.index_cast %scan3A_625 : i32 to index
        %swap3A_719 = arith.index_cast %add3A_717 : i32 to index
        %swap3A_720 = tpu.vector_load %arg7[%swap3A_718, %swap3A_719] {strides = array<i32>} : memref<16x2800xf32, #tpu.memory_space<vmem>>, vector<1x16xf32>,
        %swap3A_721 = vector.shape_cast %swap3A_720 : vector<1x16xf32> to vector<16xf32>
        %swap3A_722 = vector.shape_cast %select_n3A_715 : vector<16xf32> to vector<1x16xf32>
        tpu.vector_store %arg7[%swap3A_718, %swap3A_719], %swap3A_722 {strides = array<i32>} : memref<16x2800xf32, #tpu.memory_space<vmem>>, vector<1x16xf32>,
        %broadcast_in_dim3A_723 = vector.shape_cast %get3A_106 : vector<16xi32> to vector<16x1xi32>
        %gather3A_724 = vector.shape_cast %broadcast_in_dim3A_723 : vector<16x1xi32> to vector<16xi32>
        %gather3A_725 = tpu.dynamic_gather %get3A_639[%gather3A_724] in [0] : vector<16xi32>, vector<16xi32> -> vector<16xi32>
        %ne3A_726 = arith.constant 0 : i32
        %ne3A_727 = vector.broadcast %ne3A_726 : i32 to vector<16xi32>
        %ne3A_728 = arith.cmpi ne, %gather3A_725, %ne3A_727 : vector<16xi32>
        %select_n3A_729 = arith.select %ne3A_728, %get3A_71, %get3A_36 : vector<16xi1>, vector<16xf32>
        %add3A_730 = arith.constant 96 : i32
        %add3A_731 = arith.addi %mul3A_641, %add3A_730 : i32
        %swap3A_732 = arith.index_cast %scan3A_625 : i32 to index
        %swap3A_733 = arith.index_cast %add3A_731 : i32 to index
        %swap3A_734 = tpu.vector_load %arg7[%swap3A_732, %swap3A_733] {strides = array<i32>} : memref<16x2800xf32, #tpu.memory_space<vmem>>, vector<1x16xf32>,
        %swap3A_735 = vector.shape_cast %swap3A_734 : vector<1x16xf32> to vector<16xf32>
        %swap3A_736 = vector.shape_cast %select_n3A_729 : vector<16xf32> to vector<1x16xf32>
        tpu.vector_store %arg7[%swap3A_732, %swap3A_733], %swap3A_736 {strides = array<i32>} : memref<16x2800xf32, #tpu.memory_space<vmem>>, vector<1x16xf32>,
      }
      %scan3A_630 = arith.constant 25 : i32
    }
    %scan3A_500 = arith.constant 16 : i32
    %jit3A_501 = arith.constant 400 : i32
    %div3A_502 = arith.divsi %add3A_494, %jit3A_501 : i32
    %sign3A_503 = arith.constant 0 : i32
    %sign3A_504 = arith.cmpi sgt, %add3A_494, %sign3A_503 : i32
    %sign3A_505 = arith.extui %sign3A_504 : i1 to i32
    %sign3A_506 = arith.constant 0 : i32
    %sign3A_507 = arith.cmpi slt, %add3A_494, %sign3A_506 : i32
    %sign3A_508 = arith.extui %sign3A_507 : i1 to i32
    %sign3A_509 = arith.subi %sign3A_505, %sign3A_508 : i32
    %sign3A_510 = arith.constant 0 : i32
    %sign3A_511 = arith.cmpi sgt, %jit3A_501, %sign3A_510 : i32
    %sign3A_512 = arith.extui %sign3A_511 : i1 to i32
    %sign3A_513 = arith.constant 0 : i32
    %sign3A_514 = arith.cmpi slt, %jit3A_501, %sign3A_513 : i32
    %sign3A_515 = arith.extui %sign3A_514 : i1 to i32
    %sign3A_516 = arith.subi %sign3A_512, %sign3A_515 : i32
    %ne3A_517 = arith.cmpi ne, %sign3A_509, %sign3A_516 : i32
    %rem3A_518 = arith.remsi %add3A_494, %jit3A_501 : i32
    %ne3A_519 = arith.constant 0 : i32
    %ne3A_520 = arith.cmpi ne, %rem3A_518, %ne3A_519 : i32
    %and3A_521 = arith.andi %ne3A_517, %ne3A_520 : i1
    %sub3A_522 = arith.constant 1 : i32
    %sub3A_523 = arith.subi %div3A_502, %sub3A_522 : i32
    %select_n3A_524 = arith.select %and3A_521, %sub3A_523, %div3A_502 : i32
    %multiple_of3A_525 = tpu.assume_multiple %select_n3A_524, 8 : i32
    "tpu.region"() ({
      %run_scoped3A = tpu.sem_alloc : memref<!tpu.dma_semaphore, #tpu.memory_space<semaphore_mem>>
      %dma_start3A = arith.constant 0 : i32
      %dma_start3A_625 = tpu.memref_slice %arg5[%multiple_of3A_525, %dma_start3A] : memref<8192x2800xf32, #tpu.memory_space<hbm>> -> memref<16x2800xf32, #tpu.memory_space<hbm>>
      %dma_start3A_626 = arith.constant 0 : i32
      %dma_start3A_627 = tpu.memref_slice %arg5[%multiple_of3A_525, %dma_start3A_626] : memref<8192x2800xf32, #tpu.memory_space<hbm>> -> memref<16x2800xf32, #tpu.memory_space<hbm>>
      tpu.enqueue_dma source(%arg7 : memref<16x2800xf32, #tpu.memory_space<vmem>>) target(%dma_start3A_627 : memref<16x2800xf32, #tpu.memory_space<hbm>>) target_semaphore(%run_scoped3A : memref<!tpu.dma_semaphore, #tpu.memory_space<semaphore_mem>>)
      %dma_wait3A = arith.constant 0 : i32
      %dma_wait3A_628 = tpu.memref_slice %arg5[%multiple_of3A_525, %dma_wait3A] : memref<8192x2800xf32, #tpu.memory_space<hbm>> -> memref<16x2800xf32, #tpu.memory_space<hbm>>
      %dma_wait3A_629 = arith.constant 0 : i32
      %dma_wait3A_630 = tpu.memref_slice %arg5[%multiple_of3A_525, %dma_wait3A_629] : memref<8192x2800xf32, #tpu.memory_space<hbm>> -> memref<16x2800xf32, #tpu.memory_space<hbm>>
      tpu.wait_dma2 semaphore(%run_scoped3A : memref<!tpu.dma_semaphore, #tpu.memory_space<semaphore_mem>>) src(%arg7 : memref<16x2800xf32, #tpu.memory_space<vmem>>) dst(%dma_wait3A_630 : memref<16x2800xf32, #tpu.memory_space<hbm>>)
      tpu.yield
    }) : () -> ()
    %add3A_526 = arith.constant 83200 : i32
    %add3A_527 = arith.addi %mul3A_2, %add3A_526 : i32
    "tpu.region"() ({
      %run_scoped3A = tpu.sem_alloc : memref<!tpu.dma_semaphore, #tpu.memory_space<semaphore_mem>>
      %dma_start3A = tpu.memref_slice %arg2[%add3A_527] : memref<3276800xi32, #tpu.memory_space<hbm>> -> memref<6400xi32, #tpu.memory_space<hbm>>
      %dma_start3A_625 = tpu.memref_slice %arg2[%add3A_527] : memref<3276800xi32, #tpu.memory_space<hbm>> -> memref<6400xi32, #tpu.memory_space<hbm>>
      tpu.enqueue_dma source(%dma_start3A_625 : memref<6400xi32, #tpu.memory_space<hbm>>) target(%arg6 : memref<6400xi32, #tpu.memory_space<vmem>>) target_semaphore(%run_scoped3A : memref<!tpu.dma_semaphore, #tpu.memory_space<semaphore_mem>>)
      %dma_wait3A = tpu.memref_slice %arg2[%add3A_527] : memref<3276800xi32, #tpu.memory_space<hbm>> -> memref<6400xi32, #tpu.memory_space<hbm>>
      %dma_wait3A_626 = tpu.memref_slice %arg2[%add3A_527] : memref<3276800xi32, #tpu.memory_space<hbm>> -> memref<6400xi32, #tpu.memory_space<hbm>>
      tpu.wait_dma2 semaphore(%run_scoped3A : memref<!tpu.dma_semaphore, #tpu.memory_space<semaphore_mem>>) src(%dma_wait3A_626 : memref<6400xi32, #tpu.memory_space<hbm>>) dst(%arg6 : memref<6400xi32, #tpu.memory_space<vmem>>)
      tpu.yield
    }) : () -> ()
    %scan3A_528 = arith.constant 0 : i32
    %scan3A_529 = arith.constant 0 : i32
    %scan3A_530 = arith.constant 16 : i32
    %scan3A_531 = arith.addi %scan3A_529, %scan3A_530 : i32
    %scan3A_532 = arith.constant 1 : i32
    scf.for %scan3A_625 = %scan3A_529 to %scan3A_531 step %scan3A_532  : i32 {
      %scan3A_626 = arith.constant 0 : i32
      %scan3A_627 = arith.constant 25 : i32
      %scan3A_628 = arith.addi %scan3A_626, %scan3A_627 : i32
      %scan3A_629 = arith.constant 1 : i32
      scf.for %scan3A_631 = %scan3A_626 to %scan3A_628 step %scan3A_629  : i32 {
        %mul3A_632 = arith.constant 25 : i32
        %mul3A_633 = arith.muli %scan3A_625, %mul3A_632 : i32
        %add3A_634 = arith.addi %mul3A_633, %scan3A_631 : i32
        %mul3A_635 = arith.constant 16 : i32
        %mul3A_636 = arith.muli %add3A_634, %mul3A_635 : i32
        %get3A_637 = arith.index_cast %mul3A_636 : i32 to index
        %get3A_638 = tpu.vector_load %arg6[%get3A_637] {strides = array<i32>} : memref<6400xi32, #tpu.memory_space<vmem>>, vector<16xi32>,
        %get3A_639 = vector.shape_cast %get3A_638 : vector<16xi32> to vector<16xi32>
        %mul3A_640 = arith.constant 112 : i32
        %mul3A_641 = arith.muli %scan3A_631, %mul3A_640 : i32
        %broadcast_in_dim3A = vector.shape_cast %get3A_76 : vector<16xi32> to vector<16x1xi32>
        %gather3A = vector.shape_cast %broadcast_in_dim3A : vector<16x1xi32> to vector<16xi32>
        %gather3A_642 = tpu.dynamic_gather %get3A_639[%gather3A] in [0] : vector<16xi32>, vector<16xi32> -> vector<16xi32>
        %ne3A_643 = arith.constant 0 : i32
        %ne3A_644 = vector.broadcast %ne3A_643 : i32 to vector<16xi32>
        %ne3A_645 = arith.cmpi ne, %gather3A_642, %ne3A_644 : vector<16xi32>
        %select_n3A_646 = arith.select %ne3A_645, %get3A_41, %get3A_6 : vector<16xi1>, vector<16xf32>
        %add3A_647 = arith.constant 0 : i32
        %add3A_648 = arith.addi %mul3A_641, %add3A_647 : i32
        %swap3A = arith.index_cast %scan3A_625 : i32 to index
        %swap3A_649 = arith.index_cast %add3A_648 : i32 to index
        %swap3A_650 = tpu.vector_load %arg7[%swap3A, %swap3A_649] {strides = array<i32>} : memref<16x2800xf32, #tpu.memory_space<vmem>>, vector<1x16xf32>,
        %swap3A_651 = vector.shape_cast %swap3A_650 : vector<1x16xf32> to vector<16xf32>
        %swap3A_652 = vector.shape_cast %select_n3A_646 : vector<16xf32> to vector<1x16xf32>
        tpu.vector_store %arg7[%swap3A, %swap3A_649], %swap3A_652 {strides = array<i32>} : memref<16x2800xf32, #tpu.memory_space<vmem>>, vector<1x16xf32>,
        %broadcast_in_dim3A_653 = vector.shape_cast %get3A_81 : vector<16xi32> to vector<16x1xi32>
        %gather3A_654 = vector.shape_cast %broadcast_in_dim3A_653 : vector<16x1xi32> to vector<16xi32>
        %gather3A_655 = tpu.dynamic_gather %get3A_639[%gather3A_654] in [0] : vector<16xi32>, vector<16xi32> -> vector<16xi32>
        %ne3A_656 = arith.constant 0 : i32
        %ne3A_657 = vector.broadcast %ne3A_656 : i32 to vector<16xi32>
        %ne3A_658 = arith.cmpi ne, %gather3A_655, %ne3A_657 : vector<16xi32>
        %select_n3A_659 = arith.select %ne3A_658, %get3A_46, %get3A_11 : vector<16xi1>, vector<16xf32>
        %add3A_660 = arith.constant 16 : i32
        %add3A_661 = arith.addi %mul3A_641, %add3A_660 : i32
        %swap3A_662 = arith.index_cast %scan3A_625 : i32 to index
        %swap3A_663 = arith.index_cast %add3A_661 : i32 to index
        %swap3A_664 = tpu.vector_load %arg7[%swap3A_662, %swap3A_663] {strides = array<i32>} : memref<16x2800xf32, #tpu.memory_space<vmem>>, vector<1x16xf32>,
        %swap3A_665 = vector.shape_cast %swap3A_664 : vector<1x16xf32> to vector<16xf32>
        %swap3A_666 = vector.shape_cast %select_n3A_659 : vector<16xf32> to vector<1x16xf32>
        tpu.vector_store %arg7[%swap3A_662, %swap3A_663], %swap3A_666 {strides = array<i32>} : memref<16x2800xf32, #tpu.memory_space<vmem>>, vector<1x16xf32>,
        %broadcast_in_dim3A_667 = vector.shape_cast %get3A_86 : vector<16xi32> to vector<16x1xi32>
        %gather3A_668 = vector.shape_cast %broadcast_in_dim3A_667 : vector<16x1xi32> to vector<16xi32>
        %gather3A_669 = tpu.dynamic_gather %get3A_639[%gather3A_668] in [0] : vector<16xi32>, vector<16xi32> -> vector<16xi32>
        %ne3A_670 = arith.constant 0 : i32
        %ne3A_671 = vector.broadcast %ne3A_670 : i32 to vector<16xi32>
        %ne3A_672 = arith.cmpi ne, %gather3A_669, %ne3A_671 : vector<16xi32>
        %select_n3A_673 = arith.select %ne3A_672, %get3A_51, %get3A_16 : vector<16xi1>, vector<16xf32>
        %add3A_674 = arith.constant 32 : i32
        %add3A_675 = arith.addi %mul3A_641, %add3A_674 : i32
        %swap3A_676 = arith.index_cast %scan3A_625 : i32 to index
        %swap3A_677 = arith.index_cast %add3A_675 : i32 to index
        %swap3A_678 = tpu.vector_load %arg7[%swap3A_676, %swap3A_677] {strides = array<i32>} : memref<16x2800xf32, #tpu.memory_space<vmem>>, vector<1x16xf32>,
        %swap3A_679 = vector.shape_cast %swap3A_678 : vector<1x16xf32> to vector<16xf32>
        %swap3A_680 = vector.shape_cast %select_n3A_673 : vector<16xf32> to vector<1x16xf32>
        tpu.vector_store %arg7[%swap3A_676, %swap3A_677], %swap3A_680 {strides = array<i32>} : memref<16x2800xf32, #tpu.memory_space<vmem>>, vector<1x16xf32>,
        %broadcast_in_dim3A_681 = vector.shape_cast %get3A_91 : vector<16xi32> to vector<16x1xi32>
        %gather3A_682 = vector.shape_cast %broadcast_in_dim3A_681 : vector<16x1xi32> to vector<16xi32>
        %gather3A_683 = tpu.dynamic_gather %get3A_639[%gather3A_682] in [0] : vector<16xi32>, vector<16xi32> -> vector<16xi32>
        %ne3A_684 = arith.constant 0 : i32
        %ne3A_685 = vector.broadcast %ne3A_684 : i32 to vector<16xi32>
        %ne3A_686 = arith.cmpi ne, %gather3A_683, %ne3A_685 : vector<16xi32>
        %select_n3A_687 = arith.select %ne3A_686, %get3A_56, %get3A_21 : vector<16xi1>, vector<16xf32>
        %add3A_688 = arith.constant 48 : i32
        %add3A_689 = arith.addi %mul3A_641, %add3A_688 : i32
        %swap3A_690 = arith.index_cast %scan3A_625 : i32 to index
        %swap3A_691 = arith.index_cast %add3A_689 : i32 to index
        %swap3A_692 = tpu.vector_load %arg7[%swap3A_690, %swap3A_691] {strides = array<i32>} : memref<16x2800xf32, #tpu.memory_space<vmem>>, vector<1x16xf32>,
        %swap3A_693 = vector.shape_cast %swap3A_692 : vector<1x16xf32> to vector<16xf32>
        %swap3A_694 = vector.shape_cast %select_n3A_687 : vector<16xf32> to vector<1x16xf32>
        tpu.vector_store %arg7[%swap3A_690, %swap3A_691], %swap3A_694 {strides = array<i32>} : memref<16x2800xf32, #tpu.memory_space<vmem>>, vector<1x16xf32>,
        %broadcast_in_dim3A_695 = vector.shape_cast %get3A_96 : vector<16xi32> to vector<16x1xi32>
        %gather3A_696 = vector.shape_cast %broadcast_in_dim3A_695 : vector<16x1xi32> to vector<16xi32>
        %gather3A_697 = tpu.dynamic_gather %get3A_639[%gather3A_696] in [0] : vector<16xi32>, vector<16xi32> -> vector<16xi32>
        %ne3A_698 = arith.constant 0 : i32
        %ne3A_699 = vector.broadcast %ne3A_698 : i32 to vector<16xi32>
        %ne3A_700 = arith.cmpi ne, %gather3A_697, %ne3A_699 : vector<16xi32>
        %select_n3A_701 = arith.select %ne3A_700, %get3A_61, %get3A_26 : vector<16xi1>, vector<16xf32>
        %add3A_702 = arith.constant 64 : i32
        %add3A_703 = arith.addi %mul3A_641, %add3A_702 : i32
        %swap3A_704 = arith.index_cast %scan3A_625 : i32 to index
        %swap3A_705 = arith.index_cast %add3A_703 : i32 to index
        %swap3A_706 = tpu.vector_load %arg7[%swap3A_704, %swap3A_705] {strides = array<i32>} : memref<16x2800xf32, #tpu.memory_space<vmem>>, vector<1x16xf32>,
        %swap3A_707 = vector.shape_cast %swap3A_706 : vector<1x16xf32> to vector<16xf32>
        %swap3A_708 = vector.shape_cast %select_n3A_701 : vector<16xf32> to vector<1x16xf32>
        tpu.vector_store %arg7[%swap3A_704, %swap3A_705], %swap3A_708 {strides = array<i32>} : memref<16x2800xf32, #tpu.memory_space<vmem>>, vector<1x16xf32>,
        %broadcast_in_dim3A_709 = vector.shape_cast %get3A_101 : vector<16xi32> to vector<16x1xi32>
        %gather3A_710 = vector.shape_cast %broadcast_in_dim3A_709 : vector<16x1xi32> to vector<16xi32>
        %gather3A_711 = tpu.dynamic_gather %get3A_639[%gather3A_710] in [0] : vector<16xi32>, vector<16xi32> -> vector<16xi32>
        %ne3A_712 = arith.constant 0 : i32
        %ne3A_713 = vector.broadcast %ne3A_712 : i32 to vector<16xi32>
        %ne3A_714 = arith.cmpi ne, %gather3A_711, %ne3A_713 : vector<16xi32>
        %select_n3A_715 = arith.select %ne3A_714, %get3A_66, %get3A_31 : vector<16xi1>, vector<16xf32>
        %add3A_716 = arith.constant 80 : i32
        %add3A_717 = arith.addi %mul3A_641, %add3A_716 : i32
        %swap3A_718 = arith.index_cast %scan3A_625 : i32 to index
        %swap3A_719 = arith.index_cast %add3A_717 : i32 to index
        %swap3A_720 = tpu.vector_load %arg7[%swap3A_718, %swap3A_719] {strides = array<i32>} : memref<16x2800xf32, #tpu.memory_space<vmem>>, vector<1x16xf32>,
        %swap3A_721 = vector.shape_cast %swap3A_720 : vector<1x16xf32> to vector<16xf32>
        %swap3A_722 = vector.shape_cast %select_n3A_715 : vector<16xf32> to vector<1x16xf32>
        tpu.vector_store %arg7[%swap3A_718, %swap3A_719], %swap3A_722 {strides = array<i32>} : memref<16x2800xf32, #tpu.memory_space<vmem>>, vector<1x16xf32>,
        %broadcast_in_dim3A_723 = vector.shape_cast %get3A_106 : vector<16xi32> to vector<16x1xi32>
        %gather3A_724 = vector.shape_cast %broadcast_in_dim3A_723 : vector<16x1xi32> to vector<16xi32>
        %gather3A_725 = tpu.dynamic_gather %get3A_639[%gather3A_724] in [0] : vector<16xi32>, vector<16xi32> -> vector<16xi32>
        %ne3A_726 = arith.constant 0 : i32
        %ne3A_727 = vector.broadcast %ne3A_726 : i32 to vector<16xi32>
        %ne3A_728 = arith.cmpi ne, %gather3A_725, %ne3A_727 : vector<16xi32>
        %select_n3A_729 = arith.select %ne3A_728, %get3A_71, %get3A_36 : vector<16xi1>, vector<16xf32>
        %add3A_730 = arith.constant 96 : i32
        %add3A_731 = arith.addi %mul3A_641, %add3A_730 : i32
        %swap3A_732 = arith.index_cast %scan3A_625 : i32 to index
        %swap3A_733 = arith.index_cast %add3A_731 : i32 to index
        %swap3A_734 = tpu.vector_load %arg7[%swap3A_732, %swap3A_733] {strides = array<i32>} : memref<16x2800xf32, #tpu.memory_space<vmem>>, vector<1x16xf32>,
        %swap3A_735 = vector.shape_cast %swap3A_734 : vector<1x16xf32> to vector<16xf32>
        %swap3A_736 = vector.shape_cast %select_n3A_729 : vector<16xf32> to vector<1x16xf32>
        tpu.vector_store %arg7[%swap3A_732, %swap3A_733], %swap3A_736 {strides = array<i32>} : memref<16x2800xf32, #tpu.memory_space<vmem>>, vector<1x16xf32>,
      }
      %scan3A_630 = arith.constant 25 : i32
    }
    %scan3A_533 = arith.constant 16 : i32
    %jit3A_534 = arith.constant 400 : i32
    %div3A_535 = arith.divsi %add3A_527, %jit3A_534 : i32
    %sign3A_536 = arith.constant 0 : i32
    %sign3A_537 = arith.cmpi sgt, %add3A_527, %sign3A_536 : i32
    %sign3A_538 = arith.extui %sign3A_537 : i1 to i32
    %sign3A_539 = arith.constant 0 : i32
    %sign3A_540 = arith.cmpi slt, %add3A_527, %sign3A_539 : i32
    %sign3A_541 = arith.extui %sign3A_540 : i1 to i32
    %sign3A_542 = arith.subi %sign3A_538, %sign3A_541 : i32
    %sign3A_543 = arith.constant 0 : i32
    %sign3A_544 = arith.cmpi sgt, %jit3A_534, %sign3A_543 : i32
    %sign3A_545 = arith.extui %sign3A_544 : i1 to i32
    %sign3A_546 = arith.constant 0 : i32
    %sign3A_547 = arith.cmpi slt, %jit3A_534, %sign3A_546 : i32
    %sign3A_548 = arith.extui %sign3A_547 : i1 to i32
    %sign3A_549 = arith.subi %sign3A_545, %sign3A_548 : i32
    %ne3A_550 = arith.cmpi ne, %sign3A_542, %sign3A_549 : i32
    %rem3A_551 = arith.remsi %add3A_527, %jit3A_534 : i32
    %ne3A_552 = arith.constant 0 : i32
    %ne3A_553 = arith.cmpi ne, %rem3A_551, %ne3A_552 : i32
    %and3A_554 = arith.andi %ne3A_550, %ne3A_553 : i1
    %sub3A_555 = arith.constant 1 : i32
    %sub3A_556 = arith.subi %div3A_535, %sub3A_555 : i32
    %select_n3A_557 = arith.select %and3A_554, %sub3A_556, %div3A_535 : i32
    %multiple_of3A_558 = tpu.assume_multiple %select_n3A_557, 8 : i32
    "tpu.region"() ({
      %run_scoped3A = tpu.sem_alloc : memref<!tpu.dma_semaphore, #tpu.memory_space<semaphore_mem>>
      %dma_start3A = arith.constant 0 : i32
      %dma_start3A_625 = tpu.memref_slice %arg5[%multiple_of3A_558, %dma_start3A] : memref<8192x2800xf32, #tpu.memory_space<hbm>> -> memref<16x2800xf32, #tpu.memory_space<hbm>>
      %dma_start3A_626 = arith.constant 0 : i32
      %dma_start3A_627 = tpu.memref_slice %arg5[%multiple_of3A_558, %dma_start3A_626] : memref<8192x2800xf32, #tpu.memory_space<hbm>> -> memref<16x2800xf32, #tpu.memory_space<hbm>>
      tpu.enqueue_dma source(%arg7 : memref<16x2800xf32, #tpu.memory_space<vmem>>) target(%dma_start3A_627 : memref<16x2800xf32, #tpu.memory_space<hbm>>) target_semaphore(%run_scoped3A : memref<!tpu.dma_semaphore, #tpu.memory_space<semaphore_mem>>)
      %dma_wait3A = arith.constant 0 : i32
      %dma_wait3A_628 = tpu.memref_slice %arg5[%multiple_of3A_558, %dma_wait3A] : memref<8192x2800xf32, #tpu.memory_space<hbm>> -> memref<16x2800xf32, #tpu.memory_space<hbm>>
      %dma_wait3A_629 = arith.constant 0 : i32
      %dma_wait3A_630 = tpu.memref_slice %arg5[%multiple_of3A_558, %dma_wait3A_629] : memref<8192x2800xf32, #tpu.memory_space<hbm>> -> memref<16x2800xf32, #tpu.memory_space<hbm>>
      tpu.wait_dma2 semaphore(%run_scoped3A : memref<!tpu.dma_semaphore, #tpu.memory_space<semaphore_mem>>) src(%arg7 : memref<16x2800xf32, #tpu.memory_space<vmem>>) dst(%dma_wait3A_630 : memref<16x2800xf32, #tpu.memory_space<hbm>>)
      tpu.yield
    }) : () -> ()
    %add3A_559 = arith.constant 89600 : i32
    %add3A_560 = arith.addi %mul3A_2, %add3A_559 : i32
    "tpu.region"() ({
      %run_scoped3A = tpu.sem_alloc : memref<!tpu.dma_semaphore, #tpu.memory_space<semaphore_mem>>
      %dma_start3A = tpu.memref_slice %arg2[%add3A_560] : memref<3276800xi32, #tpu.memory_space<hbm>> -> memref<6400xi32, #tpu.memory_space<hbm>>
      %dma_start3A_625 = tpu.memref_slice %arg2[%add3A_560] : memref<3276800xi32, #tpu.memory_space<hbm>> -> memref<6400xi32, #tpu.memory_space<hbm>>
      tpu.enqueue_dma source(%dma_start3A_625 : memref<6400xi32, #tpu.memory_space<hbm>>) target(%arg6 : memref<6400xi32, #tpu.memory_space<vmem>>) target_semaphore(%run_scoped3A : memref<!tpu.dma_semaphore, #tpu.memory_space<semaphore_mem>>)
      %dma_wait3A = tpu.memref_slice %arg2[%add3A_560] : memref<3276800xi32, #tpu.memory_space<hbm>> -> memref<6400xi32, #tpu.memory_space<hbm>>
      %dma_wait3A_626 = tpu.memref_slice %arg2[%add3A_560] : memref<3276800xi32, #tpu.memory_space<hbm>> -> memref<6400xi32, #tpu.memory_space<hbm>>
      tpu.wait_dma2 semaphore(%run_scoped3A : memref<!tpu.dma_semaphore, #tpu.memory_space<semaphore_mem>>) src(%dma_wait3A_626 : memref<6400xi32, #tpu.memory_space<hbm>>) dst(%arg6 : memref<6400xi32, #tpu.memory_space<vmem>>)
      tpu.yield
    }) : () -> ()
    %scan3A_561 = arith.constant 0 : i32
    %scan3A_562 = arith.constant 0 : i32
    %scan3A_563 = arith.constant 16 : i32
    %scan3A_564 = arith.addi %scan3A_562, %scan3A_563 : i32
    %scan3A_565 = arith.constant 1 : i32
    scf.for %scan3A_625 = %scan3A_562 to %scan3A_564 step %scan3A_565  : i32 {
      %scan3A_626 = arith.constant 0 : i32
      %scan3A_627 = arith.constant 25 : i32
      %scan3A_628 = arith.addi %scan3A_626, %scan3A_627 : i32
      %scan3A_629 = arith.constant 1 : i32
      scf.for %scan3A_631 = %scan3A_626 to %scan3A_628 step %scan3A_629  : i32 {
        %mul3A_632 = arith.constant 25 : i32
        %mul3A_633 = arith.muli %scan3A_625, %mul3A_632 : i32
        %add3A_634 = arith.addi %mul3A_633, %scan3A_631 : i32
        %mul3A_635 = arith.constant 16 : i32
        %mul3A_636 = arith.muli %add3A_634, %mul3A_635 : i32
        %get3A_637 = arith.index_cast %mul3A_636 : i32 to index
        %get3A_638 = tpu.vector_load %arg6[%get3A_637] {strides = array<i32>} : memref<6400xi32, #tpu.memory_space<vmem>>, vector<16xi32>,
        %get3A_639 = vector.shape_cast %get3A_638 : vector<16xi32> to vector<16xi32>
        %mul3A_640 = arith.constant 112 : i32
        %mul3A_641 = arith.muli %scan3A_631, %mul3A_640 : i32
        %broadcast_in_dim3A = vector.shape_cast %get3A_76 : vector<16xi32> to vector<16x1xi32>
        %gather3A = vector.shape_cast %broadcast_in_dim3A : vector<16x1xi32> to vector<16xi32>
        %gather3A_642 = tpu.dynamic_gather %get3A_639[%gather3A] in [0] : vector<16xi32>, vector<16xi32> -> vector<16xi32>
        %ne3A_643 = arith.constant 0 : i32
        %ne3A_644 = vector.broadcast %ne3A_643 : i32 to vector<16xi32>
        %ne3A_645 = arith.cmpi ne, %gather3A_642, %ne3A_644 : vector<16xi32>
        %select_n3A_646 = arith.select %ne3A_645, %get3A_41, %get3A_6 : vector<16xi1>, vector<16xf32>
        %add3A_647 = arith.constant 0 : i32
        %add3A_648 = arith.addi %mul3A_641, %add3A_647 : i32
        %swap3A = arith.index_cast %scan3A_625 : i32 to index
        %swap3A_649 = arith.index_cast %add3A_648 : i32 to index
        %swap3A_650 = tpu.vector_load %arg7[%swap3A, %swap3A_649] {strides = array<i32>} : memref<16x2800xf32, #tpu.memory_space<vmem>>, vector<1x16xf32>,
        %swap3A_651 = vector.shape_cast %swap3A_650 : vector<1x16xf32> to vector<16xf32>
        %swap3A_652 = vector.shape_cast %select_n3A_646 : vector<16xf32> to vector<1x16xf32>
        tpu.vector_store %arg7[%swap3A, %swap3A_649], %swap3A_652 {strides = array<i32>} : memref<16x2800xf32, #tpu.memory_space<vmem>>, vector<1x16xf32>,
        %broadcast_in_dim3A_653 = vector.shape_cast %get3A_81 : vector<16xi32> to vector<16x1xi32>
        %gather3A_654 = vector.shape_cast %broadcast_in_dim3A_653 : vector<16x1xi32> to vector<16xi32>
        %gather3A_655 = tpu.dynamic_gather %get3A_639[%gather3A_654] in [0] : vector<16xi32>, vector<16xi32> -> vector<16xi32>
        %ne3A_656 = arith.constant 0 : i32
        %ne3A_657 = vector.broadcast %ne3A_656 : i32 to vector<16xi32>
        %ne3A_658 = arith.cmpi ne, %gather3A_655, %ne3A_657 : vector<16xi32>
        %select_n3A_659 = arith.select %ne3A_658, %get3A_46, %get3A_11 : vector<16xi1>, vector<16xf32>
        %add3A_660 = arith.constant 16 : i32
        %add3A_661 = arith.addi %mul3A_641, %add3A_660 : i32
        %swap3A_662 = arith.index_cast %scan3A_625 : i32 to index
        %swap3A_663 = arith.index_cast %add3A_661 : i32 to index
        %swap3A_664 = tpu.vector_load %arg7[%swap3A_662, %swap3A_663] {strides = array<i32>} : memref<16x2800xf32, #tpu.memory_space<vmem>>, vector<1x16xf32>,
        %swap3A_665 = vector.shape_cast %swap3A_664 : vector<1x16xf32> to vector<16xf32>
        %swap3A_666 = vector.shape_cast %select_n3A_659 : vector<16xf32> to vector<1x16xf32>
        tpu.vector_store %arg7[%swap3A_662, %swap3A_663], %swap3A_666 {strides = array<i32>} : memref<16x2800xf32, #tpu.memory_space<vmem>>, vector<1x16xf32>,
        %broadcast_in_dim3A_667 = vector.shape_cast %get3A_86 : vector<16xi32> to vector<16x1xi32>
        %gather3A_668 = vector.shape_cast %broadcast_in_dim3A_667 : vector<16x1xi32> to vector<16xi32>
        %gather3A_669 = tpu.dynamic_gather %get3A_639[%gather3A_668] in [0] : vector<16xi32>, vector<16xi32> -> vector<16xi32>
        %ne3A_670 = arith.constant 0 : i32
        %ne3A_671 = vector.broadcast %ne3A_670 : i32 to vector<16xi32>
        %ne3A_672 = arith.cmpi ne, %gather3A_669, %ne3A_671 : vector<16xi32>
        %select_n3A_673 = arith.select %ne3A_672, %get3A_51, %get3A_16 : vector<16xi1>, vector<16xf32>
        %add3A_674 = arith.constant 32 : i32
        %add3A_675 = arith.addi %mul3A_641, %add3A_674 : i32
        %swap3A_676 = arith.index_cast %scan3A_625 : i32 to index
        %swap3A_677 = arith.index_cast %add3A_675 : i32 to index
        %swap3A_678 = tpu.vector_load %arg7[%swap3A_676, %swap3A_677] {strides = array<i32>} : memref<16x2800xf32, #tpu.memory_space<vmem>>, vector<1x16xf32>,
        %swap3A_679 = vector.shape_cast %swap3A_678 : vector<1x16xf32> to vector<16xf32>
        %swap3A_680 = vector.shape_cast %select_n3A_673 : vector<16xf32> to vector<1x16xf32>
        tpu.vector_store %arg7[%swap3A_676, %swap3A_677], %swap3A_680 {strides = array<i32>} : memref<16x2800xf32, #tpu.memory_space<vmem>>, vector<1x16xf32>,
        %broadcast_in_dim3A_681 = vector.shape_cast %get3A_91 : vector<16xi32> to vector<16x1xi32>
        %gather3A_682 = vector.shape_cast %broadcast_in_dim3A_681 : vector<16x1xi32> to vector<16xi32>
        %gather3A_683 = tpu.dynamic_gather %get3A_639[%gather3A_682] in [0] : vector<16xi32>, vector<16xi32> -> vector<16xi32>
        %ne3A_684 = arith.constant 0 : i32
        %ne3A_685 = vector.broadcast %ne3A_684 : i32 to vector<16xi32>
        %ne3A_686 = arith.cmpi ne, %gather3A_683, %ne3A_685 : vector<16xi32>
        %select_n3A_687 = arith.select %ne3A_686, %get3A_56, %get3A_21 : vector<16xi1>, vector<16xf32>
        %add3A_688 = arith.constant 48 : i32
        %add3A_689 = arith.addi %mul3A_641, %add3A_688 : i32
        %swap3A_690 = arith.index_cast %scan3A_625 : i32 to index
        %swap3A_691 = arith.index_cast %add3A_689 : i32 to index
        %swap3A_692 = tpu.vector_load %arg7[%swap3A_690, %swap3A_691] {strides = array<i32>} : memref<16x2800xf32, #tpu.memory_space<vmem>>, vector<1x16xf32>,
        %swap3A_693 = vector.shape_cast %swap3A_692 : vector<1x16xf32> to vector<16xf32>
        %swap3A_694 = vector.shape_cast %select_n3A_687 : vector<16xf32> to vector<1x16xf32>
        tpu.vector_store %arg7[%swap3A_690, %swap3A_691], %swap3A_694 {strides = array<i32>} : memref<16x2800xf32, #tpu.memory_space<vmem>>, vector<1x16xf32>,
        %broadcast_in_dim3A_695 = vector.shape_cast %get3A_96 : vector<16xi32> to vector<16x1xi32>
        %gather3A_696 = vector.shape_cast %broadcast_in_dim3A_695 : vector<16x1xi32> to vector<16xi32>
        %gather3A_697 = tpu.dynamic_gather %get3A_639[%gather3A_696] in [0] : vector<16xi32>, vector<16xi32> -> vector<16xi32>
        %ne3A_698 = arith.constant 0 : i32
        %ne3A_699 = vector.broadcast %ne3A_698 : i32 to vector<16xi32>
        %ne3A_700 = arith.cmpi ne, %gather3A_697, %ne3A_699 : vector<16xi32>
        %select_n3A_701 = arith.select %ne3A_700, %get3A_61, %get3A_26 : vector<16xi1>, vector<16xf32>
        %add3A_702 = arith.constant 64 : i32
        %add3A_703 = arith.addi %mul3A_641, %add3A_702 : i32
        %swap3A_704 = arith.index_cast %scan3A_625 : i32 to index
        %swap3A_705 = arith.index_cast %add3A_703 : i32 to index
        %swap3A_706 = tpu.vector_load %arg7[%swap3A_704, %swap3A_705] {strides = array<i32>} : memref<16x2800xf32, #tpu.memory_space<vmem>>, vector<1x16xf32>,
        %swap3A_707 = vector.shape_cast %swap3A_706 : vector<1x16xf32> to vector<16xf32>
        %swap3A_708 = vector.shape_cast %select_n3A_701 : vector<16xf32> to vector<1x16xf32>
        tpu.vector_store %arg7[%swap3A_704, %swap3A_705], %swap3A_708 {strides = array<i32>} : memref<16x2800xf32, #tpu.memory_space<vmem>>, vector<1x16xf32>,
        %broadcast_in_dim3A_709 = vector.shape_cast %get3A_101 : vector<16xi32> to vector<16x1xi32>
        %gather3A_710 = vector.shape_cast %broadcast_in_dim3A_709 : vector<16x1xi32> to vector<16xi32>
        %gather3A_711 = tpu.dynamic_gather %get3A_639[%gather3A_710] in [0] : vector<16xi32>, vector<16xi32> -> vector<16xi32>
        %ne3A_712 = arith.constant 0 : i32
        %ne3A_713 = vector.broadcast %ne3A_712 : i32 to vector<16xi32>
        %ne3A_714 = arith.cmpi ne, %gather3A_711, %ne3A_713 : vector<16xi32>
        %select_n3A_715 = arith.select %ne3A_714, %get3A_66, %get3A_31 : vector<16xi1>, vector<16xf32>
        %add3A_716 = arith.constant 80 : i32
        %add3A_717 = arith.addi %mul3A_641, %add3A_716 : i32
        %swap3A_718 = arith.index_cast %scan3A_625 : i32 to index
        %swap3A_719 = arith.index_cast %add3A_717 : i32 to index
        %swap3A_720 = tpu.vector_load %arg7[%swap3A_718, %swap3A_719] {strides = array<i32>} : memref<16x2800xf32, #tpu.memory_space<vmem>>, vector<1x16xf32>,
        %swap3A_721 = vector.shape_cast %swap3A_720 : vector<1x16xf32> to vector<16xf32>
        %swap3A_722 = vector.shape_cast %select_n3A_715 : vector<16xf32> to vector<1x16xf32>
        tpu.vector_store %arg7[%swap3A_718, %swap3A_719], %swap3A_722 {strides = array<i32>} : memref<16x2800xf32, #tpu.memory_space<vmem>>, vector<1x16xf32>,
        %broadcast_in_dim3A_723 = vector.shape_cast %get3A_106 : vector<16xi32> to vector<16x1xi32>
        %gather3A_724 = vector.shape_cast %broadcast_in_dim3A_723 : vector<16x1xi32> to vector<16xi32>
        %gather3A_725 = tpu.dynamic_gather %get3A_639[%gather3A_724] in [0] : vector<16xi32>, vector<16xi32> -> vector<16xi32>
        %ne3A_726 = arith.constant 0 : i32
        %ne3A_727 = vector.broadcast %ne3A_726 : i32 to vector<16xi32>
        %ne3A_728 = arith.cmpi ne, %gather3A_725, %ne3A_727 : vector<16xi32>
        %select_n3A_729 = arith.select %ne3A_728, %get3A_71, %get3A_36 : vector<16xi1>, vector<16xf32>
        %add3A_730 = arith.constant 96 : i32
        %add3A_731 = arith.addi %mul3A_641, %add3A_730 : i32
        %swap3A_732 = arith.index_cast %scan3A_625 : i32 to index
        %swap3A_733 = arith.index_cast %add3A_731 : i32 to index
        %swap3A_734 = tpu.vector_load %arg7[%swap3A_732, %swap3A_733] {strides = array<i32>} : memref<16x2800xf32, #tpu.memory_space<vmem>>, vector<1x16xf32>,
        %swap3A_735 = vector.shape_cast %swap3A_734 : vector<1x16xf32> to vector<16xf32>
        %swap3A_736 = vector.shape_cast %select_n3A_729 : vector<16xf32> to vector<1x16xf32>
        tpu.vector_store %arg7[%swap3A_732, %swap3A_733], %swap3A_736 {strides = array<i32>} : memref<16x2800xf32, #tpu.memory_space<vmem>>, vector<1x16xf32>,
      }
      %scan3A_630 = arith.constant 25 : i32
    }
    %scan3A_566 = arith.constant 16 : i32
    %jit3A_567 = arith.constant 400 : i32
    %div3A_568 = arith.divsi %add3A_560, %jit3A_567 : i32
    %sign3A_569 = arith.constant 0 : i32
    %sign3A_570 = arith.cmpi sgt, %add3A_560, %sign3A_569 : i32
    %sign3A_571 = arith.extui %sign3A_570 : i1 to i32
    %sign3A_572 = arith.constant 0 : i32
    %sign3A_573 = arith.cmpi slt, %add3A_560, %sign3A_572 : i32
    %sign3A_574 = arith.extui %sign3A_573 : i1 to i32
    %sign3A_575 = arith.subi %sign3A_571, %sign3A_574 : i32
    %sign3A_576 = arith.constant 0 : i32
    %sign3A_577 = arith.cmpi sgt, %jit3A_567, %sign3A_576 : i32
    %sign3A_578 = arith.extui %sign3A_577 : i1 to i32
    %sign3A_579 = arith.constant 0 : i32
    %sign3A_580 = arith.cmpi slt, %jit3A_567, %sign3A_579 : i32
    %sign3A_581 = arith.extui %sign3A_580 : i1 to i32
    %sign3A_582 = arith.subi %sign3A_578, %sign3A_581 : i32
    %ne3A_583 = arith.cmpi ne, %sign3A_575, %sign3A_582 : i32
    %rem3A_584 = arith.remsi %add3A_560, %jit3A_567 : i32
    %ne3A_585 = arith.constant 0 : i32
    %ne3A_586 = arith.cmpi ne, %rem3A_584, %ne3A_585 : i32
    %and3A_587 = arith.andi %ne3A_583, %ne3A_586 : i1
    %sub3A_588 = arith.constant 1 : i32
    %sub3A_589 = arith.subi %div3A_568, %sub3A_588 : i32
    %select_n3A_590 = arith.select %and3A_587, %sub3A_589, %div3A_568 : i32
    %multiple_of3A_591 = tpu.assume_multiple %select_n3A_590, 8 : i32
    "tpu.region"() ({
      %run_scoped3A = tpu.sem_alloc : memref<!tpu.dma_semaphore, #tpu.memory_space<semaphore_mem>>
      %dma_start3A = arith.constant 0 : i32
      %dma_start3A_625 = tpu.memref_slice %arg5[%multiple_of3A_591, %dma_start3A] : memref<8192x2800xf32, #tpu.memory_space<hbm>> -> memref<16x2800xf32, #tpu.memory_space<hbm>>
      %dma_start3A_626 = arith.constant 0 : i32
      %dma_start3A_627 = tpu.memref_slice %arg5[%multiple_of3A_591, %dma_start3A_626] : memref<8192x2800xf32, #tpu.memory_space<hbm>> -> memref<16x2800xf32, #tpu.memory_space<hbm>>
      tpu.enqueue_dma source(%arg7 : memref<16x2800xf32, #tpu.memory_space<vmem>>) target(%dma_start3A_627 : memref<16x2800xf32, #tpu.memory_space<hbm>>) target_semaphore(%run_scoped3A : memref<!tpu.dma_semaphore, #tpu.memory_space<semaphore_mem>>)
      %dma_wait3A = arith.constant 0 : i32
      %dma_wait3A_628 = tpu.memref_slice %arg5[%multiple_of3A_591, %dma_wait3A] : memref<8192x2800xf32, #tpu.memory_space<hbm>> -> memref<16x2800xf32, #tpu.memory_space<hbm>>
      %dma_wait3A_629 = arith.constant 0 : i32
      %dma_wait3A_630 = tpu.memref_slice %arg5[%multiple_of3A_591, %dma_wait3A_629] : memref<8192x2800xf32, #tpu.memory_space<hbm>> -> memref<16x2800xf32, #tpu.memory_space<hbm>>
      tpu.wait_dma2 semaphore(%run_scoped3A : memref<!tpu.dma_semaphore, #tpu.memory_space<semaphore_mem>>) src(%arg7 : memref<16x2800xf32, #tpu.memory_space<vmem>>) dst(%dma_wait3A_630 : memref<16x2800xf32, #tpu.memory_space<hbm>>)
      tpu.yield
    }) : () -> ()
    %add3A_592 = arith.constant 96000 : i32
    %add3A_593 = arith.addi %mul3A_2, %add3A_592 : i32
    "tpu.region"() ({
      %run_scoped3A = tpu.sem_alloc : memref<!tpu.dma_semaphore, #tpu.memory_space<semaphore_mem>>
      %dma_start3A = tpu.memref_slice %arg2[%add3A_593] : memref<3276800xi32, #tpu.memory_space<hbm>> -> memref<6400xi32, #tpu.memory_space<hbm>>
      %dma_start3A_625 = tpu.memref_slice %arg2[%add3A_593] : memref<3276800xi32, #tpu.memory_space<hbm>> -> memref<6400xi32, #tpu.memory_space<hbm>>
      tpu.enqueue_dma source(%dma_start3A_625 : memref<6400xi32, #tpu.memory_space<hbm>>) target(%arg6 : memref<6400xi32, #tpu.memory_space<vmem>>) target_semaphore(%run_scoped3A : memref<!tpu.dma_semaphore, #tpu.memory_space<semaphore_mem>>)
      %dma_wait3A = tpu.memref_slice %arg2[%add3A_593] : memref<3276800xi32, #tpu.memory_space<hbm>> -> memref<6400xi32, #tpu.memory_space<hbm>>
      %dma_wait3A_626 = tpu.memref_slice %arg2[%add3A_593] : memref<3276800xi32, #tpu.memory_space<hbm>> -> memref<6400xi32, #tpu.memory_space<hbm>>
      tpu.wait_dma2 semaphore(%run_scoped3A : memref<!tpu.dma_semaphore, #tpu.memory_space<semaphore_mem>>) src(%dma_wait3A_626 : memref<6400xi32, #tpu.memory_space<hbm>>) dst(%arg6 : memref<6400xi32, #tpu.memory_space<vmem>>)
      tpu.yield
    }) : () -> ()
    %scan3A_594 = arith.constant 0 : i32
    %scan3A_595 = arith.constant 0 : i32
    %scan3A_596 = arith.constant 16 : i32
    %scan3A_597 = arith.addi %scan3A_595, %scan3A_596 : i32
    %scan3A_598 = arith.constant 1 : i32
    scf.for %scan3A_625 = %scan3A_595 to %scan3A_597 step %scan3A_598  : i32 {
      %scan3A_626 = arith.constant 0 : i32
      %scan3A_627 = arith.constant 25 : i32
      %scan3A_628 = arith.addi %scan3A_626, %scan3A_627 : i32
      %scan3A_629 = arith.constant 1 : i32
      scf.for %scan3A_631 = %scan3A_626 to %scan3A_628 step %scan3A_629  : i32 {
        %mul3A_632 = arith.constant 25 : i32
        %mul3A_633 = arith.muli %scan3A_625, %mul3A_632 : i32
        %add3A_634 = arith.addi %mul3A_633, %scan3A_631 : i32
        %mul3A_635 = arith.constant 16 : i32
        %mul3A_636 = arith.muli %add3A_634, %mul3A_635 : i32
        %get3A_637 = arith.index_cast %mul3A_636 : i32 to index
        %get3A_638 = tpu.vector_load %arg6[%get3A_637] {strides = array<i32>} : memref<6400xi32, #tpu.memory_space<vmem>>, vector<16xi32>,
        %get3A_639 = vector.shape_cast %get3A_638 : vector<16xi32> to vector<16xi32>
        %mul3A_640 = arith.constant 112 : i32
        %mul3A_641 = arith.muli %scan3A_631, %mul3A_640 : i32
        %broadcast_in_dim3A = vector.shape_cast %get3A_76 : vector<16xi32> to vector<16x1xi32>
        %gather3A = vector.shape_cast %broadcast_in_dim3A : vector<16x1xi32> to vector<16xi32>
        %gather3A_642 = tpu.dynamic_gather %get3A_639[%gather3A] in [0] : vector<16xi32>, vector<16xi32> -> vector<16xi32>
        %ne3A_643 = arith.constant 0 : i32
        %ne3A_644 = vector.broadcast %ne3A_643 : i32 to vector<16xi32>
        %ne3A_645 = arith.cmpi ne, %gather3A_642, %ne3A_644 : vector<16xi32>
        %select_n3A_646 = arith.select %ne3A_645, %get3A_41, %get3A_6 : vector<16xi1>, vector<16xf32>
        %add3A_647 = arith.constant 0 : i32
        %add3A_648 = arith.addi %mul3A_641, %add3A_647 : i32
        %swap3A = arith.index_cast %scan3A_625 : i32 to index
        %swap3A_649 = arith.index_cast %add3A_648 : i32 to index
        %swap3A_650 = tpu.vector_load %arg7[%swap3A, %swap3A_649] {strides = array<i32>} : memref<16x2800xf32, #tpu.memory_space<vmem>>, vector<1x16xf32>,
        %swap3A_651 = vector.shape_cast %swap3A_650 : vector<1x16xf32> to vector<16xf32>
        %swap3A_652 = vector.shape_cast %select_n3A_646 : vector<16xf32> to vector<1x16xf32>
        tpu.vector_store %arg7[%swap3A, %swap3A_649], %swap3A_652 {strides = array<i32>} : memref<16x2800xf32, #tpu.memory_space<vmem>>, vector<1x16xf32>,
        %broadcast_in_dim3A_653 = vector.shape_cast %get3A_81 : vector<16xi32> to vector<16x1xi32>
        %gather3A_654 = vector.shape_cast %broadcast_in_dim3A_653 : vector<16x1xi32> to vector<16xi32>
        %gather3A_655 = tpu.dynamic_gather %get3A_639[%gather3A_654] in [0] : vector<16xi32>, vector<16xi32> -> vector<16xi32>
        %ne3A_656 = arith.constant 0 : i32
        %ne3A_657 = vector.broadcast %ne3A_656 : i32 to vector<16xi32>
        %ne3A_658 = arith.cmpi ne, %gather3A_655, %ne3A_657 : vector<16xi32>
        %select_n3A_659 = arith.select %ne3A_658, %get3A_46, %get3A_11 : vector<16xi1>, vector<16xf32>
        %add3A_660 = arith.constant 16 : i32
        %add3A_661 = arith.addi %mul3A_641, %add3A_660 : i32
        %swap3A_662 = arith.index_cast %scan3A_625 : i32 to index
        %swap3A_663 = arith.index_cast %add3A_661 : i32 to index
        %swap3A_664 = tpu.vector_load %arg7[%swap3A_662, %swap3A_663] {strides = array<i32>} : memref<16x2800xf32, #tpu.memory_space<vmem>>, vector<1x16xf32>,
        %swap3A_665 = vector.shape_cast %swap3A_664 : vector<1x16xf32> to vector<16xf32>
        %swap3A_666 = vector.shape_cast %select_n3A_659 : vector<16xf32> to vector<1x16xf32>
        tpu.vector_store %arg7[%swap3A_662, %swap3A_663], %swap3A_666 {strides = array<i32>} : memref<16x2800xf32, #tpu.memory_space<vmem>>, vector<1x16xf32>,
        %broadcast_in_dim3A_667 = vector.shape_cast %get3A_86 : vector<16xi32> to vector<16x1xi32>
        %gather3A_668 = vector.shape_cast %broadcast_in_dim3A_667 : vector<16x1xi32> to vector<16xi32>
        %gather3A_669 = tpu.dynamic_gather %get3A_639[%gather3A_668] in [0] : vector<16xi32>, vector<16xi32> -> vector<16xi32>
        %ne3A_670 = arith.constant 0 : i32
        %ne3A_671 = vector.broadcast %ne3A_670 : i32 to vector<16xi32>
        %ne3A_672 = arith.cmpi ne, %gather3A_669, %ne3A_671 : vector<16xi32>
        %select_n3A_673 = arith.select %ne3A_672, %get3A_51, %get3A_16 : vector<16xi1>, vector<16xf32>
        %add3A_674 = arith.constant 32 : i32
        %add3A_675 = arith.addi %mul3A_641, %add3A_674 : i32
        %swap3A_676 = arith.index_cast %scan3A_625 : i32 to index
        %swap3A_677 = arith.index_cast %add3A_675 : i32 to index
        %swap3A_678 = tpu.vector_load %arg7[%swap3A_676, %swap3A_677] {strides = array<i32>} : memref<16x2800xf32, #tpu.memory_space<vmem>>, vector<1x16xf32>,
        %swap3A_679 = vector.shape_cast %swap3A_678 : vector<1x16xf32> to vector<16xf32>
        %swap3A_680 = vector.shape_cast %select_n3A_673 : vector<16xf32> to vector<1x16xf32>
        tpu.vector_store %arg7[%swap3A_676, %swap3A_677], %swap3A_680 {strides = array<i32>} : memref<16x2800xf32, #tpu.memory_space<vmem>>, vector<1x16xf32>,
        %broadcast_in_dim3A_681 = vector.shape_cast %get3A_91 : vector<16xi32> to vector<16x1xi32>
        %gather3A_682 = vector.shape_cast %broadcast_in_dim3A_681 : vector<16x1xi32> to vector<16xi32>
        %gather3A_683 = tpu.dynamic_gather %get3A_639[%gather3A_682] in [0] : vector<16xi32>, vector<16xi32> -> vector<16xi32>
        %ne3A_684 = arith.constant 0 : i32
        %ne3A_685 = vector.broadcast %ne3A_684 : i32 to vector<16xi32>
        %ne3A_686 = arith.cmpi ne, %gather3A_683, %ne3A_685 : vector<16xi32>
        %select_n3A_687 = arith.select %ne3A_686, %get3A_56, %get3A_21 : vector<16xi1>, vector<16xf32>
        %add3A_688 = arith.constant 48 : i32
        %add3A_689 = arith.addi %mul3A_641, %add3A_688 : i32
        %swap3A_690 = arith.index_cast %scan3A_625 : i32 to index
        %swap3A_691 = arith.index_cast %add3A_689 : i32 to index
        %swap3A_692 = tpu.vector_load %arg7[%swap3A_690, %swap3A_691] {strides = array<i32>} : memref<16x2800xf32, #tpu.memory_space<vmem>>, vector<1x16xf32>,
        %swap3A_693 = vector.shape_cast %swap3A_692 : vector<1x16xf32> to vector<16xf32>
        %swap3A_694 = vector.shape_cast %select_n3A_687 : vector<16xf32> to vector<1x16xf32>
        tpu.vector_store %arg7[%swap3A_690, %swap3A_691], %swap3A_694 {strides = array<i32>} : memref<16x2800xf32, #tpu.memory_space<vmem>>, vector<1x16xf32>,
        %broadcast_in_dim3A_695 = vector.shape_cast %get3A_96 : vector<16xi32> to vector<16x1xi32>
        %gather3A_696 = vector.shape_cast %broadcast_in_dim3A_695 : vector<16x1xi32> to vector<16xi32>
        %gather3A_697 = tpu.dynamic_gather %get3A_639[%gather3A_696] in [0] : vector<16xi32>, vector<16xi32> -> vector<16xi32>
        %ne3A_698 = arith.constant 0 : i32
        %ne3A_699 = vector.broadcast %ne3A_698 : i32 to vector<16xi32>
        %ne3A_700 = arith.cmpi ne, %gather3A_697, %ne3A_699 : vector<16xi32>
        %select_n3A_701 = arith.select %ne3A_700, %get3A_61, %get3A_26 : vector<16xi1>, vector<16xf32>
        %add3A_702 = arith.constant 64 : i32
        %add3A_703 = arith.addi %mul3A_641, %add3A_702 : i32
        %swap3A_704 = arith.index_cast %scan3A_625 : i32 to index
        %swap3A_705 = arith.index_cast %add3A_703 : i32 to index
        %swap3A_706 = tpu.vector_load %arg7[%swap3A_704, %swap3A_705] {strides = array<i32>} : memref<16x2800xf32, #tpu.memory_space<vmem>>, vector<1x16xf32>,
        %swap3A_707 = vector.shape_cast %swap3A_706 : vector<1x16xf32> to vector<16xf32>
        %swap3A_708 = vector.shape_cast %select_n3A_701 : vector<16xf32> to vector<1x16xf32>
        tpu.vector_store %arg7[%swap3A_704, %swap3A_705], %swap3A_708 {strides = array<i32>} : memref<16x2800xf32, #tpu.memory_space<vmem>>, vector<1x16xf32>,
        %broadcast_in_dim3A_709 = vector.shape_cast %get3A_101 : vector<16xi32> to vector<16x1xi32>
        %gather3A_710 = vector.shape_cast %broadcast_in_dim3A_709 : vector<16x1xi32> to vector<16xi32>
        %gather3A_711 = tpu.dynamic_gather %get3A_639[%gather3A_710] in [0] : vector<16xi32>, vector<16xi32> -> vector<16xi32>
        %ne3A_712 = arith.constant 0 : i32
        %ne3A_713 = vector.broadcast %ne3A_712 : i32 to vector<16xi32>
        %ne3A_714 = arith.cmpi ne, %gather3A_711, %ne3A_713 : vector<16xi32>
        %select_n3A_715 = arith.select %ne3A_714, %get3A_66, %get3A_31 : vector<16xi1>, vector<16xf32>
        %add3A_716 = arith.constant 80 : i32
        %add3A_717 = arith.addi %mul3A_641, %add3A_716 : i32
        %swap3A_718 = arith.index_cast %scan3A_625 : i32 to index
        %swap3A_719 = arith.index_cast %add3A_717 : i32 to index
        %swap3A_720 = tpu.vector_load %arg7[%swap3A_718, %swap3A_719] {strides = array<i32>} : memref<16x2800xf32, #tpu.memory_space<vmem>>, vector<1x16xf32>,
        %swap3A_721 = vector.shape_cast %swap3A_720 : vector<1x16xf32> to vector<16xf32>
        %swap3A_722 = vector.shape_cast %select_n3A_715 : vector<16xf32> to vector<1x16xf32>
        tpu.vector_store %arg7[%swap3A_718, %swap3A_719], %swap3A_722 {strides = array<i32>} : memref<16x2800xf32, #tpu.memory_space<vmem>>, vector<1x16xf32>,
        %broadcast_in_dim3A_723 = vector.shape_cast %get3A_106 : vector<16xi32> to vector<16x1xi32>
        %gather3A_724 = vector.shape_cast %broadcast_in_dim3A_723 : vector<16x1xi32> to vector<16xi32>
        %gather3A_725 = tpu.dynamic_gather %get3A_639[%gather3A_724] in [0] : vector<16xi32>, vector<16xi32> -> vector<16xi32>
        %ne3A_726 = arith.constant 0 : i32
        %ne3A_727 = vector.broadcast %ne3A_726 : i32 to vector<16xi32>
        %ne3A_728 = arith.cmpi ne, %gather3A_725, %ne3A_727 : vector<16xi32>
        %select_n3A_729 = arith.select %ne3A_728, %get3A_71, %get3A_36 : vector<16xi1>, vector<16xf32>
        %add3A_730 = arith.constant 96 : i32
        %add3A_731 = arith.addi %mul3A_641, %add3A_730 : i32
        %swap3A_732 = arith.index_cast %scan3A_625 : i32 to index
        %swap3A_733 = arith.index_cast %add3A_731 : i32 to index
        %swap3A_734 = tpu.vector_load %arg7[%swap3A_732, %swap3A_733] {strides = array<i32>} : memref<16x2800xf32, #tpu.memory_space<vmem>>, vector<1x16xf32>,
        %swap3A_735 = vector.shape_cast %swap3A_734 : vector<1x16xf32> to vector<16xf32>
        %swap3A_736 = vector.shape_cast %select_n3A_729 : vector<16xf32> to vector<1x16xf32>
        tpu.vector_store %arg7[%swap3A_732, %swap3A_733], %swap3A_736 {strides = array<i32>} : memref<16x2800xf32, #tpu.memory_space<vmem>>, vector<1x16xf32>,
      }
      %scan3A_630 = arith.constant 25 : i32
    }
    %scan3A_599 = arith.constant 16 : i32
    %jit3A_600 = arith.constant 400 : i32
    %div3A_601 = arith.divsi %add3A_593, %jit3A_600 : i32
    %sign3A_602 = arith.constant 0 : i32
    %sign3A_603 = arith.cmpi sgt, %add3A_593, %sign3A_602 : i32
    %sign3A_604 = arith.extui %sign3A_603 : i1 to i32
    %sign3A_605 = arith.constant 0 : i32
    %sign3A_606 = arith.cmpi slt, %add3A_593, %sign3A_605 : i32
    %sign3A_607 = arith.extui %sign3A_606 : i1 to i32
    %sign3A_608 = arith.subi %sign3A_604, %sign3A_607 : i32
    %sign3A_609 = arith.constant 0 : i32
    %sign3A_610 = arith.cmpi sgt, %jit3A_600, %sign3A_609 : i32
    %sign3A_611 = arith.extui %sign3A_610 : i1 to i32
    %sign3A_612 = arith.constant 0 : i32
    %sign3A_613 = arith.cmpi slt, %jit3A_600, %sign3A_612 : i32
    %sign3A_614 = arith.extui %sign3A_613 : i1 to i32
    %sign3A_615 = arith.subi %sign3A_611, %sign3A_614 : i32
    %ne3A_616 = arith.cmpi ne, %sign3A_608, %sign3A_615 : i32
    %rem3A_617 = arith.remsi %add3A_593, %jit3A_600 : i32
    %ne3A_618 = arith.constant 0 : i32
    %ne3A_619 = arith.cmpi ne, %rem3A_617, %ne3A_618 : i32
    %and3A_620 = arith.andi %ne3A_616, %ne3A_619 : i1
    %sub3A_621 = arith.constant 1 : i32
    %sub3A_622 = arith.subi %div3A_601, %sub3A_621 : i32
    %select_n3A_623 = arith.select %and3A_620, %sub3A_622, %div3A_601 : i32
    %multiple_of3A_624 = tpu.assume_multiple %select_n3A_623, 8 : i32
    "tpu.region"() ({
      %run_scoped3A = tpu.sem_alloc : memref<!tpu.dma_semaphore, #tpu.memory_space<semaphore_mem>>
      %dma_start3A = arith.constant 0 : i32
      %dma_start3A_625 = tpu.memref_slice %arg5[%multiple_of3A_624, %dma_start3A] : memref<8192x2800xf32, #tpu.memory_space<hbm>> -> memref<16x2800xf32, #tpu.memory_space<hbm>>
      %dma_start3A_626 = arith.constant 0 : i32
      %dma_start3A_627 = tpu.memref_slice %arg5[%multiple_of3A_624, %dma_start3A_626] : memref<8192x2800xf32, #tpu.memory_space<hbm>> -> memref<16x2800xf32, #tpu.memory_space<hbm>>
      tpu.enqueue_dma source(%arg7 : memref<16x2800xf32, #tpu.memory_space<vmem>>) target(%dma_start3A_627 : memref<16x2800xf32, #tpu.memory_space<hbm>>) target_semaphore(%run_scoped3A : memref<!tpu.dma_semaphore, #tpu.memory_space<semaphore_mem>>)
      %dma_wait3A = arith.constant 0 : i32
      %dma_wait3A_628 = tpu.memref_slice %arg5[%multiple_of3A_624, %dma_wait3A] : memref<8192x2800xf32, #tpu.memory_space<hbm>> -> memref<16x2800xf32, #tpu.memory_space<hbm>>
      %dma_wait3A_629 = arith.constant 0 : i32
      %dma_wait3A_630 = tpu.memref_slice %arg5[%multiple_of3A_624, %dma_wait3A_629] : memref<8192x2800xf32, #tpu.memory_space<hbm>> -> memref<16x2800xf32, #tpu.memory_space<hbm>>
      tpu.wait_dma2 semaphore(%run_scoped3A : memref<!tpu.dma_semaphore, #tpu.memory_space<semaphore_mem>>) src(%arg7 : memref<16x2800xf32, #tpu.memory_space<vmem>>) dst(%dma_wait3A_630 : memref<16x2800xf32, #tpu.memory_space<hbm>>)
      tpu.yield
    }) : () -> ()
    return
  }
}

</mosaic_0001>

<sc_bundles>
// kernel: kernel.3.cloned.1.call-start
scs
__scs_entry_jumppad:
0x0: {  	(pc) =	sbr.rel $0x88, $3  }
0x1: {  	(tag) =	ssettag $0x0;
	lr =	simm.s32 $0x1  }
0x2: {  	[smem:$0x3F9F] =	sst lr;
	_ =	strace $0xD0000000  }
0x3: {  	_ = 	snop  }
0x4: {  	_ = 	snop  }
0x5: {  	_ = 	snop  }
0x6: {  	_ = 	snop  }
0x7: {  	_ = 	snop  }
__scs_overlays_trampoline_lowered:
0x8: {  	[smem:$0x3FAE] =	sst s0  }
0x9: {  	[smem:$0x3FAF] =	sst s1  }
0xa: {  	[smem:$0x3FB0] =	sst s2  }
0xb: {  	[smem:$0x3FB1] =	sst s3  }
0xc: {  	[smem:$0x3FB2] =	sst s4  }
0xd: {  	[smem:$0x3FB3] =	sst s5  }
0xe: {  	[smem:$0x3FB4] =	sst s6  }
0xf: {  	[smem:$0x3FB5] =	sst s7  }
0x10: {  	[smem:$0x3FB6] =	sst s8  }
0x11: {  	[smem:$0x3FB7] =	sst s9;
	s0 =	simm.s32 @!p0 $0x0  }
0x12: {  	s1 =	sld [smem:$0x3F9D];
	s0 =	simm.s32 @p0 $0x1  }
0x13: {  	[smem:$0x3FB8] =	sst s0;
	s0 =	simm.s32 @!p1 $0x0  }
0x14: {  	s2 =	sld [smem:$0x3F9C];
	s0 =	simm.s32 @p1 $0x1  }
0x15: {  	[smem:$0x3FB9] =	sst s0;
	s0 =	simm.s32 @!p2 $0x0  }
0x16: {  	s3 =	sld [smem:$0x3FDB];
	s0 =	simm.s32 @p2 $0x1  }
0x17: {  	s4 =	simm.s32 $0x1BF5;
	[smem:$0x3FBB] =	sst s0  }
0x18: {  	s0 =	sld [smem:$0x3F9E];
	_ =	swait.ge [sflag:s4], $0x0  }
0x19: {  	s7 =	sld [smem:$0x3F9F]  }
0x1a: {  	s8 =	sadd.s32 $0xFFFFE003, lr  }
0x1b: {  	s9 =	sadd.s32 $0xFFFFFEF7, lr;
	s5 =	simm.s32 $0xFFFFFFFF;
	p2 =	slt.u32 s8, $0xFFFFF086  }
0x1c: {  	p1 =	slt.u32 s9, $0xF7A;
	s5 =	simm.s32 @!p2 $0x0  }
0x1d: {  	s5 =	simm.s32 @p1 $0x1;
	p0 =	seq.s32 s7, s2  }
0x1e: {  	s7 =	smul.u32 @!p0 $0xF7A, s2;
	p2 =	seq.s32 @!p0 s5, $0x0  }
0x1f: {  	s9 =	smul.u32 $0xF7A, s1;
	s8 =	simm.s32 @!p0 $0x1BF5;
	p2 =	por !p2, p0  }
0x20: {  	[sflag:s8] =	ssyncset.s32 @!p0 $0xFFFFF086;
	s6 =	sadd.s32 @!p0 s3, s7;
	s7 =	simm.s32 @!p0 $0x108  }
0x21: {  	s3 =	sadd.s32 s3, s9;
	s6 =	sadd.s32 @!p0 $0x88, s6;
	s7 =	simm.s32 @p2 $0x1082  }
0x22: {  	[simem:s7], [sflag:s8] =	dma.local @!p0 [hbm:s6], $0xF7A  }
0x23: {  	s9 =	sor.u32 $0xD0000000, s2;
	s6 =	simm.s32 $0x108;
	_ =	swait.ge @!p0 [sflag:s8], $0x0  }
0x24: {  	s3 =	sadd.s32 $0x88, s3;
	s6 =	simm.s32 @!p1 $0x1082;
	[sflag:s4] =	ssyncset.s32 $0xFFFFF086  }
0x25: {  	[simem:s6], [sflag:s4] =	dma.local [hbm:s3], $0xF7A  }
0x26: {  	[smem:$0x3F9F] =	sst s1;
	(tag) =	ssettag s2;
	_ =	strace s9  }
0x27: {  	s1 =	sld [smem:$0x3FAF]  }
0x28: {  	s2 =	sld [smem:$0x3FB0]  }
0x29: {  	s4 =	sld [smem:$0x3FB2]  }
0x2a: {  	p0 =	seq.s32 s5, $0x0;
	s5 =	sld [smem:$0x3FB3]  }
0x2b: {  	s6 =	sld [smem:$0x3FB4]  }
0x2c: {  	s7 =	sld [smem:$0x3FB5]  }
0x2d: {  	s3 =	simm.s32 $0x108;
	s8 =	sld [smem:$0x3FB6]  }
0x2e: {  	s3 =	simm.s32 @!p0 $0x1082;
	s9 =	sld [smem:$0x3FB7]  }
0x2f: {  	lr =	sadd.s32 s0, s3;
	s0 =	sld [smem:$0x3FAE]  }
0x30: {  	s3 =	sld [smem:$0x3FB1]  }
0x31: {  	[smem:$0x3FBA] =	sst s10  }
0x32: {  	s10 =	sld [smem:$0x3FB8];
	_ =	sdelay $0x3  }
0x33: {  	p0 =	seq.s32 s10, $0x1;
	s10 =	sld [smem:$0x3FBA];
	_ =	sdelay $0x3  }
0x34: {  	[smem:$0x3FBA] =	sst s10  }
0x35: {  	s10 =	sld [smem:$0x3FB9];
	_ =	sdelay $0x3  }
0x36: {  	p1 =	seq.s32 s10, $0x1;
	s10 =	sld [smem:$0x3FBA];
	_ =	sdelay $0x3  }
0x37: {  	[smem:$0x3FBA] =	sst s10  }
0x38: {  	s10 =	sld [smem:$0x3FBB]  }
0x39: {  	_ = 	snop;
	(pc) =	sbr.ind lr, $3  }
0x3a: {  	_ = 	snop  }
0x3b: {  	_ = 	snop  }
0x3c: {  	p2 =	seq.s32 s10, $0x1;
	s10 =	sld [smem:$0x3FBA]  }
0x3d: {  	_ =	shalt  }
0x3e: {  	_ =	shalt  }
0x3f: {  	_ =	shalt  }
0x40: {  	_ =	shalt  }
0x41: {  	_ =	shalt  }
0x42: {  	_ =	shalt  }
0x43: {  	_ =	shalt  }
0x44: {  	_ =	shalt  }
0x45: {  	_ =	shalt  }
0x46: {  	_ =	shalt  }
0x47: {  	_ =	shalt  }
0x48: {  	_ =	shalt  }
0x49: {  	_ =	shalt  }
0x4a: {  	_ =	shalt  }
0x4b: {  	_ =	shalt  }
0x4c: {  	_ =	shalt  }
0x4d: {  	_ =	shalt  }
0x4e: {  	_ =	shalt  }
0x4f: {  	_ =	shalt  }
0x50: {  	_ =	shalt  }
0x51: {  	_ =	shalt  }
0x52: {  	_ =	shalt  }
0x53: {  	_ =	shalt  }
0x54: {  	_ =	shalt  }
0x55: {  	_ =	shalt  }
0x56: {  	_ =	shalt  }
0x57: {  	_ =	shalt  }
0x58: {  	_ =	shalt  }
0x59: {  	_ =	shalt  }
0x5a: {  	_ =	shalt  }
0x5b: {  	_ =	shalt  }
0x5c: {  	_ =	shalt  }
0x5d: {  	_ =	shalt  }
0x5e: {  	_ =	shalt  }
0x5f: {  	_ =	shalt  }
0x60: {  	_ =	shalt  }
0x61: {  	_ =	shalt  }
0x62: {  	_ =	shalt  }
0x63: {  	_ =	shalt  }
0x64: {  	_ =	shalt  }
0x65: {  	_ =	shalt  }
0x66: {  	_ =	shalt  }
0x67: {  	_ =	shalt  }
0x68: {  	_ =	shalt  }
0x69: {  	_ =	shalt  }
0x6a: {  	_ =	shalt  }
0x6b: {  	_ =	shalt  }
0x6c: {  	_ =	shalt  }
0x6d: {  	_ =	shalt  }
0x6e: {  	_ =	shalt  }
0x6f: {  	_ =	shalt  }
0x70: {  	_ =	shalt  }
0x71: {  	_ =	shalt  }
0x72: {  	_ =	shalt  }
0x73: {  	_ =	shalt  }
0x74: {  	_ =	shalt  }
0x75: {  	_ =	shalt  }
0x76: {  	_ =	shalt  }
0x77: {  	_ =	shalt  }
0x78: {  	_ =	shalt  }
0x79: {  	_ =	shalt  }
0x7a: {  	_ =	shalt  }
0x7b: {  	_ =	shalt  }
0x7c: {  	_ =	shalt  }
0x7d: {  	_ =	shalt  }
0x7e: {  	_ =	shalt  }
0x7f: {  	_ =	shalt  }
0x80: {  	_ =	shalt  }
0x81: {  	_ =	shalt  }
0x82: {  	_ =	shalt  }
0x83: {  	_ =	shalt  }
0x84: {  	_ =	shalt  }
0x85: {  	_ =	shalt  }
0x86: {  	_ =	shalt  }
0x87: {  	_ =	shalt  }
.Lfunc_end0:
.L_simem_size_0:
called_computation.1_lowered:
.L_overlay_start_0:
0x88: {  	s2 =	sld [smem:$0x3FD9]  }
0x89: {  	s3 =	sld [smem:$0x3FFE];
	_ =	sdelay $0x1  }
0x8a: {  	s1 =	srdreg.scid  }
0x8b: {  	s0 =	sand.u32 $0x1, s1  }
0x8c: {  	s17 =	sshll.u32 s0, $0xA;
	s2 =	sadd.s32 s3, s2  }
0x8d: {  	s2 =	sadd.s32 s2, s17  }
0x8e: {  	[smem:$0x3FC6] =	sst s2  }
0x8f: {  	_ = 	snop  }
0x90: {  	s2 =	sld [smem:$0x3FD0];
	(tm) =	ssettm $0x1  }
0x91: {  	s18 =	sld [smem:$0x3FFB];
	_ =	sdelay $0x3  }
0x92: {  	_ =	strace s18  }
0x93: {  	s3 =	sld [smem:$0x3FFC];
	_ =	sdelay $0x3  }
0x94: {  	_ =	strace s3  }
0x95: {  	s3 =	sld [smem:$0x3FFD];
	_ =	sdelay $0x3  }
0x96: {  	_ =	strace s3  }
0x97: {  	_ =	strace $0x8FFFFFFF  }
0x98: {  	s19 =	sld [smem:$0x3FDB];
	_ =	sdelay $0x1  }
0x99: {  	s4 =	simm.s32 $_scs_section_size  }
0x9a: {  	s5 =	simm.s32 $_size__tile_overlayer_lowered;
	s6 =	simm.s32 $_tile_overlayer_lowered  }
0x9b: {  	s22 =	simm.s32 $0x1BFF;
	s21 =	sshll.u32 s6, $0x1;
	s3 =	sadd.s32 s4, s19  }
0x9c: {  	s7 =	simm.s32 $0x0;
	s20 =	sshll.u32 s5, $0x1;
	s5 =	sadd.s32 s21, s3  }
0x9d: {  	[timem:s7], [sflag:s22] =	dma.local [hbm:s5], s20  }
0x9e: {  	_ =	swait.ge [sflag:s22], s20  }
0x9f: {  	s4 =	ssub.s32 $0x0, s20;
	[sflag:s22] =	ssyncset.done $0x0  }
0xa0: {  	[sflag:s22] =	ssyncadd.s32 s4;
	_ =	sdelay $0x1  }
0xa1: {  	s23 =	simm.s32 $0x1B8B  }
0xa2: {  	_ =	swait.ge [sflag:s23], $0x1  }
0xa3: {  	[sflag:s23] =	ssyncset.done $0x0  }
0xa4: {  	s25 =	simm.s32 $0x1B8E;
	s24 =	sld [smem:$0x3FFE];
	[sflag:s23] =	ssyncadd.s32 $0xFFFFFFFF  }
0xa5: {  	s26 =	simm.s32 $execute0_lowered;
	[smem:$0x3FD2] =	sst s25  }
0xa6: {  	s5 =	sshll.u32 s26, $0x1;
	_ =	strace $0x80000046;
	[dreg:$0x1] =	wrdreg $0xFFFFFFFF  }
0xa7: {  	s28 =	simm.s32 $_size_execute0_lowered;
	s3 =	sadd.s32 s3, s5;
	[dreg:$0x0] =	wrdreg $0x0  }
0xa8: {  	s5 =	sshll.u32 s28, $0x1;
	[dreg:$0x2] =	wrdreg s3  }
0xa9: {  	[dreg:$0x3] =	wrdreg s5  }
0xaa: {  	[dreg:$0x4] =	wrdreg $0xC0  }
0xab: {  	_ =	task [dreg:s7], $0x5FFFF  }
0xac: {  	[dreg:$0x1] =	wrdreg $0xFFFFFFFF  }
0xad: {  	[dreg:$0x0] =	wrdreg $0x60  }
0xae: {  	[dreg:$0x2] =	wrdreg s2  }
0xaf: {  	[dreg:$0x3] =	wrdreg s24  }
0xb0: {  	[dreg:$0x4] =	wrdreg $0x9  }
0xb1: {  	_ =	task.clear_ibuf [dreg:s7], $0x5FFFF;
	_ =	strace $0x90000046  }
0xb2: {  	s29 =	simm.s32 $0x9;
	_ =	strace $0x80000048  }
0xb3: {  	_ =	swait.ge [sflag:s29], $0x1  }
0xb4: {  	[sflag:s29] =	ssyncadd.s32 $0xFFFFFFFF  }
0xb5: {  	_ =	strace $0x90000048  }
0xb6: {  	_ =	sfence  }
0xb7: {  	s30 =	sld [smem:$0x0];
	_ =	sdelay $0x2  }
0xb8: {  	s31 =	sshll.u32 s1, $0xD;
	s1 =	sshrl.u32 s1, $0x2  }
0xb9: {  	s3 =	sand.u32 $0x4000, s31;
	s1 =	sadd.s32 s1, s30  }
0xba: {  	s0 =	sor.u32 s3, s0;
	s1 =	sshll.u32 s1, $0x11  }
0xbb: {  	s0 =	sor.u32 s1, s0  }
0xbc: {  	s0 =	sadd.s32 $0x8F2B, s0  }
0xbd: {  	[sflag:s0] =	ssyncadd.remote.s32 $0x1  }
0xbe: {  	_ =	sfence.sel $0xFFFF  }
0xbf: {  	[dreg:$0x0] =	wrdreg $0xFFFFFFFF;
	(pc) =	sbr.abs _section_cstart, $3  }
0xc0: {  	[dreg:$0x1] =	wrdreg $0xFFFFFFFF  }
0xc1: {  	_ =	task.clear_ibuf [dreg:s7], $0x2FFFF;
	_ =	strace $0x9FFFFFFF  }
0xc2: {  	(tm) =	ssettm $0x7FFFFFFF  }
0xc3: {  	_ =	shalt  }
tec
execute0_lowered:
.L_overlay_start_1:
0x0: {  	(tag) =	ssettag $0x1  }
0x1: {  	s0 =	srdreg.scid;
	s1 =	stileid.u32  }
0x2: {  	s0 =	sand.u32 $0x1, s0;
	s1 =	sshll.u32 s1, $0x1  }
0x3: {  	s2 =	sor.u32 s0, s1  }
0x4: {  	s0 =	ssub.s32 $0x2, s0;
	s3 =	smul.u32 $0x19000, s2  }
0x5: {  	s31 =	rddreg [dreg:$0x0];
	s4 =	sshrl.u32 s0, $0x1  }
0x6: {  	s5 =	ssub.s32 s0, s4;
	s6 =	sadd.s32 $0x1900, s3;
	s7 =	sshrl.u32 s3, $0x3  }
0x7: {  	s17 =	sadd.s32 $0x9600, s3;
	s18 =	sadd.s32 $0xAF00, s3;
	s19 =	sadd.s32 $0xC800, s3  }
0x8: {  	s20 =	sadd.s32 $0xE100, s3;
	s22 =	sadd.s32 $0xFA00, s3;
	s26 =	sadd.s32 $0x14500, s3  }
0x9: {  	s8 =	smulhi.u32 $0xA3D70B, s6;
	s0 =	sadd.s32 s31, s7;
	s7 =	sadd.s32 $0x3200, s3  }
0xa: {  	s9 =	sshrl.u32 s6, $0x3;
	[dreg:$0x3] =	wrdreg s0;
	s0 =	smul.u32 $0x16000, s2  }
0xb: {  	s10 =	smulhi.u32 $0xA3D70B, s7;
	s2 =	sadd.s32 s31, s9;
	s9 =	sadd.s32 $0x6400, s3  }
0xc: {  	s5 =	smax.u32 s5, $0x1;
	s4 =	sshrl.u32 s8, $0x3;
	s14 =	smulhi.u32 $0xA3D70B, s9  }
0xd: {  	[dreg:$0x4] =	wrdreg s2;
	s8 =	sadd.s32 $0x4B00, s3;
	s2 =	smul.u32 $0xB00, s4  }
0xe: {  	s23 =	sshrl.u32 s22, $0x3;
	s11 =	sshrl.u32 s7, $0x3;
	s12 =	smulhi.u32 $0xA3D70B, s8  }
0xf: {  	s6 =	sshrl.u32 s10, $0x3;
	s4 =	sadd.s32 s31, s11;
	s11 =	smulhi.u32 $0xA3D70B, s17  }
0x10: {  	s10 =	sadd.s32 $0x7D00, s3;
	[dreg:$0x5] =	wrdreg s4;
	s4 =	smul.u32 $0xB00, s6  }
0x11: {  	s15 =	sshrl.u32 s9, $0x3;
	s13 =	sshrl.u32 s8, $0x3;
	s16 =	smulhi.u32 $0xA3D70B, s10  }
0x12: {  	s6 =	sadd.s32 s31, s13;
	s8 =	sshrl.u32 s14, $0x3;
	s13 =	smulhi.u32 $0xA3D70B, s19  }
0x13: {  	s10 =	sshrl.u32 s10, $0x3;
	s14 =	smulhi.u32 $0xA3D70B, s20;
	s7 =	sshrl.u32 s12, $0x3  }
0x14: {  	[dreg:$0x6] =	wrdreg s6;
	s10 =	sadd.s32 s31, s10;
	s12 =	smulhi.u32 $0xA3D70B, s18  }
0x15: {  	s11 =	sshrl.u32 s11, $0x3;
	s6 =	smul.u32 $0xB00, s7;
	s7 =	sadd.s32 s31, s15  }
0x16: {  	s9 =	sshrl.u32 s16, $0x3;
	[dreg:$0x8] =	wrdreg s10;
	s10 =	sshrl.u32 s18, $0x3  }
0x17: {  	s21 =	sshrl.u32 s14, $0x3;
	s15 =	sadd.s32 $0x11300, s3;
	s14 =	sadd.s32 s31, s23  }
0x18: {  	s16 =	sadd.s32 $0x12C00, s3;
	[dreg:$0x7] =	wrdreg s7;
	s7 =	smul.u32 $0xB00, s8  }
0x19: {  	s18 =	sadd.s32 $0x15E00, s3;
	s3 =	sadd.s32 $0x17700, s3;
	s9 =	smul.u32 $0xB00, s9  }
0x1a: {  	s8 =	sshrl.u32 s17, $0x3;
	s12 =	sshrl.u32 s12, $0x3;
	s10 =	sadd.s32 s31, s10  }
0x1b: {  	[dreg:$0xd] =	wrdreg s14;
	s24 =	sshrl.u32 s15, $0x3;
	s25 =	sshrl.u32 s16, $0x3  }
0x1c: {  	s17 =	sshrl.u32 s26, $0x3;
	s29 =	sshrl.u32 s3, $0x3;
	s30 =	smulhi.u32 $0xA3D70B, s15  }
0x1d: {  	s3 =	smulhi.u32 $0xA3D70B, s3;
	s8 =	sadd.s32 s31, s8;
	[dreg:$0xa] =	wrdreg s10  }
0x1e: {  	s10 =	smul.u32 $0xB00, s12;
	s12 =	sshrl.u32 s20, $0x3;
	s14 =	sadd.s32 s31, s24  }
0x1f: {  	s17 =	sadd.s32 s31, s17;
	s1 =	sadd.s32 s31, s29;
	[dreg:$0x9] =	wrdreg s8  }
0x20: {  	s8 =	smul.u32 $0xB00, s11;
	s11 =	sshrl.u32 s19, $0x3;
	[dreg:$0xe] =	wrdreg s14  }
0x21: {  	s12 =	sadd.s32 s31, s12;
	s14 =	sadd.s32 s31, s25;
	[dreg:$0x10] =	wrdreg s17  }
0x22: {  	s19 =	sshrl.u32 s18, $0x3;
	[dreg:$0x12] =	wrdreg s1;
	s25 =	smulhi.u32 $0xA3D70B, s18  }
0x23: {  	s1 =	sshrl.u32 s30, $0x3;
	[dreg:$0xc] =	wrdreg s12;
	s12 =	smul.u32 $0xB00, s21  }
0x24: {  	s11 =	sadd.s32 s31, s11;
	s28 =	sadd.s32 s31, s19;
	s31 =	smulhi.u32 $0xA3D70B, s16  }
0x25: {  	s3 =	sshrl.u32 s3, $0x3;
	[dreg:$0xf] =	wrdreg s14;
	s1 =	smul.u32 $0xB00, s1  }
0x26: {  	s13 =	sshrl.u32 s13, $0x3;
	s16 =	rddreg [dreg:$0x1];
	s3 =	smul.u32 $0xB00, s3  }
0x27: {  	s17 =	simm.s32 $0x0;
	[dreg:$0xb] =	wrdreg s11;
	s11 =	smul.u32 $0xB00, s13  }
0x28: {  	[smem:$0x7FF] =	sst s17;
	s13 =	smulhi.u32 $0xA3D70B, s22;
	s19 =	sadd.s32 $0xE00, s16  }
0x29: {  	[dreg:$0x11] =	wrdreg s28;
	s22 =	smulhi.u32 $0xA3D70B, s26;
	s0 =	sadd.s32 s19, s0  }
0x2a: {  	s15 =	sshrl.u32 s31, $0x3;
	s2 =	sadd.s32 s19, s2;
	[dreg:$0x13] =	wrdreg s0  }
0x2b: {  	s20 =	sadd.s32 s19, s4;
	s21 =	sadd.s32 s19, s6;
	[dreg:$0x14] =	wrdreg s2  }
0x2c: {  	s23 =	sadd.s32 s19, s7;
	s24 =	sadd.s32 s19, s9;
	[dreg:$0x15] =	wrdreg s20  }
0x2d: {  	s26 =	sadd.s32 s19, s8;
	s28 =	sadd.s32 s19, s10;
	[dreg:$0x16] =	wrdreg s21  }
0x2e: {  	s4 =	sshrl.u32 s25, $0x3;
	s30 =	sadd.s32 s19, s12;
	[dreg:$0x17] =	wrdreg s23  }
0x2f: {  	s1 =	sadd.s32 s19, s1;
	s6 =	simm.s32 $0x1;
	[dreg:$0x18] =	wrdreg s24  }
0x30: {  	s7 =	simm.s32 $0x1900;
	s8 =	simm.s32 $0x0;
	[dreg:$0x19] =	wrdreg s26  }
0x31: {  	s13 =	sshrl.u32 s13, $0x3;
	s15 =	smul.u32 $0xB00, s15;
	[dreg:$0x1a] =	wrdreg s28  }
0x32: {  	s2 =	sshrl.u32 s22, $0x3;
	s4 =	smul.u32 $0xB00, s4;
	[dreg:$0x1c] =	wrdreg s30  }
0x33: {  	s29 =	sadd.s32 s19, s11;
	[dreg:$0x1e] =	wrdreg s1;
	s13 =	smul.u32 $0xB00, s13  }
0x34: {  	s2 =	smul.u32 $0xB00, s2;
	[dreg:$0x1b] =	wrdreg s29;
	s0 =	sadd.s32 s19, s15  }
0x35: {  	s1 =	sadd.s32 s19, s4;
	s31 =	sadd.s32 s19, s13;
	[dreg:$0x1f] =	wrdreg s0  }
0x36: {  	s4 =	sadd.s32 $0xA00, s16;
	s0 =	sadd.s32 s19, s2;
	[dreg:$0x1d] =	wrdreg s31  }
0x37: {  	s2 =	sadd.s32 s19, s3;
	s3 =	sadd.s32 $0xC00, s16;
	_ =	strace $0x80000047  }
.LBB2_1:
0x38: {  	s9 =	simm.s32 $0xC900  }
0x39: {  	[tilespmem:s9], [sflag:$0x1] =	stream.linear.gather [hbm4b:s3+s17], $0x700, $0x38;
	[tilespmem:$0xD500] =	vst v63  }
0x3a: {  	_ =	swait.ge [sflag:s6], $0x700  }
0x3b: {  	[sflag:s6] =	ssyncset.done $0x0  }
0x3c: {  	s30 =	simm.s32 $0xD100;
	[sflag:s6] =	ssyncadd.s32 $0xFFFFF900  }
0x3d: {  	[tilespmem:s30], [sflag:$0x1] =	stream.linear.gather [hbm4b:s4+s17], $0x380, $0x38;
	[tilespmem:$0xD500] =	vst v63  }
0x3e: {  	_ =	swait.ge [sflag:s6], $0x380  }
0x3f: {  	[sflag:s6] =	ssyncset.done $0x0  }
0x40: {  	[sflag:s6] =	ssyncadd.s32 $0xFFFFFC80  }
0x41: {  	v0 =	vld [tilespmem:$0xC900]  }
0x42: {  	v1 =	vld [tilespmem:$0xC980]  }
0x43: {  	v2 =	vld [tilespmem:$0xCA00]  }
0x44: {  	v3 =	vld [tilespmem:$0xCA80]  }
0x45: {  	v4 =	vld [tilespmem:$0xCB00]  }
0x46: {  	v5 =	vld [tilespmem:$0xCB80]  }
0x47: {  	v6 =	vld [tilespmem:$0xCC00]  }
0x48: {  	v7 =	vld [tilespmem:$0xCC80]  }
0x49: {  	v8 =	vld [tilespmem:$0xCD00]  }
0x4a: {  	v9 =	vld [tilespmem:$0xCD80]  }
0x4b: {  	v10 =	vld [tilespmem:$0xCE00]  }
0x4c: {  	v11 =	vld [tilespmem:$0xCE80]  }
0x4d: {  	v14 =	vld [tilespmem:$0xD100]  }
0x4e: {  	v15 =	vld [tilespmem:$0xD180]  }
0x4f: {  	v16 =	vld [tilespmem:$0xD200]  }
0x50: {  	v17 =	vld [tilespmem:$0xD280]  }
0x51: {  	v18 =	vld [tilespmem:$0xD300]  }
0x52: {  	v19 =	vld [tilespmem:$0xD380]  }
0x53: {  	v20 =	vld [tilespmem:$0xD400]  }
0x54: {  	s31 =	rddreg [dreg:$0x3];
	v12 =	vld [tilespmem:$0xCF00]  }
0x55: {  	v13 =	vld [tilespmem:$0xCF80];
	[tilespmem:s17], [sflag:$0x1] =	stream.linear.gather [hbm4b:s31+s17], $0x1900, $0x38  }
0x56: {  	_ =	swait.ge [sflag:s6], $0x1900;
	v14 =	vand.u32 $0xF, v14  }
0x57: {  	[sflag:s6] =	ssyncset.done $0x0;
	v15 =	vand.u32 $0xF, v15;
	v16 =	vand.u32 $0xF, v16;
	v17 =	vand.u32 $0xF, v17  }
0x58: {  	s10 =	simm.s32 $0x0;
	s9 =	simm.s32 $0x0;
	[sflag:s6] =	ssyncadd.s32 $0xFFFFE700;
	v18 =	vand.u32 $0xF, v18;
	v19 =	vand.u32 $0xF, v19;
	v20 =	vand.u32 $0xF, v20  }
.LBB2_2:
0x59: {  	s11 =	sshrl.u32 s10, $0x3  }
0x5a: {  	s12 =	sshll.u32 s10, $0x7;
	s13 =	simm.s32 $0x60;
	s15 =	simm.s32 $0x40  }
0x5b: {  	v22 =	vld [tilespmem:s9+$0x0];
	s16 =	simm.s32 $0x50;
	s18 =	simm.s32 $0x300;
	s19 =	simm.s32 $0x30  }
0x5c: {  	s20 =	simm.s32 $0x280;
	s22 =	simm.s32 $0x200;
	s30 =	simm.s32 $0x20  }
0x5d: {  	s23 =	simm.s32 $0x180;
	s24 =	simm.s32 $0x10;
	s25 =	simm.s32 $0x100  }
0x5e: {  	s28 =	simm.s32 $0x80;
	s11 =	smul.u32 $0x16000, s11;
	s14 =	sand.u32 $0x380, s12  }
0x5f: {  	s12 =	simm.s32 $0x0;
	s18 =	sand.u32 $0xFC00, s18;
	s22 =	sand.u32 $0xFC00, s22;
	v21 =	vmov s14  }
0x60: {  	s23 =	sand.u32 $0xFC00, s23;
	s28 =	sand.u32 $0xFC00, s28;
	s11 =	sshra.s32 s11, $0x2;
	v23 =	vperm.xlane v22, v14  }
0x61: {  	s25 =	sand.u32 $0xFC00, s25;
	s26 =	sand.u32 $0x7C00, s12;
	s11 =	sadd.s32 $0x1900, s11;
	v24 =	vperm.xlane v22, v15  }
0x62: {  	s24 =	sand.u32 $0x70, s24;
	s21 =	sand.u32 $0x70, s12;
	v25 =	vperm.xlane v22, v16;
	s26 =	sadd.s32 s26, s11;
	vm0 =	veq.s32 v23, $0x0  }
0x63: {  	s14 =	sand.u32 $0xFC00, s20;
	s31 =	sadd.s32 s28, s11;
	s21 =	sadd.s32 s21, s26;
	v23 =	vperm.xlane v22, v17;
	vm1 =	veq.s32 v24, $0x0;
	v60 =	vsel vm0, v0, v7  }
0x64: {  	s20 =	sand.u32 $0x70, s30;
	v26 =	vperm.xlane v22, v18;
	s24 =	sadd.s32 s24, s31;
	s26 =	sadd.s32 s25, s11;
	vm11 =	veq.s32 v25, $0x0;
	v61 =	vsel vm1, v1, v8;
	[tilespmem:v21+s21+$0x0 ss:$0x1] =	vst.idx.msk $0xffff, v60  }
0x65: {  	s19 =	sand.u32 $0x70, s19;
	s28 =	sadd.s32 s23, s11;
	s20 =	sadd.s32 s20, s26;
	v62 =	vsel vm11, v2, v9;
	vm12 =	veq.s32 v23, $0x0;
	v23 =	vperm.xlane v22, v19;
	[tilespmem:v21+s24+$0x0 ss:$0x1] =	vst.idx.msk $0xffff, v61  }
0x66: {  	s15 =	sand.u32 $0x70, s15;
	s29 =	sadd.s32 s22, s11;
	s19 =	sadd.s32 s19, s28;
	vm13 =	veq.s32 v26, $0x0;
	v22 =	vperm.xlane v22, v20;
	v63 =	vsel vm12, v3, v10;
	[tilespmem:v21+s20+$0x0 ss:$0x1] =	vst.idx.msk $0xffff, v62  }
0x67: {  	s16 =	sand.u32 $0x70, s16;
	s14 =	sadd.s32 s14, s11;
	s15 =	sadd.s32 s15, s29;
	vm14 =	veq.s32 v23, $0x0;
	v23 =	vsel vm13, v4, v11;
	[tilespmem:v21+s19+$0x0 ss:$0x1] =	vst.idx.msk $0xffff, v63  }
0x68: {  	s30 =	sand.u32 $0x70, s13;
	s14 =	sadd.s32 s16, s14;
	s31 =	sadd.s32 s18, s11;
	vm15 =	veq.s32 v22, $0x0;
	v22 =	vsel vm14, v5, v12;
	[tilespmem:v21+s15+$0x0 ss:$0x1] =	vst.idx.msk $0xffff, v23  }
0x69: {  	s13 =	simm.s32 $0x380;
	s15 =	sadd.s32 s30, s31;
	[tilespmem:v21+s14+$0x0 ss:$0x1] =	vst.idx.msk $0xffff, v22;
	v22 =	vsel vm15, v6, v13;
	s14 =	smov.u32 s9  }
.LBB2_3:
0x6a: {  	p0 =	sne.s32 s13, $0x5400;
	[tilespmem:v21+s15+$0x0 ss:$0x1] =	vst.idx.msk $0xffff, v22;
	s12 =	sadd.s32 $0x70, s12;
	s14 =	sadd.s32 $0x10, s14  }
0x6b: {  	s19 =	smov.u32 s13;
	s13 =	sadd.s32 $0x380, s13;
	v22 =	vld [tilespmem:s14+$0x0];
	s15 =	sadd.s32 $0x60, s12  }
0x6c: {  	s20 =	sadd.s32 $0x40, s12;
	s18 =	sadd.s32 $0x50, s12;
	s16 =	sadd.s32 $0x300, s19  }
0x6d: {  	s21 =	sadd.s32 $0x30, s12;
	s22 =	sadd.s32 $0x280, s19;
	s16 =	sand.u32 $0xFC00, s16  }
0x6e: {  	s23 =	sand.u32 $0x70, s12;
	s24 =	sadd.s32 $0x200, s19;
	s22 =	sand.u32 $0xFC00, s22  }
0x6f: {  	s25 =	sadd.s32 $0x20, s12;
	s26 =	sadd.s32 $0x180, s19;
	s24 =	sand.u32 $0xFC00, s24  }
0x70: {  	s28 =	sadd.s32 $0x10, s12;
	s29 =	sadd.s32 $0x100, s19;
	s21 =	sand.u32 $0x70, s21;
	v23 =	vperm.xlane v22, v14;
	v24 =	vperm.xlane v22, v15  }
0x71: {  	s31 =	sand.u32 $0x7C00, s19;
	s19 =	sadd.s32 $0x80, s19;
	s26 =	sand.u32 $0xFC00, s26;
	v25 =	vperm.xlane v22, v16;
	v26 =	vperm.xlane v22, v17  }
0x72: {  	s31 =	sadd.s32 s31, s11;
	s19 =	sand.u32 $0xFC00, s19;
	s29 =	sand.u32 $0xFC00, s29;
	vm0 =	veq.s32 v23, $0x0;
	vm1 =	veq.s32 v24, $0x0;
	v23 =	vperm.xlane v22, v18  }
0x73: {  	s28 =	sand.u32 $0x70, s28;
	s23 =	sadd.s32 s23, s31;
	s19 =	sadd.s32 s19, s11;
	vm2 =	veq.s32 v26, $0x0;
	v24 =	vsel vm0, v0, v7;
	vm0 =	veq.s32 v25, $0x0  }
0x74: {  	s19 =	sadd.s32 s28, s19;
	[tilespmem:v21+s23+$0x0 ss:$0x1] =	vst.idx.msk $0xffff, v24;
	v24 =	vsel vm1, v1, v8;
	s23 =	sand.u32 $0x70, s25;
	s25 =	sadd.s32 s29, s11;
	vm1 =	veq.s32 v23, $0x0;
	v23 =	vperm.xlane v22, v19  }
.Ltmp0:
0x75: {  	v22 =	vperm.xlane v22, v20;
	[tilespmem:v21+s19+$0x0 ss:$0x1] =	vst.idx.msk $0xffff, v24;
	v24 =	vsel vm0, v2, v9;
	s19 =	sadd.s32 s23, s25;
	s23 =	sadd.s32 s26, s11;
	(pc) =	sbr.rel @p0 .LBB2_3-.Ltmp0, $4  }
0x76: {  	s20 =	sand.u32 $0x70, s20;
	[tilespmem:v21+s19+$0x0 ss:$0x1] =	vst.idx.msk $0xffff, v24;
	v24 =	vsel vm2, v3, v10;
	s19 =	sadd.s32 s21, s23;
	s21 =	sadd.s32 s24, s11;
	vm0 =	veq.s32 v23, $0x0  }
0x77: {  	s18 =	sand.u32 $0x70, s18;
	v23 =	vsel vm1, v4, v11;
	vm1 =	veq.s32 v22, $0x0;
	[tilespmem:v21+s19+$0x0 ss:$0x1] =	vst.idx.msk $0xffff, v24;
	s19 =	sadd.s32 s20, s21;
	s20 =	sadd.s32 s22, s11  }
0x78: {  	s15 =	sand.u32 $0x70, s15;
	s16 =	sadd.s32 s16, s11;
	v22 =	vsel vm0, v5, v12;
	[tilespmem:v21+s19+$0x0 ss:$0x1] =	vst.idx.msk $0xffff, v23;
	s18 =	sadd.s32 s18, s20  }
0x79: {  	s15 =	sadd.s32 s15, s16;
	[tilespmem:v21+s18+$0x0 ss:$0x1] =	vst.idx.msk $0xffff, v22;
	v22 =	vsel vm1, v6, v13  }
0x7a: {  	s10 =	sadd.s32 $0x1, s10  }
0x7b: {  	p0 =	sne.s32 s10, $0x10  }
.Ltmp1:
0x7c: {  	_ = 	snop;
	(pc) =	sbr.rel @p0 .LBB2_2-.Ltmp1, $2  }
0x7d: {  	_ =	sdelay $0x2  }
0x7e: {  	[tilespmem:v21+s15+$0x0 ss:$0x1] =	vst.idx.msk $0xffff, v22;
	s9 =	sadd.s32 $0x190, s9  }
0x7f: {  	s9 =	simm.s32 $0x0;
	s10 =	rddreg [dreg:$0x13]  }
0x80: {  	[hbm4b:s10+s9] =	stream.linear.scatter [tilespmem:s7], [sflag:$0x1], $0xB000, $0x38;
	[tilespmem:$0xD500] =	vst v63  }
0x81: {  	_ =	swait.ge [sflag:s6], $0xB000  }
0x82: {  	[sflag:s6] =	ssyncset.done $0x0  }
0x83: {  	s31 =	rddreg [dreg:$0x4];
	[sflag:s6] =	ssyncadd.s32 $0xFFFF5000  }
0x84: {  	[tilespmem:s9], [sflag:$0x1] =	stream.linear.gather [hbm4b:s31+s9], $0x1900, $0x38;
	[tilespmem:$0xD500] =	vst v63  }
0x85: {  	_ =	swait.ge [sflag:s6], $0x1900  }
0x86: {  	[sflag:s6] =	ssyncset.done $0x0  }
0x87: {  	s15 =	simm.s32 $0x0;
	s11 =	simm.s32 $0x0;
	[sflag:s6] =	ssyncadd.s32 $0xFFFFE700  }
.LBB2_6:
0x88: {  	s10 =	sshrl.u32 s11, $0x3  }
0x89: {  	s12 =	sshll.u32 s11, $0x7;
	s14 =	simm.s32 $0x40;
	s16 =	simm.s32 $0x50  }
0x8a: {  	v22 =	vld [tilespmem:s15+$0x0];
	s18 =	simm.s32 $0x300;
	s19 =	simm.s32 $0x30;
	s20 =	simm.s32 $0x280  }
0x8b: {  	s21 =	sand.u32 $0x70, s9;
	s22 =	simm.s32 $0x200;
	s30 =	simm.s32 $0x20  }
0x8c: {  	s23 =	simm.s32 $0x180;
	s24 =	simm.s32 $0x10;
	s25 =	simm.s32 $0x100  }
0x8d: {  	s26 =	sand.u32 $0x7C00, s9;
	s10 =	smul.u32 $0x16000, s10;
	s13 =	sand.u32 $0x380, s12  }
0x8e: {  	s28 =	simm.s32 $0x80;
	s18 =	sand.u32 $0xFC00, s18;
	s22 =	sand.u32 $0xFC00, s22;
	v21 =	vmov s13  }
0x8f: {  	s23 =	sand.u32 $0xFC00, s23;
	s28 =	sand.u32 $0xFC00, s28;
	s10 =	sshra.s32 s10, $0x2;
	v23 =	vperm.xlane v22, v14  }
0x90: {  	s25 =	sand.u32 $0xFC00, s25;
	s24 =	sand.u32 $0x70, s24;
	s12 =	sadd.s32 $0x1900, s10;
	v24 =	vperm.xlane v22, v15  }
0x91: {  	s19 =	sand.u32 $0x70, s19;
	s14 =	sand.u32 $0x70, s14;
	v25 =	vperm.xlane v22, v16;
	s26 =	sadd.s32 s26, s12;
	vm0 =	veq.s32 v23, $0x0  }
0x92: {  	s13 =	sand.u32 $0xFC00, s20;
	s31 =	sadd.s32 s28, s12;
	s21 =	sadd.s32 s21, s26;
	v23 =	vperm.xlane v22, v17;
	vm1 =	veq.s32 v24, $0x0;
	v60 =	vsel vm0, v0, v7  }
0x93: {  	s20 =	sand.u32 $0x70, s30;
	v26 =	vperm.xlane v22, v18;
	s24 =	sadd.s32 s24, s31;
	s26 =	sadd.s32 s25, s12;
	vm11 =	veq.s32 v25, $0x0;
	v61 =	vsel vm1, v1, v8;
	[tilespmem:v21+s21+$0x0 ss:$0x1] =	vst.idx.msk $0xffff, v60  }
0x94: {  	s16 =	sand.u32 $0x70, s16;
	s28 =	sadd.s32 s23, s12;
	s20 =	sadd.s32 s20, s26;
	v62 =	vsel vm11, v2, v9;
	vm12 =	veq.s32 v23, $0x0;
	v23 =	vperm.xlane v22, v19;
	[tilespmem:v21+s24+$0x0 ss:$0x1] =	vst.idx.msk $0xffff, v61  }
0x95: {  	s10 =	simm.s32 $0x60;
	s29 =	sadd.s32 s22, s12;
	s19 =	sadd.s32 s19, s28;
	vm13 =	veq.s32 v26, $0x0;
	v22 =	vperm.xlane v22, v20;
	v63 =	vsel vm12, v3, v10;
	[tilespmem:v21+s20+$0x0 ss:$0x1] =	vst.idx.msk $0xffff, v62  }
0x96: {  	s13 =	sadd.s32 s13, s12;
	s10 =	sand.u32 $0x70, s10;
	s14 =	sadd.s32 s14, s29;
	vm14 =	veq.s32 v23, $0x0;
	v23 =	vsel vm13, v4, v11;
	[tilespmem:v21+s19+$0x0 ss:$0x1] =	vst.idx.msk $0xffff, v63  }
0x97: {  	s30 =	sadd.s32 s16, s13;
	s31 =	sadd.s32 s18, s12;
	s13 =	simm.s32 $0x380;
	vm15 =	veq.s32 v22, $0x0;
	v22 =	vsel vm14, v5, v12;
	[tilespmem:v21+s14+$0x0 ss:$0x1] =	vst.idx.msk $0xffff, v23  }
0x98: {  	s16 =	sadd.s32 s10, s31;
	s10 =	smov.u32 s15;
	s14 =	simm.s32 $0x0;
	[tilespmem:v21+s30+$0x0 ss:$0x1] =	vst.idx.msk $0xffff, v22;
	v22 =	vsel vm15, v6, v13  }
.LBB2_7:
0x99: {  	p0 =	sne.s32 s13, $0x5400;
	[tilespmem:v21+s16+$0x0 ss:$0x1] =	vst.idx.msk $0xffff, v22;
	s14 =	sadd.s32 $0x70, s14;
	s10 =	sadd.s32 $0x10, s10  }
0x9a: {  	s20 =	smov.u32 s13;
	s13 =	sadd.s32 $0x380, s13;
	v22 =	vld [tilespmem:s10+$0x0];
	s16 =	sadd.s32 $0x60, s14  }
0x9b: {  	s21 =	sadd.s32 $0x40, s14;
	s19 =	sadd.s32 $0x50, s14;
	s18 =	sadd.s32 $0x300, s20  }
0x9c: {  	s22 =	sadd.s32 $0x30, s14;
	s23 =	sadd.s32 $0x280, s20;
	s18 =	sand.u32 $0xFC00, s18  }
0x9d: {  	s24 =	sand.u32 $0x70, s14;
	s25 =	sadd.s32 $0x200, s20;
	s23 =	sand.u32 $0xFC00, s23  }
0x9e: {  	s26 =	sadd.s32 $0x20, s14;
	s28 =	sadd.s32 $0x180, s20;
	s25 =	sand.u32 $0xFC00, s25  }
0x9f: {  	s29 =	sadd.s32 $0x10, s14;
	s31 =	sadd.s32 $0x100, s20;
	s22 =	sand.u32 $0x70, s22;
	v23 =	vperm.xlane v22, v14;
	v24 =	vperm.xlane v22, v15  }
0xa0: {  	s30 =	sand.u32 $0x7C00, s20;
	s20 =	sadd.s32 $0x80, s20;
	s28 =	sand.u32 $0xFC00, s28;
	v25 =	vperm.xlane v22, v16;
	v26 =	vperm.xlane v22, v17  }
0xa1: {  	s30 =	sadd.s32 s30, s12;
	s20 =	sand.u32 $0xFC00, s20;
	s31 =	sand.u32 $0xFC00, s31;
	vm0 =	veq.s32 v23, $0x0;
	vm1 =	veq.s32 v24, $0x0;
	v23 =	vperm.xlane v22, v18  }
0xa2: {  	s29 =	sand.u32 $0x70, s29;
	s24 =	sadd.s32 s24, s30;
	s20 =	sadd.s32 s20, s12;
	vm2 =	veq.s32 v26, $0x0;
	v24 =	vsel vm0, v0, v7;
	vm0 =	veq.s32 v25, $0x0  }
0xa3: {  	s20 =	sadd.s32 s29, s20;
	[tilespmem:v21+s24+$0x0 ss:$0x1] =	vst.idx.msk $0xffff, v24;
	v24 =	vsel vm1, v1, v8;
	s24 =	sand.u32 $0x70, s26;
	s26 =	sadd.s32 s31, s12;
	vm1 =	veq.s32 v23, $0x0;
	v23 =	vperm.xlane v22, v19  }
.Ltmp2:
0xa4: {  	v22 =	vperm.xlane v22, v20;
	[tilespmem:v21+s20+$0x0 ss:$0x1] =	vst.idx.msk $0xffff, v24;
	v24 =	vsel vm0, v2, v9;
	s20 =	sadd.s32 s24, s26;
	s24 =	sadd.s32 s28, s12;
	(pc) =	sbr.rel @p0 .LBB2_7-.Ltmp2, $4  }
0xa5: {  	s21 =	sand.u32 $0x70, s21;
	[tilespmem:v21+s20+$0x0 ss:$0x1] =	vst.idx.msk $0xffff, v24;
	v24 =	vsel vm2, v3, v10;
	s20 =	sadd.s32 s22, s24;
	s22 =	sadd.s32 s25, s12;
	vm0 =	veq.s32 v23, $0x0  }
0xa6: {  	s19 =	sand.u32 $0x70, s19;
	v23 =	vsel vm1, v4, v11;
	vm1 =	veq.s32 v22, $0x0;
	[tilespmem:v21+s20+$0x0 ss:$0x1] =	vst.idx.msk $0xffff, v24;
	s20 =	sadd.s32 s21, s22;
	s21 =	sadd.s32 s23, s12  }
0xa7: {  	s16 =	sand.u32 $0x70, s16;
	s18 =	sadd.s32 s18, s12;
	v22 =	vsel vm0, v5, v12;
	[tilespmem:v21+s20+$0x0 ss:$0x1] =	vst.idx.msk $0xffff, v23;
	s19 =	sadd.s32 s19, s21  }
0xa8: {  	s16 =	sadd.s32 s16, s18;
	[tilespmem:v21+s19+$0x0 ss:$0x1] =	vst.idx.msk $0xffff, v22;
	v22 =	vsel vm1, v6, v13  }
0xa9: {  	s11 =	sadd.s32 $0x1, s11  }
0xaa: {  	p0 =	sne.s32 s11, $0x10  }
.Ltmp3:
0xab: {  	_ = 	snop;
	(pc) =	sbr.rel @p0 .LBB2_6-.Ltmp3, $2  }
0xac: {  	_ =	sdelay $0x2  }
0xad: {  	[tilespmem:v21+s16+$0x0 ss:$0x1] =	vst.idx.msk $0xffff, v22;
	s15 =	sadd.s32 $0x190, s15  }
0xae: {  	s9 =	simm.s32 $0x0;
	s10 =	rddreg [dreg:$0x14]  }
0xaf: {  	[hbm4b:s10+s9] =	stream.linear.scatter [tilespmem:s7], [sflag:$0x1], $0xB000, $0x38;
	[tilespmem:$0xD500] =	vst v63  }
0xb0: {  	_ =	swait.ge [sflag:s6], $0xB000  }
0xb1: {  	[sflag:s6] =	ssyncset.done $0x0  }
0xb2: {  	s31 =	rddreg [dreg:$0x5];
	[sflag:s6] =	ssyncadd.s32 $0xFFFF5000  }
0xb3: {  	[tilespmem:s9], [sflag:$0x1] =	stream.linear.gather [hbm4b:s31+s9], $0x1900, $0x38;
	[tilespmem:$0xD500] =	vst v63  }
0xb4: {  	_ =	swait.ge [sflag:s6], $0x1900  }
0xb5: {  	[sflag:s6] =	ssyncset.done $0x0  }
0xb6: {  	s11 =	simm.s32 $0x0;
	s10 =	simm.s32 $0x0;
	[sflag:s6] =	ssyncadd.s32 $0xFFFFE700  }
.LBB2_10:
0xb7: {  	s12 =	sshrl.u32 s11, $0x3  }
0xb8: {  	s13 =	sshll.u32 s11, $0x7;
	s15 =	simm.s32 $0x40;
	s16 =	simm.s32 $0x50  }
0xb9: {  	v22 =	vld [tilespmem:s10+$0x0];
	s18 =	simm.s32 $0x300;
	s19 =	simm.s32 $0x30;
	s20 =	simm.s32 $0x280  }
0xba: {  	s21 =	sand.u32 $0x70, s9;
	s22 =	simm.s32 $0x200;
	s30 =	simm.s32 $0x20  }
0xbb: {  	s23 =	simm.s32 $0x180;
	s24 =	simm.s32 $0x10;
	s25 =	simm.s32 $0x100  }
0xbc: {  	s26 =	sand.u32 $0x7C00, s9;
	s12 =	smul.u32 $0x16000, s12;
	s14 =	sand.u32 $0x380, s13  }
0xbd: {  	s28 =	simm.s32 $0x80;
	s13 =	simm.s32 $0x60;
	s18 =	sand.u32 $0xFC00, s18;
	v21 =	vmov s14  }
0xbe: {  	s22 =	sand.u32 $0xFC00, s22;
	s23 =	sand.u32 $0xFC00, s23;
	s12 =	sshra.s32 s12, $0x2;
	v23 =	vperm.xlane v22, v14  }
0xbf: {  	s28 =	sand.u32 $0xFC00, s28;
	s25 =	sand.u32 $0xFC00, s25;
	s12 =	sadd.s32 $0x1900, s12;
	v24 =	vperm.xlane v22, v15  }
0xc0: {  	s24 =	sand.u32 $0x70, s24;
	s19 =	sand.u32 $0x70, s19;
	v25 =	vperm.xlane v22, v16;
	s26 =	sadd.s32 s26, s12;
	vm0 =	veq.s32 v23, $0x0  }
0xc1: {  	s14 =	sand.u32 $0xFC00, s20;
	s31 =	sadd.s32 s28, s12;
	s21 =	sadd.s32 s21, s26;
	v23 =	vperm.xlane v22, v17;
	vm1 =	veq.s32 v24, $0x0;
	v60 =	vsel vm0, v0, v7  }
0xc2: {  	s20 =	sand.u32 $0x70, s30;
	v26 =	vperm.xlane v22, v18;
	s24 =	sadd.s32 s24, s31;
	s26 =	sadd.s32 s25, s12;
	vm11 =	veq.s32 v25, $0x0;
	v61 =	vsel vm1, v1, v8;
	[tilespmem:v21+s21+$0x0 ss:$0x1] =	vst.idx.msk $0xffff, v60  }
0xc3: {  	s15 =	sand.u32 $0x70, s15;
	s28 =	sadd.s32 s23, s12;
	s20 =	sadd.s32 s20, s26;
	v62 =	vsel vm11, v2, v9;
	vm12 =	veq.s32 v23, $0x0;
	v23 =	vperm.xlane v22, v19;
	[tilespmem:v21+s24+$0x0 ss:$0x1] =	vst.idx.msk $0xffff, v61  }
0xc4: {  	s16 =	sand.u32 $0x70, s16;
	s29 =	sadd.s32 s22, s12;
	s19 =	sadd.s32 s19, s28;
	vm13 =	veq.s32 v26, $0x0;
	v22 =	vperm.xlane v22, v20;
	v63 =	vsel vm12, v3, v10;
	[tilespmem:v21+s20+$0x0 ss:$0x1] =	vst.idx.msk $0xffff, v62  }
0xc5: {  	s30 =	sand.u32 $0x70, s13;
	s14 =	sadd.s32 s14, s12;
	s15 =	sadd.s32 s15, s29;
	vm14 =	veq.s32 v23, $0x0;
	v23 =	vsel vm13, v4, v11;
	[tilespmem:v21+s19+$0x0 ss:$0x1] =	vst.idx.msk $0xffff, v63  }
0xc6: {  	s13 =	simm.s32 $0x380;
	s14 =	sadd.s32 s16, s14;
	s31 =	sadd.s32 s18, s12;
	vm15 =	veq.s32 v22, $0x0;
	v22 =	vsel vm14, v5, v12;
	[tilespmem:v21+s15+$0x0 ss:$0x1] =	vst.idx.msk $0xffff, v23  }
0xc7: {  	s16 =	sadd.s32 s30, s31;
	s15 =	smov.u32 s10;
	[tilespmem:v21+s14+$0x0 ss:$0x1] =	vst.idx.msk $0xffff, v22;
	v22 =	vsel vm15, v6, v13;
	s14 =	simm.s32 $0x0  }
.LBB2_11:
0xc8: {  	p0 =	sne.s32 s13, $0x5400;
	[tilespmem:v21+s16+$0x0 ss:$0x1] =	vst.idx.msk $0xffff, v22;
	s14 =	sadd.s32 $0x70, s14;
	s15 =	sadd.s32 $0x10, s15  }
0xc9: {  	s20 =	smov.u32 s13;
	s13 =	sadd.s32 $0x380, s13;
	v22 =	vld [tilespmem:s15+$0x0];
	s16 =	sadd.s32 $0x60, s14  }
0xca: {  	s21 =	sadd.s32 $0x40, s14;
	s19 =	sadd.s32 $0x50, s14;
	s18 =	sadd.s32 $0x300, s20  }
0xcb: {  	s22 =	sadd.s32 $0x30, s14;
	s23 =	sadd.s32 $0x280, s20;
	s18 =	sand.u32 $0xFC00, s18  }
0xcc: {  	s24 =	sand.u32 $0x70, s14;
	s25 =	sadd.s32 $0x200, s20;
	s23 =	sand.u32 $0xFC00, s23  }
0xcd: {  	s26 =	sadd.s32 $0x20, s14;
	s28 =	sadd.s32 $0x180, s20;
	s25 =	sand.u32 $0xFC00, s25  }
0xce: {  	s29 =	sadd.s32 $0x10, s14;
	s30 =	sadd.s32 $0x100, s20;
	s22 =	sand.u32 $0x70, s22;
	v23 =	vperm.xlane v22, v14;
	v24 =	vperm.xlane v22, v15  }
0xcf: {  	s31 =	sand.u32 $0x7C00, s20;
	s20 =	sadd.s32 $0x80, s20;
	s28 =	sand.u32 $0xFC00, s28;
	v25 =	vperm.xlane v22, v16;
	v26 =	vperm.xlane v22, v17  }
0xd0: {  	s31 =	sadd.s32 s31, s12;
	s20 =	sand.u32 $0xFC00, s20;
	s30 =	sand.u32 $0xFC00, s30;
	vm0 =	veq.s32 v23, $0x0;
	vm1 =	veq.s32 v24, $0x0;
	v23 =	vperm.xlane v22, v18  }
0xd1: {  	s29 =	sand.u32 $0x70, s29;
	s24 =	sadd.s32 s24, s31;
	s20 =	sadd.s32 s20, s12;
	vm2 =	veq.s32 v26, $0x0;
	v24 =	vsel vm0, v0, v7;
	vm0 =	veq.s32 v25, $0x0  }
0xd2: {  	s20 =	sadd.s32 s29, s20;
	[tilespmem:v21+s24+$0x0 ss:$0x1] =	vst.idx.msk $0xffff, v24;
	v24 =	vsel vm1, v1, v8;
	s24 =	sand.u32 $0x70, s26;
	s26 =	sadd.s32 s30, s12;
	vm1 =	veq.s32 v23, $0x0;
	v23 =	vperm.xlane v22, v19  }
.Ltmp4:
0xd3: {  	v22 =	vperm.xlane v22, v20;
	[tilespmem:v21+s20+$0x0 ss:$0x1] =	vst.idx.msk $0xffff, v24;
	v24 =	vsel vm0, v2, v9;
	s20 =	sadd.s32 s24, s26;
	s24 =	sadd.s32 s28, s12;
	(pc) =	sbr.rel @p0 .LBB2_11-.Ltmp4, $4  }
0xd4: {  	s21 =	sand.u32 $0x70, s21;
	[tilespmem:v21+s20+$0x0 ss:$0x1] =	vst.idx.msk $0xffff, v24;
	v24 =	vsel vm2, v3, v10;
	s20 =	sadd.s32 s22, s24;
	s22 =	sadd.s32 s25, s12;
	vm0 =	veq.s32 v23, $0x0  }
0xd5: {  	s19 =	sand.u32 $0x70, s19;
	v23 =	vsel vm1, v4, v11;
	vm1 =	veq.s32 v22, $0x0;
	[tilespmem:v21+s20+$0x0 ss:$0x1] =	vst.idx.msk $0xffff, v24;
	s20 =	sadd.s32 s21, s22;
	s21 =	sadd.s32 s23, s12  }
0xd6: {  	s16 =	sand.u32 $0x70, s16;
	s18 =	sadd.s32 s18, s12;
	v22 =	vsel vm0, v5, v12;
	[tilespmem:v21+s20+$0x0 ss:$0x1] =	vst.idx.msk $0xffff, v23;
	s19 =	sadd.s32 s19, s21  }
0xd7: {  	s16 =	sadd.s32 s16, s18;
	[tilespmem:v21+s19+$0x0 ss:$0x1] =	vst.idx.msk $0xffff, v22;
	v22 =	vsel vm1, v6, v13  }
0xd8: {  	s11 =	sadd.s32 $0x1, s11  }
0xd9: {  	p0 =	sne.s32 s11, $0x10  }
.Ltmp5:
0xda: {  	_ = 	snop;
	(pc) =	sbr.rel @p0 .LBB2_10-.Ltmp5, $2  }
0xdb: {  	_ =	sdelay $0x2  }
0xdc: {  	[tilespmem:v21+s16+$0x0 ss:$0x1] =	vst.idx.msk $0xffff, v22;
	s10 =	sadd.s32 $0x190, s10  }
0xdd: {  	s9 =	simm.s32 $0x0;
	s10 =	rddreg [dreg:$0x15]  }
0xde: {  	[hbm4b:s10+s9] =	stream.linear.scatter [tilespmem:s7], [sflag:$0x1], $0xB000, $0x38;
	[tilespmem:$0xD500] =	vst v63  }
0xdf: {  	_ =	swait.ge [sflag:s6], $0xB000  }
0xe0: {  	[sflag:s6] =	ssyncset.done $0x0  }
0xe1: {  	s31 =	rddreg [dreg:$0x6];
	[sflag:s6] =	ssyncadd.s32 $0xFFFF5000  }
0xe2: {  	[tilespmem:s9], [sflag:$0x1] =	stream.linear.gather [hbm4b:s31+s9], $0x1900, $0x38;
	[tilespmem:$0xD500] =	vst v63  }
0xe3: {  	_ =	swait.ge [sflag:s6], $0x1900  }
0xe4: {  	[sflag:s6] =	ssyncset.done $0x0  }
0xe5: {  	s11 =	simm.s32 $0x0;
	s10 =	simm.s32 $0x0;
	[sflag:s6] =	ssyncadd.s32 $0xFFFFE700  }
.LBB2_14:
0xe6: {  	s12 =	sshrl.u32 s11, $0x3  }
0xe7: {  	s13 =	sshll.u32 s11, $0x7;
	s15 =	simm.s32 $0x40;
	s16 =	simm.s32 $0x50  }
0xe8: {  	v22 =	vld [tilespmem:s10+$0x0];
	s18 =	simm.s32 $0x300;
	s19 =	simm.s32 $0x30;
	s20 =	simm.s32 $0x280  }
0xe9: {  	s21 =	sand.u32 $0x70, s9;
	s22 =	simm.s32 $0x200;
	s30 =	simm.s32 $0x20  }
0xea: {  	s23 =	simm.s32 $0x180;
	s24 =	simm.s32 $0x10;
	s25 =	simm.s32 $0x100  }
0xeb: {  	s26 =	sand.u32 $0x7C00, s9;
	s12 =	smul.u32 $0x16000, s12;
	s14 =	sand.u32 $0x380, s13  }
0xec: {  	s28 =	simm.s32 $0x80;
	s13 =	simm.s32 $0x60;
	s18 =	sand.u32 $0xFC00, s18;
	v21 =	vmov s14  }
0xed: {  	s22 =	sand.u32 $0xFC00, s22;
	s23 =	sand.u32 $0xFC00, s23;
	s12 =	sshra.s32 s12, $0x2;
	v23 =	vperm.xlane v22, v14  }
0xee: {  	s28 =	sand.u32 $0xFC00, s28;
	s25 =	sand.u32 $0xFC00, s25;
	s12 =	sadd.s32 $0x1900, s12;
	v24 =	vperm.xlane v22, v15  }
0xef: {  	s24 =	sand.u32 $0x70, s24;
	s19 =	sand.u32 $0x70, s19;
	v25 =	vperm.xlane v22, v16;
	s26 =	sadd.s32 s26, s12;
	vm0 =	veq.s32 v23, $0x0  }
0xf0: {  	s14 =	sand.u32 $0xFC00, s20;
	s31 =	sadd.s32 s28, s12;
	s21 =	sadd.s32 s21, s26;
	v23 =	vperm.xlane v22, v17;
	vm1 =	veq.s32 v24, $0x0;
	v60 =	vsel vm0, v0, v7  }
0xf1: {  	s20 =	sand.u32 $0x70, s30;
	v26 =	vperm.xlane v22, v18;
	s24 =	sadd.s32 s24, s31;
	s26 =	sadd.s32 s25, s12;
	vm11 =	veq.s32 v25, $0x0;
	v61 =	vsel vm1, v1, v8;
	[tilespmem:v21+s21+$0x0 ss:$0x1] =	vst.idx.msk $0xffff, v60  }
0xf2: {  	s15 =	sand.u32 $0x70, s15;
	s28 =	sadd.s32 s23, s12;
	s20 =	sadd.s32 s20, s26;
	v62 =	vsel vm11, v2, v9;
	vm12 =	veq.s32 v23, $0x0;
	v23 =	vperm.xlane v22, v19;
	[tilespmem:v21+s24+$0x0 ss:$0x1] =	vst.idx.msk $0xffff, v61  }
0xf3: {  	s16 =	sand.u32 $0x70, s16;
	s29 =	sadd.s32 s22, s12;
	s19 =	sadd.s32 s19, s28;
	vm13 =	veq.s32 v26, $0x0;
	v22 =	vperm.xlane v22, v20;
	v63 =	vsel vm12, v3, v10;
	[tilespmem:v21+s20+$0x0 ss:$0x1] =	vst.idx.msk $0xffff, v62  }
0xf4: {  	s30 =	sand.u32 $0x70, s13;
	s14 =	sadd.s32 s14, s12;
	s15 =	sadd.s32 s15, s29;
	vm14 =	veq.s32 v23, $0x0;
	v23 =	vsel vm13, v4, v11;
	[tilespmem:v21+s19+$0x0 ss:$0x1] =	vst.idx.msk $0xffff, v63  }
0xf5: {  	s13 =	simm.s32 $0x380;
	s14 =	sadd.s32 s16, s14;
	s31 =	sadd.s32 s18, s12;
	vm15 =	veq.s32 v22, $0x0;
	v22 =	vsel vm14, v5, v12;
	[tilespmem:v21+s15+$0x0 ss:$0x1] =	vst.idx.msk $0xffff, v23  }
0xf6: {  	s16 =	sadd.s32 s30, s31;
	s15 =	smov.u32 s10;
	[tilespmem:v21+s14+$0x0 ss:$0x1] =	vst.idx.msk $0xffff, v22;
	v22 =	vsel vm15, v6, v13;
	s14 =	simm.s32 $0x0  }
.LBB2_15:
0xf7: {  	p0 =	sne.s32 s13, $0x5400;
	[tilespmem:v21+s16+$0x0 ss:$0x1] =	vst.idx.msk $0xffff, v22;
	s14 =	sadd.s32 $0x70, s14;
	s15 =	sadd.s32 $0x10, s15  }
0xf8: {  	s20 =	smov.u32 s13;
	s13 =	sadd.s32 $0x380, s13;
	v22 =	vld [tilespmem:s15+$0x0];
	s16 =	sadd.s32 $0x60, s14  }
0xf9: {  	s21 =	sadd.s32 $0x40, s14;
	s19 =	sadd.s32 $0x50, s14;
	s18 =	sadd.s32 $0x300, s20  }
0xfa: {  	s22 =	sadd.s32 $0x30, s14;
	s23 =	sadd.s32 $0x280, s20;
	s18 =	sand.u32 $0xFC00, s18  }
0xfb: {  	s24 =	sand.u32 $0x70, s14;
	s25 =	sadd.s32 $0x200, s20;
	s23 =	sand.u32 $0xFC00, s23  }
0xfc: {  	s26 =	sadd.s32 $0x20, s14;
	s28 =	sadd.s32 $0x180, s20;
	s25 =	sand.u32 $0xFC00, s25  }
0xfd: {  	s29 =	sadd.s32 $0x10, s14;
	s30 =	sadd.s32 $0x100, s20;
	s22 =	sand.u32 $0x70, s22;
	v23 =	vperm.xlane v22, v14;
	v24 =	vperm.xlane v22, v15  }
0xfe: {  	s31 =	sand.u32 $0x7C00, s20;
	s20 =	sadd.s32 $0x80, s20;
	s28 =	sand.u32 $0xFC00, s28;
	v25 =	vperm.xlane v22, v16;
	v26 =	vperm.xlane v22, v17  }
0xff: {  	s31 =	sadd.s32 s31, s12;
	s20 =	sand.u32 $0xFC00, s20;
	s30 =	sand.u32 $0xFC00, s30;
	vm0 =	veq.s32 v23, $0x0;
	vm1 =	veq.s32 v24, $0x0;
	v23 =	vperm.xlane v22, v18  }
0x100: {  	s29 =	sand.u32 $0x70, s29;
	s24 =	sadd.s32 s24, s31;
	s20 =	sadd.s32 s20, s12;
	vm2 =	veq.s32 v26, $0x0;
	v24 =	vsel vm0, v0, v7;
	vm0 =	veq.s32 v25, $0x0  }
0x101: {  	s20 =	sadd.s32 s29, s20;
	[tilespmem:v21+s24+$0x0 ss:$0x1] =	vst.idx.msk $0xffff, v24;
	v24 =	vsel vm1, v1, v8;
	s24 =	sand.u32 $0x70, s26;
	s26 =	sadd.s32 s30, s12;
	vm1 =	veq.s32 v23, $0x0;
	v23 =	vperm.xlane v22, v19  }
.Ltmp6:
0x102: {  	v22 =	vperm.xlane v22, v20;
	[tilespmem:v21+s20+$0x0 ss:$0x1] =	vst.idx.msk $0xffff, v24;
	v24 =	vsel vm0, v2, v9;
	s20 =	sadd.s32 s24, s26;
	s24 =	sadd.s32 s28, s12;
	(pc) =	sbr.rel @p0 .LBB2_15-.Ltmp6, $4  }
0x103: {  	s21 =	sand.u32 $0x70, s21;
	[tilespmem:v21+s20+$0x0 ss:$0x1] =	vst.idx.msk $0xffff, v24;
	v24 =	vsel vm2, v3, v10;
	s20 =	sadd.s32 s22, s24;
	s22 =	sadd.s32 s25, s12;
	vm0 =	veq.s32 v23, $0x0  }
0x104: {  	s19 =	sand.u32 $0x70, s19;
	v23 =	vsel vm1, v4, v11;
	vm1 =	veq.s32 v22, $0x0;
	[tilespmem:v21+s20+$0x0 ss:$0x1] =	vst.idx.msk $0xffff, v24;
	s20 =	sadd.s32 s21, s22;
	s21 =	sadd.s32 s23, s12  }
0x105: {  	s16 =	sand.u32 $0x70, s16;
	s18 =	sadd.s32 s18, s12;
	v22 =	vsel vm0, v5, v12;
	[tilespmem:v21+s20+$0x0 ss:$0x1] =	vst.idx.msk $0xffff, v23;
	s19 =	sadd.s32 s19, s21  }
0x106: {  	s16 =	sadd.s32 s16, s18;
	[tilespmem:v21+s19+$0x0 ss:$0x1] =	vst.idx.msk $0xffff, v22;
	v22 =	vsel vm1, v6, v13  }
0x107: {  	s11 =	sadd.s32 $0x1, s11  }
0x108: {  	p0 =	sne.s32 s11, $0x10  }
.Ltmp7:
0x109: {  	_ = 	snop;
	(pc) =	sbr.rel @p0 .LBB2_14-.Ltmp7, $2  }
0x10a: {  	_ =	sdelay $0x2  }
0x10b: {  	[tilespmem:v21+s16+$0x0 ss:$0x1] =	vst.idx.msk $0xffff, v22;
	s10 =	sadd.s32 $0x190, s10  }
0x10c: {  	s9 =	simm.s32 $0x0;
	s10 =	rddreg [dreg:$0x16]  }
0x10d: {  	[hbm4b:s10+s9] =	stream.linear.scatter [tilespmem:s7], [sflag:$0x1], $0xB000, $0x38;
	[tilespmem:$0xD500] =	vst v63  }
0x10e: {  	_ =	swait.ge [sflag:s6], $0xB000  }
0x10f: {  	[sflag:s6] =	ssyncset.done $0x0  }
0x110: {  	s31 =	rddreg [dreg:$0x7];
	[sflag:s6] =	ssyncadd.s32 $0xFFFF5000  }
0x111: {  	[tilespmem:s9], [sflag:$0x1] =	stream.linear.gather [hbm4b:s31+s9], $0x1900, $0x38;
	[tilespmem:$0xD500] =	vst v63  }
0x112: {  	_ =	swait.ge [sflag:s6], $0x1900  }
0x113: {  	[sflag:s6] =	ssyncset.done $0x0  }
0x114: {  	s11 =	simm.s32 $0x0;
	s10 =	simm.s32 $0x0;
	[sflag:s6] =	ssyncadd.s32 $0xFFFFE700  }
.LBB2_18:
0x115: {  	s12 =	sshrl.u32 s11, $0x3  }
0x116: {  	s13 =	sshll.u32 s11, $0x7;
	s15 =	simm.s32 $0x40;
	s16 =	simm.s32 $0x50  }
0x117: {  	v22 =	vld [tilespmem:s10+$0x0];
	s18 =	simm.s32 $0x300;
	s19 =	simm.s32 $0x30;
	s20 =	simm.s32 $0x280  }
0x118: {  	s21 =	sand.u32 $0x70, s9;
	s22 =	simm.s32 $0x200;
	s30 =	simm.s32 $0x20  }
0x119: {  	s23 =	simm.s32 $0x180;
	s24 =	simm.s32 $0x10;
	s25 =	simm.s32 $0x100  }
0x11a: {  	s26 =	sand.u32 $0x7C00, s9;
	s12 =	smul.u32 $0x16000, s12;
	s14 =	sand.u32 $0x380, s13  }
0x11b: {  	s28 =	simm.s32 $0x80;
	s13 =	simm.s32 $0x60;
	s18 =	sand.u32 $0xFC00, s18;
	v21 =	vmov s14  }
0x11c: {  	s22 =	sand.u32 $0xFC00, s22;
	s23 =	sand.u32 $0xFC00, s23;
	s12 =	sshra.s32 s12, $0x2;
	v23 =	vperm.xlane v22, v14  }
0x11d: {  	s28 =	sand.u32 $0xFC00, s28;
	s25 =	sand.u32 $0xFC00, s25;
	s12 =	sadd.s32 $0x1900, s12;
	v24 =	vperm.xlane v22, v15  }
0x11e: {  	s24 =	sand.u32 $0x70, s24;
	s19 =	sand.u32 $0x70, s19;
	v25 =	vperm.xlane v22, v16;
	s26 =	sadd.s32 s26, s12;
	vm0 =	veq.s32 v23, $0x0  }
0x11f: {  	s14 =	sand.u32 $0xFC00, s20;
	s31 =	sadd.s32 s28, s12;
	s21 =	sadd.s32 s21, s26;
	v23 =	vperm.xlane v22, v17;
	vm1 =	veq.s32 v24, $0x0;
	v60 =	vsel vm0, v0, v7  }
0x120: {  	s20 =	sand.u32 $0x70, s30;
	v26 =	vperm.xlane v22, v18;
	s24 =	sadd.s32 s24, s31;
	s26 =	sadd.s32 s25, s12;
	vm11 =	veq.s32 v25, $0x0;
	v61 =	vsel vm1, v1, v8;
	[tilespmem:v21+s21+$0x0 ss:$0x1] =	vst.idx.msk $0xffff, v60  }
0x121: {  	s15 =	sand.u32 $0x70, s15;
	s28 =	sadd.s32 s23, s12;
	s20 =	sadd.s32 s20, s26;
	v62 =	vsel vm11, v2, v9;
	vm12 =	veq.s32 v23, $0x0;
	v23 =	vperm.xlane v22, v19;
	[tilespmem:v21+s24+$0x0 ss:$0x1] =	vst.idx.msk $0xffff, v61  }
0x122: {  	s16 =	sand.u32 $0x70, s16;
	s29 =	sadd.s32 s22, s12;
	s19 =	sadd.s32 s19, s28;
	vm13 =	veq.s32 v26, $0x0;
	v22 =	vperm.xlane v22, v20;
	v63 =	vsel vm12, v3, v10;
	[tilespmem:v21+s20+$0x0 ss:$0x1] =	vst.idx.msk $0xffff, v62  }
0x123: {  	s30 =	sand.u32 $0x70, s13;
	s14 =	sadd.s32 s14, s12;
	s15 =	sadd.s32 s15, s29;
	vm14 =	veq.s32 v23, $0x0;
	v23 =	vsel vm13, v4, v11;
	[tilespmem:v21+s19+$0x0 ss:$0x1] =	vst.idx.msk $0xffff, v63  }
0x124: {  	s13 =	simm.s32 $0x380;
	s14 =	sadd.s32 s16, s14;
	s31 =	sadd.s32 s18, s12;
	vm15 =	veq.s32 v22, $0x0;
	v22 =	vsel vm14, v5, v12;
	[tilespmem:v21+s15+$0x0 ss:$0x1] =	vst.idx.msk $0xffff, v23  }
0x125: {  	s16 =	sadd.s32 s30, s31;
	s15 =	smov.u32 s10;
	[tilespmem:v21+s14+$0x0 ss:$0x1] =	vst.idx.msk $0xffff, v22;
	v22 =	vsel vm15, v6, v13;
	s14 =	simm.s32 $0x0  }
.LBB2_19:
0x126: {  	p0 =	sne.s32 s13, $0x5400;
	[tilespmem:v21+s16+$0x0 ss:$0x1] =	vst.idx.msk $0xffff, v22;
	s14 =	sadd.s32 $0x70, s14;
	s15 =	sadd.s32 $0x10, s15  }
0x127: {  	s20 =	smov.u32 s13;
	s13 =	sadd.s32 $0x380, s13;
	v22 =	vld [tilespmem:s15+$0x0];
	s16 =	sadd.s32 $0x60, s14  }
0x128: {  	s21 =	sadd.s32 $0x40, s14;
	s19 =	sadd.s32 $0x50, s14;
	s18 =	sadd.s32 $0x300, s20  }
0x129: {  	s22 =	sadd.s32 $0x30, s14;
	s23 =	sadd.s32 $0x280, s20;
	s18 =	sand.u32 $0xFC00, s18  }
0x12a: {  	s24 =	sand.u32 $0x70, s14;
	s25 =	sadd.s32 $0x200, s20;
	s23 =	sand.u32 $0xFC00, s23  }
0x12b: {  	s26 =	sadd.s32 $0x20, s14;
	s28 =	sadd.s32 $0x180, s20;
	s25 =	sand.u32 $0xFC00, s25  }
0x12c: {  	s29 =	sadd.s32 $0x10, s14;
	s30 =	sadd.s32 $0x100, s20;
	s22 =	sand.u32 $0x70, s22;
	v23 =	vperm.xlane v22, v14;
	v24 =	vperm.xlane v22, v15  }
0x12d: {  	s31 =	sand.u32 $0x7C00, s20;
	s20 =	sadd.s32 $0x80, s20;
	s28 =	sand.u32 $0xFC00, s28;
	v25 =	vperm.xlane v22, v16;
	v26 =	vperm.xlane v22, v17  }
0x12e: {  	s31 =	sadd.s32 s31, s12;
	s20 =	sand.u32 $0xFC00, s20;
	s30 =	sand.u32 $0xFC00, s30;
	vm0 =	veq.s32 v23, $0x0;
	vm1 =	veq.s32 v24, $0x0;
	v23 =	vperm.xlane v22, v18  }
0x12f: {  	s29 =	sand.u32 $0x70, s29;
	s24 =	sadd.s32 s24, s31;
	s20 =	sadd.s32 s20, s12;
	vm2 =	veq.s32 v26, $0x0;
	v24 =	vsel vm0, v0, v7;
	vm0 =	veq.s32 v25, $0x0  }
0x130: {  	s20 =	sadd.s32 s29, s20;
	[tilespmem:v21+s24+$0x0 ss:$0x1] =	vst.idx.msk $0xffff, v24;
	v24 =	vsel vm1, v1, v8;
	s24 =	sand.u32 $0x70, s26;
	s26 =	sadd.s32 s30, s12;
	vm1 =	veq.s32 v23, $0x0;
	v23 =	vperm.xlane v22, v19  }
.Ltmp8:
0x131: {  	v22 =	vperm.xlane v22, v20;
	[tilespmem:v21+s20+$0x0 ss:$0x1] =	vst.idx.msk $0xffff, v24;
	v24 =	vsel vm0, v2, v9;
	s20 =	sadd.s32 s24, s26;
	s24 =	sadd.s32 s28, s12;
	(pc) =	sbr.rel @p0 .LBB2_19-.Ltmp8, $4  }
0x132: {  	s21 =	sand.u32 $0x70, s21;
	[tilespmem:v21+s20+$0x0 ss:$0x1] =	vst.idx.msk $0xffff, v24;
	v24 =	vsel vm2, v3, v10;
	s20 =	sadd.s32 s22, s24;
	s22 =	sadd.s32 s25, s12;
	vm0 =	veq.s32 v23, $0x0  }
0x133: {  	s19 =	sand.u32 $0x70, s19;
	v23 =	vsel vm1, v4, v11;
	vm1 =	veq.s32 v22, $0x0;
	[tilespmem:v21+s20+$0x0 ss:$0x1] =	vst.idx.msk $0xffff, v24;
	s20 =	sadd.s32 s21, s22;
	s21 =	sadd.s32 s23, s12  }
0x134: {  	s16 =	sand.u32 $0x70, s16;
	s18 =	sadd.s32 s18, s12;
	v22 =	vsel vm0, v5, v12;
	[tilespmem:v21+s20+$0x0 ss:$0x1] =	vst.idx.msk $0xffff, v23;
	s19 =	sadd.s32 s19, s21  }
0x135: {  	s16 =	sadd.s32 s16, s18;
	[tilespmem:v21+s19+$0x0 ss:$0x1] =	vst.idx.msk $0xffff, v22;
	v22 =	vsel vm1, v6, v13  }
0x136: {  	s11 =	sadd.s32 $0x1, s11  }
0x137: {  	p0 =	sne.s32 s11, $0x10  }
.Ltmp9:
0x138: {  	_ = 	snop;
	(pc) =	sbr.rel @p0 .LBB2_18-.Ltmp9, $2  }
0x139: {  	_ =	sdelay $0x2  }
0x13a: {  	[tilespmem:v21+s16+$0x0 ss:$0x1] =	vst.idx.msk $0xffff, v22;
	s10 =	sadd.s32 $0x190, s10  }
0x13b: {  	s9 =	simm.s32 $0x0;
	s10 =	rddreg [dreg:$0x17]  }
0x13c: {  	[hbm4b:s10+s9] =	stream.linear.scatter [tilespmem:s7], [sflag:$0x1], $0xB000, $0x38;
	[tilespmem:$0xD500] =	vst v63  }
0x13d: {  	_ =	swait.ge [sflag:s6], $0xB000  }
0x13e: {  	[sflag:s6] =	ssyncset.done $0x0  }
0x13f: {  	s31 =	rddreg [dreg:$0x8];
	[sflag:s6] =	ssyncadd.s32 $0xFFFF5000  }
0x140: {  	[tilespmem:s9], [sflag:$0x1] =	stream.linear.gather [hbm4b:s31+s9], $0x1900, $0x38;
	[tilespmem:$0xD500] =	vst v63  }
0x141: {  	_ =	swait.ge [sflag:s6], $0x1900  }
0x142: {  	[sflag:s6] =	ssyncset.done $0x0  }
0x143: {  	s11 =	simm.s32 $0x0;
	s10 =	simm.s32 $0x0;
	[sflag:s6] =	ssyncadd.s32 $0xFFFFE700  }
.LBB2_22:
0x144: {  	s12 =	sshrl.u32 s11, $0x3  }
0x145: {  	s13 =	sshll.u32 s11, $0x7;
	s15 =	simm.s32 $0x40;
	s16 =	simm.s32 $0x50  }
0x146: {  	v22 =	vld [tilespmem:s10+$0x0];
	s18 =	simm.s32 $0x300;
	s19 =	simm.s32 $0x30;
	s20 =	simm.s32 $0x280  }
0x147: {  	s21 =	sand.u32 $0x70, s9;
	s22 =	simm.s32 $0x200;
	s30 =	simm.s32 $0x20  }
0x148: {  	s23 =	simm.s32 $0x180;
	s24 =	simm.s32 $0x10;
	s25 =	simm.s32 $0x100  }
0x149: {  	s26 =	sand.u32 $0x7C00, s9;
	s12 =	smul.u32 $0x16000, s12;
	s14 =	sand.u32 $0x380, s13  }
0x14a: {  	s28 =	simm.s32 $0x80;
	s13 =	simm.s32 $0x60;
	s18 =	sand.u32 $0xFC00, s18;
	v21 =	vmov s14  }
0x14b: {  	s22 =	sand.u32 $0xFC00, s22;
	s23 =	sand.u32 $0xFC00, s23;
	s12 =	sshra.s32 s12, $0x2;
	v23 =	vperm.xlane v22, v14  }
0x14c: {  	s28 =	sand.u32 $0xFC00, s28;
	s25 =	sand.u32 $0xFC00, s25;
	s12 =	sadd.s32 $0x1900, s12;
	v24 =	vperm.xlane v22, v15  }
0x14d: {  	s24 =	sand.u32 $0x70, s24;
	s19 =	sand.u32 $0x70, s19;
	v25 =	vperm.xlane v22, v16;
	s26 =	sadd.s32 s26, s12;
	vm0 =	veq.s32 v23, $0x0  }
0x14e: {  	s14 =	sand.u32 $0xFC00, s20;
	s31 =	sadd.s32 s28, s12;
	s21 =	sadd.s32 s21, s26;
	v23 =	vperm.xlane v22, v17;
	vm1 =	veq.s32 v24, $0x0;
	v60 =	vsel vm0, v0, v7  }
0x14f: {  	s20 =	sand.u32 $0x70, s30;
	v26 =	vperm.xlane v22, v18;
	s24 =	sadd.s32 s24, s31;
	s26 =	sadd.s32 s25, s12;
	vm11 =	veq.s32 v25, $0x0;
	v61 =	vsel vm1, v1, v8;
	[tilespmem:v21+s21+$0x0 ss:$0x1] =	vst.idx.msk $0xffff, v60  }
0x150: {  	s15 =	sand.u32 $0x70, s15;
	s28 =	sadd.s32 s23, s12;
	s20 =	sadd.s32 s20, s26;
	v62 =	vsel vm11, v2, v9;
	vm12 =	veq.s32 v23, $0x0;
	v23 =	vperm.xlane v22, v19;
	[tilespmem:v21+s24+$0x0 ss:$0x1] =	vst.idx.msk $0xffff, v61  }
0x151: {  	s16 =	sand.u32 $0x70, s16;
	s29 =	sadd.s32 s22, s12;
	s19 =	sadd.s32 s19, s28;
	vm13 =	veq.s32 v26, $0x0;
	v22 =	vperm.xlane v22, v20;
	v63 =	vsel vm12, v3, v10;
	[tilespmem:v21+s20+$0x0 ss:$0x1] =	vst.idx.msk $0xffff, v62  }
0x152: {  	s30 =	sand.u32 $0x70, s13;
	s14 =	sadd.s32 s14, s12;
	s15 =	sadd.s32 s15, s29;
	vm14 =	veq.s32 v23, $0x0;
	v23 =	vsel vm13, v4, v11;
	[tilespmem:v21+s19+$0x0 ss:$0x1] =	vst.idx.msk $0xffff, v63  }
0x153: {  	s13 =	simm.s32 $0x380;
	s14 =	sadd.s32 s16, s14;
	s31 =	sadd.s32 s18, s12;
	vm15 =	veq.s32 v22, $0x0;
	v22 =	vsel vm14, v5, v12;
	[tilespmem:v21+s15+$0x0 ss:$0x1] =	vst.idx.msk $0xffff, v23  }
0x154: {  	s16 =	sadd.s32 s30, s31;
	s15 =	smov.u32 s10;
	[tilespmem:v21+s14+$0x0 ss:$0x1] =	vst.idx.msk $0xffff, v22;
	v22 =	vsel vm15, v6, v13;
	s14 =	simm.s32 $0x0  }
.LBB2_23:
0x155: {  	p0 =	sne.s32 s13, $0x5400;
	[tilespmem:v21+s16+$0x0 ss:$0x1] =	vst.idx.msk $0xffff, v22;
	s14 =	sadd.s32 $0x70, s14;
	s15 =	sadd.s32 $0x10, s15  }
0x156: {  	s20 =	smov.u32 s13;
	s13 =	sadd.s32 $0x380, s13;
	v22 =	vld [tilespmem:s15+$0x0];
	s16 =	sadd.s32 $0x60, s14  }
0x157: {  	s21 =	sadd.s32 $0x40, s14;
	s19 =	sadd.s32 $0x50, s14;
	s18 =	sadd.s32 $0x300, s20  }
0x158: {  	s22 =	sadd.s32 $0x30, s14;
	s23 =	sadd.s32 $0x280, s20;
	s18 =	sand.u32 $0xFC00, s18  }
0x159: {  	s24 =	sand.u32 $0x70, s14;
	s25 =	sadd.s32 $0x200, s20;
	s23 =	sand.u32 $0xFC00, s23  }
0x15a: {  	s26 =	sadd.s32 $0x20, s14;
	s28 =	sadd.s32 $0x180, s20;
	s25 =	sand.u32 $0xFC00, s25  }
0x15b: {  	s29 =	sadd.s32 $0x10, s14;
	s30 =	sadd.s32 $0x100, s20;
	s22 =	sand.u32 $0x70, s22;
	v23 =	vperm.xlane v22, v14;
	v24 =	vperm.xlane v22, v15  }
0x15c: {  	s31 =	sand.u32 $0x7C00, s20;
	s20 =	sadd.s32 $0x80, s20;
	s28 =	sand.u32 $0xFC00, s28;
	v25 =	vperm.xlane v22, v16;
	v26 =	vperm.xlane v22, v17  }
0x15d: {  	s31 =	sadd.s32 s31, s12;
	s20 =	sand.u32 $0xFC00, s20;
	s30 =	sand.u32 $0xFC00, s30;
	vm0 =	veq.s32 v23, $0x0;
	vm1 =	veq.s32 v24, $0x0;
	v23 =	vperm.xlane v22, v18  }
0x15e: {  	s29 =	sand.u32 $0x70, s29;
	s24 =	sadd.s32 s24, s31;
	s20 =	sadd.s32 s20, s12;
	vm2 =	veq.s32 v26, $0x0;
	v24 =	vsel vm0, v0, v7;
	vm0 =	veq.s32 v25, $0x0  }
0x15f: {  	s20 =	sadd.s32 s29, s20;
	[tilespmem:v21+s24+$0x0 ss:$0x1] =	vst.idx.msk $0xffff, v24;
	v24 =	vsel vm1, v1, v8;
	s24 =	sand.u32 $0x70, s26;
	s26 =	sadd.s32 s30, s12;
	vm1 =	veq.s32 v23, $0x0;
	v23 =	vperm.xlane v22, v19  }
.Ltmp10:
0x160: {  	v22 =	vperm.xlane v22, v20;
	[tilespmem:v21+s20+$0x0 ss:$0x1] =	vst.idx.msk $0xffff, v24;
	v24 =	vsel vm0, v2, v9;
	s20 =	sadd.s32 s24, s26;
	s24 =	sadd.s32 s28, s12;
	(pc) =	sbr.rel @p0 .LBB2_23-.Ltmp10, $4  }
0x161: {  	s21 =	sand.u32 $0x70, s21;
	[tilespmem:v21+s20+$0x0 ss:$0x1] =	vst.idx.msk $0xffff, v24;
	v24 =	vsel vm2, v3, v10;
	s20 =	sadd.s32 s22, s24;
	s22 =	sadd.s32 s25, s12;
	vm0 =	veq.s32 v23, $0x0  }
0x162: {  	s19 =	sand.u32 $0x70, s19;
	v23 =	vsel vm1, v4, v11;
	vm1 =	veq.s32 v22, $0x0;
	[tilespmem:v21+s20+$0x0 ss:$0x1] =	vst.idx.msk $0xffff, v24;
	s20 =	sadd.s32 s21, s22;
	s21 =	sadd.s32 s23, s12  }
0x163: {  	s16 =	sand.u32 $0x70, s16;
	s18 =	sadd.s32 s18, s12;
	v22 =	vsel vm0, v5, v12;
	[tilespmem:v21+s20+$0x0 ss:$0x1] =	vst.idx.msk $0xffff, v23;
	s19 =	sadd.s32 s19, s21  }
0x164: {  	s16 =	sadd.s32 s16, s18;
	[tilespmem:v21+s19+$0x0 ss:$0x1] =	vst.idx.msk $0xffff, v22;
	v22 =	vsel vm1, v6, v13  }
0x165: {  	s11 =	sadd.s32 $0x1, s11  }
0x166: {  	p0 =	sne.s32 s11, $0x10  }
.Ltmp11:
0x167: {  	_ = 	snop;
	(pc) =	sbr.rel @p0 .LBB2_22-.Ltmp11, $2  }
0x168: {  	_ =	sdelay $0x2  }
0x169: {  	[tilespmem:v21+s16+$0x0 ss:$0x1] =	vst.idx.msk $0xffff, v22;
	s10 =	sadd.s32 $0x190, s10  }
0x16a: {  	s9 =	simm.s32 $0x0;
	s10 =	rddreg [dreg:$0x18]  }
0x16b: {  	[hbm4b:s10+s9] =	stream.linear.scatter [tilespmem:s7], [sflag:$0x1], $0xB000, $0x38;
	[tilespmem:$0xD500] =	vst v63  }
0x16c: {  	_ =	swait.ge [sflag:s6], $0xB000  }
0x16d: {  	[sflag:s6] =	ssyncset.done $0x0  }
0x16e: {  	s31 =	rddreg [dreg:$0x9];
	[sflag:s6] =	ssyncadd.s32 $0xFFFF5000  }
0x16f: {  	[tilespmem:s9], [sflag:$0x1] =	stream.linear.gather [hbm4b:s31+s9], $0x1900, $0x38;
	[tilespmem:$0xD500] =	vst v63  }
0x170: {  	_ =	swait.ge [sflag:s6], $0x1900  }
0x171: {  	[sflag:s6] =	ssyncset.done $0x0  }
0x172: {  	s11 =	simm.s32 $0x0;
	s10 =	simm.s32 $0x0;
	[sflag:s6] =	ssyncadd.s32 $0xFFFFE700  }
.LBB2_26:
0x173: {  	s12 =	sshrl.u32 s11, $0x3  }
0x174: {  	s13 =	sshll.u32 s11, $0x7;
	s15 =	simm.s32 $0x40;
	s16 =	simm.s32 $0x50  }
0x175: {  	v22 =	vld [tilespmem:s10+$0x0];
	s18 =	simm.s32 $0x300;
	s19 =	simm.s32 $0x30;
	s20 =	simm.s32 $0x280  }
0x176: {  	s21 =	sand.u32 $0x70, s9;
	s22 =	simm.s32 $0x200;
	s30 =	simm.s32 $0x20  }
0x177: {  	s23 =	simm.s32 $0x180;
	s24 =	simm.s32 $0x10;
	s25 =	simm.s32 $0x100  }
0x178: {  	s26 =	sand.u32 $0x7C00, s9;
	s12 =	smul.u32 $0x16000, s12;
	s14 =	sand.u32 $0x380, s13  }
0x179: {  	s28 =	simm.s32 $0x80;
	s13 =	simm.s32 $0x60;
	s18 =	sand.u32 $0xFC00, s18;
	v21 =	vmov s14  }
0x17a: {  	s22 =	sand.u32 $0xFC00, s22;
	s23 =	sand.u32 $0xFC00, s23;
	s12 =	sshra.s32 s12, $0x2;
	v23 =	vperm.xlane v22, v14  }
0x17b: {  	s28 =	sand.u32 $0xFC00, s28;
	s25 =	sand.u32 $0xFC00, s25;
	s12 =	sadd.s32 $0x1900, s12;
	v24 =	vperm.xlane v22, v15  }
0x17c: {  	s24 =	sand.u32 $0x70, s24;
	s19 =	sand.u32 $0x70, s19;
	v25 =	vperm.xlane v22, v16;
	s26 =	sadd.s32 s26, s12;
	vm0 =	veq.s32 v23, $0x0  }
0x17d: {  	s14 =	sand.u32 $0xFC00, s20;
	s31 =	sadd.s32 s28, s12;
	s21 =	sadd.s32 s21, s26;
	v23 =	vperm.xlane v22, v17;
	vm1 =	veq.s32 v24, $0x0;
	v60 =	vsel vm0, v0, v7  }
0x17e: {  	s20 =	sand.u32 $0x70, s30;
	v26 =	vperm.xlane v22, v18;
	s24 =	sadd.s32 s24, s31;
	s26 =	sadd.s32 s25, s12;
	vm11 =	veq.s32 v25, $0x0;
	v61 =	vsel vm1, v1, v8;
	[tilespmem:v21+s21+$0x0 ss:$0x1] =	vst.idx.msk $0xffff, v60  }
0x17f: {  	s15 =	sand.u32 $0x70, s15;
	s28 =	sadd.s32 s23, s12;
	s20 =	sadd.s32 s20, s26;
	v62 =	vsel vm11, v2, v9;
	vm12 =	veq.s32 v23, $0x0;
	v23 =	vperm.xlane v22, v19;
	[tilespmem:v21+s24+$0x0 ss:$0x1] =	vst.idx.msk $0xffff, v61  }
0x180: {  	s16 =	sand.u32 $0x70, s16;
	s29 =	sadd.s32 s22, s12;
	s19 =	sadd.s32 s19, s28;
	vm13 =	veq.s32 v26, $0x0;
	v22 =	vperm.xlane v22, v20;
	v63 =	vsel vm12, v3, v10;
	[tilespmem:v21+s20+$0x0 ss:$0x1] =	vst.idx.msk $0xffff, v62  }
0x181: {  	s30 =	sand.u32 $0x70, s13;
	s14 =	sadd.s32 s14, s12;
	s15 =	sadd.s32 s15, s29;
	vm14 =	veq.s32 v23, $0x0;
	v23 =	vsel vm13, v4, v11;
	[tilespmem:v21+s19+$0x0 ss:$0x1] =	vst.idx.msk $0xffff, v63  }
0x182: {  	s13 =	simm.s32 $0x380;
	s14 =	sadd.s32 s16, s14;
	s31 =	sadd.s32 s18, s12;
	vm15 =	veq.s32 v22, $0x0;
	v22 =	vsel vm14, v5, v12;
	[tilespmem:v21+s15+$0x0 ss:$0x1] =	vst.idx.msk $0xffff, v23  }
0x183: {  	s16 =	sadd.s32 s30, s31;
	s15 =	smov.u32 s10;
	[tilespmem:v21+s14+$0x0 ss:$0x1] =	vst.idx.msk $0xffff, v22;
	v22 =	vsel vm15, v6, v13;
	s14 =	simm.s32 $0x0  }
.LBB2_27:
0x184: {  	p0 =	sne.s32 s13, $0x5400;
	[tilespmem:v21+s16+$0x0 ss:$0x1] =	vst.idx.msk $0xffff, v22;
	s14 =	sadd.s32 $0x70, s14;
	s15 =	sadd.s32 $0x10, s15  }
0x185: {  	s20 =	smov.u32 s13;
	s13 =	sadd.s32 $0x380, s13;
	v22 =	vld [tilespmem:s15+$0x0];
	s16 =	sadd.s32 $0x60, s14  }
0x186: {  	s21 =	sadd.s32 $0x40, s14;
	s19 =	sadd.s32 $0x50, s14;
	s18 =	sadd.s32 $0x300, s20  }
0x187: {  	s22 =	sadd.s32 $0x30, s14;
	s23 =	sadd.s32 $0x280, s20;
	s18 =	sand.u32 $0xFC00, s18  }
0x188: {  	s24 =	sand.u32 $0x70, s14;
	s25 =	sadd.s32 $0x200, s20;
	s23 =	sand.u32 $0xFC00, s23  }
0x189: {  	s26 =	sadd.s32 $0x20, s14;
	s28 =	sadd.s32 $0x180, s20;
	s25 =	sand.u32 $0xFC00, s25  }
0x18a: {  	s29 =	sadd.s32 $0x10, s14;
	s30 =	sadd.s32 $0x100, s20;
	s22 =	sand.u32 $0x70, s22;
	v23 =	vperm.xlane v22, v14;
	v24 =	vperm.xlane v22, v15  }
0x18b: {  	s31 =	sand.u32 $0x7C00, s20;
	s20 =	sadd.s32 $0x80, s20;
	s28 =	sand.u32 $0xFC00, s28;
	v25 =	vperm.xlane v22, v16;
	v26 =	vperm.xlane v22, v17  }
0x18c: {  	s31 =	sadd.s32 s31, s12;
	s20 =	sand.u32 $0xFC00, s20;
	s30 =	sand.u32 $0xFC00, s30;
	vm0 =	veq.s32 v23, $0x0;
	vm1 =	veq.s32 v24, $0x0;
	v23 =	vperm.xlane v22, v18  }
0x18d: {  	s29 =	sand.u32 $0x70, s29;
	s24 =	sadd.s32 s24, s31;
	s20 =	sadd.s32 s20, s12;
	vm2 =	veq.s32 v26, $0x0;
	v24 =	vsel vm0, v0, v7;
	vm0 =	veq.s32 v25, $0x0  }
0x18e: {  	s20 =	sadd.s32 s29, s20;
	[tilespmem:v21+s24+$0x0 ss:$0x1] =	vst.idx.msk $0xffff, v24;
	v24 =	vsel vm1, v1, v8;
	s24 =	sand.u32 $0x70, s26;
	s26 =	sadd.s32 s30, s12;
	vm1 =	veq.s32 v23, $0x0;
	v23 =	vperm.xlane v22, v19  }
.Ltmp12:
0x18f: {  	v22 =	vperm.xlane v22, v20;
	[tilespmem:v21+s20+$0x0 ss:$0x1] =	vst.idx.msk $0xffff, v24;
	v24 =	vsel vm0, v2, v9;
	s20 =	sadd.s32 s24, s26;
	s24 =	sadd.s32 s28, s12;
	(pc) =	sbr.rel @p0 .LBB2_27-.Ltmp12, $4  }
0x190: {  	s21 =	sand.u32 $0x70, s21;
	[tilespmem:v21+s20+$0x0 ss:$0x1] =	vst.idx.msk $0xffff, v24;
	v24 =	vsel vm2, v3, v10;
	s20 =	sadd.s32 s22, s24;
	s22 =	sadd.s32 s25, s12;
	vm0 =	veq.s32 v23, $0x0  }
0x191: {  	s19 =	sand.u32 $0x70, s19;
	v23 =	vsel vm1, v4, v11;
	vm1 =	veq.s32 v22, $0x0;
	[tilespmem:v21+s20+$0x0 ss:$0x1] =	vst.idx.msk $0xffff, v24;
	s20 =	sadd.s32 s21, s22;
	s21 =	sadd.s32 s23, s12  }
0x192: {  	s16 =	sand.u32 $0x70, s16;
	s18 =	sadd.s32 s18, s12;
	v22 =	vsel vm0, v5, v12;
	[tilespmem:v21+s20+$0x0 ss:$0x1] =	vst.idx.msk $0xffff, v23;
	s19 =	sadd.s32 s19, s21  }
0x193: {  	s16 =	sadd.s32 s16, s18;
	[tilespmem:v21+s19+$0x0 ss:$0x1] =	vst.idx.msk $0xffff, v22;
	v22 =	vsel vm1, v6, v13  }
0x194: {  	s11 =	sadd.s32 $0x1, s11  }
0x195: {  	p0 =	sne.s32 s11, $0x10  }
.Ltmp13:
0x196: {  	_ = 	snop;
	(pc) =	sbr.rel @p0 .LBB2_26-.Ltmp13, $2  }
0x197: {  	_ =	sdelay $0x2  }
0x198: {  	[tilespmem:v21+s16+$0x0 ss:$0x1] =	vst.idx.msk $0xffff, v22;
	s10 =	sadd.s32 $0x190, s10  }
0x199: {  	s9 =	simm.s32 $0x0;
	s10 =	rddreg [dreg:$0x19]  }
0x19a: {  	[hbm4b:s10+s9] =	stream.linear.scatter [tilespmem:s7], [sflag:$0x1], $0xB000, $0x38;
	[tilespmem:$0xD500] =	vst v63  }
0x19b: {  	_ =	swait.ge [sflag:s6], $0xB000  }
0x19c: {  	[sflag:s6] =	ssyncset.done $0x0  }
0x19d: {  	s31 =	rddreg [dreg:$0xa];
	[sflag:s6] =	ssyncadd.s32 $0xFFFF5000  }
0x19e: {  	[tilespmem:s9], [sflag:$0x1] =	stream.linear.gather [hbm4b:s31+s9], $0x1900, $0x38;
	[tilespmem:$0xD500] =	vst v63  }
0x19f: {  	_ =	swait.ge [sflag:s6], $0x1900  }
0x1a0: {  	[sflag:s6] =	ssyncset.done $0x0  }
0x1a1: {  	s11 =	simm.s32 $0x0;
	s10 =	simm.s32 $0x0;
	[sflag:s6] =	ssyncadd.s32 $0xFFFFE700  }
.LBB2_30:
0x1a2: {  	s12 =	sshrl.u32 s11, $0x3  }
0x1a3: {  	s13 =	sshll.u32 s11, $0x7;
	s15 =	simm.s32 $0x40;
	s16 =	simm.s32 $0x50  }
0x1a4: {  	v22 =	vld [tilespmem:s10+$0x0];
	s18 =	simm.s32 $0x300;
	s19 =	simm.s32 $0x30;
	s20 =	simm.s32 $0x280  }
0x1a5: {  	s21 =	sand.u32 $0x70, s9;
	s22 =	simm.s32 $0x200;
	s30 =	simm.s32 $0x20  }
0x1a6: {  	s23 =	simm.s32 $0x180;
	s24 =	simm.s32 $0x10;
	s25 =	simm.s32 $0x100  }
0x1a7: {  	s26 =	sand.u32 $0x7C00, s9;
	s12 =	smul.u32 $0x16000, s12;
	s14 =	sand.u32 $0x380, s13  }
0x1a8: {  	s28 =	simm.s32 $0x80;
	s13 =	simm.s32 $0x60;
	s18 =	sand.u32 $0xFC00, s18;
	v21 =	vmov s14  }
0x1a9: {  	s22 =	sand.u32 $0xFC00, s22;
	s23 =	sand.u32 $0xFC00, s23;
	s12 =	sshra.s32 s12, $0x2;
	v23 =	vperm.xlane v22, v14  }
0x1aa: {  	s28 =	sand.u32 $0xFC00, s28;
	s25 =	sand.u32 $0xFC00, s25;
	s12 =	sadd.s32 $0x1900, s12;
	v24 =	vperm.xlane v22, v15  }
0x1ab: {  	s24 =	sand.u32 $0x70, s24;
	s19 =	sand.u32 $0x70, s19;
	v25 =	vperm.xlane v22, v16;
	s26 =	sadd.s32 s26, s12;
	vm0 =	veq.s32 v23, $0x0  }
0x1ac: {  	s14 =	sand.u32 $0xFC00, s20;
	s31 =	sadd.s32 s28, s12;
	s21 =	sadd.s32 s21, s26;
	v23 =	vperm.xlane v22, v17;
	vm1 =	veq.s32 v24, $0x0;
	v60 =	vsel vm0, v0, v7  }
0x1ad: {  	s20 =	sand.u32 $0x70, s30;
	v26 =	vperm.xlane v22, v18;
	s24 =	sadd.s32 s24, s31;
	s26 =	sadd.s32 s25, s12;
	vm11 =	veq.s32 v25, $0x0;
	v61 =	vsel vm1, v1, v8;
	[tilespmem:v21+s21+$0x0 ss:$0x1] =	vst.idx.msk $0xffff, v60  }
0x1ae: {  	s15 =	sand.u32 $0x70, s15;
	s28 =	sadd.s32 s23, s12;
	s20 =	sadd.s32 s20, s26;
	v62 =	vsel vm11, v2, v9;
	vm12 =	veq.s32 v23, $0x0;
	v23 =	vperm.xlane v22, v19;
	[tilespmem:v21+s24+$0x0 ss:$0x1] =	vst.idx.msk $0xffff, v61  }
0x1af: {  	s16 =	sand.u32 $0x70, s16;
	s29 =	sadd.s32 s22, s12;
	s19 =	sadd.s32 s19, s28;
	vm13 =	veq.s32 v26, $0x0;
	v22 =	vperm.xlane v22, v20;
	v63 =	vsel vm12, v3, v10;
	[tilespmem:v21+s20+$0x0 ss:$0x1] =	vst.idx.msk $0xffff, v62  }
0x1b0: {  	s30 =	sand.u32 $0x70, s13;
	s14 =	sadd.s32 s14, s12;
	s15 =	sadd.s32 s15, s29;
	vm14 =	veq.s32 v23, $0x0;
	v23 =	vsel vm13, v4, v11;
	[tilespmem:v21+s19+$0x0 ss:$0x1] =	vst.idx.msk $0xffff, v63  }
0x1b1: {  	s13 =	simm.s32 $0x380;
	s14 =	sadd.s32 s16, s14;
	s31 =	sadd.s32 s18, s12;
	vm15 =	veq.s32 v22, $0x0;
	v22 =	vsel vm14, v5, v12;
	[tilespmem:v21+s15+$0x0 ss:$0x1] =	vst.idx.msk $0xffff, v23  }
0x1b2: {  	s16 =	sadd.s32 s30, s31;
	s15 =	smov.u32 s10;
	[tilespmem:v21+s14+$0x0 ss:$0x1] =	vst.idx.msk $0xffff, v22;
	v22 =	vsel vm15, v6, v13;
	s14 =	simm.s32 $0x0  }
.LBB2_31:
0x1b3: {  	p0 =	sne.s32 s13, $0x5400;
	[tilespmem:v21+s16+$0x0 ss:$0x1] =	vst.idx.msk $0xffff, v22;
	s14 =	sadd.s32 $0x70, s14;
	s15 =	sadd.s32 $0x10, s15  }
0x1b4: {  	s20 =	smov.u32 s13;
	s13 =	sadd.s32 $0x380, s13;
	v22 =	vld [tilespmem:s15+$0x0];
	s16 =	sadd.s32 $0x60, s14  }
0x1b5: {  	s21 =	sadd.s32 $0x40, s14;
	s19 =	sadd.s32 $0x50, s14;
	s18 =	sadd.s32 $0x300, s20  }
0x1b6: {  	s22 =	sadd.s32 $0x30, s14;
	s23 =	sadd.s32 $0x280, s20;
	s18 =	sand.u32 $0xFC00, s18  }
0x1b7: {  	s24 =	sand.u32 $0x70, s14;
	s25 =	sadd.s32 $0x200, s20;
	s23 =	sand.u32 $0xFC00, s23  }
0x1b8: {  	s26 =	sadd.s32 $0x20, s14;
	s28 =	sadd.s32 $0x180, s20;
	s25 =	sand.u32 $0xFC00, s25  }
0x1b9: {  	s29 =	sadd.s32 $0x10, s14;
	s30 =	sadd.s32 $0x100, s20;
	s22 =	sand.u32 $0x70, s22;
	v23 =	vperm.xlane v22, v14;
	v24 =	vperm.xlane v22, v15  }
0x1ba: {  	s31 =	sand.u32 $0x7C00, s20;
	s20 =	sadd.s32 $0x80, s20;
	s28 =	sand.u32 $0xFC00, s28;
	v25 =	vperm.xlane v22, v16;
	v26 =	vperm.xlane v22, v17  }
0x1bb: {  	s31 =	sadd.s32 s31, s12;
	s20 =	sand.u32 $0xFC00, s20;
	s30 =	sand.u32 $0xFC00, s30;
	vm0 =	veq.s32 v23, $0x0;
	vm1 =	veq.s32 v24, $0x0;
	v23 =	vperm.xlane v22, v18  }
0x1bc: {  	s29 =	sand.u32 $0x70, s29;
	s24 =	sadd.s32 s24, s31;
	s20 =	sadd.s32 s20, s12;
	vm2 =	veq.s32 v26, $0x0;
	v24 =	vsel vm0, v0, v7;
	vm0 =	veq.s32 v25, $0x0  }
0x1bd: {  	s20 =	sadd.s32 s29, s20;
	[tilespmem:v21+s24+$0x0 ss:$0x1] =	vst.idx.msk $0xffff, v24;
	v24 =	vsel vm1, v1, v8;
	s24 =	sand.u32 $0x70, s26;
	s26 =	sadd.s32 s30, s12;
	vm1 =	veq.s32 v23, $0x0;
	v23 =	vperm.xlane v22, v19  }
.Ltmp14:
0x1be: {  	v22 =	vperm.xlane v22, v20;
	[tilespmem:v21+s20+$0x0 ss:$0x1] =	vst.idx.msk $0xffff, v24;
	v24 =	vsel vm0, v2, v9;
	s20 =	sadd.s32 s24, s26;
	s24 =	sadd.s32 s28, s12;
	(pc) =	sbr.rel @p0 .LBB2_31-.Ltmp14, $4  }
0x1bf: {  	s21 =	sand.u32 $0x70, s21;
	[tilespmem:v21+s20+$0x0 ss:$0x1] =	vst.idx.msk $0xffff, v24;
	v24 =	vsel vm2, v3, v10;
	s20 =	sadd.s32 s22, s24;
	s22 =	sadd.s32 s25, s12;
	vm0 =	veq.s32 v23, $0x0  }
0x1c0: {  	s19 =	sand.u32 $0x70, s19;
	v23 =	vsel vm1, v4, v11;
	vm1 =	veq.s32 v22, $0x0;
	[tilespmem:v21+s20+$0x0 ss:$0x1] =	vst.idx.msk $0xffff, v24;
	s20 =	sadd.s32 s21, s22;
	s21 =	sadd.s32 s23, s12  }
0x1c1: {  	s16 =	sand.u32 $0x70, s16;
	s18 =	sadd.s32 s18, s12;
	v22 =	vsel vm0, v5, v12;
	[tilespmem:v21+s20+$0x0 ss:$0x1] =	vst.idx.msk $0xffff, v23;
	s19 =	sadd.s32 s19, s21  }
0x1c2: {  	s16 =	sadd.s32 s16, s18;
	[tilespmem:v21+s19+$0x0 ss:$0x1] =	vst.idx.msk $0xffff, v22;
	v22 =	vsel vm1, v6, v13  }
0x1c3: {  	s11 =	sadd.s32 $0x1, s11  }
0x1c4: {  	p0 =	sne.s32 s11, $0x10  }
.Ltmp15:
0x1c5: {  	_ = 	snop;
	(pc) =	sbr.rel @p0 .LBB2_30-.Ltmp15, $2  }
0x1c6: {  	_ =	sdelay $0x2  }
0x1c7: {  	[tilespmem:v21+s16+$0x0 ss:$0x1] =	vst.idx.msk $0xffff, v22;
	s10 =	sadd.s32 $0x190, s10  }
0x1c8: {  	s9 =	simm.s32 $0x0;
	s10 =	rddreg [dreg:$0x1a]  }
0x1c9: {  	[hbm4b:s10+s9] =	stream.linear.scatter [tilespmem:s7], [sflag:$0x1], $0xB000, $0x38;
	[tilespmem:$0xD500] =	vst v63  }
0x1ca: {  	_ =	swait.ge [sflag:s6], $0xB000  }
0x1cb: {  	[sflag:s6] =	ssyncset.done $0x0  }
0x1cc: {  	s31 =	rddreg [dreg:$0xb];
	[sflag:s6] =	ssyncadd.s32 $0xFFFF5000  }
0x1cd: {  	[tilespmem:s9], [sflag:$0x1] =	stream.linear.gather [hbm4b:s31+s9], $0x1900, $0x38;
	[tilespmem:$0xD500] =	vst v63  }
0x1ce: {  	_ =	swait.ge [sflag:s6], $0x1900  }
0x1cf: {  	[sflag:s6] =	ssyncset.done $0x0  }
0x1d0: {  	s11 =	simm.s32 $0x0;
	s10 =	simm.s32 $0x0;
	[sflag:s6] =	ssyncadd.s32 $0xFFFFE700  }
.LBB2_34:
0x1d1: {  	s12 =	sshrl.u32 s11, $0x3  }
0x1d2: {  	s13 =	sshll.u32 s11, $0x7;
	s15 =	simm.s32 $0x40;
	s16 =	simm.s32 $0x50  }
0x1d3: {  	v22 =	vld [tilespmem:s10+$0x0];
	s18 =	simm.s32 $0x300;
	s19 =	simm.s32 $0x30;
	s20 =	simm.s32 $0x280  }
0x1d4: {  	s21 =	sand.u32 $0x70, s9;
	s22 =	simm.s32 $0x200;
	s30 =	simm.s32 $0x20  }
0x1d5: {  	s23 =	simm.s32 $0x180;
	s24 =	simm.s32 $0x10;
	s25 =	simm.s32 $0x100  }
0x1d6: {  	s26 =	sand.u32 $0x7C00, s9;
	s12 =	smul.u32 $0x16000, s12;
	s14 =	sand.u32 $0x380, s13  }
0x1d7: {  	s28 =	simm.s32 $0x80;
	s13 =	simm.s32 $0x60;
	s18 =	sand.u32 $0xFC00, s18;
	v21 =	vmov s14  }
0x1d8: {  	s22 =	sand.u32 $0xFC00, s22;
	s23 =	sand.u32 $0xFC00, s23;
	s12 =	sshra.s32 s12, $0x2;
	v23 =	vperm.xlane v22, v14  }
0x1d9: {  	s28 =	sand.u32 $0xFC00, s28;
	s25 =	sand.u32 $0xFC00, s25;
	s12 =	sadd.s32 $0x1900, s12;
	v24 =	vperm.xlane v22, v15  }
0x1da: {  	s24 =	sand.u32 $0x70, s24;
	s19 =	sand.u32 $0x70, s19;
	v25 =	vperm.xlane v22, v16;
	s26 =	sadd.s32 s26, s12;
	vm0 =	veq.s32 v23, $0x0  }
0x1db: {  	s14 =	sand.u32 $0xFC00, s20;
	s31 =	sadd.s32 s28, s12;
	s21 =	sadd.s32 s21, s26;
	v23 =	vperm.xlane v22, v17;
	vm1 =	veq.s32 v24, $0x0;
	v60 =	vsel vm0, v0, v7  }
0x1dc: {  	s20 =	sand.u32 $0x70, s30;
	v26 =	vperm.xlane v22, v18;
	s24 =	sadd.s32 s24, s31;
	s26 =	sadd.s32 s25, s12;
	vm11 =	veq.s32 v25, $0x0;
	v61 =	vsel vm1, v1, v8;
	[tilespmem:v21+s21+$0x0 ss:$0x1] =	vst.idx.msk $0xffff, v60  }
0x1dd: {  	s15 =	sand.u32 $0x70, s15;
	s28 =	sadd.s32 s23, s12;
	s20 =	sadd.s32 s20, s26;
	v62 =	vsel vm11, v2, v9;
	vm12 =	veq.s32 v23, $0x0;
	v23 =	vperm.xlane v22, v19;
	[tilespmem:v21+s24+$0x0 ss:$0x1] =	vst.idx.msk $0xffff, v61  }
0x1de: {  	s16 =	sand.u32 $0x70, s16;
	s29 =	sadd.s32 s22, s12;
	s19 =	sadd.s32 s19, s28;
	vm13 =	veq.s32 v26, $0x0;
	v22 =	vperm.xlane v22, v20;
	v63 =	vsel vm12, v3, v10;
	[tilespmem:v21+s20+$0x0 ss:$0x1] =	vst.idx.msk $0xffff, v62  }
0x1df: {  	s30 =	sand.u32 $0x70, s13;
	s14 =	sadd.s32 s14, s12;
	s15 =	sadd.s32 s15, s29;
	vm14 =	veq.s32 v23, $0x0;
	v23 =	vsel vm13, v4, v11;
	[tilespmem:v21+s19+$0x0 ss:$0x1] =	vst.idx.msk $0xffff, v63  }
0x1e0: {  	s13 =	simm.s32 $0x380;
	s14 =	sadd.s32 s16, s14;
	s31 =	sadd.s32 s18, s12;
	vm15 =	veq.s32 v22, $0x0;
	v22 =	vsel vm14, v5, v12;
	[tilespmem:v21+s15+$0x0 ss:$0x1] =	vst.idx.msk $0xffff, v23  }
0x1e1: {  	s16 =	sadd.s32 s30, s31;
	s15 =	smov.u32 s10;
	[tilespmem:v21+s14+$0x0 ss:$0x1] =	vst.idx.msk $0xffff, v22;
	v22 =	vsel vm15, v6, v13;
	s14 =	simm.s32 $0x0  }
.LBB2_35:
0x1e2: {  	p0 =	sne.s32 s13, $0x5400;
	[tilespmem:v21+s16+$0x0 ss:$0x1] =	vst.idx.msk $0xffff, v22;
	s14 =	sadd.s32 $0x70, s14;
	s15 =	sadd.s32 $0x10, s15  }
0x1e3: {  	s20 =	smov.u32 s13;
	s13 =	sadd.s32 $0x380, s13;
	v22 =	vld [tilespmem:s15+$0x0];
	s16 =	sadd.s32 $0x60, s14  }
0x1e4: {  	s21 =	sadd.s32 $0x40, s14;
	s19 =	sadd.s32 $0x50, s14;
	s18 =	sadd.s32 $0x300, s20  }
0x1e5: {  	s22 =	sadd.s32 $0x30, s14;
	s23 =	sadd.s32 $0x280, s20;
	s18 =	sand.u32 $0xFC00, s18  }
0x1e6: {  	s24 =	sand.u32 $0x70, s14;
	s25 =	sadd.s32 $0x200, s20;
	s23 =	sand.u32 $0xFC00, s23  }
0x1e7: {  	s26 =	sadd.s32 $0x20, s14;
	s28 =	sadd.s32 $0x180, s20;
	s25 =	sand.u32 $0xFC00, s25  }
0x1e8: {  	s29 =	sadd.s32 $0x10, s14;
	s30 =	sadd.s32 $0x100, s20;
	s22 =	sand.u32 $0x70, s22;
	v23 =	vperm.xlane v22, v14;
	v24 =	vperm.xlane v22, v15  }
0x1e9: {  	s31 =	sand.u32 $0x7C00, s20;
	s20 =	sadd.s32 $0x80, s20;
	s28 =	sand.u32 $0xFC00, s28;
	v25 =	vperm.xlane v22, v16;
	v26 =	vperm.xlane v22, v17  }
0x1ea: {  	s31 =	sadd.s32 s31, s12;
	s20 =	sand.u32 $0xFC00, s20;
	s30 =	sand.u32 $0xFC00, s30;
	vm0 =	veq.s32 v23, $0x0;
	vm1 =	veq.s32 v24, $0x0;
	v23 =	vperm.xlane v22, v18  }
0x1eb: {  	s29 =	sand.u32 $0x70, s29;
	s24 =	sadd.s32 s24, s31;
	s20 =	sadd.s32 s20, s12;
	vm2 =	veq.s32 v26, $0x0;
	v24 =	vsel vm0, v0, v7;
	vm0 =	veq.s32 v25, $0x0  }
0x1ec: {  	s20 =	sadd.s32 s29, s20;
	[tilespmem:v21+s24+$0x0 ss:$0x1] =	vst.idx.msk $0xffff, v24;
	v24 =	vsel vm1, v1, v8;
	s24 =	sand.u32 $0x70, s26;
	s26 =	sadd.s32 s30, s12;
	vm1 =	veq.s32 v23, $0x0;
	v23 =	vperm.xlane v22, v19  }
.Ltmp16:
0x1ed: {  	v22 =	vperm.xlane v22, v20;
	[tilespmem:v21+s20+$0x0 ss:$0x1] =	vst.idx.msk $0xffff, v24;
	v24 =	vsel vm0, v2, v9;
	s20 =	sadd.s32 s24, s26;
	s24 =	sadd.s32 s28, s12;
	(pc) =	sbr.rel @p0 .LBB2_35-.Ltmp16, $4  }
0x1ee: {  	s21 =	sand.u32 $0x70, s21;
	[tilespmem:v21+s20+$0x0 ss:$0x1] =	vst.idx.msk $0xffff, v24;
	v24 =	vsel vm2, v3, v10;
	s20 =	sadd.s32 s22, s24;
	s22 =	sadd.s32 s25, s12;
	vm0 =	veq.s32 v23, $0x0  }
0x1ef: {  	s19 =	sand.u32 $0x70, s19;
	v23 =	vsel vm1, v4, v11;
	vm1 =	veq.s32 v22, $0x0;
	[tilespmem:v21+s20+$0x0 ss:$0x1] =	vst.idx.msk $0xffff, v24;
	s20 =	sadd.s32 s21, s22;
	s21 =	sadd.s32 s23, s12  }
0x1f0: {  	s16 =	sand.u32 $0x70, s16;
	s18 =	sadd.s32 s18, s12;
	v22 =	vsel vm0, v5, v12;
	[tilespmem:v21+s20+$0x0 ss:$0x1] =	vst.idx.msk $0xffff, v23;
	s19 =	sadd.s32 s19, s21  }
0x1f1: {  	s16 =	sadd.s32 s16, s18;
	[tilespmem:v21+s19+$0x0 ss:$0x1] =	vst.idx.msk $0xffff, v22;
	v22 =	vsel vm1, v6, v13  }
0x1f2: {  	s11 =	sadd.s32 $0x1, s11  }
0x1f3: {  	p0 =	sne.s32 s11, $0x10  }
.Ltmp17:
0x1f4: {  	_ = 	snop;
	(pc) =	sbr.rel @p0 .LBB2_34-.Ltmp17, $2  }
0x1f5: {  	_ =	sdelay $0x2  }
0x1f6: {  	[tilespmem:v21+s16+$0x0 ss:$0x1] =	vst.idx.msk $0xffff, v22;
	s10 =	sadd.s32 $0x190, s10  }
0x1f7: {  	s9 =	simm.s32 $0x0;
	s10 =	rddreg [dreg:$0x1b]  }
0x1f8: {  	[hbm4b:s10+s9] =	stream.linear.scatter [tilespmem:s7], [sflag:$0x1], $0xB000, $0x38;
	[tilespmem:$0xD500] =	vst v63  }
0x1f9: {  	_ =	swait.ge [sflag:s6], $0xB000  }
0x1fa: {  	[sflag:s6] =	ssyncset.done $0x0  }
0x1fb: {  	s31 =	rddreg [dreg:$0xc];
	[sflag:s6] =	ssyncadd.s32 $0xFFFF5000  }
0x1fc: {  	[tilespmem:s9], [sflag:$0x1] =	stream.linear.gather [hbm4b:s31+s9], $0x1900, $0x38;
	[tilespmem:$0xD500] =	vst v63  }
0x1fd: {  	_ =	swait.ge [sflag:s6], $0x1900  }
0x1fe: {  	[sflag:s6] =	ssyncset.done $0x0  }
0x1ff: {  	s11 =	simm.s32 $0x0;
	s10 =	simm.s32 $0x0;
	[sflag:s6] =	ssyncadd.s32 $0xFFFFE700  }
.LBB2_38:
0x200: {  	s12 =	sshrl.u32 s11, $0x3  }
0x201: {  	s13 =	sshll.u32 s11, $0x7;
	s15 =	simm.s32 $0x40;
	s16 =	simm.s32 $0x50  }
0x202: {  	v22 =	vld [tilespmem:s10+$0x0];
	s18 =	simm.s32 $0x300;
	s19 =	simm.s32 $0x30;
	s20 =	simm.s32 $0x280  }
0x203: {  	s21 =	sand.u32 $0x70, s9;
	s22 =	simm.s32 $0x200;
	s30 =	simm.s32 $0x20  }
0x204: {  	s23 =	simm.s32 $0x180;
	s24 =	simm.s32 $0x10;
	s25 =	simm.s32 $0x100  }
0x205: {  	s26 =	sand.u32 $0x7C00, s9;
	s12 =	smul.u32 $0x16000, s12;
	s14 =	sand.u32 $0x380, s13  }
0x206: {  	s28 =	simm.s32 $0x80;
	s13 =	simm.s32 $0x60;
	s18 =	sand.u32 $0xFC00, s18;
	v21 =	vmov s14  }
0x207: {  	s22 =	sand.u32 $0xFC00, s22;
	s23 =	sand.u32 $0xFC00, s23;
	s12 =	sshra.s32 s12, $0x2;
	v23 =	vperm.xlane v22, v14  }
0x208: {  	s28 =	sand.u32 $0xFC00, s28;
	s25 =	sand.u32 $0xFC00, s25;
	s12 =	sadd.s32 $0x1900, s12;
	v24 =	vperm.xlane v22, v15  }
0x209: {  	s24 =	sand.u32 $0x70, s24;
	s19 =	sand.u32 $0x70, s19;
	v25 =	vperm.xlane v22, v16;
	s26 =	sadd.s32 s26, s12;
	vm0 =	veq.s32 v23, $0x0  }
0x20a: {  	s14 =	sand.u32 $0xFC00, s20;
	s31 =	sadd.s32 s28, s12;
	s21 =	sadd.s32 s21, s26;
	v23 =	vperm.xlane v22, v17;
	vm1 =	veq.s32 v24, $0x0;
	v60 =	vsel vm0, v0, v7  }
0x20b: {  	s20 =	sand.u32 $0x70, s30;
	v26 =	vperm.xlane v22, v18;
	s24 =	sadd.s32 s24, s31;
	s26 =	sadd.s32 s25, s12;
	vm11 =	veq.s32 v25, $0x0;
	v61 =	vsel vm1, v1, v8;
	[tilespmem:v21+s21+$0x0 ss:$0x1] =	vst.idx.msk $0xffff, v60  }
0x20c: {  	s15 =	sand.u32 $0x70, s15;
	s28 =	sadd.s32 s23, s12;
	s20 =	sadd.s32 s20, s26;
	v62 =	vsel vm11, v2, v9;
	vm12 =	veq.s32 v23, $0x0;
	v23 =	vperm.xlane v22, v19;
	[tilespmem:v21+s24+$0x0 ss:$0x1] =	vst.idx.msk $0xffff, v61  }
0x20d: {  	s16 =	sand.u32 $0x70, s16;
	s29 =	sadd.s32 s22, s12;
	s19 =	sadd.s32 s19, s28;
	vm13 =	veq.s32 v26, $0x0;
	v22 =	vperm.xlane v22, v20;
	v63 =	vsel vm12, v3, v10;
	[tilespmem:v21+s20+$0x0 ss:$0x1] =	vst.idx.msk $0xffff, v62  }
0x20e: {  	s30 =	sand.u32 $0x70, s13;
	s14 =	sadd.s32 s14, s12;
	s15 =	sadd.s32 s15, s29;
	vm14 =	veq.s32 v23, $0x0;
	v23 =	vsel vm13, v4, v11;
	[tilespmem:v21+s19+$0x0 ss:$0x1] =	vst.idx.msk $0xffff, v63  }
0x20f: {  	s13 =	simm.s32 $0x380;
	s14 =	sadd.s32 s16, s14;
	s31 =	sadd.s32 s18, s12;
	vm15 =	veq.s32 v22, $0x0;
	v22 =	vsel vm14, v5, v12;
	[tilespmem:v21+s15+$0x0 ss:$0x1] =	vst.idx.msk $0xffff, v23  }
0x210: {  	s16 =	sadd.s32 s30, s31;
	s15 =	smov.u32 s10;
	[tilespmem:v21+s14+$0x0 ss:$0x1] =	vst.idx.msk $0xffff, v22;
	v22 =	vsel vm15, v6, v13;
	s14 =	simm.s32 $0x0  }
.LBB2_39:
0x211: {  	p0 =	sne.s32 s13, $0x5400;
	[tilespmem:v21+s16+$0x0 ss:$0x1] =	vst.idx.msk $0xffff, v22;
	s14 =	sadd.s32 $0x70, s14;
	s15 =	sadd.s32 $0x10, s15  }
0x212: {  	s20 =	smov.u32 s13;
	s13 =	sadd.s32 $0x380, s13;
	v22 =	vld [tilespmem:s15+$0x0];
	s16 =	sadd.s32 $0x60, s14  }
0x213: {  	s21 =	sadd.s32 $0x40, s14;
	s19 =	sadd.s32 $0x50, s14;
	s18 =	sadd.s32 $0x300, s20  }
0x214: {  	s22 =	sadd.s32 $0x30, s14;
	s23 =	sadd.s32 $0x280, s20;
	s18 =	sand.u32 $0xFC00, s18  }
0x215: {  	s24 =	sand.u32 $0x70, s14;
	s25 =	sadd.s32 $0x200, s20;
	s23 =	sand.u32 $0xFC00, s23  }
0x216: {  	s26 =	sadd.s32 $0x20, s14;
	s28 =	sadd.s32 $0x180, s20;
	s25 =	sand.u32 $0xFC00, s25  }
0x217: {  	s29 =	sadd.s32 $0x10, s14;
	s30 =	sadd.s32 $0x100, s20;
	s22 =	sand.u32 $0x70, s22;
	v23 =	vperm.xlane v22, v14;
	v24 =	vperm.xlane v22, v15  }
0x218: {  	s31 =	sand.u32 $0x7C00, s20;
	s20 =	sadd.s32 $0x80, s20;
	s28 =	sand.u32 $0xFC00, s28;
	v25 =	vperm.xlane v22, v16;
	v26 =	vperm.xlane v22, v17  }
0x219: {  	s31 =	sadd.s32 s31, s12;
	s20 =	sand.u32 $0xFC00, s20;
	s30 =	sand.u32 $0xFC00, s30;
	vm0 =	veq.s32 v23, $0x0;
	vm1 =	veq.s32 v24, $0x0;
	v23 =	vperm.xlane v22, v18  }
0x21a: {  	s29 =	sand.u32 $0x70, s29;
	s24 =	sadd.s32 s24, s31;
	s20 =	sadd.s32 s20, s12;
	vm2 =	veq.s32 v26, $0x0;
	v24 =	vsel vm0, v0, v7;
	vm0 =	veq.s32 v25, $0x0  }
0x21b: {  	s20 =	sadd.s32 s29, s20;
	[tilespmem:v21+s24+$0x0 ss:$0x1] =	vst.idx.msk $0xffff, v24;
	v24 =	vsel vm1, v1, v8;
	s24 =	sand.u32 $0x70, s26;
	s26 =	sadd.s32 s30, s12;
	vm1 =	veq.s32 v23, $0x0;
	v23 =	vperm.xlane v22, v19  }
.Ltmp18:
0x21c: {  	v22 =	vperm.xlane v22, v20;
	[tilespmem:v21+s20+$0x0 ss:$0x1] =	vst.idx.msk $0xffff, v24;
	v24 =	vsel vm0, v2, v9;
	s20 =	sadd.s32 s24, s26;
	s24 =	sadd.s32 s28, s12;
	(pc) =	sbr.rel @p0 .LBB2_39-.Ltmp18, $4  }
0x21d: {  	s21 =	sand.u32 $0x70, s21;
	[tilespmem:v21+s20+$0x0 ss:$0x1] =	vst.idx.msk $0xffff, v24;
	v24 =	vsel vm2, v3, v10;
	s20 =	sadd.s32 s22, s24;
	s22 =	sadd.s32 s25, s12;
	vm0 =	veq.s32 v23, $0x0  }
0x21e: {  	s19 =	sand.u32 $0x70, s19;
	v23 =	vsel vm1, v4, v11;
	vm1 =	veq.s32 v22, $0x0;
	[tilespmem:v21+s20+$0x0 ss:$0x1] =	vst.idx.msk $0xffff, v24;
	s20 =	sadd.s32 s21, s22;
	s21 =	sadd.s32 s23, s12  }
0x21f: {  	s16 =	sand.u32 $0x70, s16;
	s18 =	sadd.s32 s18, s12;
	v22 =	vsel vm0, v5, v12;
	[tilespmem:v21+s20+$0x0 ss:$0x1] =	vst.idx.msk $0xffff, v23;
	s19 =	sadd.s32 s19, s21  }
0x220: {  	s16 =	sadd.s32 s16, s18;
	[tilespmem:v21+s19+$0x0 ss:$0x1] =	vst.idx.msk $0xffff, v22;
	v22 =	vsel vm1, v6, v13  }
0x221: {  	s11 =	sadd.s32 $0x1, s11  }
0x222: {  	p0 =	sne.s32 s11, $0x10  }
.Ltmp19:
0x223: {  	_ = 	snop;
	(pc) =	sbr.rel @p0 .LBB2_38-.Ltmp19, $2  }
0x224: {  	_ =	sdelay $0x2  }
0x225: {  	[tilespmem:v21+s16+$0x0 ss:$0x1] =	vst.idx.msk $0xffff, v22;
	s10 =	sadd.s32 $0x190, s10  }
0x226: {  	s9 =	simm.s32 $0x0;
	s10 =	rddreg [dreg:$0x1c]  }
0x227: {  	[hbm4b:s10+s9] =	stream.linear.scatter [tilespmem:s7], [sflag:$0x1], $0xB000, $0x38;
	[tilespmem:$0xD500] =	vst v63  }
0x228: {  	_ =	swait.ge [sflag:s6], $0xB000  }
0x229: {  	[sflag:s6] =	ssyncset.done $0x0  }
0x22a: {  	s31 =	rddreg [dreg:$0xd];
	[sflag:s6] =	ssyncadd.s32 $0xFFFF5000  }
0x22b: {  	[tilespmem:s9], [sflag:$0x1] =	stream.linear.gather [hbm4b:s31+s9], $0x1900, $0x38;
	[tilespmem:$0xD500] =	vst v63  }
0x22c: {  	_ =	swait.ge [sflag:s6], $0x1900  }
0x22d: {  	[sflag:s6] =	ssyncset.done $0x0  }
0x22e: {  	s11 =	simm.s32 $0x0;
	s10 =	simm.s32 $0x0;
	[sflag:s6] =	ssyncadd.s32 $0xFFFFE700  }
.LBB2_42:
0x22f: {  	s12 =	sshrl.u32 s11, $0x3  }
0x230: {  	s13 =	sshll.u32 s11, $0x7;
	s15 =	simm.s32 $0x40;
	s16 =	simm.s32 $0x50  }
0x231: {  	v22 =	vld [tilespmem:s10+$0x0];
	s18 =	simm.s32 $0x300;
	s19 =	simm.s32 $0x30;
	s20 =	simm.s32 $0x280  }
0x232: {  	s21 =	sand.u32 $0x70, s9;
	s22 =	simm.s32 $0x200;
	s30 =	simm.s32 $0x20  }
0x233: {  	s23 =	simm.s32 $0x180;
	s24 =	simm.s32 $0x10;
	s25 =	simm.s32 $0x100  }
0x234: {  	s26 =	sand.u32 $0x7C00, s9;
	s12 =	smul.u32 $0x16000, s12;
	s14 =	sand.u32 $0x380, s13  }
0x235: {  	s28 =	simm.s32 $0x80;
	s13 =	simm.s32 $0x60;
	s18 =	sand.u32 $0xFC00, s18;
	v21 =	vmov s14  }
0x236: {  	s22 =	sand.u32 $0xFC00, s22;
	s23 =	sand.u32 $0xFC00, s23;
	s12 =	sshra.s32 s12, $0x2;
	v23 =	vperm.xlane v22, v14  }
0x237: {  	s28 =	sand.u32 $0xFC00, s28;
	s25 =	sand.u32 $0xFC00, s25;
	s12 =	sadd.s32 $0x1900, s12;
	v24 =	vperm.xlane v22, v15  }
0x238: {  	s24 =	sand.u32 $0x70, s24;
	s19 =	sand.u32 $0x70, s19;
	v25 =	vperm.xlane v22, v16;
	s26 =	sadd.s32 s26, s12;
	vm0 =	veq.s32 v23, $0x0  }
0x239: {  	s14 =	sand.u32 $0xFC00, s20;
	s31 =	sadd.s32 s28, s12;
	s21 =	sadd.s32 s21, s26;
	v23 =	vperm.xlane v22, v17;
	vm1 =	veq.s32 v24, $0x0;
	v60 =	vsel vm0, v0, v7  }
0x23a: {  	s20 =	sand.u32 $0x70, s30;
	v26 =	vperm.xlane v22, v18;
	s24 =	sadd.s32 s24, s31;
	s26 =	sadd.s32 s25, s12;
	vm11 =	veq.s32 v25, $0x0;
	v61 =	vsel vm1, v1, v8;
	[tilespmem:v21+s21+$0x0 ss:$0x1] =	vst.idx.msk $0xffff, v60  }
0x23b: {  	s15 =	sand.u32 $0x70, s15;
	s28 =	sadd.s32 s23, s12;
	s20 =	sadd.s32 s20, s26;
	v62 =	vsel vm11, v2, v9;
	vm12 =	veq.s32 v23, $0x0;
	v23 =	vperm.xlane v22, v19;
	[tilespmem:v21+s24+$0x0 ss:$0x1] =	vst.idx.msk $0xffff, v61  }
0x23c: {  	s16 =	sand.u32 $0x70, s16;
	s29 =	sadd.s32 s22, s12;
	s19 =	sadd.s32 s19, s28;
	vm13 =	veq.s32 v26, $0x0;
	v22 =	vperm.xlane v22, v20;
	v63 =	vsel vm12, v3, v10;
	[tilespmem:v21+s20+$0x0 ss:$0x1] =	vst.idx.msk $0xffff, v62  }
0x23d: {  	s30 =	sand.u32 $0x70, s13;
	s14 =	sadd.s32 s14, s12;
	s15 =	sadd.s32 s15, s29;
	vm14 =	veq.s32 v23, $0x0;
	v23 =	vsel vm13, v4, v11;
	[tilespmem:v21+s19+$0x0 ss:$0x1] =	vst.idx.msk $0xffff, v63  }
0x23e: {  	s13 =	simm.s32 $0x380;
	s14 =	sadd.s32 s16, s14;
	s31 =	sadd.s32 s18, s12;
	vm15 =	veq.s32 v22, $0x0;
	v22 =	vsel vm14, v5, v12;
	[tilespmem:v21+s15+$0x0 ss:$0x1] =	vst.idx.msk $0xffff, v23  }
0x23f: {  	s16 =	sadd.s32 s30, s31;
	s15 =	smov.u32 s10;
	[tilespmem:v21+s14+$0x0 ss:$0x1] =	vst.idx.msk $0xffff, v22;
	v22 =	vsel vm15, v6, v13;
	s14 =	simm.s32 $0x0  }
.LBB2_43:
0x240: {  	p0 =	sne.s32 s13, $0x5400;
	[tilespmem:v21+s16+$0x0 ss:$0x1] =	vst.idx.msk $0xffff, v22;
	s14 =	sadd.s32 $0x70, s14;
	s15 =	sadd.s32 $0x10, s15  }
0x241: {  	s20 =	smov.u32 s13;
	s13 =	sadd.s32 $0x380, s13;
	v22 =	vld [tilespmem:s15+$0x0];
	s16 =	sadd.s32 $0x60, s14  }
0x242: {  	s21 =	sadd.s32 $0x40, s14;
	s19 =	sadd.s32 $0x50, s14;
	s18 =	sadd.s32 $0x300, s20  }
0x243: {  	s22 =	sadd.s32 $0x30, s14;
	s23 =	sadd.s32 $0x280, s20;
	s18 =	sand.u32 $0xFC00, s18  }
0x244: {  	s24 =	sand.u32 $0x70, s14;
	s25 =	sadd.s32 $0x200, s20;
	s23 =	sand.u32 $0xFC00, s23  }
0x245: {  	s26 =	sadd.s32 $0x20, s14;
	s28 =	sadd.s32 $0x180, s20;
	s25 =	sand.u32 $0xFC00, s25  }
0x246: {  	s29 =	sadd.s32 $0x10, s14;
	s30 =	sadd.s32 $0x100, s20;
	s22 =	sand.u32 $0x70, s22;
	v23 =	vperm.xlane v22, v14;
	v24 =	vperm.xlane v22, v15  }
0x247: {  	s31 =	sand.u32 $0x7C00, s20;
	s20 =	sadd.s32 $0x80, s20;
	s28 =	sand.u32 $0xFC00, s28;
	v25 =	vperm.xlane v22, v16;
	v26 =	vperm.xlane v22, v17  }
0x248: {  	s31 =	sadd.s32 s31, s12;
	s20 =	sand.u32 $0xFC00, s20;
	s30 =	sand.u32 $0xFC00, s30;
	vm0 =	veq.s32 v23, $0x0;
	vm1 =	veq.s32 v24, $0x0;
	v23 =	vperm.xlane v22, v18  }
0x249: {  	s29 =	sand.u32 $0x70, s29;
	s24 =	sadd.s32 s24, s31;
	s20 =	sadd.s32 s20, s12;
	vm2 =	veq.s32 v26, $0x0;
	v24 =	vsel vm0, v0, v7;
	vm0 =	veq.s32 v25, $0x0  }
0x24a: {  	s20 =	sadd.s32 s29, s20;
	[tilespmem:v21+s24+$0x0 ss:$0x1] =	vst.idx.msk $0xffff, v24;
	v24 =	vsel vm1, v1, v8;
	s24 =	sand.u32 $0x70, s26;
	s26 =	sadd.s32 s30, s12;
	vm1 =	veq.s32 v23, $0x0;
	v23 =	vperm.xlane v22, v19  }
.Ltmp20:
0x24b: {  	v22 =	vperm.xlane v22, v20;
	[tilespmem:v21+s20+$0x0 ss:$0x1] =	vst.idx.msk $0xffff, v24;
	v24 =	vsel vm0, v2, v9;
	s20 =	sadd.s32 s24, s26;
	s24 =	sadd.s32 s28, s12;
	(pc) =	sbr.rel @p0 .LBB2_43-.Ltmp20, $4  }
0x24c: {  	s21 =	sand.u32 $0x70, s21;
	[tilespmem:v21+s20+$0x0 ss:$0x1] =	vst.idx.msk $0xffff, v24;
	v24 =	vsel vm2, v3, v10;
	s20 =	sadd.s32 s22, s24;
	s22 =	sadd.s32 s25, s12;
	vm0 =	veq.s32 v23, $0x0  }
0x24d: {  	s19 =	sand.u32 $0x70, s19;
	v23 =	vsel vm1, v4, v11;
	vm1 =	veq.s32 v22, $0x0;
	[tilespmem:v21+s20+$0x0 ss:$0x1] =	vst.idx.msk $0xffff, v24;
	s20 =	sadd.s32 s21, s22;
	s21 =	sadd.s32 s23, s12  }
0x24e: {  	s16 =	sand.u32 $0x70, s16;
	s18 =	sadd.s32 s18, s12;
	v22 =	vsel vm0, v5, v12;
	[tilespmem:v21+s20+$0x0 ss:$0x1] =	vst.idx.msk $0xffff, v23;
	s19 =	sadd.s32 s19, s21  }
0x24f: {  	s16 =	sadd.s32 s16, s18;
	[tilespmem:v21+s19+$0x0 ss:$0x1] =	vst.idx.msk $0xffff, v22;
	v22 =	vsel vm1, v6, v13  }
0x250: {  	s11 =	sadd.s32 $0x1, s11  }
0x251: {  	p0 =	sne.s32 s11, $0x10  }
.Ltmp21:
0x252: {  	_ = 	snop;
	(pc) =	sbr.rel @p0 .LBB2_42-.Ltmp21, $2  }
0x253: {  	_ =	sdelay $0x2  }
0x254: {  	[tilespmem:v21+s16+$0x0 ss:$0x1] =	vst.idx.msk $0xffff, v22;
	s10 =	sadd.s32 $0x190, s10  }
0x255: {  	s9 =	simm.s32 $0x0;
	s10 =	rddreg [dreg:$0x1d]  }
0x256: {  	[hbm4b:s10+s9] =	stream.linear.scatter [tilespmem:s7], [sflag:$0x1], $0xB000, $0x38;
	[tilespmem:$0xD500] =	vst v63  }
0x257: {  	_ =	swait.ge [sflag:s6], $0xB000  }
0x258: {  	[sflag:s6] =	ssyncset.done $0x0  }
0x259: {  	s31 =	rddreg [dreg:$0xe];
	[sflag:s6] =	ssyncadd.s32 $0xFFFF5000  }
0x25a: {  	[tilespmem:s9], [sflag:$0x1] =	stream.linear.gather [hbm4b:s31+s9], $0x1900, $0x38;
	[tilespmem:$0xD500] =	vst v63  }
0x25b: {  	_ =	swait.ge [sflag:s6], $0x1900  }
0x25c: {  	[sflag:s6] =	ssyncset.done $0x0  }
0x25d: {  	s11 =	simm.s32 $0x0;
	s10 =	simm.s32 $0x0;
	[sflag:s6] =	ssyncadd.s32 $0xFFFFE700  }
.LBB2_46:
0x25e: {  	s12 =	sshrl.u32 s11, $0x3  }
0x25f: {  	s13 =	sshll.u32 s11, $0x7;
	s15 =	simm.s32 $0x40;
	s16 =	simm.s32 $0x50  }
0x260: {  	v22 =	vld [tilespmem:s10+$0x0];
	s18 =	simm.s32 $0x300;
	s19 =	simm.s32 $0x30;
	s20 =	simm.s32 $0x280  }
0x261: {  	s21 =	sand.u32 $0x70, s9;
	s22 =	simm.s32 $0x200;
	s30 =	simm.s32 $0x20  }
0x262: {  	s23 =	simm.s32 $0x180;
	s24 =	simm.s32 $0x10;
	s25 =	simm.s32 $0x100  }
0x263: {  	s26 =	sand.u32 $0x7C00, s9;
	s12 =	smul.u32 $0x16000, s12;
	s14 =	sand.u32 $0x380, s13  }
0x264: {  	s28 =	simm.s32 $0x80;
	s13 =	simm.s32 $0x60;
	s18 =	sand.u32 $0xFC00, s18;
	v21 =	vmov s14  }
0x265: {  	s22 =	sand.u32 $0xFC00, s22;
	s23 =	sand.u32 $0xFC00, s23;
	s12 =	sshra.s32 s12, $0x2;
	v23 =	vperm.xlane v22, v14  }
0x266: {  	s28 =	sand.u32 $0xFC00, s28;
	s25 =	sand.u32 $0xFC00, s25;
	s12 =	sadd.s32 $0x1900, s12;
	v24 =	vperm.xlane v22, v15  }
0x267: {  	s24 =	sand.u32 $0x70, s24;
	s19 =	sand.u32 $0x70, s19;
	v25 =	vperm.xlane v22, v16;
	s26 =	sadd.s32 s26, s12;
	vm0 =	veq.s32 v23, $0x0  }
0x268: {  	s14 =	sand.u32 $0xFC00, s20;
	s31 =	sadd.s32 s28, s12;
	s21 =	sadd.s32 s21, s26;
	v23 =	vperm.xlane v22, v17;
	vm1 =	veq.s32 v24, $0x0;
	v60 =	vsel vm0, v0, v7  }
0x269: {  	s20 =	sand.u32 $0x70, s30;
	v26 =	vperm.xlane v22, v18;
	s24 =	sadd.s32 s24, s31;
	s26 =	sadd.s32 s25, s12;
	vm11 =	veq.s32 v25, $0x0;
	v61 =	vsel vm1, v1, v8;
	[tilespmem:v21+s21+$0x0 ss:$0x1] =	vst.idx.msk $0xffff, v60  }
0x26a: {  	s15 =	sand.u32 $0x70, s15;
	s28 =	sadd.s32 s23, s12;
	s20 =	sadd.s32 s20, s26;
	v62 =	vsel vm11, v2, v9;
	vm12 =	veq.s32 v23, $0x0;
	v23 =	vperm.xlane v22, v19;
	[tilespmem:v21+s24+$0x0 ss:$0x1] =	vst.idx.msk $0xffff, v61  }
0x26b: {  	s16 =	sand.u32 $0x70, s16;
	s29 =	sadd.s32 s22, s12;
	s19 =	sadd.s32 s19, s28;
	vm13 =	veq.s32 v26, $0x0;
	v22 =	vperm.xlane v22, v20;
	v63 =	vsel vm12, v3, v10;
	[tilespmem:v21+s20+$0x0 ss:$0x1] =	vst.idx.msk $0xffff, v62  }
0x26c: {  	s30 =	sand.u32 $0x70, s13;
	s14 =	sadd.s32 s14, s12;
	s15 =	sadd.s32 s15, s29;
	vm14 =	veq.s32 v23, $0x0;
	v23 =	vsel vm13, v4, v11;
	[tilespmem:v21+s19+$0x0 ss:$0x1] =	vst.idx.msk $0xffff, v63  }
0x26d: {  	s13 =	simm.s32 $0x380;
	s14 =	sadd.s32 s16, s14;
	s31 =	sadd.s32 s18, s12;
	vm15 =	veq.s32 v22, $0x0;
	v22 =	vsel vm14, v5, v12;
	[tilespmem:v21+s15+$0x0 ss:$0x1] =	vst.idx.msk $0xffff, v23  }
0x26e: {  	s16 =	sadd.s32 s30, s31;
	s15 =	smov.u32 s10;
	[tilespmem:v21+s14+$0x0 ss:$0x1] =	vst.idx.msk $0xffff, v22;
	v22 =	vsel vm15, v6, v13;
	s14 =	simm.s32 $0x0  }
.LBB2_47:
0x26f: {  	p0 =	sne.s32 s13, $0x5400;
	[tilespmem:v21+s16+$0x0 ss:$0x1] =	vst.idx.msk $0xffff, v22;
	s14 =	sadd.s32 $0x70, s14;
	s15 =	sadd.s32 $0x10, s15  }
0x270: {  	s20 =	smov.u32 s13;
	s13 =	sadd.s32 $0x380, s13;
	v22 =	vld [tilespmem:s15+$0x0];
	s16 =	sadd.s32 $0x60, s14  }
0x271: {  	s21 =	sadd.s32 $0x40, s14;
	s19 =	sadd.s32 $0x50, s14;
	s18 =	sadd.s32 $0x300, s20  }
0x272: {  	s22 =	sadd.s32 $0x30, s14;
	s23 =	sadd.s32 $0x280, s20;
	s18 =	sand.u32 $0xFC00, s18  }
0x273: {  	s24 =	sand.u32 $0x70, s14;
	s25 =	sadd.s32 $0x200, s20;
	s23 =	sand.u32 $0xFC00, s23  }
0x274: {  	s26 =	sadd.s32 $0x20, s14;
	s28 =	sadd.s32 $0x180, s20;
	s25 =	sand.u32 $0xFC00, s25  }
0x275: {  	s29 =	sadd.s32 $0x10, s14;
	s30 =	sadd.s32 $0x100, s20;
	s22 =	sand.u32 $0x70, s22;
	v23 =	vperm.xlane v22, v14;
	v24 =	vperm.xlane v22, v15  }
0x276: {  	s31 =	sand.u32 $0x7C00, s20;
	s20 =	sadd.s32 $0x80, s20;
	s28 =	sand.u32 $0xFC00, s28;
	v25 =	vperm.xlane v22, v16;
	v26 =	vperm.xlane v22, v17  }
0x277: {  	s31 =	sadd.s32 s31, s12;
	s20 =	sand.u32 $0xFC00, s20;
	s30 =	sand.u32 $0xFC00, s30;
	vm0 =	veq.s32 v23, $0x0;
	vm1 =	veq.s32 v24, $0x0;
	v23 =	vperm.xlane v22, v18  }
0x278: {  	s29 =	sand.u32 $0x70, s29;
	s24 =	sadd.s32 s24, s31;
	s20 =	sadd.s32 s20, s12;
	vm2 =	veq.s32 v26, $0x0;
	v24 =	vsel vm0, v0, v7;
	vm0 =	veq.s32 v25, $0x0  }
0x279: {  	s20 =	sadd.s32 s29, s20;
	[tilespmem:v21+s24+$0x0 ss:$0x1] =	vst.idx.msk $0xffff, v24;
	v24 =	vsel vm1, v1, v8;
	s24 =	sand.u32 $0x70, s26;
	s26 =	sadd.s32 s30, s12;
	vm1 =	veq.s32 v23, $0x0;
	v23 =	vperm.xlane v22, v19  }
.Ltmp22:
0x27a: {  	v22 =	vperm.xlane v22, v20;
	[tilespmem:v21+s20+$0x0 ss:$0x1] =	vst.idx.msk $0xffff, v24;
	v24 =	vsel vm0, v2, v9;
	s20 =	sadd.s32 s24, s26;
	s24 =	sadd.s32 s28, s12;
	(pc) =	sbr.rel @p0 .LBB2_47-.Ltmp22, $4  }
0x27b: {  	s21 =	sand.u32 $0x70, s21;
	[tilespmem:v21+s20+$0x0 ss:$0x1] =	vst.idx.msk $0xffff, v24;
	v24 =	vsel vm2, v3, v10;
	s20 =	sadd.s32 s22, s24;
	s22 =	sadd.s32 s25, s12;
	vm0 =	veq.s32 v23, $0x0  }
0x27c: {  	s19 =	sand.u32 $0x70, s19;
	v23 =	vsel vm1, v4, v11;
	vm1 =	veq.s32 v22, $0x0;
	[tilespmem:v21+s20+$0x0 ss:$0x1] =	vst.idx.msk $0xffff, v24;
	s20 =	sadd.s32 s21, s22;
	s21 =	sadd.s32 s23, s12  }
0x27d: {  	s16 =	sand.u32 $0x70, s16;
	s18 =	sadd.s32 s18, s12;
	v22 =	vsel vm0, v5, v12;
	[tilespmem:v21+s20+$0x0 ss:$0x1] =	vst.idx.msk $0xffff, v23;
	s19 =	sadd.s32 s19, s21  }
0x27e: {  	s16 =	sadd.s32 s16, s18;
	[tilespmem:v21+s19+$0x0 ss:$0x1] =	vst.idx.msk $0xffff, v22;
	v22 =	vsel vm1, v6, v13  }
0x27f: {  	s11 =	sadd.s32 $0x1, s11  }
0x280: {  	p0 =	sne.s32 s11, $0x10  }
.Ltmp23:
0x281: {  	_ = 	snop;
	(pc) =	sbr.rel @p0 .LBB2_46-.Ltmp23, $2  }
0x282: {  	_ =	sdelay $0x2  }
0x283: {  	[tilespmem:v21+s16+$0x0 ss:$0x1] =	vst.idx.msk $0xffff, v22;
	s10 =	sadd.s32 $0x190, s10  }
0x284: {  	s9 =	simm.s32 $0x0;
	s10 =	rddreg [dreg:$0x1e]  }
0x285: {  	[hbm4b:s10+s9] =	stream.linear.scatter [tilespmem:s7], [sflag:$0x1], $0xB000, $0x38;
	[tilespmem:$0xD500] =	vst v63  }
0x286: {  	_ =	swait.ge [sflag:s6], $0xB000  }
0x287: {  	[sflag:s6] =	ssyncset.done $0x0  }
0x288: {  	s31 =	rddreg [dreg:$0xf];
	[sflag:s6] =	ssyncadd.s32 $0xFFFF5000  }
0x289: {  	[tilespmem:s9], [sflag:$0x1] =	stream.linear.gather [hbm4b:s31+s9], $0x1900, $0x38;
	[tilespmem:$0xD500] =	vst v63  }
0x28a: {  	_ =	swait.ge [sflag:s6], $0x1900  }
0x28b: {  	[sflag:s6] =	ssyncset.done $0x0  }
0x28c: {  	s11 =	simm.s32 $0x0;
	s10 =	simm.s32 $0x0;
	[sflag:s6] =	ssyncadd.s32 $0xFFFFE700  }
.LBB2_50:
0x28d: {  	s12 =	sshrl.u32 s11, $0x3  }
0x28e: {  	s13 =	sshll.u32 s11, $0x7;
	s15 =	simm.s32 $0x40;
	s16 =	simm.s32 $0x50  }
0x28f: {  	v22 =	vld [tilespmem:s10+$0x0];
	s18 =	simm.s32 $0x300;
	s19 =	simm.s32 $0x30;
	s20 =	simm.s32 $0x280  }
0x290: {  	s21 =	sand.u32 $0x70, s9;
	s22 =	simm.s32 $0x200;
	s30 =	simm.s32 $0x20  }
0x291: {  	s23 =	simm.s32 $0x180;
	s24 =	simm.s32 $0x10;
	s25 =	simm.s32 $0x100  }
0x292: {  	s26 =	sand.u32 $0x7C00, s9;
	s12 =	smul.u32 $0x16000, s12;
	s14 =	sand.u32 $0x380, s13  }
0x293: {  	s28 =	simm.s32 $0x80;
	s13 =	simm.s32 $0x60;
	s18 =	sand.u32 $0xFC00, s18;
	v21 =	vmov s14  }
0x294: {  	s22 =	sand.u32 $0xFC00, s22;
	s23 =	sand.u32 $0xFC00, s23;
	s12 =	sshra.s32 s12, $0x2;
	v23 =	vperm.xlane v22, v14  }
0x295: {  	s28 =	sand.u32 $0xFC00, s28;
	s25 =	sand.u32 $0xFC00, s25;
	s12 =	sadd.s32 $0x1900, s12;
	v24 =	vperm.xlane v22, v15  }
0x296: {  	s24 =	sand.u32 $0x70, s24;
	s19 =	sand.u32 $0x70, s19;
	v25 =	vperm.xlane v22, v16;
	s26 =	sadd.s32 s26, s12;
	vm0 =	veq.s32 v23, $0x0  }
0x297: {  	s14 =	sand.u32 $0xFC00, s20;
	s31 =	sadd.s32 s28, s12;
	s21 =	sadd.s32 s21, s26;
	v23 =	vperm.xlane v22, v17;
	vm1 =	veq.s32 v24, $0x0;
	v60 =	vsel vm0, v0, v7  }
0x298: {  	s20 =	sand.u32 $0x70, s30;
	v26 =	vperm.xlane v22, v18;
	s24 =	sadd.s32 s24, s31;
	s26 =	sadd.s32 s25, s12;
	vm11 =	veq.s32 v25, $0x0;
	v61 =	vsel vm1, v1, v8;
	[tilespmem:v21+s21+$0x0 ss:$0x1] =	vst.idx.msk $0xffff, v60  }
0x299: {  	s15 =	sand.u32 $0x70, s15;
	s28 =	sadd.s32 s23, s12;
	s20 =	sadd.s32 s20, s26;
	v62 =	vsel vm11, v2, v9;
	vm12 =	veq.s32 v23, $0x0;
	v23 =	vperm.xlane v22, v19;
	[tilespmem:v21+s24+$0x0 ss:$0x1] =	vst.idx.msk $0xffff, v61  }
0x29a: {  	s16 =	sand.u32 $0x70, s16;
	s29 =	sadd.s32 s22, s12;
	s19 =	sadd.s32 s19, s28;
	vm13 =	veq.s32 v26, $0x0;
	v22 =	vperm.xlane v22, v20;
	v63 =	vsel vm12, v3, v10;
	[tilespmem:v21+s20+$0x0 ss:$0x1] =	vst.idx.msk $0xffff, v62  }
0x29b: {  	s30 =	sand.u32 $0x70, s13;
	s14 =	sadd.s32 s14, s12;
	s15 =	sadd.s32 s15, s29;
	vm14 =	veq.s32 v23, $0x0;
	v23 =	vsel vm13, v4, v11;
	[tilespmem:v21+s19+$0x0 ss:$0x1] =	vst.idx.msk $0xffff, v63  }
0x29c: {  	s13 =	simm.s32 $0x380;
	s14 =	sadd.s32 s16, s14;
	s31 =	sadd.s32 s18, s12;
	vm15 =	veq.s32 v22, $0x0;
	v22 =	vsel vm14, v5, v12;
	[tilespmem:v21+s15+$0x0 ss:$0x1] =	vst.idx.msk $0xffff, v23  }
0x29d: {  	s16 =	sadd.s32 s30, s31;
	s15 =	smov.u32 s10;
	[tilespmem:v21+s14+$0x0 ss:$0x1] =	vst.idx.msk $0xffff, v22;
	v22 =	vsel vm15, v6, v13;
	s14 =	simm.s32 $0x0  }
.LBB2_51:
0x29e: {  	p0 =	sne.s32 s13, $0x5400;
	[tilespmem:v21+s16+$0x0 ss:$0x1] =	vst.idx.msk $0xffff, v22;
	s14 =	sadd.s32 $0x70, s14;
	s15 =	sadd.s32 $0x10, s15  }
0x29f: {  	s20 =	smov.u32 s13;
	s13 =	sadd.s32 $0x380, s13;
	v22 =	vld [tilespmem:s15+$0x0];
	s16 =	sadd.s32 $0x60, s14  }
0x2a0: {  	s21 =	sadd.s32 $0x40, s14;
	s19 =	sadd.s32 $0x50, s14;
	s18 =	sadd.s32 $0x300, s20  }
0x2a1: {  	s22 =	sadd.s32 $0x30, s14;
	s23 =	sadd.s32 $0x280, s20;
	s18 =	sand.u32 $0xFC00, s18  }
0x2a2: {  	s24 =	sand.u32 $0x70, s14;
	s25 =	sadd.s32 $0x200, s20;
	s23 =	sand.u32 $0xFC00, s23  }
0x2a3: {  	s26 =	sadd.s32 $0x20, s14;
	s28 =	sadd.s32 $0x180, s20;
	s25 =	sand.u32 $0xFC00, s25  }
0x2a4: {  	s29 =	sadd.s32 $0x10, s14;
	s30 =	sadd.s32 $0x100, s20;
	s22 =	sand.u32 $0x70, s22;
	v23 =	vperm.xlane v22, v14;
	v24 =	vperm.xlane v22, v15  }
0x2a5: {  	s31 =	sand.u32 $0x7C00, s20;
	s20 =	sadd.s32 $0x80, s20;
	s28 =	sand.u32 $0xFC00, s28;
	v25 =	vperm.xlane v22, v16;
	v26 =	vperm.xlane v22, v17  }
0x2a6: {  	s31 =	sadd.s32 s31, s12;
	s20 =	sand.u32 $0xFC00, s20;
	s30 =	sand.u32 $0xFC00, s30;
	vm0 =	veq.s32 v23, $0x0;
	vm1 =	veq.s32 v24, $0x0;
	v23 =	vperm.xlane v22, v18  }
0x2a7: {  	s29 =	sand.u32 $0x70, s29;
	s24 =	sadd.s32 s24, s31;
	s20 =	sadd.s32 s20, s12;
	vm2 =	veq.s32 v26, $0x0;
	v24 =	vsel vm0, v0, v7;
	vm0 =	veq.s32 v25, $0x0  }
0x2a8: {  	s20 =	sadd.s32 s29, s20;
	[tilespmem:v21+s24+$0x0 ss:$0x1] =	vst.idx.msk $0xffff, v24;
	v24 =	vsel vm1, v1, v8;
	s24 =	sand.u32 $0x70, s26;
	s26 =	sadd.s32 s30, s12;
	vm1 =	veq.s32 v23, $0x0;
	v23 =	vperm.xlane v22, v19  }
.Ltmp24:
0x2a9: {  	v22 =	vperm.xlane v22, v20;
	[tilespmem:v21+s20+$0x0 ss:$0x1] =	vst.idx.msk $0xffff, v24;
	v24 =	vsel vm0, v2, v9;
	s20 =	sadd.s32 s24, s26;
	s24 =	sadd.s32 s28, s12;
	(pc) =	sbr.rel @p0 .LBB2_51-.Ltmp24, $4  }
0x2aa: {  	s21 =	sand.u32 $0x70, s21;
	[tilespmem:v21+s20+$0x0 ss:$0x1] =	vst.idx.msk $0xffff, v24;
	v24 =	vsel vm2, v3, v10;
	s20 =	sadd.s32 s22, s24;
	s22 =	sadd.s32 s25, s12;
	vm0 =	veq.s32 v23, $0x0  }
0x2ab: {  	s19 =	sand.u32 $0x70, s19;
	v23 =	vsel vm1, v4, v11;
	vm1 =	veq.s32 v22, $0x0;
	[tilespmem:v21+s20+$0x0 ss:$0x1] =	vst.idx.msk $0xffff, v24;
	s20 =	sadd.s32 s21, s22;
	s21 =	sadd.s32 s23, s12  }
0x2ac: {  	s16 =	sand.u32 $0x70, s16;
	s18 =	sadd.s32 s18, s12;
	v22 =	vsel vm0, v5, v12;
	[tilespmem:v21+s20+$0x0 ss:$0x1] =	vst.idx.msk $0xffff, v23;
	s19 =	sadd.s32 s19, s21  }
0x2ad: {  	s16 =	sadd.s32 s16, s18;
	[tilespmem:v21+s19+$0x0 ss:$0x1] =	vst.idx.msk $0xffff, v22;
	v22 =	vsel vm1, v6, v13  }
0x2ae: {  	s11 =	sadd.s32 $0x1, s11  }
0x2af: {  	p0 =	sne.s32 s11, $0x10  }
.Ltmp25:
0x2b0: {  	_ = 	snop;
	(pc) =	sbr.rel @p0 .LBB2_50-.Ltmp25, $2  }
0x2b1: {  	_ =	sdelay $0x2  }
0x2b2: {  	[tilespmem:v21+s16+$0x0 ss:$0x1] =	vst.idx.msk $0xffff, v22;
	s10 =	sadd.s32 $0x190, s10  }
0x2b3: {  	s9 =	simm.s32 $0x0;
	s10 =	rddreg [dreg:$0x1f]  }
0x2b4: {  	[hbm4b:s10+s9] =	stream.linear.scatter [tilespmem:s7], [sflag:$0x1], $0xB000, $0x38;
	[tilespmem:$0xD500] =	vst v63  }
0x2b5: {  	_ =	swait.ge [sflag:s6], $0xB000  }
0x2b6: {  	[sflag:s6] =	ssyncset.done $0x0  }
0x2b7: {  	s31 =	rddreg [dreg:$0x10];
	[sflag:s6] =	ssyncadd.s32 $0xFFFF5000  }
0x2b8: {  	[tilespmem:s9], [sflag:$0x1] =	stream.linear.gather [hbm4b:s31+s9], $0x1900, $0x38;
	[tilespmem:$0xD500] =	vst v63  }
0x2b9: {  	_ =	swait.ge [sflag:s6], $0x1900  }
0x2ba: {  	[sflag:s6] =	ssyncset.done $0x0  }
0x2bb: {  	s11 =	simm.s32 $0x0;
	s10 =	simm.s32 $0x0;
	[sflag:s6] =	ssyncadd.s32 $0xFFFFE700  }
.LBB2_54:
0x2bc: {  	s12 =	sshrl.u32 s11, $0x3  }
0x2bd: {  	s13 =	sshll.u32 s11, $0x7;
	s15 =	simm.s32 $0x40;
	s16 =	simm.s32 $0x50  }
0x2be: {  	v22 =	vld [tilespmem:s10+$0x0];
	s18 =	simm.s32 $0x300;
	s19 =	simm.s32 $0x30;
	s20 =	simm.s32 $0x280  }
0x2bf: {  	s21 =	sand.u32 $0x70, s9;
	s22 =	simm.s32 $0x200;
	s30 =	simm.s32 $0x20  }
0x2c0: {  	s23 =	simm.s32 $0x180;
	s24 =	simm.s32 $0x10;
	s25 =	simm.s32 $0x100  }
0x2c1: {  	s26 =	sand.u32 $0x7C00, s9;
	s12 =	smul.u32 $0x16000, s12;
	s14 =	sand.u32 $0x380, s13  }
0x2c2: {  	s28 =	simm.s32 $0x80;
	s13 =	simm.s32 $0x60;
	s18 =	sand.u32 $0xFC00, s18;
	v21 =	vmov s14  }
0x2c3: {  	s22 =	sand.u32 $0xFC00, s22;
	s23 =	sand.u32 $0xFC00, s23;
	s12 =	sshra.s32 s12, $0x2;
	v23 =	vperm.xlane v22, v14  }
0x2c4: {  	s28 =	sand.u32 $0xFC00, s28;
	s25 =	sand.u32 $0xFC00, s25;
	s12 =	sadd.s32 $0x1900, s12;
	v24 =	vperm.xlane v22, v15  }
0x2c5: {  	s24 =	sand.u32 $0x70, s24;
	s19 =	sand.u32 $0x70, s19;
	v25 =	vperm.xlane v22, v16;
	s26 =	sadd.s32 s26, s12;
	vm0 =	veq.s32 v23, $0x0  }
0x2c6: {  	s14 =	sand.u32 $0xFC00, s20;
	s31 =	sadd.s32 s28, s12;
	s21 =	sadd.s32 s21, s26;
	v23 =	vperm.xlane v22, v17;
	vm1 =	veq.s32 v24, $0x0;
	v60 =	vsel vm0, v0, v7  }
0x2c7: {  	s20 =	sand.u32 $0x70, s30;
	v26 =	vperm.xlane v22, v18;
	s24 =	sadd.s32 s24, s31;
	s26 =	sadd.s32 s25, s12;
	vm11 =	veq.s32 v25, $0x0;
	v61 =	vsel vm1, v1, v8;
	[tilespmem:v21+s21+$0x0 ss:$0x1] =	vst.idx.msk $0xffff, v60  }
0x2c8: {  	s15 =	sand.u32 $0x70, s15;
	s28 =	sadd.s32 s23, s12;
	s20 =	sadd.s32 s20, s26;
	v62 =	vsel vm11, v2, v9;
	vm12 =	veq.s32 v23, $0x0;
	v23 =	vperm.xlane v22, v19;
	[tilespmem:v21+s24+$0x0 ss:$0x1] =	vst.idx.msk $0xffff, v61  }
0x2c9: {  	s16 =	sand.u32 $0x70, s16;
	s29 =	sadd.s32 s22, s12;
	s19 =	sadd.s32 s19, s28;
	vm13 =	veq.s32 v26, $0x0;
	v22 =	vperm.xlane v22, v20;
	v63 =	vsel vm12, v3, v10;
	[tilespmem:v21+s20+$0x0 ss:$0x1] =	vst.idx.msk $0xffff, v62  }
0x2ca: {  	s30 =	sand.u32 $0x70, s13;
	s14 =	sadd.s32 s14, s12;
	s15 =	sadd.s32 s15, s29;
	vm14 =	veq.s32 v23, $0x0;
	v23 =	vsel vm13, v4, v11;
	[tilespmem:v21+s19+$0x0 ss:$0x1] =	vst.idx.msk $0xffff, v63  }
0x2cb: {  	s13 =	simm.s32 $0x380;
	s14 =	sadd.s32 s16, s14;
	s31 =	sadd.s32 s18, s12;
	vm15 =	veq.s32 v22, $0x0;
	v22 =	vsel vm14, v5, v12;
	[tilespmem:v21+s15+$0x0 ss:$0x1] =	vst.idx.msk $0xffff, v23  }
0x2cc: {  	s16 =	sadd.s32 s30, s31;
	s15 =	smov.u32 s10;
	[tilespmem:v21+s14+$0x0 ss:$0x1] =	vst.idx.msk $0xffff, v22;
	v22 =	vsel vm15, v6, v13;
	s14 =	simm.s32 $0x0  }
.LBB2_55:
0x2cd: {  	p0 =	sne.s32 s13, $0x5400;
	[tilespmem:v21+s16+$0x0 ss:$0x1] =	vst.idx.msk $0xffff, v22;
	s14 =	sadd.s32 $0x70, s14;
	s15 =	sadd.s32 $0x10, s15  }
0x2ce: {  	s20 =	smov.u32 s13;
	s13 =	sadd.s32 $0x380, s13;
	v22 =	vld [tilespmem:s15+$0x0];
	s16 =	sadd.s32 $0x60, s14  }
0x2cf: {  	s21 =	sadd.s32 $0x40, s14;
	s19 =	sadd.s32 $0x50, s14;
	s18 =	sadd.s32 $0x300, s20  }
0x2d0: {  	s22 =	sadd.s32 $0x30, s14;
	s23 =	sadd.s32 $0x280, s20;
	s18 =	sand.u32 $0xFC00, s18  }
0x2d1: {  	s24 =	sand.u32 $0x70, s14;
	s25 =	sadd.s32 $0x200, s20;
	s23 =	sand.u32 $0xFC00, s23  }
0x2d2: {  	s26 =	sadd.s32 $0x20, s14;
	s28 =	sadd.s32 $0x180, s20;
	s25 =	sand.u32 $0xFC00, s25  }
0x2d3: {  	s29 =	sadd.s32 $0x10, s14;
	s30 =	sadd.s32 $0x100, s20;
	s22 =	sand.u32 $0x70, s22;
	v23 =	vperm.xlane v22, v14;
	v24 =	vperm.xlane v22, v15  }
0x2d4: {  	s31 =	sand.u32 $0x7C00, s20;
	s20 =	sadd.s32 $0x80, s20;
	s28 =	sand.u32 $0xFC00, s28;
	v25 =	vperm.xlane v22, v16;
	v26 =	vperm.xlane v22, v17  }
0x2d5: {  	s31 =	sadd.s32 s31, s12;
	s20 =	sand.u32 $0xFC00, s20;
	s30 =	sand.u32 $0xFC00, s30;
	vm0 =	veq.s32 v23, $0x0;
	vm1 =	veq.s32 v24, $0x0;
	v23 =	vperm.xlane v22, v18  }
0x2d6: {  	s29 =	sand.u32 $0x70, s29;
	s24 =	sadd.s32 s24, s31;
	s20 =	sadd.s32 s20, s12;
	vm2 =	veq.s32 v26, $0x0;
	v24 =	vsel vm0, v0, v7;
	vm0 =	veq.s32 v25, $0x0  }
0x2d7: {  	s20 =	sadd.s32 s29, s20;
	[tilespmem:v21+s24+$0x0 ss:$0x1] =	vst.idx.msk $0xffff, v24;
	v24 =	vsel vm1, v1, v8;
	s24 =	sand.u32 $0x70, s26;
	s26 =	sadd.s32 s30, s12;
	vm1 =	veq.s32 v23, $0x0;
	v23 =	vperm.xlane v22, v19  }
.Ltmp26:
0x2d8: {  	v22 =	vperm.xlane v22, v20;
	[tilespmem:v21+s20+$0x0 ss:$0x1] =	vst.idx.msk $0xffff, v24;
	v24 =	vsel vm0, v2, v9;
	s20 =	sadd.s32 s24, s26;
	s24 =	sadd.s32 s28, s12;
	(pc) =	sbr.rel @p0 .LBB2_55-.Ltmp26, $4  }
0x2d9: {  	s21 =	sand.u32 $0x70, s21;
	[tilespmem:v21+s20+$0x0 ss:$0x1] =	vst.idx.msk $0xffff, v24;
	v24 =	vsel vm2, v3, v10;
	s20 =	sadd.s32 s22, s24;
	s22 =	sadd.s32 s25, s12;
	vm0 =	veq.s32 v23, $0x0  }
0x2da: {  	s19 =	sand.u32 $0x70, s19;
	v23 =	vsel vm1, v4, v11;
	vm1 =	veq.s32 v22, $0x0;
	[tilespmem:v21+s20+$0x0 ss:$0x1] =	vst.idx.msk $0xffff, v24;
	s20 =	sadd.s32 s21, s22;
	s21 =	sadd.s32 s23, s12  }
0x2db: {  	s16 =	sand.u32 $0x70, s16;
	s18 =	sadd.s32 s18, s12;
	v22 =	vsel vm0, v5, v12;
	[tilespmem:v21+s20+$0x0 ss:$0x1] =	vst.idx.msk $0xffff, v23;
	s19 =	sadd.s32 s19, s21  }
0x2dc: {  	s16 =	sadd.s32 s16, s18;
	[tilespmem:v21+s19+$0x0 ss:$0x1] =	vst.idx.msk $0xffff, v22;
	v22 =	vsel vm1, v6, v13  }
0x2dd: {  	s11 =	sadd.s32 $0x1, s11  }
0x2de: {  	p0 =	sne.s32 s11, $0x10  }
.Ltmp27:
0x2df: {  	_ = 	snop;
	(pc) =	sbr.rel @p0 .LBB2_54-.Ltmp27, $2  }
0x2e0: {  	_ =	sdelay $0x2  }
0x2e1: {  	[tilespmem:v21+s16+$0x0 ss:$0x1] =	vst.idx.msk $0xffff, v22;
	s10 =	sadd.s32 $0x190, s10  }
0x2e2: {  	s9 =	simm.s32 $0x0  }
0x2e3: {  	[hbm4b:s0+s9] =	stream.linear.scatter [tilespmem:s7], [sflag:$0x1], $0xB000, $0x38;
	[tilespmem:$0xD500] =	vst v63  }
0x2e4: {  	_ =	swait.ge [sflag:s6], $0xB000  }
0x2e5: {  	[sflag:s6] =	ssyncset.done $0x0  }
0x2e6: {  	s10 =	rddreg [dreg:$0x11];
	[sflag:s6] =	ssyncadd.s32 $0xFFFF5000  }
0x2e7: {  	[tilespmem:s9], [sflag:$0x1] =	stream.linear.gather [hbm4b:s10+s9], $0x1900, $0x38;
	[tilespmem:$0xD500] =	vst v63  }
0x2e8: {  	_ =	swait.ge [sflag:s6], $0x1900  }
0x2e9: {  	[sflag:s6] =	ssyncset.done $0x0  }
0x2ea: {  	s11 =	simm.s32 $0x0;
	s10 =	simm.s32 $0x0;
	[sflag:s6] =	ssyncadd.s32 $0xFFFFE700  }
.LBB2_58:
0x2eb: {  	s12 =	sshrl.u32 s11, $0x3  }
0x2ec: {  	s13 =	sshll.u32 s11, $0x7;
	s15 =	simm.s32 $0x40;
	s16 =	simm.s32 $0x50  }
0x2ed: {  	v22 =	vld [tilespmem:s10+$0x0];
	s18 =	simm.s32 $0x300;
	s19 =	simm.s32 $0x30;
	s20 =	simm.s32 $0x280  }
0x2ee: {  	s21 =	sand.u32 $0x70, s9;
	s22 =	simm.s32 $0x200;
	s30 =	simm.s32 $0x20  }
0x2ef: {  	s23 =	simm.s32 $0x180;
	s24 =	simm.s32 $0x10;
	s25 =	simm.s32 $0x100  }
0x2f0: {  	s26 =	sand.u32 $0x7C00, s9;
	s12 =	smul.u32 $0x16000, s12;
	s14 =	sand.u32 $0x380, s13  }
0x2f1: {  	s28 =	simm.s32 $0x80;
	s13 =	simm.s32 $0x60;
	s18 =	sand.u32 $0xFC00, s18;
	v21 =	vmov s14  }
0x2f2: {  	s22 =	sand.u32 $0xFC00, s22;
	s23 =	sand.u32 $0xFC00, s23;
	s12 =	sshra.s32 s12, $0x2;
	v23 =	vperm.xlane v22, v14  }
0x2f3: {  	s28 =	sand.u32 $0xFC00, s28;
	s25 =	sand.u32 $0xFC00, s25;
	s12 =	sadd.s32 $0x1900, s12;
	v24 =	vperm.xlane v22, v15  }
0x2f4: {  	s24 =	sand.u32 $0x70, s24;
	s19 =	sand.u32 $0x70, s19;
	v25 =	vperm.xlane v22, v16;
	s26 =	sadd.s32 s26, s12;
	vm0 =	veq.s32 v23, $0x0  }
0x2f5: {  	s14 =	sand.u32 $0xFC00, s20;
	s31 =	sadd.s32 s28, s12;
	s21 =	sadd.s32 s21, s26;
	v23 =	vperm.xlane v22, v17;
	vm1 =	veq.s32 v24, $0x0;
	v60 =	vsel vm0, v0, v7  }
0x2f6: {  	s20 =	sand.u32 $0x70, s30;
	v26 =	vperm.xlane v22, v18;
	s24 =	sadd.s32 s24, s31;
	s26 =	sadd.s32 s25, s12;
	vm11 =	veq.s32 v25, $0x0;
	v61 =	vsel vm1, v1, v8;
	[tilespmem:v21+s21+$0x0 ss:$0x1] =	vst.idx.msk $0xffff, v60  }
0x2f7: {  	s15 =	sand.u32 $0x70, s15;
	s28 =	sadd.s32 s23, s12;
	s20 =	sadd.s32 s20, s26;
	v62 =	vsel vm11, v2, v9;
	vm12 =	veq.s32 v23, $0x0;
	v23 =	vperm.xlane v22, v19;
	[tilespmem:v21+s24+$0x0 ss:$0x1] =	vst.idx.msk $0xffff, v61  }
0x2f8: {  	s16 =	sand.u32 $0x70, s16;
	s29 =	sadd.s32 s22, s12;
	s19 =	sadd.s32 s19, s28;
	vm13 =	veq.s32 v26, $0x0;
	v22 =	vperm.xlane v22, v20;
	v63 =	vsel vm12, v3, v10;
	[tilespmem:v21+s20+$0x0 ss:$0x1] =	vst.idx.msk $0xffff, v62  }
0x2f9: {  	s30 =	sand.u32 $0x70, s13;
	s14 =	sadd.s32 s14, s12;
	s15 =	sadd.s32 s15, s29;
	vm14 =	veq.s32 v23, $0x0;
	v23 =	vsel vm13, v4, v11;
	[tilespmem:v21+s19+$0x0 ss:$0x1] =	vst.idx.msk $0xffff, v63  }
0x2fa: {  	s13 =	simm.s32 $0x380;
	s14 =	sadd.s32 s16, s14;
	s31 =	sadd.s32 s18, s12;
	vm15 =	veq.s32 v22, $0x0;
	v22 =	vsel vm14, v5, v12;
	[tilespmem:v21+s15+$0x0 ss:$0x1] =	vst.idx.msk $0xffff, v23  }
0x2fb: {  	s16 =	sadd.s32 s30, s31;
	s15 =	smov.u32 s10;
	[tilespmem:v21+s14+$0x0 ss:$0x1] =	vst.idx.msk $0xffff, v22;
	v22 =	vsel vm15, v6, v13;
	s14 =	simm.s32 $0x0  }
.LBB2_59:
0x2fc: {  	p0 =	sne.s32 s13, $0x5400;
	[tilespmem:v21+s16+$0x0 ss:$0x1] =	vst.idx.msk $0xffff, v22;
	s14 =	sadd.s32 $0x70, s14;
	s15 =	sadd.s32 $0x10, s15  }
0x2fd: {  	s20 =	smov.u32 s13;
	s13 =	sadd.s32 $0x380, s13;
	v22 =	vld [tilespmem:s15+$0x0];
	s16 =	sadd.s32 $0x60, s14  }
0x2fe: {  	s21 =	sadd.s32 $0x40, s14;
	s19 =	sadd.s32 $0x50, s14;
	s18 =	sadd.s32 $0x300, s20  }
0x2ff: {  	s22 =	sadd.s32 $0x30, s14;
	s23 =	sadd.s32 $0x280, s20;
	s18 =	sand.u32 $0xFC00, s18  }
0x300: {  	s24 =	sand.u32 $0x70, s14;
	s25 =	sadd.s32 $0x200, s20;
	s23 =	sand.u32 $0xFC00, s23  }
0x301: {  	s26 =	sadd.s32 $0x20, s14;
	s28 =	sadd.s32 $0x180, s20;
	s25 =	sand.u32 $0xFC00, s25  }
0x302: {  	s29 =	sadd.s32 $0x10, s14;
	s30 =	sadd.s32 $0x100, s20;
	s22 =	sand.u32 $0x70, s22;
	v23 =	vperm.xlane v22, v14;
	v24 =	vperm.xlane v22, v15  }
0x303: {  	s31 =	sand.u32 $0x7C00, s20;
	s20 =	sadd.s32 $0x80, s20;
	s28 =	sand.u32 $0xFC00, s28;
	v25 =	vperm.xlane v22, v16;
	v26 =	vperm.xlane v22, v17  }
0x304: {  	s31 =	sadd.s32 s31, s12;
	s20 =	sand.u32 $0xFC00, s20;
	s30 =	sand.u32 $0xFC00, s30;
	vm0 =	veq.s32 v23, $0x0;
	vm1 =	veq.s32 v24, $0x0;
	v23 =	vperm.xlane v22, v18  }
0x305: {  	s29 =	sand.u32 $0x70, s29;
	s24 =	sadd.s32 s24, s31;
	s20 =	sadd.s32 s20, s12;
	vm2 =	veq.s32 v26, $0x0;
	v24 =	vsel vm0, v0, v7;
	vm0 =	veq.s32 v25, $0x0  }
0x306: {  	s20 =	sadd.s32 s29, s20;
	[tilespmem:v21+s24+$0x0 ss:$0x1] =	vst.idx.msk $0xffff, v24;
	v24 =	vsel vm1, v1, v8;
	s24 =	sand.u32 $0x70, s26;
	s26 =	sadd.s32 s30, s12;
	vm1 =	veq.s32 v23, $0x0;
	v23 =	vperm.xlane v22, v19  }
.Ltmp28:
0x307: {  	v22 =	vperm.xlane v22, v20;
	[tilespmem:v21+s20+$0x0 ss:$0x1] =	vst.idx.msk $0xffff, v24;
	v24 =	vsel vm0, v2, v9;
	s20 =	sadd.s32 s24, s26;
	s24 =	sadd.s32 s28, s12;
	(pc) =	sbr.rel @p0 .LBB2_59-.Ltmp28, $4  }
0x308: {  	s21 =	sand.u32 $0x70, s21;
	[tilespmem:v21+s20+$0x0 ss:$0x1] =	vst.idx.msk $0xffff, v24;
	v24 =	vsel vm2, v3, v10;
	s20 =	sadd.s32 s22, s24;
	s22 =	sadd.s32 s25, s12;
	vm0 =	veq.s32 v23, $0x0  }
0x309: {  	s19 =	sand.u32 $0x70, s19;
	v23 =	vsel vm1, v4, v11;
	vm1 =	veq.s32 v22, $0x0;
	[tilespmem:v21+s20+$0x0 ss:$0x1] =	vst.idx.msk $0xffff, v24;
	s20 =	sadd.s32 s21, s22;
	s21 =	sadd.s32 s23, s12  }
0x30a: {  	s16 =	sand.u32 $0x70, s16;
	s18 =	sadd.s32 s18, s12;
	v22 =	vsel vm0, v5, v12;
	[tilespmem:v21+s20+$0x0 ss:$0x1] =	vst.idx.msk $0xffff, v23;
	s19 =	sadd.s32 s19, s21  }
0x30b: {  	s16 =	sadd.s32 s16, s18;
	[tilespmem:v21+s19+$0x0 ss:$0x1] =	vst.idx.msk $0xffff, v22;
	v22 =	vsel vm1, v6, v13  }
0x30c: {  	s11 =	sadd.s32 $0x1, s11  }
0x30d: {  	p0 =	sne.s32 s11, $0x10  }
.Ltmp29:
0x30e: {  	_ = 	snop;
	(pc) =	sbr.rel @p0 .LBB2_58-.Ltmp29, $2  }
0x30f: {  	_ =	sdelay $0x2  }
0x310: {  	[tilespmem:v21+s16+$0x0 ss:$0x1] =	vst.idx.msk $0xffff, v22;
	s10 =	sadd.s32 $0x190, s10  }
0x311: {  	s9 =	simm.s32 $0x0  }
0x312: {  	[hbm4b:s1+s9] =	stream.linear.scatter [tilespmem:s7], [sflag:$0x1], $0xB000, $0x38;
	[tilespmem:$0xD500] =	vst v63  }
0x313: {  	_ =	swait.ge [sflag:s6], $0xB000  }
0x314: {  	[sflag:s6] =	ssyncset.done $0x0  }
0x315: {  	s10 =	rddreg [dreg:$0x12];
	[sflag:s6] =	ssyncadd.s32 $0xFFFF5000  }
0x316: {  	[tilespmem:s9], [sflag:$0x1] =	stream.linear.gather [hbm4b:s10+s9], $0x1900, $0x38;
	[tilespmem:$0xD500] =	vst v63  }
0x317: {  	_ =	swait.ge [sflag:s6], $0x1900  }
0x318: {  	[sflag:s6] =	ssyncset.done $0x0  }
0x319: {  	s11 =	simm.s32 $0x0;
	s10 =	simm.s32 $0x0;
	[sflag:s6] =	ssyncadd.s32 $0xFFFFE700  }
.LBB2_62:
0x31a: {  	s12 =	sshrl.u32 s11, $0x3  }
0x31b: {  	s13 =	sshll.u32 s11, $0x7;
	s15 =	simm.s32 $0x40;
	s16 =	simm.s32 $0x50  }
0x31c: {  	v22 =	vld [tilespmem:s10+$0x0];
	s18 =	simm.s32 $0x300;
	s19 =	simm.s32 $0x30;
	s20 =	simm.s32 $0x280  }
0x31d: {  	s21 =	sand.u32 $0x70, s9;
	s22 =	simm.s32 $0x200;
	s30 =	simm.s32 $0x20  }
0x31e: {  	s23 =	simm.s32 $0x180;
	s24 =	simm.s32 $0x10;
	s25 =	simm.s32 $0x100  }
0x31f: {  	s26 =	sand.u32 $0x7C00, s9;
	s12 =	smul.u32 $0x16000, s12;
	s14 =	sand.u32 $0x380, s13  }
0x320: {  	s28 =	simm.s32 $0x80;
	s13 =	simm.s32 $0x60;
	s18 =	sand.u32 $0xFC00, s18;
	v21 =	vmov s14  }
0x321: {  	s22 =	sand.u32 $0xFC00, s22;
	s23 =	sand.u32 $0xFC00, s23;
	s12 =	sshra.s32 s12, $0x2;
	v23 =	vperm.xlane v22, v14  }
0x322: {  	s28 =	sand.u32 $0xFC00, s28;
	s25 =	sand.u32 $0xFC00, s25;
	s12 =	sadd.s32 $0x1900, s12;
	v24 =	vperm.xlane v22, v15  }
0x323: {  	s24 =	sand.u32 $0x70, s24;
	s19 =	sand.u32 $0x70, s19;
	v25 =	vperm.xlane v22, v16;
	s26 =	sadd.s32 s26, s12;
	vm0 =	veq.s32 v23, $0x0  }
0x324: {  	s14 =	sand.u32 $0xFC00, s20;
	s31 =	sadd.s32 s28, s12;
	s21 =	sadd.s32 s21, s26;
	v23 =	vperm.xlane v22, v17;
	vm1 =	veq.s32 v24, $0x0;
	v60 =	vsel vm0, v0, v7  }
0x325: {  	s20 =	sand.u32 $0x70, s30;
	v26 =	vperm.xlane v22, v18;
	s24 =	sadd.s32 s24, s31;
	s26 =	sadd.s32 s25, s12;
	vm11 =	veq.s32 v25, $0x0;
	v61 =	vsel vm1, v1, v8;
	[tilespmem:v21+s21+$0x0 ss:$0x1] =	vst.idx.msk $0xffff, v60  }
0x326: {  	s15 =	sand.u32 $0x70, s15;
	s28 =	sadd.s32 s23, s12;
	s20 =	sadd.s32 s20, s26;
	v62 =	vsel vm11, v2, v9;
	vm12 =	veq.s32 v23, $0x0;
	v23 =	vperm.xlane v22, v19;
	[tilespmem:v21+s24+$0x0 ss:$0x1] =	vst.idx.msk $0xffff, v61  }
0x327: {  	s16 =	sand.u32 $0x70, s16;
	s29 =	sadd.s32 s22, s12;
	s19 =	sadd.s32 s19, s28;
	vm13 =	veq.s32 v26, $0x0;
	v22 =	vperm.xlane v22, v20;
	v63 =	vsel vm12, v3, v10;
	[tilespmem:v21+s20+$0x0 ss:$0x1] =	vst.idx.msk $0xffff, v62  }
0x328: {  	s30 =	sand.u32 $0x70, s13;
	s14 =	sadd.s32 s14, s12;
	s15 =	sadd.s32 s15, s29;
	vm14 =	veq.s32 v23, $0x0;
	v23 =	vsel vm13, v4, v11;
	[tilespmem:v21+s19+$0x0 ss:$0x1] =	vst.idx.msk $0xffff, v63  }
0x329: {  	s13 =	simm.s32 $0x380;
	s14 =	sadd.s32 s16, s14;
	s31 =	sadd.s32 s18, s12;
	vm15 =	veq.s32 v22, $0x0;
	v22 =	vsel vm14, v5, v12;
	[tilespmem:v21+s15+$0x0 ss:$0x1] =	vst.idx.msk $0xffff, v23  }
0x32a: {  	s16 =	sadd.s32 s30, s31;
	s15 =	smov.u32 s10;
	[tilespmem:v21+s14+$0x0 ss:$0x1] =	vst.idx.msk $0xffff, v22;
	v22 =	vsel vm15, v6, v13;
	s14 =	simm.s32 $0x0  }
.LBB2_63:
0x32b: {  	p0 =	sne.s32 s13, $0x5400;
	[tilespmem:v21+s16+$0x0 ss:$0x1] =	vst.idx.msk $0xffff, v22;
	s14 =	sadd.s32 $0x70, s14;
	s15 =	sadd.s32 $0x10, s15  }
0x32c: {  	s20 =	smov.u32 s13;
	s13 =	sadd.s32 $0x380, s13;
	v22 =	vld [tilespmem:s15+$0x0];
	s16 =	sadd.s32 $0x60, s14  }
0x32d: {  	s21 =	sadd.s32 $0x40, s14;
	s19 =	sadd.s32 $0x50, s14;
	s18 =	sadd.s32 $0x300, s20  }
0x32e: {  	s22 =	sadd.s32 $0x30, s14;
	s23 =	sadd.s32 $0x280, s20;
	s18 =	sand.u32 $0xFC00, s18  }
0x32f: {  	s24 =	sand.u32 $0x70, s14;
	s25 =	sadd.s32 $0x200, s20;
	s23 =	sand.u32 $0xFC00, s23  }
0x330: {  	s26 =	sadd.s32 $0x20, s14;
	s28 =	sadd.s32 $0x180, s20;
	s25 =	sand.u32 $0xFC00, s25  }
0x331: {  	s29 =	sadd.s32 $0x10, s14;
	s30 =	sadd.s32 $0x100, s20;
	s22 =	sand.u32 $0x70, s22;
	v23 =	vperm.xlane v22, v14;
	v24 =	vperm.xlane v22, v15  }
0x332: {  	s31 =	sand.u32 $0x7C00, s20;
	s20 =	sadd.s32 $0x80, s20;
	s28 =	sand.u32 $0xFC00, s28;
	v25 =	vperm.xlane v22, v16;
	v26 =	vperm.xlane v22, v17  }
0x333: {  	s31 =	sadd.s32 s31, s12;
	s20 =	sand.u32 $0xFC00, s20;
	s30 =	sand.u32 $0xFC00, s30;
	vm0 =	veq.s32 v23, $0x0;
	vm1 =	veq.s32 v24, $0x0;
	v23 =	vperm.xlane v22, v18  }
0x334: {  	s29 =	sand.u32 $0x70, s29;
	s24 =	sadd.s32 s24, s31;
	s20 =	sadd.s32 s20, s12;
	vm2 =	veq.s32 v26, $0x0;
	v24 =	vsel vm0, v0, v7;
	vm0 =	veq.s32 v25, $0x0  }
0x335: {  	s20 =	sadd.s32 s29, s20;
	[tilespmem:v21+s24+$0x0 ss:$0x1] =	vst.idx.msk $0xffff, v24;
	v24 =	vsel vm1, v1, v8;
	s24 =	sand.u32 $0x70, s26;
	s26 =	sadd.s32 s30, s12;
	vm1 =	veq.s32 v23, $0x0;
	v23 =	vperm.xlane v22, v19  }
.Ltmp30:
0x336: {  	v22 =	vperm.xlane v22, v20;
	[tilespmem:v21+s20+$0x0 ss:$0x1] =	vst.idx.msk $0xffff, v24;
	v24 =	vsel vm0, v2, v9;
	s20 =	sadd.s32 s24, s26;
	s24 =	sadd.s32 s28, s12;
	(pc) =	sbr.rel @p0 .LBB2_63-.Ltmp30, $4  }
0x337: {  	s21 =	sand.u32 $0x70, s21;
	[tilespmem:v21+s20+$0x0 ss:$0x1] =	vst.idx.msk $0xffff, v24;
	v24 =	vsel vm2, v3, v10;
	s20 =	sadd.s32 s22, s24;
	s22 =	sadd.s32 s25, s12;
	vm0 =	veq.s32 v23, $0x0  }
0x338: {  	s19 =	sand.u32 $0x70, s19;
	v23 =	vsel vm1, v4, v11;
	vm1 =	veq.s32 v22, $0x0;
	[tilespmem:v21+s20+$0x0 ss:$0x1] =	vst.idx.msk $0xffff, v24;
	s20 =	sadd.s32 s21, s22;
	s21 =	sadd.s32 s23, s12  }
0x339: {  	s16 =	sand.u32 $0x70, s16;
	s18 =	sadd.s32 s18, s12;
	v22 =	vsel vm0, v5, v12;
	[tilespmem:v21+s20+$0x0 ss:$0x1] =	vst.idx.msk $0xffff, v23;
	s19 =	sadd.s32 s19, s21  }
0x33a: {  	s16 =	sadd.s32 s16, s18;
	[tilespmem:v21+s19+$0x0 ss:$0x1] =	vst.idx.msk $0xffff, v22;
	v22 =	vsel vm1, v6, v13  }
0x33b: {  	s11 =	sadd.s32 $0x1, s11  }
0x33c: {  	p0 =	sne.s32 s11, $0x10  }
.Ltmp31:
0x33d: {  	_ = 	snop;
	(pc) =	sbr.rel @p0 .LBB2_62-.Ltmp31, $2  }
0x33e: {  	_ =	sdelay $0x2  }
0x33f: {  	[tilespmem:v21+s16+$0x0 ss:$0x1] =	vst.idx.msk $0xffff, v22;
	s10 =	sadd.s32 $0x190, s10  }
0x340: {  	s8 =	sadd.s32 $0x1, s8  }
0x341: {  	p0 =	sne.s32 s8, s5  }
.Ltmp32:
0x342: {  	_ = 	snop;
	(pc) =	sbr.rel @p0 .LBB2_1-.Ltmp32, $4  }
0x343: {  	[hbm4b:s2+s17] =	stream.linear.scatter [tilespmem:s7], [sflag:$0x1], $0xB000, $0x38;
	[tilespmem:$0xD500] =	vst v63  }
0x344: {  	_ =	swait.ge [sflag:s6], $0xB000  }
0x345: {  	[sflag:s6] =	ssyncset.done $0x0  }
0x346: {  	[sflag:s6] =	ssyncadd.s32 $0xFFFF5000  }
0x347: {  	_ =	sfence.sel $0x180000  }
0x348: {  	[bflag:$0x0] =	sbarrier.arrive $0xFFFF  }
0x349: {  	_ =	strace $0x90000047  }
0x34a: {  	s0 =	stileid.u32;
	[bflag:$0x2] =	sbarrier.arrive $0xFFFF  }
0x34b: {  	p0 =	sne.s32 s0, $0x0;
	s0 =	rddreg [dreg:$0x2]  }
0x34c: {  	s0 =	sadd.s32 @!p0 $0x100000, s0  }
0x34d: {  	[sflag:s0] =	ssyncadd.tile.s32 @!p0 $0x1;
	_ =	shalt  }
.Lfunc_end2:
_tile_overlayer_lowered:
.L_overlay_start_2:
0x34e: {  	(tag) =	ssettag $0x2  }
0x34f: {  	s0 =	rddreg [dreg:$0x0];
	s2 =	stileid.u32  }
0x350: {  	s1 =	rddreg [dreg:$0x1];
	p0 =	sne.s32 s2, $0x0  }
0x351: {  	s3 =	rddreg [dreg:$0x2];
	[bflag:$0x3] =	sbarrier.arrive $0xFFFF;
	s2 =	simm.s32 @!p0 $0x1C01  }
0x352: {  	[timem:s3], [sflag:s2] =	dma.local @!p0 [hbm:s0], s1  }
0x353: {  	s0 =	simm.s32 @!p0 $0x1  }
0x354: {  	_ =	swait.ge @!p0 [sflag:s0], s1  }
0x355: {  	s1 =	ssub.s32 @!p0 $0x0, s1;
	[sflag:s0] =	ssyncset.done @!p0 $0x0  }
0x356: {  	[sflag:s0] =	ssyncadd.s32 @!p0 s1  }
0x357: {  	[bflag:$0x3] =	sbarrier.arrive $0xFFFF  }
0x358: {  	_ =	shalt  }

// kernel: sparse-core-data-format-call.cloned.1.call-start
scs
called_computation_lowered:
.L_overlay_start_0:
0x0: {  	s2 =	sld [smem:$0x3FD9]  }
0x1: {  	s3 =	sld [smem:$0x3FFE];
	_ =	sdelay $0x1  }
0x2: {  	s1 =	srdreg.scid  }
0x3: {  	s0 =	sand.u32 $0x1, s1  }
0x4: {  	s18 =	sshll.u32 s0, $0xA;
	s2 =	sadd.s32 s3, s2  }
0x5: {  	s2 =	sadd.s32 s2, s18  }
0x6: {  	[smem:$0x3FC6] =	sst s2  }
0x7: {  	_ = 	snop  }
0x8: {  	s2 =	sld [smem:$0x3FD0];
	(tm) =	ssettm $0x1  }
0x9: {  	s19 =	sld [smem:$0x3FFB];
	_ =	sdelay $0x3  }
0xa: {  	_ =	strace s19  }
0xb: {  	s3 =	sld [smem:$0x3FFC];
	_ =	sdelay $0x3  }
0xc: {  	_ =	strace s3  }
0xd: {  	s3 =	sld [smem:$0x3FFD];
	_ =	sdelay $0x3  }
0xe: {  	_ =	strace s3  }
0xf: {  	_ =	strace $0x8FFFFFFF  }
0x10: {  	s20 =	sld [smem:$0x3FDB];
	_ =	sdelay $0x1  }
0x11: {  	s4 =	simm.s32 $_scs_section_size  }
0x12: {  	s5 =	simm.s32 $_size__tile_overlayer_lowered;
	s6 =	simm.s32 $_tile_overlayer_lowered  }
0x13: {  	s23 =	simm.s32 $0x1BFF;
	s22 =	sshll.u32 s6, $0x1;
	s3 =	sadd.s32 s4, s20  }
0x14: {  	s7 =	simm.s32 $0x0;
	s21 =	sshll.u32 s5, $0x1;
	s5 =	sadd.s32 s22, s3  }
0x15: {  	[timem:s7], [sflag:s23] =	dma.local [hbm:s5], s21  }
0x16: {  	_ =	swait.ge [sflag:s23], s21  }
0x17: {  	s4 =	ssub.s32 $0x0, s21;
	[sflag:s23] =	ssyncset.done $0x0  }
0x18: {  	[sflag:s23] =	ssyncadd.s32 s4;
	_ =	sdelay $0x1  }
0x19: {  	s24 =	simm.s32 $0x1B8B  }
0x1a: {  	_ =	swait.ge [sflag:s24], $0x1  }
0x1b: {  	[sflag:s24] =	ssyncset.done $0x0  }
0x1c: {  	s26 =	simm.s32 $0x1B8E;
	s25 =	sld [smem:$0x3FFE];
	[sflag:s24] =	ssyncadd.s32 $0xFFFFFFFF  }
0x1d: {  	s27 =	simm.s32 $execute0_lowered;
	[smem:$0x3FD2] =	sst s26  }
0x1e: {  	s5 =	sshll.u32 s27, $0x1;
	_ =	strace $0x80000049;
	[dreg:$0x1] =	wrdreg $0xFFFFFFFF  }
0x1f: {  	s28 =	simm.s32 $_size_execute0_lowered;
	s3 =	sadd.s32 s3, s5;
	[dreg:$0x0] =	wrdreg $0x0  }
0x20: {  	s5 =	sshll.u32 s28, $0x1;
	[dreg:$0x2] =	wrdreg s3  }
0x21: {  	[dreg:$0x3] =	wrdreg s5  }
0x22: {  	[dreg:$0x4] =	wrdreg $0xC0  }
0x23: {  	_ =	task [dreg:s7], $0x5FFFF  }
0x24: {  	[dreg:$0x1] =	wrdreg $0xFFFFFFFF  }
0x25: {  	[dreg:$0x0] =	wrdreg $0x60  }
0x26: {  	[dreg:$0x2] =	wrdreg s25  }
0x27: {  	[dreg:$0x3] =	wrdreg s2  }
0x28: {  	[dreg:$0x4] =	wrdreg $0x9  }
0x29: {  	_ =	task.clear_ibuf [dreg:s7], $0x5FFFF;
	_ =	strace $0x90000049  }
0x2a: {  	s29 =	simm.s32 $0x9;
	_ =	strace $0x8000004B  }
0x2b: {  	_ =	swait.ge [sflag:s29], $0x1  }
0x2c: {  	[sflag:s29] =	ssyncadd.s32 $0xFFFFFFFF  }
0x2d: {  	_ =	strace $0x9000004B  }
0x2e: {  	_ =	sfence  }
0x2f: {  	s30 =	sld [smem:$0x0];
	_ =	sdelay $0x2  }
0x30: {  	s31 =	sshll.u32 s1, $0xD;
	s1 =	sshrl.u32 s1, $0x2  }
0x31: {  	s3 =	sand.u32 $0x4000, s31;
	s1 =	sadd.s32 s1, s30  }
0x32: {  	s0 =	sor.u32 s3, s0;
	s1 =	sshll.u32 s1, $0x11  }
0x33: {  	s0 =	sor.u32 s1, s0  }
0x34: {  	s0 =	sadd.s32 $0x8F2B, s0  }
0x35: {  	[sflag:s0] =	ssyncadd.remote.s32 $0x1  }
0x36: {  	_ =	sfence.sel $0xFFFF  }
0x37: {  	[dreg:$0x0] =	wrdreg $0xFFFFFFFF;
	(pc) =	sbr.abs _section_cstart, $3  }
0x38: {  	[dreg:$0x1] =	wrdreg $0xFFFFFFFF  }
0x39: {  	_ =	task.clear_ibuf [dreg:s7], $0x2FFFF;
	_ =	strace $0x9FFFFFFF  }
0x3a: {  	(tm) =	ssettm $0x7FFFFFFF  }
0x3b: {  	_ =	shalt  }
tec
execute0_lowered:
.L_overlay_start_1:
0x0: {  	(tag) =	ssettag $0x1  }
0x1: {  	s0 =	srdreg.scid  }
0x2: {  	s1 =	sshll.u32 s0, $0x4  }
0x3: {  	s6 =	rddreg [dreg:$0x0];
	s0 =	stileid.u32;
	s1 =	sand.u32 $0x10, s1  }
0x4: {  	s3 =	rddreg [dreg:$0x1];
	s1 =	sor.u32 s0, s1  }
0x5: {  	s5 =	simm.s32 $0x1;
	s31 =	simm.s32 $0x2;
	s2 =	sshll.u32 s1, $0x7  }
0x6: {  	s15 =	simm.s32 $0x0;
	s8 =	simm.s32 $0x320000;
	s4 =	ssub.s32 $0x4000, s2  }
0x7: {  	s14 =	simm.s32 $0x0;
	s9 =	simm.s32 $0x0;
	s30 =	sand.u32 $0xF80, s4  }
0x8: {  	s10 =	simm.s32 $0x0;
	s11 =	simm.s32 $0x0;
	p0 =	sne.s32 s30, $0x0  }
.Ltmp0:
0x9: {  	s7 =	sshrl.u32 s4, $0xC;
	s5 =	simm.s32 @!p0 $0x0;
	(pc) =	sbr.rel .LBB1_1-.Ltmp0, $4  }
0xa: {  	s13 =	simm.s32 $0x0;
	s1 =	rddreg [dreg:$0x2];
	s5 =	sadd.s32 s5, s7  }
0xb: {  	_ =	strace $0x8000004A;
	s4 =	simm.s32 $0x1;
	s5 =	smul.u32 $0xC8, s5  }
0xc: {  	s6 =	sadd.s32 $0x2C0E00, s6;
	s12 =	smov.u32 s2;
	[sflag:s4] =	ssyncpa.u1 $0x0  }
0xd: {  	[sflag:s31] =	ssyncpa.u1 $0x0;
	p0 =	por $0x0, $0x0;
	s7 =	sor.u32 $0x1, s5  }
.LBB1_4:
0xe: {  	s18 =	sshll.u32 s9, $0xE;
	s19 =	sand.u32 $0x78, s10;
	s20 =	sshll.u32 s10, $0x3  }
0xf: {  	s22 =	sshll.u32 s9, $0x7;
	p1 =	sgt.s32 s9, $0xC7;
	s25 =	sshra.s32 s9, $0x1F  }
0x10: {  	s23 =	smov.u32 s10;
	s24 =	sshra.s32 s10, $0x1F;
	s29 =	sand.u32 $0x7, s10  }
0x11: {  	s18 =	sand.u32 $0xFFFE0000, s18;
	s21 =	sand.u32 $0xFFFFFC00, s20;
	s20 =	sand.u32 $0x3C00, s20  }
0x12: {  	s30 =	sand.u32 $0x380, s22;
	s22 =	sand.u32 s25, s9;
	s18 =	sadd.s32 s21, s18  }
0x13: {  	s19 =	sor.u32 s19, s20;
	s20 =	smov.u32 s9;
	s18 =	sshrl.u32 s18, $0xE  }
0x14: {  	s20 =	simm.s32 @!p1 $0xC7;
	p1 =	sgt.s32 s10, $0x3F80;
	s31 =	smulhi.u32 $0x147AE15, s18  }
0x15: {  	s26 =	sand.u32 s24, s10;
	s20 =	ssub.s32 s20, s22;
	s23 =	simm.s32 @!p1 $0x3F80  }
0x16: {  	s27 =	ssub.s32 $0xC8, s20;
	s22 =	ssub.s32 s23, s26;
	s21 =	smul.u32 $0xC8, s31  }
0x17: {  	s20 =	sadd.s32 $0xFFFFFF39, s20;
	s23 =	smul.u32 $0x7, s27;
	s28 =	sadd.s32 $0xFFFFC080, s22  }
0x18: {  	p1 =	sgt.s32 s20, $0x0;
	s20 =	ssub.s32 $0x4000, s22;
	p2 =	sgt.s32 s28, $0x7F  }
0x19: {  	s19 =	sor.u32 s30, s19;
	s23 =	simm.s32 @p1 $0x0;
	s20 =	simm.s32 @p2 $0x0  }
0x1a: {  	s19 =	sshrl.u32 s19, $0x3;
	s18 =	ssub.s32 s18, s21;
	s20 =	smul.u32 s20, s23  }
0x1b: {  	s19 =	sadd.s32 s3, s19;
	s21 =	sshll.u32 s29, $0x12;
	s18 =	sshll.u32 s18, $0xB  }
0x1c: {  	[tilespmem:s17+$0x0 ss:$0x81] =	vst.msk $0xff, v0;
	s31 =	sor.u32 $0x80, s21;
	s18 =	sadd.s32 s18, s19;
	s30 =	sand.u32 $0x3FFFFFFF, s20  }
0x1d: {  	[hbm4b:s18+s31] =	stream.strided.scatter [tilespmem:s16], [sflag:$0x2], s30, s8, s31, $0x20;
	[tilespmem:$0x1010] =	vst v63  }
.LBB1_5:
0x1e: {  	p1 =	slt.u32 s13, $0x2  }
0x1f: {  	s17 =	smov.u32 s15;
	p2 =	sgt.s32 @!p1 s15, $0xC7;
	s16 =	sshra.s32 @!p1 s15, $0x1F  }
0x20: {  	p3 =	sgt.s32 @!p1 s14, $0x3F80;
	s18 =	sshra.s32 @!p1 s14, $0x1F;
	p2 =	por !p2, p1  }
0x21: {  	s15 =	sand.u32 @!p1 s16, s15;
	p3 =	por !p3, p1;
	s16 =	smov.u32 s14  }
0x22: {  	s14 =	sand.u32 @!p1 s18, s14;
	s17 =	simm.s32 @p2 $0xC7;
	s16 =	simm.s32 @p3 $0x3F80  }
0x23: {  	s18 =	smov.u32 s12;
	s15 =	ssub.s32 @!p1 s17, s15;
	s14 =	ssub.s32 @!p1 s16, s14  }
0x24: {  	s16 =	sadd.s32 @!p1 $0xFFFFFF39, s15;
	s15 =	ssub.s32 @!p1 $0xC8, s15;
	s17 =	sadd.s32 @!p1 $0xFFFFC080, s14  }
0x25: {  	p2 =	sgt.s32 @!p1 s16, $0x0;
	s15 =	smul.u32 @!p1 $0x7, s15;
	p3 =	sgt.s32 @!p1 s17, $0x7F  }
0x26: {  	s14 =	ssub.s32 @!p1 $0x4000, s14;
	p2 =	por !p2, p1;
	p3 =	por !p3, p1  }
0x27: {  	s16 =	sadd.s32 $0x1, s11;
	s15 =	simm.s32 @!p2 $0x0;
	s14 =	simm.s32 @!p3 $0x0  }
0x28: {  	p2 =	sgt.s32 s16, $0xC7;
	s14 =	smul.u32 @!p1 s14, s15;
	s15 =	sadd.s32 $0x1000, s12  }
0x29: {  	s18 =	smov.u32 @p2 s15  }
0x2a: {  	s16 =	simm.s32 @p2 $0x0;
	p2 =	sgt.s32 s18, $0x3FFF  }
0x2b: {  	s18 =	smov.u32 @p2 s2;
	p2 =	sne.s32 s13, s7  }
.Ltmp1:
0x2c: {  	p0 =	por !p0, !p0;
	s17 =	simm.s32 @!p1 $0x2;
	(pc) =	sbr.rel @!p2 .LBB1_6-.Ltmp1, $4  }
0x2d: {  	s15 =	smov.u32 s9;
	s9 =	smov.u32 s11;
	s14 =	sand.u32 @!p1 $0x3FFFFFFF, s14  }
0x2e: {  	s11 =	smov.u32 s16;
	_ =	swait.ge @!p1 [sflag:s17], s14;
	s19 =	ssub.s32 @!p1 $0x0, s14  }
0x2f: {  	s14 =	smov.u32 s10;
	s13 =	sadd.s32 $0x1, s13;
	[sflag:s17] =	ssyncset.done @!p1 $0x0  }
0x30: {  	s10 =	smov.u32 s12;
	s12 =	smov.u32 s18;
	[sflag:s17] =	ssyncadd.s32 @!p1 s19  }
.LBB1_1:
0x31: {  	p1 =	sge.u32 s13, s5  }
0x32: {  	s16 =	sand.u32 @!p1 $0x1FFFFFF, s11  }
0x33: {  	s17 =	smulhi.u32 @!p1 $0x147AE15, s16;
	_ =	sdelay $0x1  }
0x34: {  	s17 =	smul.u32 @!p1 $0xC8, s17  }
0x35: {  	s18 =	sxor.u32 @!p1 $0xFFFFFFFF, s13;
	s19 =	smul.u32 @!p1 $0xC80, s12  }
0x36: {  	s31 =	sadd.s32 $0xFFFFFFFF, s13;
	s18 =	sshll.u32 @!p1 s18, $0xA;
	s16 =	ssub.s32 @!p1 s16, s17  }
0x37: {  	s17 =	sand.u32 @!p1 $0x400, s18;
	s18 =	sadd.s32 @!p1 s6, s19;
	s16 =	sshll.u32 @!p1 s16, $0x4  }
0x38: {  	s19 =	simm.s32 @!p1 $0x6400;
	s16 =	sadd.s32 @!p1 s16, s18;
	s18 =	simm.s32 @!p1 $0x8  }
0x39: {  	[tilespmem:s17], [sflag:$0x1] =	stream.strided.gather @!p1 [hbm4b:s16+s18], $0x400, s19, s18, $0x38;
	[tilespmem:$0x1010] =	vst v63  }
0x3a: {  	p1 =	sge.u32 s31, s5  }
.Ltmp2:
0x3b: {  	_ = 	snop;
	(pc) =	sbr.rel @p1 .LBB1_5-.Ltmp2, $1  }
0x3c: {  	_ =	sdelay $0x3  }
0x3d: {  	s16 =	simm.s32 $0x1  }
0x3e: {  	s16 =	simm.s32 @!p0 $0x0  }
0x3f: {  	s17 =	sshll.u32 s16, $0xA  }
0x40: {  	v1 =	vmov s17;
	_ =	sdelay $0x1  }
0x41: {  	_ =	swait.ge [sflag:s4], $0x400  }
0x42: {  	s31 =	sand.u32 $0x1, s13;
	[sflag:s4] =	ssyncset.done $0x0  }
0x43: {  	s19 =	simm.s32 $0x0;
	s16 =	smul.u32 $0x1020, s16;
	[sflag:s4] =	ssyncadd.s32 $0xFFFFFC00  }
0x44: {  	s17 =	smul.u32 $0x1020, s31;
	v0 =	vld.idx.msk [tilespmem:v1+s19+$0x0 ss:$0x1], $0xff;
	_ =	sdelay $0x1  }
0x45: {  	s16 =	sshrl.u32 s16, $0x2;
	s18 =	sshrl.u32 s17, $0x2  }
0x46: {  	s17 =	sor.u32 $0x800, s16;
	s16 =	sor.u32 $0x800, s18;
	s18 =	simm.s32 $0x20  }
.LBB1_3:
0x47: {  	s19 =	sshra.s32 s18, $0x2;
	p1 =	sne.s32 s18, $0xFE0;
	s18 =	sadd.s32 $0x20, s18  }
.Ltmp3:
0x48: {  	[tilespmem:s17+$0x0 ss:$0x81] =	vst.msk $0xff, v0;
	v0 =	vld.idx.msk [tilespmem:v1+s19+$0x0 ss:$0x1], $0xff;
	(pc) =	sbr.rel @p1 .LBB1_3-.Ltmp3, $2  }
0x49: {  	_ =	sdelay $0x2  }
0x4a: {  	s17 =	sadd.s32 $0x1, s17  }
.Ltmp4:
0x4b: {  	_ = 	snop;
	(pc) =	sbr.rel .LBB1_4-.Ltmp4, $1  }
0x4c: {  	_ =	sdelay $0x3  }
.LBB1_6:
0x4d: {  	_ =	sfence.sel $0x180000  }
0x4e: {  	s2 =	simm.s32 $0x1;
	[bflag:$0x0] =	sbarrier.arrive $0xFFFF  }
0x4f: {  	s31 =	simm.s32 $0x2;
	[sflag:s2] =	ssyncpa.u1 $0x1  }
0x50: {  	[sflag:s31] =	ssyncpa.u1 $0x1  }
0x51: {  	p0 =	sne.s32 s0, $0x0;
	_ =	strace $0x9000004A  }
0x52: {  	s0 =	sadd.s32 @!p0 $0x100000, s1;
	[bflag:$0x2] =	sbarrier.arrive $0xFFFF  }
0x53: {  	[sflag:s0] =	ssyncadd.tile.s32 @!p0 $0x1;
	_ =	shalt  }
.Lfunc_end1:
_tile_overlayer_lowered:
.L_overlay_start_2:
0x54: {  	(tag) =	ssettag $0x2  }
0x55: {  	s0 =	rddreg [dreg:$0x0];
	s2 =	stileid.u32  }
0x56: {  	s1 =	rddreg [dreg:$0x1];
	p0 =	sne.s32 s2, $0x0  }
0x57: {  	s3 =	rddreg [dreg:$0x2];
	[bflag:$0x3] =	sbarrier.arrive $0xFFFF;
	s2 =	simm.s32 @!p0 $0x1C01  }
0x58: {  	[timem:s3], [sflag:s2] =	dma.local @!p0 [hbm:s0], s1  }
0x59: {  	s0 =	simm.s32 @!p0 $0x1  }
0x5a: {  	_ =	swait.ge @!p0 [sflag:s0], s1  }
0x5b: {  	s1 =	ssub.s32 @!p0 $0x0, s1;
	[sflag:s0] =	ssyncset.done @!p0 $0x0  }
0x5c: {  	[sflag:s0] =	ssyncadd.s32 @!p0 s1  }
0x5d: {  	[bflag:$0x3] =	sbarrier.arrive $0xFFFF  }
0x5e: {  	_ =	shalt  }

</sc_bundles>
